<compile_context>
chip_gen: v7x
topology: tpu7x:2x2x1
jax: 0.10.2.dev20260603
libtpu: 0.0.44.dev20260713+nightly
codegen_flags: <defaults>
</compile_context>

<pallas_src>
import jax
import jax.numpy as jnp
from jax import lax
from jax.experimental import pallas as pl
from jax.experimental.pallas import tpu as pltpu
from jax.experimental.pallas import tpu_sc as plsc

N = 10000
E = 320000
DF = 128
DHF = 64
DH = 32
DE = 64
NCLS = 30

NCORES = 2
NSUB = 16
NW = NCORES * NSUB
BLK = 80
EPW = E // NW
NBLK = EPW // BLK
EPC = E // NSUB
NBLK1 = EPC // BLK
RQ = 624
TAIL = N - NSUB * RQ

_MESH = plsc.VectorSubcoreMesh(core_axis_name="c", subcore_axis_name="s",
                               num_cores=NCORES, num_subcores=NSUB)
_SC_PARAMS = pltpu.CompilerParams(use_tc_tiling_on_sc=False)


def _zero_rows(zbuf, agg_sh, s, width):
    zero = jnp.zeros((16,), jnp.float32)

    def zb(r, _):
        for k in range(width // 16):
            zbuf[r, pl.ds(k * 16, 16)] = zero
        return _

    lax.fori_loop(0, 16, zb, None)

    def cp(t, _):
        pltpu.sync_copy(zbuf, agg_sh.at[pl.ds(s * RQ + t * 16, 16)])
        return _

    lax.fori_loop(0, RQ // 16, cp, None)

    @pl.when(s == NSUB - 1)
    def _():
        pltpu.sync_copy(zbuf, agg_sh.at[pl.ds(NSUB * RQ, TAIL)])


def _sc_pass1_body(xh_hbm, src_hbm, dst_hbm, av_hbm, agg_hbm, *rest):
    (sidx0, didx0, soff0, doff0, scx0, gsrc0, gdst0, av0,
     sidx1, didx1, soff1, doff1, scx1, gsrc1, gdst1, av1,
     zbuf, agg_sh, s_idx, s_gat, s_out) = rest
    bufs = ((sidx0, didx0, soff0, doff0, scx0, gsrc0, gdst0, av0),
            (sidx1, didx1, soff1, doff1, scx1, gsrc1, gdst1, av1))
    c = lax.axis_index("c")
    s = lax.axis_index("s")

    _zero_rows(zbuf, agg_sh, s, DHF)
    plsc.subcore_barrier()

    def start_idx(j, b):
        sidx, didx = bufs[b][0], bufs[b][1]
        ebase = s * EPC + j * BLK
        pltpu.async_copy(src_hbm.at[pl.ds(ebase, BLK)], sidx, s_idx)
        pltpu.async_copy(dst_hbm.at[pl.ds(ebase, BLK)], didx, s_idx)

    def wait_out(b):
        av_v = bufs[b][7]
        pltpu.make_async_copy(av_v, av_hbm.at[pl.ds(0, BLK), pl.ds(0, DHF)],
                              s_out).wait()

    def iteration(g, j, b):
        sidx, didx, soff, doff, scx, gsrc, gdst, av_v = bufs[b]
        ebase = s * EPC + j * BLK
        pltpu.make_async_copy(src_hbm.at[pl.ds(0, BLK)], sidx, s_idx).wait()
        pltpu.make_async_copy(src_hbm.at[pl.ds(0, BLK)], didx, s_idx).wait()

        @pl.when(g >= 1)
        def _():
            wait_out(b)

        off = jnp.full((16,), 1, jnp.int32) * (c * N)

        def obody(k, _):
            sv = sidx[pl.ds(k * 16, 16)]
            scx[pl.ds(k * 16, 16)] = sv
            soff[pl.ds(k * 16, 16)] = sv + off
            doff[pl.ds(k * 16, 16)] = didx[pl.ds(k * 16, 16)] + off
            return _

        lax.fori_loop(0, BLK // 16, obody, None)

        pltpu.async_copy(xh_hbm.at[soff], gsrc, s_gat)
        pltpu.async_copy(xh_hbm.at[doff], gdst, s_gat)
        start_idx(jnp.minimum(j + 2, NBLK1 - 1), b)
        pltpu.make_async_copy(xh_hbm.at[soff], gsrc, s_gat).wait()
        pltpu.make_async_copy(xh_hbm.at[doff], gdst, s_gat).wait()

        def cbody(r, _):
            for k in range(DHF // 16):
                a = gsrc[r, pl.ds(k * 16, 16)]
                b_ = gdst[r, pl.ds(k * 16, 16)]
                av_v[r, pl.ds(k * 16, 16)] = jnp.abs(a - b_)
            return _

        lax.fori_loop(0, BLK, cbody, None)
        pltpu.async_copy(av_v, av_hbm.at[pl.ds(ebase, BLK),
                                         pl.ds(c * DHF, DHF)], s_out)
        pltpu.sync_copy(av_v, agg_sh.at[scx], add=True)

    start_idx(0, 0)
    start_idx(1, 1)

    def outer(g, _):
        iteration(g, 2 * g, 0)
        iteration(g, 2 * g + 1, 1)
        return _

    lax.fori_loop(0, NBLK1 // 2, outer, None)

    for b in (0, 1):
        wait_out(b)
        pltpu.make_async_copy(src_hbm.at[pl.ds(0, BLK)], bufs[b][0],
                              s_idx).wait()
        pltpu.make_async_copy(src_hbm.at[pl.ds(0, BLK)], bufs[b][1],
                              s_idx).wait()

    plsc.subcore_barrier()
    pltpu.sync_copy(agg_sh.at[pl.ds(s * RQ, RQ)],
                    agg_hbm.at[pl.ds(s * RQ, RQ), pl.ds(c * DHF, DHF)])

    @pl.when(s == NSUB - 1)
    def _():
        pltpu.sync_copy(agg_sh.at[pl.ds(NSUB * RQ, TAIL)],
                        agg_hbm.at[pl.ds(NSUB * RQ, TAIL), pl.ds(c * DHF, DHF)])


_sc_pass1 = pl.kernel(
    _sc_pass1_body,
    out_type=(jax.ShapeDtypeStruct((E, DF), jnp.float32),
              jax.ShapeDtypeStruct((N, DF), jnp.float32)),
    mesh=_MESH,
    compiler_params=_SC_PARAMS,
    scratch_types=(
        [pltpu.VMEM((BLK,), jnp.int32)] * 5
        + [pltpu.VMEM((BLK, DHF), jnp.float32)] * 3
    ) * 2 + [
        pltpu.VMEM((16, DHF), jnp.float32),
        pltpu.VMEM_SHARED((N, DHF), jnp.float32),
        pltpu.SemaphoreType.DMA,
        pltpu.SemaphoreType.DMA,
        pltpu.SemaphoreType.DMA,
    ],
)


def _sc_ef_body(h_hbm, src_hbm, dst_hbm, ef_hbm, *rest):
    (sidx0, didx0, gsx0, gdx0, ghs0, ghd0, efv0,
     sidx1, didx1, gsx1, gdx1, ghs1, ghd1, efv1,
     s_idx, s_gat, s_out) = rest
    bufs = ((sidx0, didx0, gsx0, gdx0, ghs0, ghd0, efv0),
            (sidx1, didx1, gsx1, gdx1, ghs1, ghd1, efv1))
    c = lax.axis_index("c")
    s = lax.axis_index("s")
    wid = c * NSUB + s
    half = jnp.full((16,), 0.5, jnp.float32)

    def start_idx(j, b):
        sidx, didx = bufs[b][0], bufs[b][1]
        ebase = wid * EPW + j * BLK
        pltpu.async_copy(src_hbm.at[pl.ds(ebase, BLK)], sidx, s_idx)
        pltpu.async_copy(dst_hbm.at[pl.ds(ebase, BLK)], didx, s_idx)

    def wait_out(b):
        efv = bufs[b][6]
        pltpu.make_async_copy(efv, ef_hbm.at[pl.ds(0, BLK)], s_out).wait()

    def iteration(g, j, b):
        sidx, didx, gsx, gdx, ghs, ghd, efv = bufs[b]
        ebase = wid * EPW + j * BLK
        pltpu.make_async_copy(src_hbm.at[pl.ds(0, BLK)], sidx, s_idx).wait()
        pltpu.make_async_copy(src_hbm.at[pl.ds(0, BLK)], didx, s_idx).wait()

        def obody(k, _):
            gsx[pl.ds(k * 16, 16)] = sidx[pl.ds(k * 16, 16)]
            gdx[pl.ds(k * 16, 16)] = didx[pl.ds(k * 16, 16)]
            return _

        lax.fori_loop(0, BLK // 16, obody, None)

        pltpu.async_copy(h_hbm.at[gsx], ghs, s_gat)
        pltpu.async_copy(h_hbm.at[gdx], ghd, s_gat)
        start_idx(jnp.minimum(j + 2, NBLK - 1), b)
        pltpu.make_async_copy(h_hbm.at[gsx], ghs, s_gat).wait()
        pltpu.make_async_copy(h_hbm.at[gdx], ghd, s_gat).wait()

        @pl.when(g >= 1)
        def _():
            wait_out(b)

        def cbody(r, _):
            for k in range(DH // 16):
                a = ghs[r, pl.ds(k * 16, 16)]
                b_ = ghd[r, pl.ds(k * 16, 16)]
                efv[r, pl.ds(k * 16, 16)] = (a - b_) * half
                efv[r, pl.ds(DH + k * 16, 16)] = (a + b_) * half
            return _

        lax.fori_loop(0, BLK, cbody, None)
        pltpu.async_copy(efv, ef_hbm.at[pl.ds(ebase, BLK)], s_out)

    start_idx(0, 0)
    start_idx(1, 1)

    def outer(g, _):
        iteration(g, 2 * g, 0)
        iteration(g, 2 * g + 1, 1)
        return _

    lax.fori_loop(0, NBLK // 2, outer, None)
    iteration(NBLK // 2, NBLK - 1, 0)

    wait_out(0)
    wait_out(1)
    for b in (0, 1):
        pltpu.make_async_copy(src_hbm.at[pl.ds(0, BLK)], bufs[b][0],
                              s_idx).wait()
        pltpu.make_async_copy(src_hbm.at[pl.ds(0, BLK)], bufs[b][1],
                              s_idx).wait()


_sc_ef = pl.kernel(
    _sc_ef_body,
    out_type=jax.ShapeDtypeStruct((E, DE), jnp.float32),
    mesh=_MESH,
    compiler_params=_SC_PARAMS,
    scratch_types=(
        [pltpu.VMEM((BLK,), jnp.int32)] * 4
        + [pltpu.VMEM((BLK, DH), jnp.float32)] * 2
        + [pltpu.VMEM((BLK, DE), jnp.float32)]
    ) * 2 + [
        pltpu.SemaphoreType.DMA,
        pltpu.SemaphoreType.DMA,
        pltpu.SemaphoreType.DMA,
    ],
)


def _sc_scatter_body(p_hbm, src_hbm, agg_hbm, *rest):
    (sidx0, scx0, pv0, sidx1, scx1, pv1,
     zbuf, agg_sh, s_idx) = rest
    bufs = ((sidx0, scx0, pv0), (sidx1, scx1, pv1))
    c = lax.axis_index("c")
    s = lax.axis_index("s")
    wid = c * NSUB + s

    _zero_rows(zbuf, agg_sh, s, DH)
    plsc.subcore_barrier()

    def start_in(j, b):
        sidx, pv = bufs[b][0], bufs[b][2]
        ebase = wid * EPW + j * BLK
        pltpu.async_copy(src_hbm.at[pl.ds(ebase, BLK)], sidx, s_idx)
        pltpu.async_copy(p_hbm.at[pl.ds(ebase, BLK)], pv, s_idx)

    def iteration(g, j, b):
        sidx, scx, pv = bufs[b]
        pltpu.make_async_copy(src_hbm.at[pl.ds(0, BLK)], sidx, s_idx).wait()
        pltpu.make_async_copy(p_hbm.at[pl.ds(0, BLK)], pv, s_idx).wait()

        def obody(k, _):
            scx[pl.ds(k * 16, 16)] = sidx[pl.ds(k * 16, 16)]
            return _

        lax.fori_loop(0, BLK // 16, obody, None)
        pltpu.sync_copy(pv, agg_sh.at[scx], add=True)
        start_in(jnp.minimum(j + 2, NBLK - 1), b)

    start_in(0, 0)
    start_in(1, 1)

    def outer(g, _):
        iteration(g, 2 * g, 0)
        iteration(g, 2 * g + 1, 1)
        return _

    lax.fori_loop(0, NBLK // 2, outer, None)
    iteration(NBLK // 2, NBLK - 1, 0)

    for b in (0, 1):
        pltpu.make_async_copy(src_hbm.at[pl.ds(0, BLK)], bufs[b][0],
                              s_idx).wait()
        pltpu.make_async_copy(p_hbm.at[pl.ds(0, BLK)], bufs[b][2],
                              s_idx).wait()

    plsc.subcore_barrier()
    pltpu.sync_copy(agg_sh.at[pl.ds(s * RQ, RQ)],
                    agg_hbm.at[pl.ds(c * N + s * RQ, RQ)])

    @pl.when(s == NSUB - 1)
    def _():
        pltpu.sync_copy(agg_sh.at[pl.ds(NSUB * RQ, TAIL)],
                        agg_hbm.at[pl.ds(c * N + NSUB * RQ, TAIL)])


_sc_scatter = pl.kernel(
    _sc_scatter_body,
    out_type=jax.ShapeDtypeStruct((NCORES * N, DH), jnp.float32),
    mesh=_MESH,
    compiler_params=_SC_PARAMS,
    scratch_types=(
        [pltpu.VMEM((BLK,), jnp.int32)] * 2
        + [pltpu.VMEM((BLK, DH), jnp.float32)]
    ) * 2 + [
        pltpu.VMEM((16, DH), jnp.float32),
        pltpu.VMEM_SHARED((N, DH), jnp.float32),
        pltpu.SemaphoreType.DMA,
    ],
)


_BE = 3200


def _dot_t(a, w):
    return lax.dot_general(a, w, (((1,), (1,)), ((), ())),
                           preferred_element_type=jnp.float32)


def _tc_mm_body(a_ref, w_ref, o_ref):
    o_ref[...] = _dot_t(a_ref[...], w_ref[...])


def _tc_edge_mm(a, w):
    e, k = a.shape
    return pl.pallas_call(
        _tc_mm_body,
        grid=(e // _BE,),
        in_specs=[pl.BlockSpec((_BE, k), lambda i: (i, 0)),
                  pl.BlockSpec((w.shape[0], k), lambda i: (0, 0))],
        out_specs=pl.BlockSpec((_BE, w.shape[0]), lambda i: (i, 0)),
        out_shape=jax.ShapeDtypeStruct((e, w.shape[0]), jnp.float32),
    )(a, w)


def _make_tc_vals(emit_b2):
    def body(ef, b, pw, pb, sb, w2, *outs):
        if emit_b2:
            vals_o, b2_o = outs
        else:
            (vals_o,) = outs
        v = jnp.maximum((_dot_t(ef[...], pw[...]) + pb[...])
                        + (b[...] + sb[...]), 0.0)
        vals_o[...] = v
        if emit_b2:
            b2_o[...] = _dot_t(v, w2[...])

    outs = [pl.BlockSpec((_BE, DH), lambda i: (i, 0))]
    oshapes = [jax.ShapeDtypeStruct((E, DH), jnp.float32)]
    if emit_b2:
        outs = outs * 2
        oshapes = oshapes * 2

    def call(ef, b, pw, pb, sb, w2):
        return pl.pallas_call(
            body,
            grid=(E // _BE,),
            in_specs=[pl.BlockSpec((_BE, DE), lambda i: (i, 0)),
                      pl.BlockSpec((_BE, DH), lambda i: (i, 0)),
                      pl.BlockSpec((DH, DE), lambda i: (0, 0)),
                      pl.BlockSpec((1, DH), lambda i: (0, 0)),
                      pl.BlockSpec((1, DH), lambda i: (0, 0)),
                      pl.BlockSpec((DH, DH), lambda i: (0, 0))],
            out_specs=outs,
            out_shape=oshapes,
        )(ef, b, pw, pb, sb, w2)

    return call


_tc_vals1 = _make_tc_vals(True)
_tc_vals2 = _make_tc_vals(False)


_BN = 2000


def _tc_node1_body(agg, dinv, w1, pb, sb, h_o):
    h_o[...] = jnp.maximum((_dot_t(agg[...] * dinv[...], w1[...]) + pb[...])
                           + sb[...], 0.0)


def _tc_node1(agg, dinv, w1, pb, sb):
    return pl.pallas_call(
        _tc_node1_body,
        grid=(N // _BN,),
        in_specs=[pl.BlockSpec((_BN, DF), lambda i: (i, 0)),
                  pl.BlockSpec((_BN, 1), lambda i: (i, 0)),
                  pl.BlockSpec((DH, DF), lambda i: (0, 0)),
                  pl.BlockSpec((1, DH), lambda i: (0, 0)),
                  pl.BlockSpec((1, DH), lambda i: (0, 0))],
        out_specs=pl.BlockSpec((_BN, DH), lambda i: (i, 0)),
        out_shape=jax.ShapeDtypeStruct((N, DH), jnp.float32),
    )(agg, dinv, w1, pb, sb)


def _tc_node2_body(aggp, dinv, h, w2, pb, ws, sb, h_o):
    agg = (aggp[0] + aggp[1]) * dinv[...]
    h_o[...] = jnp.maximum((_dot_t(agg, w2[...]) + pb[...])
                           + (_dot_t(h[...], ws[...]) + sb[...]), 0.0)


def _tc_node2(aggp, dinv, h, w2, pb, ws, sb):
    return pl.pallas_call(
        _tc_node2_body,
        grid=(N // _BN,),
        in_specs=[pl.BlockSpec((2, _BN, DH), lambda i: (0, i, 0)),
                  pl.BlockSpec((_BN, 1), lambda i: (i, 0)),
                  pl.BlockSpec((_BN, DH), lambda i: (i, 0)),
                  pl.BlockSpec((DH, DH), lambda i: (0, 0)),
                  pl.BlockSpec((1, DH), lambda i: (0, 0)),
                  pl.BlockSpec((DH, DH), lambda i: (0, 0)),
                  pl.BlockSpec((1, DH), lambda i: (0, 0))],
        out_specs=pl.BlockSpec((_BN, DH), lambda i: (i, 0)),
        out_shape=jax.ShapeDtypeStruct((N, DH), jnp.float32),
    )(aggp, dinv, h, w2, pb, ws, sb)


def _tc_node3_body(aggp, dinv, h2, w3, pb, ws, sb, o_ref):
    agg = (aggp[0] + aggp[1]) * dinv[...]
    t = (_dot_t(agg, w3[...]) + pb[...]) + (_dot_t(h2[...], ws[...]) + sb[...])
    m = jnp.max(t, axis=-1, keepdims=True)
    ex = jnp.exp(t - m)
    o_ref[...] = ex / jnp.sum(ex, axis=-1, keepdims=True)


def _tc_node3(aggp, dinv, h2, w3, pb, ws, sb):
    return pl.pallas_call(
        _tc_node3_body,
        grid=(N // _BN,),
        in_specs=[pl.BlockSpec((2, _BN, DH), lambda i: (0, i, 0)),
                  pl.BlockSpec((_BN, 1), lambda i: (i, 0)),
                  pl.BlockSpec((_BN, DH), lambda i: (i, 0)),
                  pl.BlockSpec((NCLS, DH), lambda i: (0, 0)),
                  pl.BlockSpec((1, NCLS), lambda i: (0, 0)),
                  pl.BlockSpec((NCLS, DH), lambda i: (0, 0)),
                  pl.BlockSpec((1, NCLS), lambda i: (0, 0))],
        out_specs=pl.BlockSpec((_BN, NCLS), lambda i: (i, 0)),
        out_shape=jax.ShapeDtypeStruct((N, NCLS), jnp.float32),
    )(aggp, dinv, h2, w3, pb, ws, sb)


def kernel(X, D, edge_index, pN1_W, pN1_b, sN1_W, sN1_b, pE1_W, pE1_b,
           sE1_W, sE1_b, pN2_W, pN2_b, sN2_W, sN2_b, pE2_W, pE2_b,
           sE2_W, sE2_b, pN3_W, pN3_b, sN3_W, sN3_b):
    src = edge_index[0]
    dst = edge_index[1]
    dinv = (1.0 / D).reshape(N, 1)
    xh = jnp.concatenate([X[:, :DHF], X[:, DHF:]], axis=0)

    r = lambda b: b.reshape(1, -1)

    av, agg1 = _sc_pass1(xh, src, dst)
    b1 = _tc_edge_mm(av, sE1_W)
    h = _tc_node1(agg1, dinv, pN1_W, r(pN1_b), r(sN1_b))
    ef1 = _sc_ef(h, src, dst)
    vals1, b2 = _tc_vals1(ef1, b1, pE1_W, r(pE1_b), r(sE1_b), sE2_W)
    agg2p = _sc_scatter(vals1, src)
    h2 = _tc_node2(agg2p.reshape(2, N, DH), dinv, h, pN2_W, r(pN2_b),
                   sN2_W, r(sN2_b))
    ef2 = _sc_ef(h2, src, dst)
    vals2 = _tc_vals2(ef2, b2, pE2_W, r(pE2_b), r(sE2_b), sE2_W)[0]
    agg3p = _sc_scatter(vals2, src)
    return _tc_node3(agg3p.reshape(2, N, DH), dinv, h2, pN3_W, r(pN3_b),
                     sN3_W, r(sN3_b))

# --- scband reference (transcript-rebuilt; emitter-appended) ---
"""Pipeline reference for scband-gcnedge-based-edge-gen-cluster-32701880992047 (READ-ONLY COPY).

The authoritative reference and input builder live on the scoring server;
editing this copy changes nothing except your own understanding.
"""

import jax, jax.numpy as jnp
import numpy as np

N = 10000
E = 320000
DFEAT = 128
NC = 30

def _linear(x, W, b):
    return x @ W.T + b

def _lin_params(k, out_d, in_d):
    k1, k2 = jax.random.split(k)
    s = 1.0 / np.sqrt(in_d)
    W = jax.random.uniform(k1, (out_d, in_d), minval=-s, maxval=s, dtype=jnp.float32)
    b = jax.random.uniform(k2, (out_d,), minval=-s, maxval=s, dtype=jnp.float32)
    return W, b

def setup_inputs(seed: int = 0) -> dict:
    key = jax.random.key(seed)
    ks = jax.random.split(key, 16)
    inp = {}
    inp["X"] = jax.random.normal(ks[0], (N, DFEAT), dtype=jnp.float32)
    inp["D"] = jnp.ones((N,), dtype=jnp.float32)
    inp["edge_index"] = jax.random.randint(ks[1], (2, E), 0, N, dtype=jnp.int32)
    inp["pN1_W"], inp["pN1_b"] = _lin_params(ks[2], 32, DFEAT)
    inp["sN1_W"], inp["sN1_b"] = _lin_params(ks[3], 32, DFEAT)
    inp["pE1_W"], inp["pE1_b"] = _lin_params(ks[4], 32, 64)
    inp["sE1_W"], inp["sE1_b"] = _lin_params(ks[5], 32, DFEAT)
    inp["pN2_W"], inp["pN2_b"] = _lin_params(ks[6], 32, 32)
    inp["sN2_W"], inp["sN2_b"] = _lin_params(ks[7], 32, 32)
    inp["pE2_W"], inp["pE2_b"] = _lin_params(ks[8], 32, 64)
    inp["sE2_W"], inp["sE2_b"] = _lin_params(ks[9], 32, 32)
    inp["pN3_W"], inp["pN3_b"] = _lin_params(ks[10], NC, 32)
    inp["sN3_W"], inp["sN3_b"] = _lin_params(ks[11], NC, 32)
    return inp

def reference(X, D, edge_index, pN1_W, pN1_b, sN1_W, sN1_b, pE1_W, pE1_b, sE1_W, sE1_b, pN2_W, pN2_b, sN2_W, sN2_b, pE2_W, pE2_b, sE2_W, sE2_b, pN3_W, pN3_b, sN3_W, sN3_b):
    # add_graph: edge weights = |X[src] - X[dst]|  (sparse A values, shape (E, DFEAT))
    src = edge_index[0]
    dst = edge_index[1]
    A_vals = jnp.abs(X[src] - X[dst])
    # forward (classify=False): X is zeroed first
    X0 = jnp.zeros_like(X)
    # convN1: sparse-sum A over dim=1 == segment_sum values by src index
    agg = jax.ops.segment_sum(A_vals, src, num_segments=N)
    H = jax.nn.relu(_linear(agg / D[:, None], pN1_W, pN1_b) + _linear(X0, sN1_W, sN1_b))
    # dropout1 is identity in eval
    # convE1
    X1 = H[src]
    X2 = H[dst]
    Ef = jnp.concatenate([(X1 - X2) / 2.0, (X1 + X2) / 2.0], axis=-1)
    vals1 = jax.nn.relu(_linear(Ef, pE1_W, pE1_b) + _linear(A_vals, sE1_W, sE1_b))
    # convN2
    agg2 = jax.ops.segment_sum(vals1, src, num_segments=N)
    H2 = jax.nn.relu(_linear(agg2 / D[:, None], pN2_W, pN2_b) + _linear(H, sN2_W, sN2_b))
    # dropout2 identity; convE2
    X1 = H2[src]
    X2 = H2[dst]
    Ef2 = jnp.concatenate([(X1 - X2) / 2.0, (X1 + X2) / 2.0], axis=-1)
    vals2 = jax.nn.relu(_linear(Ef2, pE2_W, pE2_b) + _linear(vals1, sE2_W, sE2_b))
    # convN3 (no activation)
    agg3 = jax.ops.segment_sum(vals2, src, num_segments=N)
    FX = _linear(agg3 / D[:, None], pN3_W, pN3_b) + _linear(H2, sN3_W, sN3_b)
    FX = jax.nn.softmax(FX, axis=-1)
    return FX

if __name__ == "__main__":
    import jax
    _d = setup_inputs()
    print(jax.jit(kernel)(*tuple(_d.values())))

</pallas_src>

<mosaic_0001>
#map = affine_map<(d0, d1) -> (0, 0)>
#map1 = affine_map<(d0, d1) -> (0)>
module attributes {stable_mosaic.version = 14 : i64} {
  func.func @_sc_scatter_body(%arg0: i32, %arg1: i32, %arg2: memref<320000x32xf32, #tpu.memory_space<hbm>>, %arg3: memref<320000xi32, #tpu.memory_space<hbm>>, %arg4: memref<20000x32xf32, #tpu.memory_space<hbm>>, %arg5: memref<80xi32, #tpu.memory_space<vmem>>, %arg6: memref<80xi32, #tpu.memory_space<vmem>>, %arg7: memref<80x32xf32, #tpu.memory_space<vmem>>, %arg8: memref<80xi32, #tpu.memory_space<vmem>>, %arg9: memref<80xi32, #tpu.memory_space<vmem>>, %arg10: memref<80x32xf32, #tpu.memory_space<vmem>>, %arg11: memref<16x32xf32, #tpu.memory_space<vmem>>, %arg12: memref<10000x32xf32, #tpu.memory_space<vmem_shared>>, %arg13: memref<!tpu.dma_semaphore, #tpu.memory_space<semaphore_mem>>) attributes {dimension_semantics = [#tpu.dimension_semantics<core_parallel>, #tpu.dimension_semantics<subcore_parallel>], iteration_bounds = array<i64: 2, 16>, scalar_prefetch = 0 : i64, scratch_operands = 9 : i64, tpu.core_type = #tpu.core_type<sc_vector_subcore>, window_params = [{transform_indices = #map}, {transform_indices = #map1}, {transform_indices = #map}]} {
    %mul3A = arith.constant 16 : i32
    %mul3A_0 = arith.muli %arg0, %mul3A : i32
    %add3A = arith.addi %mul3A_0, %arg1 : i32
    %broadcast_in_dim3A = arith.constant 0.000000e+00 : f32
    %broadcast_in_dim3A_1 = vector.broadcast %broadcast_in_dim3A : f32 to vector<16xf32>
    %scan3A = arith.constant 0 : i32
    %scan3A_2 = arith.constant 16 : i32
    %scan3A_3 = arith.addi %scan3A, %scan3A_2 : i32
    %scan3A_4 = arith.constant 1 : i32
    scf.for %scan3A_97 = %scan3A to %scan3A_3 step %scan3A_4  : i32 {
      %swap3A = arith.index_cast %scan3A_97 : i32 to index
      %swap3A_98 = arith.constant 0 : index
      %swap3A_99 = tpu.vector_load %arg11[%swap3A, %swap3A_98] {strides = array<i32>} : memref<16x32xf32, #tpu.memory_space<vmem>>, vector<1x16xf32>,
      %swap3A_100 = vector.shape_cast %swap3A_99 : vector<1x16xf32> to vector<16xf32>
      %swap3A_101 = vector.shape_cast %broadcast_in_dim3A_1 : vector<16xf32> to vector<1x16xf32>
      tpu.vector_store %arg11[%swap3A, %swap3A_98], %swap3A_101 {strides = array<i32>} : memref<16x32xf32, #tpu.memory_space<vmem>>, vector<1x16xf32>,
      %swap3A_102 = arith.index_cast %scan3A_97 : i32 to index
      %swap3A_103 = arith.constant 16 : index
      %swap3A_104 = tpu.vector_load %arg11[%swap3A_102, %swap3A_103] {strides = array<i32>} : memref<16x32xf32, #tpu.memory_space<vmem>>, vector<1x16xf32>,
      %swap3A_105 = vector.shape_cast %swap3A_104 : vector<1x16xf32> to vector<16xf32>
      %swap3A_106 = vector.shape_cast %broadcast_in_dim3A_1 : vector<16xf32> to vector<1x16xf32>
      tpu.vector_store %arg11[%swap3A_102, %swap3A_103], %swap3A_106 {strides = array<i32>} : memref<16x32xf32, #tpu.memory_space<vmem>>, vector<1x16xf32>,
    }
    %scan3A_5 = arith.constant 16 : i32
    %scan3A_6 = arith.constant 0 : i32
    %scan3A_7 = arith.constant 39 : i32
    %scan3A_8 = arith.addi %scan3A_6, %scan3A_7 : i32
    %scan3A_9 = arith.constant 1 : i32
    scf.for %scan3A_97 = %scan3A_6 to %scan3A_8 step %scan3A_9  : i32 {
      %mul3A_98 = arith.constant 624 : i32
      %mul3A_99 = arith.muli %arg1, %mul3A_98 : i32
      %mul3A_100 = arith.constant 16 : i32
      %mul3A_101 = arith.muli %scan3A_97, %mul3A_100 : i32
      %add3A_102 = arith.addi %mul3A_99, %mul3A_101 : i32
      "tpu.region"() ({
        %run_scoped3A = tpu.sem_alloc : memref<!tpu.dma_semaphore, #tpu.memory_space<semaphore_mem>>
        %dma_start3A_103 = arith.constant 0 : i32
        %dma_start3A_104 = tpu.memref_slice %arg12[%add3A_102, %dma_start3A_103] : memref<10000x32xf32, #tpu.memory_space<vmem_shared>> -> memref<16x32xf32, #tpu.memory_space<vmem_shared>>
        %dma_start3A_105 = arith.constant 0 : i32
        %dma_start3A_106 = tpu.memref_slice %arg12[%add3A_102, %dma_start3A_105] : memref<10000x32xf32, #tpu.memory_space<vmem_shared>> -> memref<16x32xf32, #tpu.memory_space<vmem_shared>>
        tpu.enqueue_dma source(%arg11 : memref<16x32xf32, #tpu.memory_space<vmem>>) target(%dma_start3A_106 : memref<16x32xf32, #tpu.memory_space<vmem_shared>>) target_semaphore(%run_scoped3A : memref<!tpu.dma_semaphore, #tpu.memory_space<semaphore_mem>>)
        %dma_wait3A_107 = arith.constant 0 : i32
        %dma_wait3A_108 = tpu.memref_slice %arg12[%add3A_102, %dma_wait3A_107] : memref<10000x32xf32, #tpu.memory_space<vmem_shared>> -> memref<16x32xf32, #tpu.memory_space<vmem_shared>>
        %dma_wait3A_109 = arith.constant 0 : i32
        %dma_wait3A_110 = tpu.memref_slice %arg12[%add3A_102, %dma_wait3A_109] : memref<10000x32xf32, #tpu.memory_space<vmem_shared>> -> memref<16x32xf32, #tpu.memory_space<vmem_shared>>
        tpu.wait_dma2 semaphore(%run_scoped3A : memref<!tpu.dma_semaphore, #tpu.memory_space<semaphore_mem>>) src(%arg11 : memref<16x32xf32, #tpu.memory_space<vmem>>) dst(%dma_wait3A_110 : memref<16x32xf32, #tpu.memory_space<vmem_shared>>)
        tpu.yield
      }) : () -> ()
    }
    %scan3A_10 = arith.constant 39 : i32
    %eq3A = arith.constant 15 : i32
    %eq3A_11 = arith.cmpi eq, %arg1, %eq3A : i32
    %convert_element_type3A = arith.extui %eq3A_11 : i1 to i32
    %cond3A = arith.constant 0 : i32
    %cond3A_12 = arith.cmpi ne, %convert_element_type3A, %cond3A : i32
    scf.if %cond3A_12 {
      "tpu.region"() ({
        %run_scoped3A = tpu.sem_alloc : memref<!tpu.dma_semaphore, #tpu.memory_space<semaphore_mem>>
        %dma_start3A_97 = arith.constant 9984 : i32
        %dma_start3A_98 = arith.constant 0 : i32
        %dma_start3A_99 = tpu.memref_slice %arg12[%dma_start3A_97, %dma_start3A_98] : memref<10000x32xf32, #tpu.memory_space<vmem_shared>> -> memref<16x32xf32, #tpu.memory_space<vmem_shared>>
        %dma_start3A_100 = arith.constant 9984 : i32
        %dma_start3A_101 = arith.constant 0 : i32
        %dma_start3A_102 = tpu.memref_slice %arg12[%dma_start3A_100, %dma_start3A_101] : memref<10000x32xf32, #tpu.memory_space<vmem_shared>> -> memref<16x32xf32, #tpu.memory_space<vmem_shared>>
        tpu.enqueue_dma source(%arg11 : memref<16x32xf32, #tpu.memory_space<vmem>>) target(%dma_start3A_102 : memref<16x32xf32, #tpu.memory_space<vmem_shared>>) target_semaphore(%run_scoped3A : memref<!tpu.dma_semaphore, #tpu.memory_space<semaphore_mem>>)
        %dma_wait3A_103 = arith.constant 9984 : i32
        %dma_wait3A_104 = arith.constant 0 : i32
        %dma_wait3A_105 = tpu.memref_slice %arg12[%dma_wait3A_103, %dma_wait3A_104] : memref<10000x32xf32, #tpu.memory_space<vmem_shared>> -> memref<16x32xf32, #tpu.memory_space<vmem_shared>>
        %dma_wait3A_106 = arith.constant 9984 : i32
        %dma_wait3A_107 = arith.constant 0 : i32
        %dma_wait3A_108 = tpu.memref_slice %arg12[%dma_wait3A_106, %dma_wait3A_107] : memref<10000x32xf32, #tpu.memory_space<vmem_shared>> -> memref<16x32xf32, #tpu.memory_space<vmem_shared>>
        tpu.wait_dma2 semaphore(%run_scoped3A : memref<!tpu.dma_semaphore, #tpu.memory_space<semaphore_mem>>) src(%arg11 : memref<16x32xf32, #tpu.memory_space<vmem>>) dst(%dma_wait3A_108 : memref<16x32xf32, #tpu.memory_space<vmem_shared>>)
        tpu.yield
      }) : () -> ()
    } else {
    }
    %barrier3A = arith.constant 0 : index
    tpu.barrier barrier_id(%barrier3A)
    %mul3A_13 = arith.constant 10000 : i32
    %mul3A_14 = arith.muli %add3A, %mul3A_13 : i32
    %add3A_15 = arith.constant 0 : i32
    %add3A_16 = arith.addi %mul3A_14, %add3A_15 : i32
    %dma_start3A = tpu.memref_slice %arg3[%add3A_16] : memref<320000xi32, #tpu.memory_space<hbm>> -> memref<80xi32, #tpu.memory_space<hbm>>
    %dma_start3A_17 = tpu.memref_slice %arg3[%add3A_16] : memref<320000xi32, #tpu.memory_space<hbm>> -> memref<80xi32, #tpu.memory_space<hbm>>
    tpu.enqueue_dma source(%dma_start3A_17 : memref<80xi32, #tpu.memory_space<hbm>>) target(%arg5 : memref<80xi32, #tpu.memory_space<vmem>>) target_semaphore(%arg13 : memref<!tpu.dma_semaphore, #tpu.memory_space<semaphore_mem>>)
    %dma_start3A_18 = arith.constant 0 : i32
    %dma_start3A_19 = tpu.memref_slice %arg2[%add3A_16, %dma_start3A_18] : memref<320000x32xf32, #tpu.memory_space<hbm>> -> memref<80x32xf32, #tpu.memory_space<hbm>>
    %dma_start3A_20 = arith.constant 0 : i32
    %dma_start3A_21 = tpu.memref_slice %arg2[%add3A_16, %dma_start3A_20] : memref<320000x32xf32, #tpu.memory_space<hbm>> -> memref<80x32xf32, #tpu.memory_space<hbm>>
    tpu.enqueue_dma source(%dma_start3A_21 : memref<80x32xf32, #tpu.memory_space<hbm>>) target(%arg7 : memref<80x32xf32, #tpu.memory_space<vmem>>) target_semaphore(%arg13 : memref<!tpu.dma_semaphore, #tpu.memory_space<semaphore_mem>>)
    %mul3A_22 = arith.constant 10000 : i32
    %mul3A_23 = arith.muli %add3A, %mul3A_22 : i32
    %add3A_24 = arith.constant 80 : i32
    %add3A_25 = arith.addi %mul3A_23, %add3A_24 : i32
    %dma_start3A_26 = tpu.memref_slice %arg3[%add3A_25] : memref<320000xi32, #tpu.memory_space<hbm>> -> memref<80xi32, #tpu.memory_space<hbm>>
    %dma_start3A_27 = tpu.memref_slice %arg3[%add3A_25] : memref<320000xi32, #tpu.memory_space<hbm>> -> memref<80xi32, #tpu.memory_space<hbm>>
    tpu.enqueue_dma source(%dma_start3A_27 : memref<80xi32, #tpu.memory_space<hbm>>) target(%arg8 : memref<80xi32, #tpu.memory_space<vmem>>) target_semaphore(%arg13 : memref<!tpu.dma_semaphore, #tpu.memory_space<semaphore_mem>>)
    %dma_start3A_28 = arith.constant 0 : i32
    %dma_start3A_29 = tpu.memref_slice %arg2[%add3A_25, %dma_start3A_28] : memref<320000x32xf32, #tpu.memory_space<hbm>> -> memref<80x32xf32, #tpu.memory_space<hbm>>
    %dma_start3A_30 = arith.constant 0 : i32
    %dma_start3A_31 = tpu.memref_slice %arg2[%add3A_25, %dma_start3A_30] : memref<320000x32xf32, #tpu.memory_space<hbm>> -> memref<80x32xf32, #tpu.memory_space<hbm>>
    tpu.enqueue_dma source(%dma_start3A_31 : memref<80x32xf32, #tpu.memory_space<hbm>>) target(%arg10 : memref<80x32xf32, #tpu.memory_space<vmem>>) target_semaphore(%arg13 : memref<!tpu.dma_semaphore, #tpu.memory_space<semaphore_mem>>)
    %scan3A_32 = arith.constant 0 : i32
    %scan3A_33 = arith.constant 62 : i32
    %scan3A_34 = arith.addi %scan3A_32, %scan3A_33 : i32
    %scan3A_35 = arith.constant 1 : i32
    scf.for %scan3A_97 = %scan3A_32 to %scan3A_34 step %scan3A_35  : i32 {
      %mul3A_98 = arith.constant 2 : i32
      %mul3A_99 = arith.muli %mul3A_98, %scan3A_97 : i32
      %dma_wait3A_100 = arith.constant 0 : i32
      %dma_wait3A_101 = tpu.memref_slice %arg3[%dma_wait3A_100] : memref<320000xi32, #tpu.memory_space<hbm>> -> memref<80xi32, #tpu.memory_space<hbm>>
      %dma_wait3A_102 = arith.constant 0 : i32
      %dma_wait3A_103 = tpu.memref_slice %arg3[%dma_wait3A_102] : memref<320000xi32, #tpu.memory_space<hbm>> -> memref<80xi32, #tpu.memory_space<hbm>>
      tpu.wait_dma2 semaphore(%arg13 : memref<!tpu.dma_semaphore, #tpu.memory_space<semaphore_mem>>) src(%dma_wait3A_103 : memref<80xi32, #tpu.memory_space<hbm>>) dst(%arg5 : memref<80xi32, #tpu.memory_space<vmem>>)
      %dma_wait3A_104 = arith.constant 0 : i32
      %dma_wait3A_105 = arith.constant 0 : i32
      %dma_wait3A_106 = tpu.memref_slice %arg2[%dma_wait3A_104, %dma_wait3A_105] : memref<320000x32xf32, #tpu.memory_space<hbm>> -> memref<80x32xf32, #tpu.memory_space<hbm>>
      %dma_wait3A_107 = arith.constant 0 : i32
      %dma_wait3A_108 = arith.constant 0 : i32
      %dma_wait3A_109 = tpu.memref_slice %arg2[%dma_wait3A_107, %dma_wait3A_108] : memref<320000x32xf32, #tpu.memory_space<hbm>> -> memref<80x32xf32, #tpu.memory_space<hbm>>
      tpu.wait_dma2 semaphore(%arg13 : memref<!tpu.dma_semaphore, #tpu.memory_space<semaphore_mem>>) src(%dma_wait3A_109 : memref<80x32xf32, #tpu.memory_space<hbm>>) dst(%arg7 : memref<80x32xf32, #tpu.memory_space<vmem>>)
      %scan3A_110 = arith.constant 0 : i32
      %scan3A_111 = arith.constant 5 : i32
      %scan3A_112 = arith.addi %scan3A_110, %scan3A_111 : i32
      %scan3A_113 = arith.constant 1 : i32
      scf.for %scan3A_164 = %scan3A_110 to %scan3A_112 step %scan3A_113  : i32 {
        %mul3A_165 = arith.constant 16 : i32
        %mul3A_166 = arith.muli %scan3A_164, %mul3A_165 : i32
        %get3A = arith.index_cast %mul3A_166 : i32 to index
        %get3A_167 = tpu.vector_load %arg5[%get3A] {strides = array<i32>} : memref<80xi32, #tpu.memory_space<vmem>>, vector<16xi32>,
        %get3A_168 = vector.shape_cast %get3A_167 : vector<16xi32> to vector<16xi32>
        %mul3A_169 = arith.constant 16 : i32
        %mul3A_170 = arith.muli %scan3A_164, %mul3A_169 : i32
        %swap3A = arith.index_cast %mul3A_170 : i32 to index
        %swap3A_171 = tpu.vector_load %arg6[%swap3A] {strides = array<i32>} : memref<80xi32, #tpu.memory_space<vmem>>, vector<16xi32>,
        %swap3A_172 = vector.shape_cast %swap3A_171 : vector<16xi32> to vector<16xi32>
        %swap3A_173 = vector.shape_cast %get3A_168 : vector<16xi32> to vector<16xi32>
        tpu.vector_store %arg6[%swap3A], %swap3A_173 {strides = array<i32>} : memref<80xi32, #tpu.memory_space<vmem>>, vector<16xi32>,
      }
      %scan3A_114 = arith.constant 5 : i32
      "tpu.region"() ({
        %run_scoped3A = tpu.sem_alloc : memref<!tpu.dma_semaphore, #tpu.memory_space<semaphore_mem>>
        %dma_start3A_164 = arith.constant 0 : i32
        %dma_start3A_165 = arith.constant 0 : i32
        %dma_start3A_166 = tpu.memref_slice %arg12[%dma_start3A_164, %dma_start3A_165] : memref<10000x32xf32, #tpu.memory_space<vmem_shared>> -> memref<10000x32xf32, #tpu.memory_space<vmem_shared>>
        tpu.enqueue_indirect_dma source(%arg7 : memref<80x32xf32, #tpu.memory_space<vmem>>) target(%dma_start3A_166 : memref<10000x32xf32, #tpu.memory_space<vmem_shared>>) offsets(%arg6 : memref<80xi32, #tpu.memory_space<vmem>>) semaphore(%run_scoped3A : memref<!tpu.dma_semaphore, #tpu.memory_space<semaphore_mem>>) {add = true}
        %dma_wait3A_167 = arith.constant 0 : i32
        %dma_wait3A_168 = arith.constant 0 : i32
        %dma_wait3A_169 = tpu.memref_slice %arg12[%dma_wait3A_167, %dma_wait3A_168] : memref<10000x32xf32, #tpu.memory_space<vmem_shared>> -> memref<10000x32xf32, #tpu.memory_space<vmem_shared>>
        tpu.wait_indirect_dma semaphore(%run_scoped3A : memref<!tpu.dma_semaphore, #tpu.memory_space<semaphore_mem>>) src(%arg7 : memref<80x32xf32, #tpu.memory_space<vmem>>) dst(%dma_wait3A_169 : memref<10000x32xf32, #tpu.memory_space<vmem_shared>>)
        tpu.yield
      }) : () -> ()
      %add3A_115 = arith.constant 2 : i32
      %add3A_116 = arith.addi %mul3A_99, %add3A_115 : i32
      %min3A_117 = arith.constant 124 : i32
      %min3A_118 = arith.minsi %add3A_116, %min3A_117 : i32
      %mul3A_119 = arith.constant 10000 : i32
      %mul3A_120 = arith.muli %add3A, %mul3A_119 : i32
      %mul3A_121 = arith.constant 80 : i32
      %mul3A_122 = arith.muli %min3A_118, %mul3A_121 : i32
      %add3A_123 = arith.addi %mul3A_120, %mul3A_122 : i32
      %dma_start3A_124 = tpu.memref_slice %arg3[%add3A_123] : memref<320000xi32, #tpu.memory_space<hbm>> -> memref<80xi32, #tpu.memory_space<hbm>>
      %dma_start3A_125 = tpu.memref_slice %arg3[%add3A_123] : memref<320000xi32, #tpu.memory_space<hbm>> -> memref<80xi32, #tpu.memory_space<hbm>>
      tpu.enqueue_dma source(%dma_start3A_125 : memref<80xi32, #tpu.memory_space<hbm>>) target(%arg5 : memref<80xi32, #tpu.memory_space<vmem>>) target_semaphore(%arg13 : memref<!tpu.dma_semaphore, #tpu.memory_space<semaphore_mem>>)
      %dma_start3A_126 = arith.constant 0 : i32
      %dma_start3A_127 = tpu.memref_slice %arg2[%add3A_123, %dma_start3A_126] : memref<320000x32xf32, #tpu.memory_space<hbm>> -> memref<80x32xf32, #tpu.memory_space<hbm>>
      %dma_start3A_128 = arith.constant 0 : i32
      %dma_start3A_129 = tpu.memref_slice %arg2[%add3A_123, %dma_start3A_128] : memref<320000x32xf32, #tpu.memory_space<hbm>> -> memref<80x32xf32, #tpu.memory_space<hbm>>
      tpu.enqueue_dma source(%dma_start3A_129 : memref<80x32xf32, #tpu.memory_space<hbm>>) target(%arg7 : memref<80x32xf32, #tpu.memory_space<vmem>>) target_semaphore(%arg13 : memref<!tpu.dma_semaphore, #tpu.memory_space<semaphore_mem>>)
      %mul3A_130 = arith.constant 2 : i32
      %mul3A_131 = arith.muli %mul3A_130, %scan3A_97 : i32
      %add3A_132 = arith.constant 1 : i32
      %add3A_133 = arith.addi %mul3A_131, %add3A_132 : i32
      %dma_wait3A_134 = arith.constant 0 : i32
      %dma_wait3A_135 = tpu.memref_slice %arg3[%dma_wait3A_134] : memref<320000xi32, #tpu.memory_space<hbm>> -> memref<80xi32, #tpu.memory_space<hbm>>
      %dma_wait3A_136 = arith.constant 0 : i32
      %dma_wait3A_137 = tpu.memref_slice %arg3[%dma_wait3A_136] : memref<320000xi32, #tpu.memory_space<hbm>> -> memref<80xi32, #tpu.memory_space<hbm>>
      tpu.wait_dma2 semaphore(%arg13 : memref<!tpu.dma_semaphore, #tpu.memory_space<semaphore_mem>>) src(%dma_wait3A_137 : memref<80xi32, #tpu.memory_space<hbm>>) dst(%arg8 : memref<80xi32, #tpu.memory_space<vmem>>)
      %dma_wait3A_138 = arith.constant 0 : i32
      %dma_wait3A_139 = arith.constant 0 : i32
      %dma_wait3A_140 = tpu.memref_slice %arg2[%dma_wait3A_138, %dma_wait3A_139] : memref<320000x32xf32, #tpu.memory_space<hbm>> -> memref<80x32xf32, #tpu.memory_space<hbm>>
      %dma_wait3A_141 = arith.constant 0 : i32
      %dma_wait3A_142 = arith.constant 0 : i32
      %dma_wait3A_143 = tpu.memref_slice %arg2[%dma_wait3A_141, %dma_wait3A_142] : memref<320000x32xf32, #tpu.memory_space<hbm>> -> memref<80x32xf32, #tpu.memory_space<hbm>>
      tpu.wait_dma2 semaphore(%arg13 : memref<!tpu.dma_semaphore, #tpu.memory_space<semaphore_mem>>) src(%dma_wait3A_143 : memref<80x32xf32, #tpu.memory_space<hbm>>) dst(%arg10 : memref<80x32xf32, #tpu.memory_space<vmem>>)
      %scan3A_144 = arith.constant 0 : i32
      %scan3A_145 = arith.constant 5 : i32
      %scan3A_146 = arith.addi %scan3A_144, %scan3A_145 : i32
      %scan3A_147 = arith.constant 1 : i32
      scf.for %scan3A_164 = %scan3A_144 to %scan3A_146 step %scan3A_147  : i32 {
        %mul3A_165 = arith.constant 16 : i32
        %mul3A_166 = arith.muli %scan3A_164, %mul3A_165 : i32
        %get3A = arith.index_cast %mul3A_166 : i32 to index
        %get3A_167 = tpu.vector_load %arg8[%get3A] {strides = array<i32>} : memref<80xi32, #tpu.memory_space<vmem>>, vector<16xi32>,
        %get3A_168 = vector.shape_cast %get3A_167 : vector<16xi32> to vector<16xi32>
        %mul3A_169 = arith.constant 16 : i32
        %mul3A_170 = arith.muli %scan3A_164, %mul3A_169 : i32
        %swap3A = arith.index_cast %mul3A_170 : i32 to index
        %swap3A_171 = tpu.vector_load %arg9[%swap3A] {strides = array<i32>} : memref<80xi32, #tpu.memory_space<vmem>>, vector<16xi32>,
        %swap3A_172 = vector.shape_cast %swap3A_171 : vector<16xi32> to vector<16xi32>
        %swap3A_173 = vector.shape_cast %get3A_168 : vector<16xi32> to vector<16xi32>
        tpu.vector_store %arg9[%swap3A], %swap3A_173 {strides = array<i32>} : memref<80xi32, #tpu.memory_space<vmem>>, vector<16xi32>,
      }
      %scan3A_148 = arith.constant 5 : i32
      "tpu.region"() ({
        %run_scoped3A = tpu.sem_alloc : memref<!tpu.dma_semaphore, #tpu.memory_space<semaphore_mem>>
        %dma_start3A_164 = arith.constant 0 : i32
        %dma_start3A_165 = arith.constant 0 : i32
        %dma_start3A_166 = tpu.memref_slice %arg12[%dma_start3A_164, %dma_start3A_165] : memref<10000x32xf32, #tpu.memory_space<vmem_shared>> -> memref<10000x32xf32, #tpu.memory_space<vmem_shared>>
        tpu.enqueue_indirect_dma source(%arg10 : memref<80x32xf32, #tpu.memory_space<vmem>>) target(%dma_start3A_166 : memref<10000x32xf32, #tpu.memory_space<vmem_shared>>) offsets(%arg9 : memref<80xi32, #tpu.memory_space<vmem>>) semaphore(%run_scoped3A : memref<!tpu.dma_semaphore, #tpu.memory_space<semaphore_mem>>) {add = true}
        %dma_wait3A_167 = arith.constant 0 : i32
        %dma_wait3A_168 = arith.constant 0 : i32
        %dma_wait3A_169 = tpu.memref_slice %arg12[%dma_wait3A_167, %dma_wait3A_168] : memref<10000x32xf32, #tpu.memory_space<vmem_shared>> -> memref<10000x32xf32, #tpu.memory_space<vmem_shared>>
        tpu.wait_indirect_dma semaphore(%run_scoped3A : memref<!tpu.dma_semaphore, #tpu.memory_space<semaphore_mem>>) src(%arg10 : memref<80x32xf32, #tpu.memory_space<vmem>>) dst(%dma_wait3A_169 : memref<10000x32xf32, #tpu.memory_space<vmem_shared>>)
        tpu.yield
      }) : () -> ()
      %add3A_149 = arith.constant 2 : i32
      %add3A_150 = arith.addi %add3A_133, %add3A_149 : i32
      %min3A_151 = arith.constant 124 : i32
      %min3A_152 = arith.minsi %add3A_150, %min3A_151 : i32
      %mul3A_153 = arith.constant 10000 : i32
      %mul3A_154 = arith.muli %add3A, %mul3A_153 : i32
      %mul3A_155 = arith.constant 80 : i32
      %mul3A_156 = arith.muli %min3A_152, %mul3A_155 : i32
      %add3A_157 = arith.addi %mul3A_154, %mul3A_156 : i32
      %dma_start3A_158 = tpu.memref_slice %arg3[%add3A_157] : memref<320000xi32, #tpu.memory_space<hbm>> -> memref<80xi32, #tpu.memory_space<hbm>>
      %dma_start3A_159 = tpu.memref_slice %arg3[%add3A_157] : memref<320000xi32, #tpu.memory_space<hbm>> -> memref<80xi32, #tpu.memory_space<hbm>>
      tpu.enqueue_dma source(%dma_start3A_159 : memref<80xi32, #tpu.memory_space<hbm>>) target(%arg8 : memref<80xi32, #tpu.memory_space<vmem>>) target_semaphore(%arg13 : memref<!tpu.dma_semaphore, #tpu.memory_space<semaphore_mem>>)
      %dma_start3A_160 = arith.constant 0 : i32
      %dma_start3A_161 = tpu.memref_slice %arg2[%add3A_157, %dma_start3A_160] : memref<320000x32xf32, #tpu.memory_space<hbm>> -> memref<80x32xf32, #tpu.memory_space<hbm>>
      %dma_start3A_162 = arith.constant 0 : i32
      %dma_start3A_163 = tpu.memref_slice %arg2[%add3A_157, %dma_start3A_162] : memref<320000x32xf32, #tpu.memory_space<hbm>> -> memref<80x32xf32, #tpu.memory_space<hbm>>
      tpu.enqueue_dma source(%dma_start3A_163 : memref<80x32xf32, #tpu.memory_space<hbm>>) target(%arg10 : memref<80x32xf32, #tpu.memory_space<vmem>>) target_semaphore(%arg13 : memref<!tpu.dma_semaphore, #tpu.memory_space<semaphore_mem>>)
    }
    %scan3A_36 = arith.constant 62 : i32
    %dma_wait3A = arith.constant 0 : i32
    %dma_wait3A_37 = tpu.memref_slice %arg3[%dma_wait3A] : memref<320000xi32, #tpu.memory_space<hbm>> -> memref<80xi32, #tpu.memory_space<hbm>>
    %dma_wait3A_38 = arith.constant 0 : i32
    %dma_wait3A_39 = tpu.memref_slice %arg3[%dma_wait3A_38] : memref<320000xi32, #tpu.memory_space<hbm>> -> memref<80xi32, #tpu.memory_space<hbm>>
    tpu.wait_dma2 semaphore(%arg13 : memref<!tpu.dma_semaphore, #tpu.memory_space<semaphore_mem>>) src(%dma_wait3A_39 : memref<80xi32, #tpu.memory_space<hbm>>) dst(%arg5 : memref<80xi32, #tpu.memory_space<vmem>>)
    %dma_wait3A_40 = arith.constant 0 : i32
    %dma_wait3A_41 = arith.constant 0 : i32
    %dma_wait3A_42 = tpu.memref_slice %arg2[%dma_wait3A_40, %dma_wait3A_41] : memref<320000x32xf32, #tpu.memory_space<hbm>> -> memref<80x32xf32, #tpu.memory_space<hbm>>
    %dma_wait3A_43 = arith.constant 0 : i32
    %dma_wait3A_44 = arith.constant 0 : i32
    %dma_wait3A_45 = tpu.memref_slice %arg2[%dma_wait3A_43, %dma_wait3A_44] : memref<320000x32xf32, #tpu.memory_space<hbm>> -> memref<80x32xf32, #tpu.memory_space<hbm>>
    tpu.wait_dma2 semaphore(%arg13 : memref<!tpu.dma_semaphore, #tpu.memory_space<semaphore_mem>>) src(%dma_wait3A_45 : memref<80x32xf32, #tpu.memory_space<hbm>>) dst(%arg7 : memref<80x32xf32, #tpu.memory_space<vmem>>)
    %scan3A_46 = arith.constant 0 : i32
    %scan3A_47 = arith.constant 5 : i32
    %scan3A_48 = arith.addi %scan3A_46, %scan3A_47 : i32
    %scan3A_49 = arith.constant 1 : i32
    scf.for %scan3A_97 = %scan3A_46 to %scan3A_48 step %scan3A_49  : i32 {
      %mul3A_98 = arith.constant 16 : i32
      %mul3A_99 = arith.muli %scan3A_97, %mul3A_98 : i32
      %get3A = arith.index_cast %mul3A_99 : i32 to index
      %get3A_100 = tpu.vector_load %arg5[%get3A] {strides = array<i32>} : memref<80xi32, #tpu.memory_space<vmem>>, vector<16xi32>,
      %get3A_101 = vector.shape_cast %get3A_100 : vector<16xi32> to vector<16xi32>
      %mul3A_102 = arith.constant 16 : i32
      %mul3A_103 = arith.muli %scan3A_97, %mul3A_102 : i32
      %swap3A = arith.index_cast %mul3A_103 : i32 to index
      %swap3A_104 = tpu.vector_load %arg6[%swap3A] {strides = array<i32>} : memref<80xi32, #tpu.memory_space<vmem>>, vector<16xi32>,
      %swap3A_105 = vector.shape_cast %swap3A_104 : vector<16xi32> to vector<16xi32>
      %swap3A_106 = vector.shape_cast %get3A_101 : vector<16xi32> to vector<16xi32>
      tpu.vector_store %arg6[%swap3A], %swap3A_106 {strides = array<i32>} : memref<80xi32, #tpu.memory_space<vmem>>, vector<16xi32>,
    }
    %scan3A_50 = arith.constant 5 : i32
    "tpu.region"() ({
      %run_scoped3A = tpu.sem_alloc : memref<!tpu.dma_semaphore, #tpu.memory_space<semaphore_mem>>
      %dma_start3A_97 = arith.constant 0 : i32
      %dma_start3A_98 = arith.constant 0 : i32
      %dma_start3A_99 = tpu.memref_slice %arg12[%dma_start3A_97, %dma_start3A_98] : memref<10000x32xf32, #tpu.memory_space<vmem_shared>> -> memref<10000x32xf32, #tpu.memory_space<vmem_shared>>
      tpu.enqueue_indirect_dma source(%arg7 : memref<80x32xf32, #tpu.memory_space<vmem>>) target(%dma_start3A_99 : memref<10000x32xf32, #tpu.memory_space<vmem_shared>>) offsets(%arg6 : memref<80xi32, #tpu.memory_space<vmem>>) semaphore(%run_scoped3A : memref<!tpu.dma_semaphore, #tpu.memory_space<semaphore_mem>>) {add = true}
      %dma_wait3A_100 = arith.constant 0 : i32
      %dma_wait3A_101 = arith.constant 0 : i32
      %dma_wait3A_102 = tpu.memref_slice %arg12[%dma_wait3A_100, %dma_wait3A_101] : memref<10000x32xf32, #tpu.memory_space<vmem_shared>> -> memref<10000x32xf32, #tpu.memory_space<vmem_shared>>
      tpu.wait_indirect_dma semaphore(%run_scoped3A : memref<!tpu.dma_semaphore, #tpu.memory_space<semaphore_mem>>) src(%arg7 : memref<80x32xf32, #tpu.memory_space<vmem>>) dst(%dma_wait3A_102 : memref<10000x32xf32, #tpu.memory_space<vmem_shared>>)
      tpu.yield
    }) : () -> ()
    %min3A = arith.constant 126 : i32
    %min3A_51 = arith.constant 124 : i32
    %min3A_52 = arith.minsi %min3A, %min3A_51 : i32
    %mul3A_53 = arith.constant 10000 : i32
    %mul3A_54 = arith.muli %add3A, %mul3A_53 : i32
    %mul3A_55 = arith.constant 80 : i32
    %mul3A_56 = arith.muli %min3A_52, %mul3A_55 : i32
    %add3A_57 = arith.addi %mul3A_54, %mul3A_56 : i32
    %dma_start3A_58 = tpu.memref_slice %arg3[%add3A_57] : memref<320000xi32, #tpu.memory_space<hbm>> -> memref<80xi32, #tpu.memory_space<hbm>>
    %dma_start3A_59 = tpu.memref_slice %arg3[%add3A_57] : memref<320000xi32, #tpu.memory_space<hbm>> -> memref<80xi32, #tpu.memory_space<hbm>>
    tpu.enqueue_dma source(%dma_start3A_59 : memref<80xi32, #tpu.memory_space<hbm>>) target(%arg5 : memref<80xi32, #tpu.memory_space<vmem>>) target_semaphore(%arg13 : memref<!tpu.dma_semaphore, #tpu.memory_space<semaphore_mem>>)
    %dma_start3A_60 = arith.constant 0 : i32
    %dma_start3A_61 = tpu.memref_slice %arg2[%add3A_57, %dma_start3A_60] : memref<320000x32xf32, #tpu.memory_space<hbm>> -> memref<80x32xf32, #tpu.memory_space<hbm>>
    %dma_start3A_62 = arith.constant 0 : i32
    %dma_start3A_63 = tpu.memref_slice %arg2[%add3A_57, %dma_start3A_62] : memref<320000x32xf32, #tpu.memory_space<hbm>> -> memref<80x32xf32, #tpu.memory_space<hbm>>
    tpu.enqueue_dma source(%dma_start3A_63 : memref<80x32xf32, #tpu.memory_space<hbm>>) target(%arg7 : memref<80x32xf32, #tpu.memory_space<vmem>>) target_semaphore(%arg13 : memref<!tpu.dma_semaphore, #tpu.memory_space<semaphore_mem>>)
    %dma_wait3A_64 = arith.constant 0 : i32
    %dma_wait3A_65 = tpu.memref_slice %arg3[%dma_wait3A_64] : memref<320000xi32, #tpu.memory_space<hbm>> -> memref<80xi32, #tpu.memory_space<hbm>>
    %dma_wait3A_66 = arith.constant 0 : i32
    %dma_wait3A_67 = tpu.memref_slice %arg3[%dma_wait3A_66] : memref<320000xi32, #tpu.memory_space<hbm>> -> memref<80xi32, #tpu.memory_space<hbm>>
    tpu.wait_dma2 semaphore(%arg13 : memref<!tpu.dma_semaphore, #tpu.memory_space<semaphore_mem>>) src(%dma_wait3A_67 : memref<80xi32, #tpu.memory_space<hbm>>) dst(%arg5 : memref<80xi32, #tpu.memory_space<vmem>>)
    %dma_wait3A_68 = arith.constant 0 : i32
    %dma_wait3A_69 = arith.constant 0 : i32
    %dma_wait3A_70 = tpu.memref_slice %arg2[%dma_wait3A_68, %dma_wait3A_69] : memref<320000x32xf32, #tpu.memory_space<hbm>> -> memref<80x32xf32, #tpu.memory_space<hbm>>
    %dma_wait3A_71 = arith.constant 0 : i32
    %dma_wait3A_72 = arith.constant 0 : i32
    %dma_wait3A_73 = tpu.memref_slice %arg2[%dma_wait3A_71, %dma_wait3A_72] : memref<320000x32xf32, #tpu.memory_space<hbm>> -> memref<80x32xf32, #tpu.memory_space<hbm>>
    tpu.wait_dma2 semaphore(%arg13 : memref<!tpu.dma_semaphore, #tpu.memory_space<semaphore_mem>>) src(%dma_wait3A_73 : memref<80x32xf32, #tpu.memory_space<hbm>>) dst(%arg7 : memref<80x32xf32, #tpu.memory_space<vmem>>)
    %dma_wait3A_74 = arith.constant 0 : i32
    %dma_wait3A_75 = tpu.memref_slice %arg3[%dma_wait3A_74] : memref<320000xi32, #tpu.memory_space<hbm>> -> memref<80xi32, #tpu.memory_space<hbm>>
    %dma_wait3A_76 = arith.constant 0 : i32
    %dma_wait3A_77 = tpu.memref_slice %arg3[%dma_wait3A_76] : memref<320000xi32, #tpu.memory_space<hbm>> -> memref<80xi32, #tpu.memory_space<hbm>>
    tpu.wait_dma2 semaphore(%arg13 : memref<!tpu.dma_semaphore, #tpu.memory_space<semaphore_mem>>) src(%dma_wait3A_77 : memref<80xi32, #tpu.memory_space<hbm>>) dst(%arg8 : memref<80xi32, #tpu.memory_space<vmem>>)
    %dma_wait3A_78 = arith.constant 0 : i32
    %dma_wait3A_79 = arith.constant 0 : i32
    %dma_wait3A_80 = tpu.memref_slice %arg2[%dma_wait3A_78, %dma_wait3A_79] : memref<320000x32xf32, #tpu.memory_space<hbm>> -> memref<80x32xf32, #tpu.memory_space<hbm>>
    %dma_wait3A_81 = arith.constant 0 : i32
    %dma_wait3A_82 = arith.constant 0 : i32
    %dma_wait3A_83 = tpu.memref_slice %arg2[%dma_wait3A_81, %dma_wait3A_82] : memref<320000x32xf32, #tpu.memory_space<hbm>> -> memref<80x32xf32, #tpu.memory_space<hbm>>
    tpu.wait_dma2 semaphore(%arg13 : memref<!tpu.dma_semaphore, #tpu.memory_space<semaphore_mem>>) src(%dma_wait3A_83 : memref<80x32xf32, #tpu.memory_space<hbm>>) dst(%arg10 : memref<80x32xf32, #tpu.memory_space<vmem>>)
    %barrier3A_84 = arith.constant 0 : index
    tpu.barrier barrier_id(%barrier3A_84)
    %mul3A_85 = arith.constant 624 : i32
    %mul3A_86 = arith.muli %arg1, %mul3A_85 : i32
    %mul3A_87 = arith.constant 10000 : i32
    %mul3A_88 = arith.muli %arg0, %mul3A_87 : i32
    %mul3A_89 = arith.constant 624 : i32
    %mul3A_90 = arith.muli %arg1, %mul3A_89 : i32
    %add3A_91 = arith.addi %mul3A_88, %mul3A_90 : i32
    "tpu.region"() ({
      %run_scoped3A = tpu.sem_alloc : memref<!tpu.dma_semaphore, #tpu.memory_space<semaphore_mem>>
      %dma_start3A_97 = arith.constant 0 : i32
      %dma_start3A_98 = tpu.memref_slice %arg4[%add3A_91, %dma_start3A_97] : memref<20000x32xf32, #tpu.memory_space<hbm>> -> memref<624x32xf32, #tpu.memory_space<hbm>>
      %dma_start3A_99 = arith.constant 0 : i32
      %dma_start3A_100 = tpu.memref_slice %arg12[%mul3A_86, %dma_start3A_99] : memref<10000x32xf32, #tpu.memory_space<vmem_shared>> -> memref<624x32xf32, #tpu.memory_space<vmem_shared>>
      tpu.enqueue_dma source(%dma_start3A_100 : memref<624x32xf32, #tpu.memory_space<vmem_shared>>) target(%dma_start3A_98 : memref<624x32xf32, #tpu.memory_space<hbm>>) target_semaphore(%run_scoped3A : memref<!tpu.dma_semaphore, #tpu.memory_space<semaphore_mem>>)
      %dma_wait3A_101 = arith.constant 0 : i32
      %dma_wait3A_102 = tpu.memref_slice %arg4[%add3A_91, %dma_wait3A_101] : memref<20000x32xf32, #tpu.memory_space<hbm>> -> memref<624x32xf32, #tpu.memory_space<hbm>>
      %dma_wait3A_103 = arith.constant 0 : i32
      %dma_wait3A_104 = tpu.memref_slice %arg12[%mul3A_86, %dma_wait3A_103] : memref<10000x32xf32, #tpu.memory_space<vmem_shared>> -> memref<624x32xf32, #tpu.memory_space<vmem_shared>>
      tpu.wait_dma2 semaphore(%run_scoped3A : memref<!tpu.dma_semaphore, #tpu.memory_space<semaphore_mem>>) src(%dma_wait3A_104 : memref<624x32xf32, #tpu.memory_space<vmem_shared>>) dst(%dma_wait3A_102 : memref<624x32xf32, #tpu.memory_space<hbm>>)
      tpu.yield
    }) : () -> ()
    %eq3A_92 = arith.constant 15 : i32
    %eq3A_93 = arith.cmpi eq, %arg1, %eq3A_92 : i32
    %convert_element_type3A_94 = arith.extui %eq3A_93 : i1 to i32
    %cond3A_95 = arith.constant 0 : i32
    %cond3A_96 = arith.cmpi ne, %convert_element_type3A_94, %cond3A_95 : i32
    scf.if %cond3A_96 {
      %mul3A_97 = arith.constant 10000 : i32
      %mul3A_98 = arith.muli %arg0, %mul3A_97 : i32
      %add3A_99 = arith.constant 9984 : i32
      %add3A_100 = arith.addi %mul3A_98, %add3A_99 : i32
      "tpu.region"() ({
        %run_scoped3A = tpu.sem_alloc : memref<!tpu.dma_semaphore, #tpu.memory_space<semaphore_mem>>
        %dma_start3A_101 = arith.constant 0 : i32
        %dma_start3A_102 = tpu.memref_slice %arg4[%add3A_100, %dma_start3A_101] : memref<20000x32xf32, #tpu.memory_space<hbm>> -> memref<16x32xf32, #tpu.memory_space<hbm>>
        %dma_start3A_103 = arith.constant 9984 : i32
        %dma_start3A_104 = arith.constant 0 : i32
        %dma_start3A_105 = tpu.memref_slice %arg12[%dma_start3A_103, %dma_start3A_104] : memref<10000x32xf32, #tpu.memory_space<vmem_shared>> -> memref<16x32xf32, #tpu.memory_space<vmem_shared>>
        tpu.enqueue_dma source(%dma_start3A_105 : memref<16x32xf32, #tpu.memory_space<vmem_shared>>) target(%dma_start3A_102 : memref<16x32xf32, #tpu.memory_space<hbm>>) target_semaphore(%run_scoped3A : memref<!tpu.dma_semaphore, #tpu.memory_space<semaphore_mem>>)
        %dma_wait3A_106 = arith.constant 0 : i32
        %dma_wait3A_107 = tpu.memref_slice %arg4[%add3A_100, %dma_wait3A_106] : memref<20000x32xf32, #tpu.memory_space<hbm>> -> memref<16x32xf32, #tpu.memory_space<hbm>>
        %dma_wait3A_108 = arith.constant 9984 : i32
        %dma_wait3A_109 = arith.constant 0 : i32
        %dma_wait3A_110 = tpu.memref_slice %arg12[%dma_wait3A_108, %dma_wait3A_109] : memref<10000x32xf32, #tpu.memory_space<vmem_shared>> -> memref<16x32xf32, #tpu.memory_space<vmem_shared>>
        tpu.wait_dma2 semaphore(%run_scoped3A : memref<!tpu.dma_semaphore, #tpu.memory_space<semaphore_mem>>) src(%dma_wait3A_110 : memref<16x32xf32, #tpu.memory_space<vmem_shared>>) dst(%dma_wait3A_107 : memref<16x32xf32, #tpu.memory_space<hbm>>)
        tpu.yield
      }) : () -> ()
    } else {
    }
    return
  }
}

#map = affine_map<(d0, d1) -> (0, 0)>
#map1 = affine_map<(d0, d1) -> (0)>
module attributes {stable_mosaic.version = 14 : i64} {
  func.func @_sc_ef_body(%arg0: i32, %arg1: i32, %arg2: memref<10000x32xf32, #tpu.memory_space<hbm>>, %arg3: memref<320000xi32, #tpu.memory_space<hbm>>, %arg4: memref<320000xi32, #tpu.memory_space<hbm>>, %arg5: memref<320000x64xf32, #tpu.memory_space<hbm>>, %arg6: memref<80xi32, #tpu.memory_space<vmem>>, %arg7: memref<80xi32, #tpu.memory_space<vmem>>, %arg8: memref<80xi32, #tpu.memory_space<vmem>>, %arg9: memref<80xi32, #tpu.memory_space<vmem>>, %arg10: memref<80x32xf32, #tpu.memory_space<vmem>>, %arg11: memref<80x32xf32, #tpu.memory_space<vmem>>, %arg12: memref<80x64xf32, #tpu.memory_space<vmem>>, %arg13: memref<80xi32, #tpu.memory_space<vmem>>, %arg14: memref<80xi32, #tpu.memory_space<vmem>>, %arg15: memref<80xi32, #tpu.memory_space<vmem>>, %arg16: memref<80xi32, #tpu.memory_space<vmem>>, %arg17: memref<80x32xf32, #tpu.memory_space<vmem>>, %arg18: memref<80x32xf32, #tpu.memory_space<vmem>>, %arg19: memref<80x64xf32, #tpu.memory_space<vmem>>, %arg20: memref<!tpu.dma_semaphore, #tpu.memory_space<semaphore_mem>>, %arg21: memref<!tpu.dma_semaphore, #tpu.memory_space<semaphore_mem>>, %arg22: memref<!tpu.dma_semaphore, #tpu.memory_space<semaphore_mem>>) attributes {dimension_semantics = [#tpu.dimension_semantics<core_parallel>, #tpu.dimension_semantics<subcore_parallel>], iteration_bounds = array<i64: 2, 16>, scalar_prefetch = 0 : i64, scratch_operands = 17 : i64, tpu.core_type = #tpu.core_type<sc_vector_subcore>, window_params = [{transform_indices = #map}, {transform_indices = #map1}, {transform_indices = #map1}, {transform_indices = #map}]} {
    %mul3A = arith.constant 16 : i32
    %mul3A_0 = arith.muli %arg0, %mul3A : i32
    %add3A = arith.addi %mul3A_0, %arg1 : i32
    %broadcast_in_dim3A = arith.constant 5.000000e-01 : f32
    %broadcast_in_dim3A_1 = vector.broadcast %broadcast_in_dim3A : f32 to vector<16xf32>
    %mul3A_2 = arith.constant 10000 : i32
    %mul3A_3 = arith.muli %add3A, %mul3A_2 : i32
    %add3A_4 = arith.constant 0 : i32
    %add3A_5 = arith.addi %mul3A_3, %add3A_4 : i32
    %dma_start3A = tpu.memref_slice %arg3[%add3A_5] : memref<320000xi32, #tpu.memory_space<hbm>> -> memref<80xi32, #tpu.memory_space<hbm>>
    %dma_start3A_6 = tpu.memref_slice %arg3[%add3A_5] : memref<320000xi32, #tpu.memory_space<hbm>> -> memref<80xi32, #tpu.memory_space<hbm>>
    tpu.enqueue_dma source(%dma_start3A_6 : memref<80xi32, #tpu.memory_space<hbm>>) target(%arg6 : memref<80xi32, #tpu.memory_space<vmem>>) target_semaphore(%arg20 : memref<!tpu.dma_semaphore, #tpu.memory_space<semaphore_mem>>)
    %dma_start3A_7 = tpu.memref_slice %arg4[%add3A_5] : memref<320000xi32, #tpu.memory_space<hbm>> -> memref<80xi32, #tpu.memory_space<hbm>>
    %dma_start3A_8 = tpu.memref_slice %arg4[%add3A_5] : memref<320000xi32, #tpu.memory_space<hbm>> -> memref<80xi32, #tpu.memory_space<hbm>>
    tpu.enqueue_dma source(%dma_start3A_8 : memref<80xi32, #tpu.memory_space<hbm>>) target(%arg7 : memref<80xi32, #tpu.memory_space<vmem>>) target_semaphore(%arg20 : memref<!tpu.dma_semaphore, #tpu.memory_space<semaphore_mem>>)
    %mul3A_9 = arith.constant 10000 : i32
    %mul3A_10 = arith.muli %add3A, %mul3A_9 : i32
    %add3A_11 = arith.constant 80 : i32
    %add3A_12 = arith.addi %mul3A_10, %add3A_11 : i32
    %dma_start3A_13 = tpu.memref_slice %arg3[%add3A_12] : memref<320000xi32, #tpu.memory_space<hbm>> -> memref<80xi32, #tpu.memory_space<hbm>>
    %dma_start3A_14 = tpu.memref_slice %arg3[%add3A_12] : memref<320000xi32, #tpu.memory_space<hbm>> -> memref<80xi32, #tpu.memory_space<hbm>>
    tpu.enqueue_dma source(%dma_start3A_14 : memref<80xi32, #tpu.memory_space<hbm>>) target(%arg13 : memref<80xi32, #tpu.memory_space<vmem>>) target_semaphore(%arg20 : memref<!tpu.dma_semaphore, #tpu.memory_space<semaphore_mem>>)
    %dma_start3A_15 = tpu.memref_slice %arg4[%add3A_12] : memref<320000xi32, #tpu.memory_space<hbm>> -> memref<80xi32, #tpu.memory_space<hbm>>
    %dma_start3A_16 = tpu.memref_slice %arg4[%add3A_12] : memref<320000xi32, #tpu.memory_space<hbm>> -> memref<80xi32, #tpu.memory_space<hbm>>
    tpu.enqueue_dma source(%dma_start3A_16 : memref<80xi32, #tpu.memory_space<hbm>>) target(%arg14 : memref<80xi32, #tpu.memory_space<vmem>>) target_semaphore(%arg20 : memref<!tpu.dma_semaphore, #tpu.memory_space<semaphore_mem>>)
    %scan3A = arith.constant 0 : i32
    %scan3A_17 = arith.constant 62 : i32
    %scan3A_18 = arith.addi %scan3A, %scan3A_17 : i32
    %scan3A_19 = arith.constant 1 : i32
    scf.for %scan3A_103 = %scan3A to %scan3A_18 step %scan3A_19  : i32 {
      %mul3A_104 = arith.constant 2 : i32
      %mul3A_105 = arith.muli %mul3A_104, %scan3A_103 : i32
      %mul3A_106 = arith.constant 10000 : i32
      %mul3A_107 = arith.muli %add3A, %mul3A_106 : i32
      %mul3A_108 = arith.constant 80 : i32
      %mul3A_109 = arith.muli %mul3A_105, %mul3A_108 : i32
      %add3A_110 = arith.addi %mul3A_107, %mul3A_109 : i32
      %dma_wait3A_111 = arith.constant 0 : i32
      %dma_wait3A_112 = tpu.memref_slice %arg3[%dma_wait3A_111] : memref<320000xi32, #tpu.memory_space<hbm>> -> memref<80xi32, #tpu.memory_space<hbm>>
      %dma_wait3A_113 = arith.constant 0 : i32
      %dma_wait3A_114 = tpu.memref_slice %arg3[%dma_wait3A_113] : memref<320000xi32, #tpu.memory_space<hbm>> -> memref<80xi32, #tpu.memory_space<hbm>>
      tpu.wait_dma2 semaphore(%arg20 : memref<!tpu.dma_semaphore, #tpu.memory_space<semaphore_mem>>) src(%dma_wait3A_114 : memref<80xi32, #tpu.memory_space<hbm>>) dst(%arg6 : memref<80xi32, #tpu.memory_space<vmem>>)
      %dma_wait3A_115 = arith.constant 0 : i32
      %dma_wait3A_116 = tpu.memref_slice %arg3[%dma_wait3A_115] : memref<320000xi32, #tpu.memory_space<hbm>> -> memref<80xi32, #tpu.memory_space<hbm>>
      %dma_wait3A_117 = arith.constant 0 : i32
      %dma_wait3A_118 = tpu.memref_slice %arg3[%dma_wait3A_117] : memref<320000xi32, #tpu.memory_space<hbm>> -> memref<80xi32, #tpu.memory_space<hbm>>
      tpu.wait_dma2 semaphore(%arg20 : memref<!tpu.dma_semaphore, #tpu.memory_space<semaphore_mem>>) src(%dma_wait3A_118 : memref<80xi32, #tpu.memory_space<hbm>>) dst(%arg7 : memref<80xi32, #tpu.memory_space<vmem>>)
      %scan3A_119 = arith.constant 0 : i32
      %scan3A_120 = arith.constant 5 : i32
      %scan3A_121 = arith.addi %scan3A_119, %scan3A_120 : i32
      %scan3A_122 = arith.constant 1 : i32
      scf.for %scan3A_221 = %scan3A_119 to %scan3A_121 step %scan3A_122  : i32 {
        %mul3A_222 = arith.constant 16 : i32
        %mul3A_223 = arith.muli %scan3A_221, %mul3A_222 : i32
        %get3A = arith.index_cast %mul3A_223 : i32 to index
        %get3A_224 = tpu.vector_load %arg6[%get3A] {strides = array<i32>} : memref<80xi32, #tpu.memory_space<vmem>>, vector<16xi32>,
        %get3A_225 = vector.shape_cast %get3A_224 : vector<16xi32> to vector<16xi32>
        %mul3A_226 = arith.constant 16 : i32
        %mul3A_227 = arith.muli %scan3A_221, %mul3A_226 : i32
        %swap3A = arith.index_cast %mul3A_227 : i32 to index
        %swap3A_228 = tpu.vector_load %arg8[%swap3A] {strides = array<i32>} : memref<80xi32, #tpu.memory_space<vmem>>, vector<16xi32>,
        %swap3A_229 = vector.shape_cast %swap3A_228 : vector<16xi32> to vector<16xi32>
        %swap3A_230 = vector.shape_cast %get3A_225 : vector<16xi32> to vector<16xi32>
        tpu.vector_store %arg8[%swap3A], %swap3A_230 {strides = array<i32>} : memref<80xi32, #tpu.memory_space<vmem>>, vector<16xi32>,
        %mul3A_231 = arith.constant 16 : i32
        %mul3A_232 = arith.muli %scan3A_221, %mul3A_231 : i32
        %get3A_233 = arith.index_cast %mul3A_232 : i32 to index
        %get3A_234 = tpu.vector_load %arg7[%get3A_233] {strides = array<i32>} : memref<80xi32, #tpu.memory_space<vmem>>, vector<16xi32>,
        %get3A_235 = vector.shape_cast %get3A_234 : vector<16xi32> to vector<16xi32>
        %mul3A_236 = arith.constant 16 : i32
        %mul3A_237 = arith.muli %scan3A_221, %mul3A_236 : i32
        %swap3A_238 = arith.index_cast %mul3A_237 : i32 to index
        %swap3A_239 = tpu.vector_load %arg9[%swap3A_238] {strides = array<i32>} : memref<80xi32, #tpu.memory_space<vmem>>, vector<16xi32>,
        %swap3A_240 = vector.shape_cast %swap3A_239 : vector<16xi32> to vector<16xi32>
        %swap3A_241 = vector.shape_cast %get3A_235 : vector<16xi32> to vector<16xi32>
        tpu.vector_store %arg9[%swap3A_238], %swap3A_241 {strides = array<i32>} : memref<80xi32, #tpu.memory_space<vmem>>, vector<16xi32>,
      }
      %scan3A_123 = arith.constant 5 : i32
      %dma_start3A_124 = arith.constant 0 : i32
      %dma_start3A_125 = arith.constant 0 : i32
      %dma_start3A_126 = tpu.memref_slice %arg2[%dma_start3A_124, %dma_start3A_125] : memref<10000x32xf32, #tpu.memory_space<hbm>> -> memref<10000x32xf32, #tpu.memory_space<hbm>>
      tpu.enqueue_indirect_dma source(%dma_start3A_126 : memref<10000x32xf32, #tpu.memory_space<hbm>>) target(%arg10 : memref<80x32xf32, #tpu.memory_space<vmem>>) offsets(%arg8 : memref<80xi32, #tpu.memory_space<vmem>>) semaphore(%arg21 : memref<!tpu.dma_semaphore, #tpu.memory_space<semaphore_mem>>)
      %dma_start3A_127 = arith.constant 0 : i32
      %dma_start3A_128 = arith.constant 0 : i32
      %dma_start3A_129 = tpu.memref_slice %arg2[%dma_start3A_127, %dma_start3A_128] : memref<10000x32xf32, #tpu.memory_space<hbm>> -> memref<10000x32xf32, #tpu.memory_space<hbm>>
      tpu.enqueue_indirect_dma source(%dma_start3A_129 : memref<10000x32xf32, #tpu.memory_space<hbm>>) target(%arg11 : memref<80x32xf32, #tpu.memory_space<vmem>>) offsets(%arg9 : memref<80xi32, #tpu.memory_space<vmem>>) semaphore(%arg21 : memref<!tpu.dma_semaphore, #tpu.memory_space<semaphore_mem>>)
      %add3A_130 = arith.constant 2 : i32
      %add3A_131 = arith.addi %mul3A_105, %add3A_130 : i32
      %min3A_132 = arith.constant 124 : i32
      %min3A_133 = arith.minsi %add3A_131, %min3A_132 : i32
      %mul3A_134 = arith.constant 10000 : i32
      %mul3A_135 = arith.muli %add3A, %mul3A_134 : i32
      %mul3A_136 = arith.constant 80 : i32
      %mul3A_137 = arith.muli %min3A_133, %mul3A_136 : i32
      %add3A_138 = arith.addi %mul3A_135, %mul3A_137 : i32
      %dma_start3A_139 = tpu.memref_slice %arg3[%add3A_138] : memref<320000xi32, #tpu.memory_space<hbm>> -> memref<80xi32, #tpu.memory_space<hbm>>
      %dma_start3A_140 = tpu.memref_slice %arg3[%add3A_138] : memref<320000xi32, #tpu.memory_space<hbm>> -> memref<80xi32, #tpu.memory_space<hbm>>
      tpu.enqueue_dma source(%dma_start3A_140 : memref<80xi32, #tpu.memory_space<hbm>>) target(%arg6 : memref<80xi32, #tpu.memory_space<vmem>>) target_semaphore(%arg20 : memref<!tpu.dma_semaphore, #tpu.memory_space<semaphore_mem>>)
      %dma_start3A_141 = tpu.memref_slice %arg4[%add3A_138] : memref<320000xi32, #tpu.memory_space<hbm>> -> memref<80xi32, #tpu.memory_space<hbm>>
      %dma_start3A_142 = tpu.memref_slice %arg4[%add3A_138] : memref<320000xi32, #tpu.memory_space<hbm>> -> memref<80xi32, #tpu.memory_space<hbm>>
      tpu.enqueue_dma source(%dma_start3A_142 : memref<80xi32, #tpu.memory_space<hbm>>) target(%arg7 : memref<80xi32, #tpu.memory_space<vmem>>) target_semaphore(%arg20 : memref<!tpu.dma_semaphore, #tpu.memory_space<semaphore_mem>>)
      %dma_wait3A_143 = arith.constant 0 : i32
      %dma_wait3A_144 = arith.constant 0 : i32
      %dma_wait3A_145 = tpu.memref_slice %arg2[%dma_wait3A_143, %dma_wait3A_144] : memref<10000x32xf32, #tpu.memory_space<hbm>> -> memref<10000x32xf32, #tpu.memory_space<hbm>>
      tpu.wait_indirect_dma semaphore(%arg21 : memref<!tpu.dma_semaphore, #tpu.memory_space<semaphore_mem>>) src(%dma_wait3A_145 : memref<10000x32xf32, #tpu.memory_space<hbm>>) dst(%arg10 : memref<80x32xf32, #tpu.memory_space<vmem>>)
      %dma_wait3A_146 = arith.constant 0 : i32
      %dma_wait3A_147 = arith.constant 0 : i32
      %dma_wait3A_148 = tpu.memref_slice %arg2[%dma_wait3A_146, %dma_wait3A_147] : memref<10000x32xf32, #tpu.memory_space<hbm>> -> memref<10000x32xf32, #tpu.memory_space<hbm>>
      tpu.wait_indirect_dma semaphore(%arg21 : memref<!tpu.dma_semaphore, #tpu.memory_space<semaphore_mem>>) src(%dma_wait3A_148 : memref<10000x32xf32, #tpu.memory_space<hbm>>) dst(%arg11 : memref<80x32xf32, #tpu.memory_space<vmem>>)
      %ge3A = arith.constant 1 : i32
      %ge3A_149 = arith.cmpi sge, %scan3A_103, %ge3A : i32
      %convert_element_type3A = arith.extui %ge3A_149 : i1 to i32
      %cond3A = arith.constant 0 : i32
      %cond3A_150 = arith.cmpi ne, %convert_element_type3A, %cond3A : i32
      scf.if %cond3A_150 {
        %dma_wait3A_221 = arith.constant 0 : i32
        %dma_wait3A_222 = arith.constant 0 : i32
        %dma_wait3A_223 = tpu.memref_slice %arg5[%dma_wait3A_221, %dma_wait3A_222] : memref<320000x64xf32, #tpu.memory_space<hbm>> -> memref<80x64xf32, #tpu.memory_space<hbm>>
        %dma_wait3A_224 = arith.constant 0 : i32
        %dma_wait3A_225 = arith.constant 0 : i32
        %dma_wait3A_226 = tpu.memref_slice %arg5[%dma_wait3A_224, %dma_wait3A_225] : memref<320000x64xf32, #tpu.memory_space<hbm>> -> memref<80x64xf32, #tpu.memory_space<hbm>>
        tpu.wait_dma2 semaphore(%arg22 : memref<!tpu.dma_semaphore, #tpu.memory_space<semaphore_mem>>) src(%arg12 : memref<80x64xf32, #tpu.memory_space<vmem>>) dst(%dma_wait3A_226 : memref<80x64xf32, #tpu.memory_space<hbm>>)
      } else {
      }
      %scan3A_151 = arith.constant 0 : i32
      %scan3A_152 = arith.constant 80 : i32
      %scan3A_153 = arith.addi %scan3A_151, %scan3A_152 : i32
      %scan3A_154 = arith.constant 1 : i32
      scf.for %scan3A_221 = %scan3A_151 to %scan3A_153 step %scan3A_154  : i32 {
        %get3A = arith.index_cast %scan3A_221 : i32 to index
        %get3A_222 = arith.constant 0 : index
        %get3A_223 = tpu.vector_load %arg10[%get3A, %get3A_222] {strides = array<i32>} : memref<80x32xf32, #tpu.memory_space<vmem>>, vector<1x16xf32>,
        %get3A_224 = vector.shape_cast %get3A_223 : vector<1x16xf32> to vector<16xf32>
        %get3A_225 = arith.index_cast %scan3A_221 : i32 to index
        %get3A_226 = arith.constant 0 : index
        %get3A_227 = tpu.vector_load %arg11[%get3A_225, %get3A_226] {strides = array<i32>} : memref<80x32xf32, #tpu.memory_space<vmem>>, vector<1x16xf32>,
        %get3A_228 = vector.shape_cast %get3A_227 : vector<1x16xf32> to vector<16xf32>
        %sub3A = arith.subf %get3A_224, %get3A_228 : vector<16xf32>
        %mul3A_229 = arith.mulf %sub3A, %broadcast_in_dim3A_1 : vector<16xf32>
        %swap3A = arith.index_cast %scan3A_221 : i32 to index
        %swap3A_230 = arith.constant 0 : index
        %swap3A_231 = tpu.vector_load %arg12[%swap3A, %swap3A_230] {strides = array<i32>} : memref<80x64xf32, #tpu.memory_space<vmem>>, vector<1x16xf32>,
        %swap3A_232 = vector.shape_cast %swap3A_231 : vector<1x16xf32> to vector<16xf32>
        %swap3A_233 = vector.shape_cast %mul3A_229 : vector<16xf32> to vector<1x16xf32>
        tpu.vector_store %arg12[%swap3A, %swap3A_230], %swap3A_233 {strides = array<i32>} : memref<80x64xf32, #tpu.memory_space<vmem>>, vector<1x16xf32>,
        %add3A_234 = arith.addf %get3A_224, %get3A_228 : vector<16xf32>
        %mul3A_235 = arith.mulf %add3A_234, %broadcast_in_dim3A_1 : vector<16xf32>
        %swap3A_236 = arith.index_cast %scan3A_221 : i32 to index
        %swap3A_237 = arith.constant 32 : index
        %swap3A_238 = tpu.vector_load %arg12[%swap3A_236, %swap3A_237] {strides = array<i32>} : memref<80x64xf32, #tpu.memory_space<vmem>>, vector<1x16xf32>,
        %swap3A_239 = vector.shape_cast %swap3A_238 : vector<1x16xf32> to vector<16xf32>
        %swap3A_240 = vector.shape_cast %mul3A_235 : vector<16xf32> to vector<1x16xf32>
        tpu.vector_store %arg12[%swap3A_236, %swap3A_237], %swap3A_240 {strides = array<i32>} : memref<80x64xf32, #tpu.memory_space<vmem>>, vector<1x16xf32>,
        %get3A_241 = arith.index_cast %scan3A_221 : i32 to index
        %get3A_242 = arith.constant 16 : index
        %get3A_243 = tpu.vector_load %arg10[%get3A_241, %get3A_242] {strides = array<i32>} : memref<80x32xf32, #tpu.memory_space<vmem>>, vector<1x16xf32>,
        %get3A_244 = vector.shape_cast %get3A_243 : vector<1x16xf32> to vector<16xf32>
        %get3A_245 = arith.index_cast %scan3A_221 : i32 to index
        %get3A_246 = arith.constant 16 : index
        %get3A_247 = tpu.vector_load %arg11[%get3A_245, %get3A_246] {strides = array<i32>} : memref<80x32xf32, #tpu.memory_space<vmem>>, vector<1x16xf32>,
        %get3A_248 = vector.shape_cast %get3A_247 : vector<1x16xf32> to vector<16xf32>
        %sub3A_249 = arith.subf %get3A_244, %get3A_248 : vector<16xf32>
        %mul3A_250 = arith.mulf %sub3A_249, %broadcast_in_dim3A_1 : vector<16xf32>
        %swap3A_251 = arith.index_cast %scan3A_221 : i32 to index
        %swap3A_252 = arith.constant 16 : index
        %swap3A_253 = tpu.vector_load %arg12[%swap3A_251, %swap3A_252] {strides = array<i32>} : memref<80x64xf32, #tpu.memory_space<vmem>>, vector<1x16xf32>,
        %swap3A_254 = vector.shape_cast %swap3A_253 : vector<1x16xf32> to vector<16xf32>
        %swap3A_255 = vector.shape_cast %mul3A_250 : vector<16xf32> to vector<1x16xf32>
        tpu.vector_store %arg12[%swap3A_251, %swap3A_252], %swap3A_255 {strides = array<i32>} : memref<80x64xf32, #tpu.memory_space<vmem>>, vector<1x16xf32>,
        %add3A_256 = arith.addf %get3A_244, %get3A_248 : vector<16xf32>
        %mul3A_257 = arith.mulf %add3A_256, %broadcast_in_dim3A_1 : vector<16xf32>
        %swap3A_258 = arith.index_cast %scan3A_221 : i32 to index
        %swap3A_259 = arith.constant 48 : index
        %swap3A_260 = tpu.vector_load %arg12[%swap3A_258, %swap3A_259] {strides = array<i32>} : memref<80x64xf32, #tpu.memory_space<vmem>>, vector<1x16xf32>,
        %swap3A_261 = vector.shape_cast %swap3A_260 : vector<1x16xf32> to vector<16xf32>
        %swap3A_262 = vector.shape_cast %mul3A_257 : vector<16xf32> to vector<1x16xf32>
        tpu.vector_store %arg12[%swap3A_258, %swap3A_259], %swap3A_262 {strides = array<i32>} : memref<80x64xf32, #tpu.memory_space<vmem>>, vector<1x16xf32>,
      }
      %scan3A_155 = arith.constant 80 : i32
      %dma_start3A_156 = arith.constant 0 : i32
      %dma_start3A_157 = tpu.memref_slice %arg5[%add3A_110, %dma_start3A_156] : memref<320000x64xf32, #tpu.memory_space<hbm>> -> memref<80x64xf32, #tpu.memory_space<hbm>>
      %dma_start3A_158 = arith.constant 0 : i32
      %dma_start3A_159 = tpu.memref_slice %arg5[%add3A_110, %dma_start3A_158] : memref<320000x64xf32, #tpu.memory_space<hbm>> -> memref<80x64xf32, #tpu.memory_space<hbm>>
      tpu.enqueue_dma source(%arg12 : memref<80x64xf32, #tpu.memory_space<vmem>>) target(%dma_start3A_159 : memref<80x64xf32, #tpu.memory_space<hbm>>) target_semaphore(%arg22 : memref<!tpu.dma_semaphore, #tpu.memory_space<semaphore_mem>>)
      %mul3A_160 = arith.constant 2 : i32
      %mul3A_161 = arith.muli %mul3A_160, %scan3A_103 : i32
      %add3A_162 = arith.constant 1 : i32
      %add3A_163 = arith.addi %mul3A_161, %add3A_162 : i32
      %mul3A_164 = arith.constant 10000 : i32
      %mul3A_165 = arith.muli %add3A, %mul3A_164 : i32
      %mul3A_166 = arith.constant 80 : i32
      %mul3A_167 = arith.muli %add3A_163, %mul3A_166 : i32
      %add3A_168 = arith.addi %mul3A_165, %mul3A_167 : i32
      %dma_wait3A_169 = arith.constant 0 : i32
      %dma_wait3A_170 = tpu.memref_slice %arg3[%dma_wait3A_169] : memref<320000xi32, #tpu.memory_space<hbm>> -> memref<80xi32, #tpu.memory_space<hbm>>
      %dma_wait3A_171 = arith.constant 0 : i32
      %dma_wait3A_172 = tpu.memref_slice %arg3[%dma_wait3A_171] : memref<320000xi32, #tpu.memory_space<hbm>> -> memref<80xi32, #tpu.memory_space<hbm>>
      tpu.wait_dma2 semaphore(%arg20 : memref<!tpu.dma_semaphore, #tpu.memory_space<semaphore_mem>>) src(%dma_wait3A_172 : memref<80xi32, #tpu.memory_space<hbm>>) dst(%arg13 : memref<80xi32, #tpu.memory_space<vmem>>)
      %dma_wait3A_173 = arith.constant 0 : i32
      %dma_wait3A_174 = tpu.memref_slice %arg3[%dma_wait3A_173] : memref<320000xi32, #tpu.memory_space<hbm>> -> memref<80xi32, #tpu.memory_space<hbm>>
      %dma_wait3A_175 = arith.constant 0 : i32
      %dma_wait3A_176 = tpu.memref_slice %arg3[%dma_wait3A_175] : memref<320000xi32, #tpu.memory_space<hbm>> -> memref<80xi32, #tpu.memory_space<hbm>>
      tpu.wait_dma2 semaphore(%arg20 : memref<!tpu.dma_semaphore, #tpu.memory_space<semaphore_mem>>) src(%dma_wait3A_176 : memref<80xi32, #tpu.memory_space<hbm>>) dst(%arg14 : memref<80xi32, #tpu.memory_space<vmem>>)
      %scan3A_177 = arith.constant 0 : i32
      %scan3A_178 = arith.constant 5 : i32
      %scan3A_179 = arith.addi %scan3A_177, %scan3A_178 : i32
      %scan3A_180 = arith.constant 1 : i32
      scf.for %scan3A_221 = %scan3A_177 to %scan3A_179 step %scan3A_180  : i32 {
        %mul3A_222 = arith.constant 16 : i32
        %mul3A_223 = arith.muli %scan3A_221, %mul3A_222 : i32
        %get3A = arith.index_cast %mul3A_223 : i32 to index
        %get3A_224 = tpu.vector_load %arg13[%get3A] {strides = array<i32>} : memref<80xi32, #tpu.memory_space<vmem>>, vector<16xi32>,
        %get3A_225 = vector.shape_cast %get3A_224 : vector<16xi32> to vector<16xi32>
        %mul3A_226 = arith.constant 16 : i32
        %mul3A_227 = arith.muli %scan3A_221, %mul3A_226 : i32
        %swap3A = arith.index_cast %mul3A_227 : i32 to index
        %swap3A_228 = tpu.vector_load %arg15[%swap3A] {strides = array<i32>} : memref<80xi32, #tpu.memory_space<vmem>>, vector<16xi32>,
        %swap3A_229 = vector.shape_cast %swap3A_228 : vector<16xi32> to vector<16xi32>
        %swap3A_230 = vector.shape_cast %get3A_225 : vector<16xi32> to vector<16xi32>
        tpu.vector_store %arg15[%swap3A], %swap3A_230 {strides = array<i32>} : memref<80xi32, #tpu.memory_space<vmem>>, vector<16xi32>,
        %mul3A_231 = arith.constant 16 : i32
        %mul3A_232 = arith.muli %scan3A_221, %mul3A_231 : i32
        %get3A_233 = arith.index_cast %mul3A_232 : i32 to index
        %get3A_234 = tpu.vector_load %arg14[%get3A_233] {strides = array<i32>} : memref<80xi32, #tpu.memory_space<vmem>>, vector<16xi32>,
        %get3A_235 = vector.shape_cast %get3A_234 : vector<16xi32> to vector<16xi32>
        %mul3A_236 = arith.constant 16 : i32
        %mul3A_237 = arith.muli %scan3A_221, %mul3A_236 : i32
        %swap3A_238 = arith.index_cast %mul3A_237 : i32 to index
        %swap3A_239 = tpu.vector_load %arg16[%swap3A_238] {strides = array<i32>} : memref<80xi32, #tpu.memory_space<vmem>>, vector<16xi32>,
        %swap3A_240 = vector.shape_cast %swap3A_239 : vector<16xi32> to vector<16xi32>
        %swap3A_241 = vector.shape_cast %get3A_235 : vector<16xi32> to vector<16xi32>
        tpu.vector_store %arg16[%swap3A_238], %swap3A_241 {strides = array<i32>} : memref<80xi32, #tpu.memory_space<vmem>>, vector<16xi32>,
      }
      %scan3A_181 = arith.constant 5 : i32
      %dma_start3A_182 = arith.constant 0 : i32
      %dma_start3A_183 = arith.constant 0 : i32
      %dma_start3A_184 = tpu.memref_slice %arg2[%dma_start3A_182, %dma_start3A_183] : memref<10000x32xf32, #tpu.memory_space<hbm>> -> memref<10000x32xf32, #tpu.memory_space<hbm>>
      tpu.enqueue_indirect_dma source(%dma_start3A_184 : memref<10000x32xf32, #tpu.memory_space<hbm>>) target(%arg17 : memref<80x32xf32, #tpu.memory_space<vmem>>) offsets(%arg15 : memref<80xi32, #tpu.memory_space<vmem>>) semaphore(%arg21 : memref<!tpu.dma_semaphore, #tpu.memory_space<semaphore_mem>>)
      %dma_start3A_185 = arith.constant 0 : i32
      %dma_start3A_186 = arith.constant 0 : i32
      %dma_start3A_187 = tpu.memref_slice %arg2[%dma_start3A_185, %dma_start3A_186] : memref<10000x32xf32, #tpu.memory_space<hbm>> -> memref<10000x32xf32, #tpu.memory_space<hbm>>
      tpu.enqueue_indirect_dma source(%dma_start3A_187 : memref<10000x32xf32, #tpu.memory_space<hbm>>) target(%arg18 : memref<80x32xf32, #tpu.memory_space<vmem>>) offsets(%arg16 : memref<80xi32, #tpu.memory_space<vmem>>) semaphore(%arg21 : memref<!tpu.dma_semaphore, #tpu.memory_space<semaphore_mem>>)
      %add3A_188 = arith.constant 2 : i32
      %add3A_189 = arith.addi %add3A_163, %add3A_188 : i32
      %min3A_190 = arith.constant 124 : i32
      %min3A_191 = arith.minsi %add3A_189, %min3A_190 : i32
      %mul3A_192 = arith.constant 10000 : i32
      %mul3A_193 = arith.muli %add3A, %mul3A_192 : i32
      %mul3A_194 = arith.constant 80 : i32
      %mul3A_195 = arith.muli %min3A_191, %mul3A_194 : i32
      %add3A_196 = arith.addi %mul3A_193, %mul3A_195 : i32
      %dma_start3A_197 = tpu.memref_slice %arg3[%add3A_196] : memref<320000xi32, #tpu.memory_space<hbm>> -> memref<80xi32, #tpu.memory_space<hbm>>
      %dma_start3A_198 = tpu.memref_slice %arg3[%add3A_196] : memref<320000xi32, #tpu.memory_space<hbm>> -> memref<80xi32, #tpu.memory_space<hbm>>
      tpu.enqueue_dma source(%dma_start3A_198 : memref<80xi32, #tpu.memory_space<hbm>>) target(%arg13 : memref<80xi32, #tpu.memory_space<vmem>>) target_semaphore(%arg20 : memref<!tpu.dma_semaphore, #tpu.memory_space<semaphore_mem>>)
      %dma_start3A_199 = tpu.memref_slice %arg4[%add3A_196] : memref<320000xi32, #tpu.memory_space<hbm>> -> memref<80xi32, #tpu.memory_space<hbm>>
      %dma_start3A_200 = tpu.memref_slice %arg4[%add3A_196] : memref<320000xi32, #tpu.memory_space<hbm>> -> memref<80xi32, #tpu.memory_space<hbm>>
      tpu.enqueue_dma source(%dma_start3A_200 : memref<80xi32, #tpu.memory_space<hbm>>) target(%arg14 : memref<80xi32, #tpu.memory_space<vmem>>) target_semaphore(%arg20 : memref<!tpu.dma_semaphore, #tpu.memory_space<semaphore_mem>>)
      %dma_wait3A_201 = arith.constant 0 : i32
      %dma_wait3A_202 = arith.constant 0 : i32
      %dma_wait3A_203 = tpu.memref_slice %arg2[%dma_wait3A_201, %dma_wait3A_202] : memref<10000x32xf32, #tpu.memory_space<hbm>> -> memref<10000x32xf32, #tpu.memory_space<hbm>>
      tpu.wait_indirect_dma semaphore(%arg21 : memref<!tpu.dma_semaphore, #tpu.memory_space<semaphore_mem>>) src(%dma_wait3A_203 : memref<10000x32xf32, #tpu.memory_space<hbm>>) dst(%arg17 : memref<80x32xf32, #tpu.memory_space<vmem>>)
      %dma_wait3A_204 = arith.constant 0 : i32
      %dma_wait3A_205 = arith.constant 0 : i32
      %dma_wait3A_206 = tpu.memref_slice %arg2[%dma_wait3A_204, %dma_wait3A_205] : memref<10000x32xf32, #tpu.memory_space<hbm>> -> memref<10000x32xf32, #tpu.memory_space<hbm>>
      tpu.wait_indirect_dma semaphore(%arg21 : memref<!tpu.dma_semaphore, #tpu.memory_space<semaphore_mem>>) src(%dma_wait3A_206 : memref<10000x32xf32, #tpu.memory_space<hbm>>) dst(%arg18 : memref<80x32xf32, #tpu.memory_space<vmem>>)
      %ge3A_207 = arith.constant 1 : i32
      %ge3A_208 = arith.cmpi sge, %scan3A_103, %ge3A_207 : i32
      %convert_element_type3A_209 = arith.extui %ge3A_208 : i1 to i32
      %cond3A_210 = arith.constant 0 : i32
      %cond3A_211 = arith.cmpi ne, %convert_element_type3A_209, %cond3A_210 : i32
      scf.if %cond3A_211 {
        %dma_wait3A_221 = arith.constant 0 : i32
        %dma_wait3A_222 = arith.constant 0 : i32
        %dma_wait3A_223 = tpu.memref_slice %arg5[%dma_wait3A_221, %dma_wait3A_222] : memref<320000x64xf32, #tpu.memory_space<hbm>> -> memref<80x64xf32, #tpu.memory_space<hbm>>
        %dma_wait3A_224 = arith.constant 0 : i32
        %dma_wait3A_225 = arith.constant 0 : i32
        %dma_wait3A_226 = tpu.memref_slice %arg5[%dma_wait3A_224, %dma_wait3A_225] : memref<320000x64xf32, #tpu.memory_space<hbm>> -> memref<80x64xf32, #tpu.memory_space<hbm>>
        tpu.wait_dma2 semaphore(%arg22 : memref<!tpu.dma_semaphore, #tpu.memory_space<semaphore_mem>>) src(%arg19 : memref<80x64xf32, #tpu.memory_space<vmem>>) dst(%dma_wait3A_226 : memref<80x64xf32, #tpu.memory_space<hbm>>)
      } else {
      }
      %scan3A_212 = arith.constant 0 : i32
      %scan3A_213 = arith.constant 80 : i32
      %scan3A_214 = arith.addi %scan3A_212, %scan3A_213 : i32
      %scan3A_215 = arith.constant 1 : i32
      scf.for %scan3A_221 = %scan3A_212 to %scan3A_214 step %scan3A_215  : i32 {
        %get3A = arith.index_cast %scan3A_221 : i32 to index
        %get3A_222 = arith.constant 0 : index
        %get3A_223 = tpu.vector_load %arg17[%get3A, %get3A_222] {strides = array<i32>} : memref<80x32xf32, #tpu.memory_space<vmem>>, vector<1x16xf32>,
        %get3A_224 = vector.shape_cast %get3A_223 : vector<1x16xf32> to vector<16xf32>
        %get3A_225 = arith.index_cast %scan3A_221 : i32 to index
        %get3A_226 = arith.constant 0 : index
        %get3A_227 = tpu.vector_load %arg18[%get3A_225, %get3A_226] {strides = array<i32>} : memref<80x32xf32, #tpu.memory_space<vmem>>, vector<1x16xf32>,
        %get3A_228 = vector.shape_cast %get3A_227 : vector<1x16xf32> to vector<16xf32>
        %sub3A = arith.subf %get3A_224, %get3A_228 : vector<16xf32>
        %mul3A_229 = arith.mulf %sub3A, %broadcast_in_dim3A_1 : vector<16xf32>
        %swap3A = arith.index_cast %scan3A_221 : i32 to index
        %swap3A_230 = arith.constant 0 : index
        %swap3A_231 = tpu.vector_load %arg19[%swap3A, %swap3A_230] {strides = array<i32>} : memref<80x64xf32, #tpu.memory_space<vmem>>, vector<1x16xf32>,
        %swap3A_232 = vector.shape_cast %swap3A_231 : vector<1x16xf32> to vector<16xf32>
        %swap3A_233 = vector.shape_cast %mul3A_229 : vector<16xf32> to vector<1x16xf32>
        tpu.vector_store %arg19[%swap3A, %swap3A_230], %swap3A_233 {strides = array<i32>} : memref<80x64xf32, #tpu.memory_space<vmem>>, vector<1x16xf32>,
        %add3A_234 = arith.addf %get3A_224, %get3A_228 : vector<16xf32>
        %mul3A_235 = arith.mulf %add3A_234, %broadcast_in_dim3A_1 : vector<16xf32>
        %swap3A_236 = arith.index_cast %scan3A_221 : i32 to index
        %swap3A_237 = arith.constant 32 : index
        %swap3A_238 = tpu.vector_load %arg19[%swap3A_236, %swap3A_237] {strides = array<i32>} : memref<80x64xf32, #tpu.memory_space<vmem>>, vector<1x16xf32>,
        %swap3A_239 = vector.shape_cast %swap3A_238 : vector<1x16xf32> to vector<16xf32>
        %swap3A_240 = vector.shape_cast %mul3A_235 : vector<16xf32> to vector<1x16xf32>
        tpu.vector_store %arg19[%swap3A_236, %swap3A_237], %swap3A_240 {strides = array<i32>} : memref<80x64xf32, #tpu.memory_space<vmem>>, vector<1x16xf32>,
        %get3A_241 = arith.index_cast %scan3A_221 : i32 to index
        %get3A_242 = arith.constant 16 : index
        %get3A_243 = tpu.vector_load %arg17[%get3A_241, %get3A_242] {strides = array<i32>} : memref<80x32xf32, #tpu.memory_space<vmem>>, vector<1x16xf32>,
        %get3A_244 = vector.shape_cast %get3A_243 : vector<1x16xf32> to vector<16xf32>
        %get3A_245 = arith.index_cast %scan3A_221 : i32 to index
        %get3A_246 = arith.constant 16 : index
        %get3A_247 = tpu.vector_load %arg18[%get3A_245, %get3A_246] {strides = array<i32>} : memref<80x32xf32, #tpu.memory_space<vmem>>, vector<1x16xf32>,
        %get3A_248 = vector.shape_cast %get3A_247 : vector<1x16xf32> to vector<16xf32>
        %sub3A_249 = arith.subf %get3A_244, %get3A_248 : vector<16xf32>
        %mul3A_250 = arith.mulf %sub3A_249, %broadcast_in_dim3A_1 : vector<16xf32>
        %swap3A_251 = arith.index_cast %scan3A_221 : i32 to index
        %swap3A_252 = arith.constant 16 : index
        %swap3A_253 = tpu.vector_load %arg19[%swap3A_251, %swap3A_252] {strides = array<i32>} : memref<80x64xf32, #tpu.memory_space<vmem>>, vector<1x16xf32>,
        %swap3A_254 = vector.shape_cast %swap3A_253 : vector<1x16xf32> to vector<16xf32>
        %swap3A_255 = vector.shape_cast %mul3A_250 : vector<16xf32> to vector<1x16xf32>
        tpu.vector_store %arg19[%swap3A_251, %swap3A_252], %swap3A_255 {strides = array<i32>} : memref<80x64xf32, #tpu.memory_space<vmem>>, vector<1x16xf32>,
        %add3A_256 = arith.addf %get3A_244, %get3A_248 : vector<16xf32>
        %mul3A_257 = arith.mulf %add3A_256, %broadcast_in_dim3A_1 : vector<16xf32>
        %swap3A_258 = arith.index_cast %scan3A_221 : i32 to index
        %swap3A_259 = arith.constant 48 : index
        %swap3A_260 = tpu.vector_load %arg19[%swap3A_258, %swap3A_259] {strides = array<i32>} : memref<80x64xf32, #tpu.memory_space<vmem>>, vector<1x16xf32>,
        %swap3A_261 = vector.shape_cast %swap3A_260 : vector<1x16xf32> to vector<16xf32>
        %swap3A_262 = vector.shape_cast %mul3A_257 : vector<16xf32> to vector<1x16xf32>
        tpu.vector_store %arg19[%swap3A_258, %swap3A_259], %swap3A_262 {strides = array<i32>} : memref<80x64xf32, #tpu.memory_space<vmem>>, vector<1x16xf32>,
      }
      %scan3A_216 = arith.constant 80 : i32
      %dma_start3A_217 = arith.constant 0 : i32
      %dma_start3A_218 = tpu.memref_slice %arg5[%add3A_168, %dma_start3A_217] : memref<320000x64xf32, #tpu.memory_space<hbm>> -> memref<80x64xf32, #tpu.memory_space<hbm>>
      %dma_start3A_219 = arith.constant 0 : i32
      %dma_start3A_220 = tpu.memref_slice %arg5[%add3A_168, %dma_start3A_219] : memref<320000x64xf32, #tpu.memory_space<hbm>> -> memref<80x64xf32, #tpu.memory_space<hbm>>
      tpu.enqueue_dma source(%arg19 : memref<80x64xf32, #tpu.memory_space<vmem>>) target(%dma_start3A_220 : memref<80x64xf32, #tpu.memory_space<hbm>>) target_semaphore(%arg22 : memref<!tpu.dma_semaphore, #tpu.memory_space<semaphore_mem>>)
    }
    %scan3A_20 = arith.constant 62 : i32
    %mul3A_21 = arith.constant 10000 : i32
    %mul3A_22 = arith.muli %add3A, %mul3A_21 : i32
    %add3A_23 = arith.constant 9920 : i32
    %add3A_24 = arith.addi %mul3A_22, %add3A_23 : i32
    %dma_wait3A = arith.constant 0 : i32
    %dma_wait3A_25 = tpu.memref_slice %arg3[%dma_wait3A] : memref<320000xi32, #tpu.memory_space<hbm>> -> memref<80xi32, #tpu.memory_space<hbm>>
    %dma_wait3A_26 = arith.constant 0 : i32
    %dma_wait3A_27 = tpu.memref_slice %arg3[%dma_wait3A_26] : memref<320000xi32, #tpu.memory_space<hbm>> -> memref<80xi32, #tpu.memory_space<hbm>>
    tpu.wait_dma2 semaphore(%arg20 : memref<!tpu.dma_semaphore, #tpu.memory_space<semaphore_mem>>) src(%dma_wait3A_27 : memref<80xi32, #tpu.memory_space<hbm>>) dst(%arg6 : memref<80xi32, #tpu.memory_space<vmem>>)
    %dma_wait3A_28 = arith.constant 0 : i32
    %dma_wait3A_29 = tpu.memref_slice %arg3[%dma_wait3A_28] : memref<320000xi32, #tpu.memory_space<hbm>> -> memref<80xi32, #tpu.memory_space<hbm>>
    %dma_wait3A_30 = arith.constant 0 : i32
    %dma_wait3A_31 = tpu.memref_slice %arg3[%dma_wait3A_30] : memref<320000xi32, #tpu.memory_space<hbm>> -> memref<80xi32, #tpu.memory_space<hbm>>
    tpu.wait_dma2 semaphore(%arg20 : memref<!tpu.dma_semaphore, #tpu.memory_space<semaphore_mem>>) src(%dma_wait3A_31 : memref<80xi32, #tpu.memory_space<hbm>>) dst(%arg7 : memref<80xi32, #tpu.memory_space<vmem>>)
    %scan3A_32 = arith.constant 0 : i32
    %scan3A_33 = arith.constant 5 : i32
    %scan3A_34 = arith.addi %scan3A_32, %scan3A_33 : i32
    %scan3A_35 = arith.constant 1 : i32
    scf.for %scan3A_103 = %scan3A_32 to %scan3A_34 step %scan3A_35  : i32 {
      %mul3A_104 = arith.constant 16 : i32
      %mul3A_105 = arith.muli %scan3A_103, %mul3A_104 : i32
      %get3A = arith.index_cast %mul3A_105 : i32 to index
      %get3A_106 = tpu.vector_load %arg6[%get3A] {strides = array<i32>} : memref<80xi32, #tpu.memory_space<vmem>>, vector<16xi32>,
      %get3A_107 = vector.shape_cast %get3A_106 : vector<16xi32> to vector<16xi32>
      %mul3A_108 = arith.constant 16 : i32
      %mul3A_109 = arith.muli %scan3A_103, %mul3A_108 : i32
      %swap3A = arith.index_cast %mul3A_109 : i32 to index
      %swap3A_110 = tpu.vector_load %arg8[%swap3A] {strides = array<i32>} : memref<80xi32, #tpu.memory_space<vmem>>, vector<16xi32>,
      %swap3A_111 = vector.shape_cast %swap3A_110 : vector<16xi32> to vector<16xi32>
      %swap3A_112 = vector.shape_cast %get3A_107 : vector<16xi32> to vector<16xi32>
      tpu.vector_store %arg8[%swap3A], %swap3A_112 {strides = array<i32>} : memref<80xi32, #tpu.memory_space<vmem>>, vector<16xi32>,
      %mul3A_113 = arith.constant 16 : i32
      %mul3A_114 = arith.muli %scan3A_103, %mul3A_113 : i32
      %get3A_115 = arith.index_cast %mul3A_114 : i32 to index
      %get3A_116 = tpu.vector_load %arg7[%get3A_115] {strides = array<i32>} : memref<80xi32, #tpu.memory_space<vmem>>, vector<16xi32>,
      %get3A_117 = vector.shape_cast %get3A_116 : vector<16xi32> to vector<16xi32>
      %mul3A_118 = arith.constant 16 : i32
      %mul3A_119 = arith.muli %scan3A_103, %mul3A_118 : i32
      %swap3A_120 = arith.index_cast %mul3A_119 : i32 to index
      %swap3A_121 = tpu.vector_load %arg9[%swap3A_120] {strides = array<i32>} : memref<80xi32, #tpu.memory_space<vmem>>, vector<16xi32>,
      %swap3A_122 = vector.shape_cast %swap3A_121 : vector<16xi32> to vector<16xi32>
      %swap3A_123 = vector.shape_cast %get3A_117 : vector<16xi32> to vector<16xi32>
      tpu.vector_store %arg9[%swap3A_120], %swap3A_123 {strides = array<i32>} : memref<80xi32, #tpu.memory_space<vmem>>, vector<16xi32>,
    }
    %scan3A_36 = arith.constant 5 : i32
    %dma_start3A_37 = arith.constant 0 : i32
    %dma_start3A_38 = arith.constant 0 : i32
    %dma_start3A_39 = tpu.memref_slice %arg2[%dma_start3A_37, %dma_start3A_38] : memref<10000x32xf32, #tpu.memory_space<hbm>> -> memref<10000x32xf32, #tpu.memory_space<hbm>>
    tpu.enqueue_indirect_dma source(%dma_start3A_39 : memref<10000x32xf32, #tpu.memory_space<hbm>>) target(%arg10 : memref<80x32xf32, #tpu.memory_space<vmem>>) offsets(%arg8 : memref<80xi32, #tpu.memory_space<vmem>>) semaphore(%arg21 : memref<!tpu.dma_semaphore, #tpu.memory_space<semaphore_mem>>)
    %dma_start3A_40 = arith.constant 0 : i32
    %dma_start3A_41 = arith.constant 0 : i32
    %dma_start3A_42 = tpu.memref_slice %arg2[%dma_start3A_40, %dma_start3A_41] : memref<10000x32xf32, #tpu.memory_space<hbm>> -> memref<10000x32xf32, #tpu.memory_space<hbm>>
    tpu.enqueue_indirect_dma source(%dma_start3A_42 : memref<10000x32xf32, #tpu.memory_space<hbm>>) target(%arg11 : memref<80x32xf32, #tpu.memory_space<vmem>>) offsets(%arg9 : memref<80xi32, #tpu.memory_space<vmem>>) semaphore(%arg21 : memref<!tpu.dma_semaphore, #tpu.memory_space<semaphore_mem>>)
    %min3A = arith.constant 126 : i32
    %min3A_43 = arith.constant 124 : i32
    %min3A_44 = arith.minsi %min3A, %min3A_43 : i32
    %mul3A_45 = arith.constant 10000 : i32
    %mul3A_46 = arith.muli %add3A, %mul3A_45 : i32
    %mul3A_47 = arith.constant 80 : i32
    %mul3A_48 = arith.muli %min3A_44, %mul3A_47 : i32
    %add3A_49 = arith.addi %mul3A_46, %mul3A_48 : i32
    %dma_start3A_50 = tpu.memref_slice %arg3[%add3A_49] : memref<320000xi32, #tpu.memory_space<hbm>> -> memref<80xi32, #tpu.memory_space<hbm>>
    %dma_start3A_51 = tpu.memref_slice %arg3[%add3A_49] : memref<320000xi32, #tpu.memory_space<hbm>> -> memref<80xi32, #tpu.memory_space<hbm>>
    tpu.enqueue_dma source(%dma_start3A_51 : memref<80xi32, #tpu.memory_space<hbm>>) target(%arg6 : memref<80xi32, #tpu.memory_space<vmem>>) target_semaphore(%arg20 : memref<!tpu.dma_semaphore, #tpu.memory_space<semaphore_mem>>)
    %dma_start3A_52 = tpu.memref_slice %arg4[%add3A_49] : memref<320000xi32, #tpu.memory_space<hbm>> -> memref<80xi32, #tpu.memory_space<hbm>>
    %dma_start3A_53 = tpu.memref_slice %arg4[%add3A_49] : memref<320000xi32, #tpu.memory_space<hbm>> -> memref<80xi32, #tpu.memory_space<hbm>>
    tpu.enqueue_dma source(%dma_start3A_53 : memref<80xi32, #tpu.memory_space<hbm>>) target(%arg7 : memref<80xi32, #tpu.memory_space<vmem>>) target_semaphore(%arg20 : memref<!tpu.dma_semaphore, #tpu.memory_space<semaphore_mem>>)
    %dma_wait3A_54 = arith.constant 0 : i32
    %dma_wait3A_55 = arith.constant 0 : i32
    %dma_wait3A_56 = tpu.memref_slice %arg2[%dma_wait3A_54, %dma_wait3A_55] : memref<10000x32xf32, #tpu.memory_space<hbm>> -> memref<10000x32xf32, #tpu.memory_space<hbm>>
    tpu.wait_indirect_dma semaphore(%arg21 : memref<!tpu.dma_semaphore, #tpu.memory_space<semaphore_mem>>) src(%dma_wait3A_56 : memref<10000x32xf32, #tpu.memory_space<hbm>>) dst(%arg10 : memref<80x32xf32, #tpu.memory_space<vmem>>)
    %dma_wait3A_57 = arith.constant 0 : i32
    %dma_wait3A_58 = arith.constant 0 : i32
    %dma_wait3A_59 = tpu.memref_slice %arg2[%dma_wait3A_57, %dma_wait3A_58] : memref<10000x32xf32, #tpu.memory_space<hbm>> -> memref<10000x32xf32, #tpu.memory_space<hbm>>
    tpu.wait_indirect_dma semaphore(%arg21 : memref<!tpu.dma_semaphore, #tpu.memory_space<semaphore_mem>>) src(%dma_wait3A_59 : memref<10000x32xf32, #tpu.memory_space<hbm>>) dst(%arg11 : memref<80x32xf32, #tpu.memory_space<vmem>>)
    %dma_wait3A_60 = arith.constant 0 : i32
    %dma_wait3A_61 = arith.constant 0 : i32
    %dma_wait3A_62 = tpu.memref_slice %arg5[%dma_wait3A_60, %dma_wait3A_61] : memref<320000x64xf32, #tpu.memory_space<hbm>> -> memref<80x64xf32, #tpu.memory_space<hbm>>
    %dma_wait3A_63 = arith.constant 0 : i32
    %dma_wait3A_64 = arith.constant 0 : i32
    %dma_wait3A_65 = tpu.memref_slice %arg5[%dma_wait3A_63, %dma_wait3A_64] : memref<320000x64xf32, #tpu.memory_space<hbm>> -> memref<80x64xf32, #tpu.memory_space<hbm>>
    tpu.wait_dma2 semaphore(%arg22 : memref<!tpu.dma_semaphore, #tpu.memory_space<semaphore_mem>>) src(%arg12 : memref<80x64xf32, #tpu.memory_space<vmem>>) dst(%dma_wait3A_65 : memref<80x64xf32, #tpu.memory_space<hbm>>)
    %scan3A_66 = arith.constant 0 : i32
    %scan3A_67 = arith.constant 80 : i32
    %scan3A_68 = arith.addi %scan3A_66, %scan3A_67 : i32
    %scan3A_69 = arith.constant 1 : i32
    scf.for %scan3A_103 = %scan3A_66 to %scan3A_68 step %scan3A_69  : i32 {
      %get3A = arith.index_cast %scan3A_103 : i32 to index
      %get3A_104 = arith.constant 0 : index
      %get3A_105 = tpu.vector_load %arg10[%get3A, %get3A_104] {strides = array<i32>} : memref<80x32xf32, #tpu.memory_space<vmem>>, vector<1x16xf32>,
      %get3A_106 = vector.shape_cast %get3A_105 : vector<1x16xf32> to vector<16xf32>
      %get3A_107 = arith.index_cast %scan3A_103 : i32 to index
      %get3A_108 = arith.constant 0 : index
      %get3A_109 = tpu.vector_load %arg11[%get3A_107, %get3A_108] {strides = array<i32>} : memref<80x32xf32, #tpu.memory_space<vmem>>, vector<1x16xf32>,
      %get3A_110 = vector.shape_cast %get3A_109 : vector<1x16xf32> to vector<16xf32>
      %sub3A = arith.subf %get3A_106, %get3A_110 : vector<16xf32>
      %mul3A_111 = arith.mulf %sub3A, %broadcast_in_dim3A_1 : vector<16xf32>
      %swap3A = arith.index_cast %scan3A_103 : i32 to index
      %swap3A_112 = arith.constant 0 : index
      %swap3A_113 = tpu.vector_load %arg12[%swap3A, %swap3A_112] {strides = array<i32>} : memref<80x64xf32, #tpu.memory_space<vmem>>, vector<1x16xf32>,
      %swap3A_114 = vector.shape_cast %swap3A_113 : vector<1x16xf32> to vector<16xf32>
      %swap3A_115 = vector.shape_cast %mul3A_111 : vector<16xf32> to vector<1x16xf32>
      tpu.vector_store %arg12[%swap3A, %swap3A_112], %swap3A_115 {strides = array<i32>} : memref<80x64xf32, #tpu.memory_space<vmem>>, vector<1x16xf32>,
      %add3A_116 = arith.addf %get3A_106, %get3A_110 : vector<16xf32>
      %mul3A_117 = arith.mulf %add3A_116, %broadcast_in_dim3A_1 : vector<16xf32>
      %swap3A_118 = arith.index_cast %scan3A_103 : i32 to index
      %swap3A_119 = arith.constant 32 : index
      %swap3A_120 = tpu.vector_load %arg12[%swap3A_118, %swap3A_119] {strides = array<i32>} : memref<80x64xf32, #tpu.memory_space<vmem>>, vector<1x16xf32>,
      %swap3A_121 = vector.shape_cast %swap3A_120 : vector<1x16xf32> to vector<16xf32>
      %swap3A_122 = vector.shape_cast %mul3A_117 : vector<16xf32> to vector<1x16xf32>
      tpu.vector_store %arg12[%swap3A_118, %swap3A_119], %swap3A_122 {strides = array<i32>} : memref<80x64xf32, #tpu.memory_space<vmem>>, vector<1x16xf32>,
      %get3A_123 = arith.index_cast %scan3A_103 : i32 to index
      %get3A_124 = arith.constant 16 : index
      %get3A_125 = tpu.vector_load %arg10[%get3A_123, %get3A_124] {strides = array<i32>} : memref<80x32xf32, #tpu.memory_space<vmem>>, vector<1x16xf32>,
      %get3A_126 = vector.shape_cast %get3A_125 : vector<1x16xf32> to vector<16xf32>
      %get3A_127 = arith.index_cast %scan3A_103 : i32 to index
      %get3A_128 = arith.constant 16 : index
      %get3A_129 = tpu.vector_load %arg11[%get3A_127, %get3A_128] {strides = array<i32>} : memref<80x32xf32, #tpu.memory_space<vmem>>, vector<1x16xf32>,
      %get3A_130 = vector.shape_cast %get3A_129 : vector<1x16xf32> to vector<16xf32>
      %sub3A_131 = arith.subf %get3A_126, %get3A_130 : vector<16xf32>
      %mul3A_132 = arith.mulf %sub3A_131, %broadcast_in_dim3A_1 : vector<16xf32>
      %swap3A_133 = arith.index_cast %scan3A_103 : i32 to index
      %swap3A_134 = arith.constant 16 : index
      %swap3A_135 = tpu.vector_load %arg12[%swap3A_133, %swap3A_134] {strides = array<i32>} : memref<80x64xf32, #tpu.memory_space<vmem>>, vector<1x16xf32>,
      %swap3A_136 = vector.shape_cast %swap3A_135 : vector<1x16xf32> to vector<16xf32>
      %swap3A_137 = vector.shape_cast %mul3A_132 : vector<16xf32> to vector<1x16xf32>
      tpu.vector_store %arg12[%swap3A_133, %swap3A_134], %swap3A_137 {strides = array<i32>} : memref<80x64xf32, #tpu.memory_space<vmem>>, vector<1x16xf32>,
      %add3A_138 = arith.addf %get3A_126, %get3A_130 : vector<16xf32>
      %mul3A_139 = arith.mulf %add3A_138, %broadcast_in_dim3A_1 : vector<16xf32>
      %swap3A_140 = arith.index_cast %scan3A_103 : i32 to index
      %swap3A_141 = arith.constant 48 : index
      %swap3A_142 = tpu.vector_load %arg12[%swap3A_140, %swap3A_141] {strides = array<i32>} : memref<80x64xf32, #tpu.memory_space<vmem>>, vector<1x16xf32>,
      %swap3A_143 = vector.shape_cast %swap3A_142 : vector<1x16xf32> to vector<16xf32>
      %swap3A_144 = vector.shape_cast %mul3A_139 : vector<16xf32> to vector<1x16xf32>
      tpu.vector_store %arg12[%swap3A_140, %swap3A_141], %swap3A_144 {strides = array<i32>} : memref<80x64xf32, #tpu.memory_space<vmem>>, vector<1x16xf32>,
    }
    %scan3A_70 = arith.constant 80 : i32
    %dma_start3A_71 = arith.constant 0 : i32
    %dma_start3A_72 = tpu.memref_slice %arg5[%add3A_24, %dma_start3A_71] : memref<320000x64xf32, #tpu.memory_space<hbm>> -> memref<80x64xf32, #tpu.memory_space<hbm>>
    %dma_start3A_73 = arith.constant 0 : i32
    %dma_start3A_74 = tpu.memref_slice %arg5[%add3A_24, %dma_start3A_73] : memref<320000x64xf32, #tpu.memory_space<hbm>> -> memref<80x64xf32, #tpu.memory_space<hbm>>
    tpu.enqueue_dma source(%arg12 : memref<80x64xf32, #tpu.memory_space<vmem>>) target(%dma_start3A_74 : memref<80x64xf32, #tpu.memory_space<hbm>>) target_semaphore(%arg22 : memref<!tpu.dma_semaphore, #tpu.memory_space<semaphore_mem>>)
    %dma_wait3A_75 = arith.constant 0 : i32
    %dma_wait3A_76 = arith.constant 0 : i32
    %dma_wait3A_77 = tpu.memref_slice %arg5[%dma_wait3A_75, %dma_wait3A_76] : memref<320000x64xf32, #tpu.memory_space<hbm>> -> memref<80x64xf32, #tpu.memory_space<hbm>>
    %dma_wait3A_78 = arith.constant 0 : i32
    %dma_wait3A_79 = arith.constant 0 : i32
    %dma_wait3A_80 = tpu.memref_slice %arg5[%dma_wait3A_78, %dma_wait3A_79] : memref<320000x64xf32, #tpu.memory_space<hbm>> -> memref<80x64xf32, #tpu.memory_space<hbm>>
    tpu.wait_dma2 semaphore(%arg22 : memref<!tpu.dma_semaphore, #tpu.memory_space<semaphore_mem>>) src(%arg12 : memref<80x64xf32, #tpu.memory_space<vmem>>) dst(%dma_wait3A_80 : memref<80x64xf32, #tpu.memory_space<hbm>>)
    %dma_wait3A_81 = arith.constant 0 : i32
    %dma_wait3A_82 = arith.constant 0 : i32
    %dma_wait3A_83 = tpu.memref_slice %arg5[%dma_wait3A_81, %dma_wait3A_82] : memref<320000x64xf32, #tpu.memory_space<hbm>> -> memref<80x64xf32, #tpu.memory_space<hbm>>
    %dma_wait3A_84 = arith.constant 0 : i32
    %dma_wait3A_85 = arith.constant 0 : i32
    %dma_wait3A_86 = tpu.memref_slice %arg5[%dma_wait3A_84, %dma_wait3A_85] : memref<320000x64xf32, #tpu.memory_space<hbm>> -> memref<80x64xf32, #tpu.memory_space<hbm>>
    tpu.wait_dma2 semaphore(%arg22 : memref<!tpu.dma_semaphore, #tpu.memory_space<semaphore_mem>>) src(%arg19 : memref<80x64xf32, #tpu.memory_space<vmem>>) dst(%dma_wait3A_86 : memref<80x64xf32, #tpu.memory_space<hbm>>)
    %dma_wait3A_87 = arith.constant 0 : i32
    %dma_wait3A_88 = tpu.memref_slice %arg3[%dma_wait3A_87] : memref<320000xi32, #tpu.memory_space<hbm>> -> memref<80xi32, #tpu.memory_space<hbm>>
    %dma_wait3A_89 = arith.constant 0 : i32
    %dma_wait3A_90 = tpu.memref_slice %arg3[%dma_wait3A_89] : memref<320000xi32, #tpu.memory_space<hbm>> -> memref<80xi32, #tpu.memory_space<hbm>>
    tpu.wait_dma2 semaphore(%arg20 : memref<!tpu.dma_semaphore, #tpu.memory_space<semaphore_mem>>) src(%dma_wait3A_90 : memref<80xi32, #tpu.memory_space<hbm>>) dst(%arg6 : memref<80xi32, #tpu.memory_space<vmem>>)
    %dma_wait3A_91 = arith.constant 0 : i32
    %dma_wait3A_92 = tpu.memref_slice %arg3[%dma_wait3A_91] : memref<320000xi32, #tpu.memory_space<hbm>> -> memref<80xi32, #tpu.memory_space<hbm>>
    %dma_wait3A_93 = arith.constant 0 : i32
    %dma_wait3A_94 = tpu.memref_slice %arg3[%dma_wait3A_93] : memref<320000xi32, #tpu.memory_space<hbm>> -> memref<80xi32, #tpu.memory_space<hbm>>
    tpu.wait_dma2 semaphore(%arg20 : memref<!tpu.dma_semaphore, #tpu.memory_space<semaphore_mem>>) src(%dma_wait3A_94 : memref<80xi32, #tpu.memory_space<hbm>>) dst(%arg7 : memref<80xi32, #tpu.memory_space<vmem>>)
    %dma_wait3A_95 = arith.constant 0 : i32
    %dma_wait3A_96 = tpu.memref_slice %arg3[%dma_wait3A_95] : memref<320000xi32, #tpu.memory_space<hbm>> -> memref<80xi32, #tpu.memory_space<hbm>>
    %dma_wait3A_97 = arith.constant 0 : i32
    %dma_wait3A_98 = tpu.memref_slice %arg3[%dma_wait3A_97] : memref<320000xi32, #tpu.memory_space<hbm>> -> memref<80xi32, #tpu.memory_space<hbm>>
    tpu.wait_dma2 semaphore(%arg20 : memref<!tpu.dma_semaphore, #tpu.memory_space<semaphore_mem>>) src(%dma_wait3A_98 : memref<80xi32, #tpu.memory_space<hbm>>) dst(%arg13 : memref<80xi32, #tpu.memory_space<vmem>>)
    %dma_wait3A_99 = arith.constant 0 : i32
    %dma_wait3A_100 = tpu.memref_slice %arg3[%dma_wait3A_99] : memref<320000xi32, #tpu.memory_space<hbm>> -> memref<80xi32, #tpu.memory_space<hbm>>
    %dma_wait3A_101 = arith.constant 0 : i32
    %dma_wait3A_102 = tpu.memref_slice %arg3[%dma_wait3A_101] : memref<320000xi32, #tpu.memory_space<hbm>> -> memref<80xi32, #tpu.memory_space<hbm>>
    tpu.wait_dma2 semaphore(%arg20 : memref<!tpu.dma_semaphore, #tpu.memory_space<semaphore_mem>>) src(%dma_wait3A_102 : memref<80xi32, #tpu.memory_space<hbm>>) dst(%arg14 : memref<80xi32, #tpu.memory_space<vmem>>)
    return
  }
}

#map = affine_map<(d0, d1) -> (0, 0)>
#map1 = affine_map<(d0, d1) -> (0)>
module attributes {stable_mosaic.version = 14 : i64} {
  func.func @_sc_pass1_body(%arg0: i32, %arg1: i32, %arg2: memref<20000x64xf32, #tpu.memory_space<hbm>>, %arg3: memref<320000xi32, #tpu.memory_space<hbm>>, %arg4: memref<320000xi32, #tpu.memory_space<hbm>>, %arg5: memref<320000x128xf32, #tpu.memory_space<hbm>>, %arg6: memref<10000x128xf32, #tpu.memory_space<hbm>>, %arg7: memref<80xi32, #tpu.memory_space<vmem>>, %arg8: memref<80xi32, #tpu.memory_space<vmem>>, %arg9: memref<80xi32, #tpu.memory_space<vmem>>, %arg10: memref<80xi32, #tpu.memory_space<vmem>>, %arg11: memref<80xi32, #tpu.memory_space<vmem>>, %arg12: memref<80x64xf32, #tpu.memory_space<vmem>>, %arg13: memref<80x64xf32, #tpu.memory_space<vmem>>, %arg14: memref<80x64xf32, #tpu.memory_space<vmem>>, %arg15: memref<80xi32, #tpu.memory_space<vmem>>, %arg16: memref<80xi32, #tpu.memory_space<vmem>>, %arg17: memref<80xi32, #tpu.memory_space<vmem>>, %arg18: memref<80xi32, #tpu.memory_space<vmem>>, %arg19: memref<80xi32, #tpu.memory_space<vmem>>, %arg20: memref<80x64xf32, #tpu.memory_space<vmem>>, %arg21: memref<80x64xf32, #tpu.memory_space<vmem>>, %arg22: memref<80x64xf32, #tpu.memory_space<vmem>>, %arg23: memref<16x64xf32, #tpu.memory_space<vmem>>, %arg24: memref<10000x64xf32, #tpu.memory_space<vmem_shared>>, %arg25: memref<!tpu.dma_semaphore, #tpu.memory_space<semaphore_mem>>, %arg26: memref<!tpu.dma_semaphore, #tpu.memory_space<semaphore_mem>>, %arg27: memref<!tpu.dma_semaphore, #tpu.memory_space<semaphore_mem>>) attributes {dimension_semantics = [#tpu.dimension_semantics<core_parallel>, #tpu.dimension_semantics<subcore_parallel>], iteration_bounds = array<i64: 2, 16>, scalar_prefetch = 0 : i64, scratch_operands = 21 : i64, tpu.core_type = #tpu.core_type<sc_vector_subcore>, window_params = [{transform_indices = #map}, {transform_indices = #map1}, {transform_indices = #map1}, {transform_indices = #map}, {transform_indices = #map}]} {
    %broadcast_in_dim3A = arith.constant 0.000000e+00 : f32
    %broadcast_in_dim3A_0 = vector.broadcast %broadcast_in_dim3A : f32 to vector<16xf32>
    %scan3A = arith.constant 0 : i32
    %scan3A_1 = arith.constant 16 : i32
    %scan3A_2 = arith.addi %scan3A, %scan3A_1 : i32
    %scan3A_3 = arith.constant 1 : i32
    scf.for %scan3A_69 = %scan3A to %scan3A_2 step %scan3A_3  : i32 {
      %swap3A = arith.index_cast %scan3A_69 : i32 to index
      %swap3A_70 = arith.constant 0 : index
      %swap3A_71 = tpu.vector_load %arg23[%swap3A, %swap3A_70] {strides = array<i32>} : memref<16x64xf32, #tpu.memory_space<vmem>>, vector<1x16xf32>,
      %swap3A_72 = vector.shape_cast %swap3A_71 : vector<1x16xf32> to vector<16xf32>
      %swap3A_73 = vector.shape_cast %broadcast_in_dim3A_0 : vector<16xf32> to vector<1x16xf32>
      tpu.vector_store %arg23[%swap3A, %swap3A_70], %swap3A_73 {strides = array<i32>} : memref<16x64xf32, #tpu.memory_space<vmem>>, vector<1x16xf32>,
      %swap3A_74 = arith.index_cast %scan3A_69 : i32 to index
      %swap3A_75 = arith.constant 16 : index
      %swap3A_76 = tpu.vector_load %arg23[%swap3A_74, %swap3A_75] {strides = array<i32>} : memref<16x64xf32, #tpu.memory_space<vmem>>, vector<1x16xf32>,
      %swap3A_77 = vector.shape_cast %swap3A_76 : vector<1x16xf32> to vector<16xf32>
      %swap3A_78 = vector.shape_cast %broadcast_in_dim3A_0 : vector<16xf32> to vector<1x16xf32>
      tpu.vector_store %arg23[%swap3A_74, %swap3A_75], %swap3A_78 {strides = array<i32>} : memref<16x64xf32, #tpu.memory_space<vmem>>, vector<1x16xf32>,
      %swap3A_79 = arith.index_cast %scan3A_69 : i32 to index
      %swap3A_80 = arith.constant 32 : index
      %swap3A_81 = tpu.vector_load %arg23[%swap3A_79, %swap3A_80] {strides = array<i32>} : memref<16x64xf32, #tpu.memory_space<vmem>>, vector<1x16xf32>,
      %swap3A_82 = vector.shape_cast %swap3A_81 : vector<1x16xf32> to vector<16xf32>
      %swap3A_83 = vector.shape_cast %broadcast_in_dim3A_0 : vector<16xf32> to vector<1x16xf32>
      tpu.vector_store %arg23[%swap3A_79, %swap3A_80], %swap3A_83 {strides = array<i32>} : memref<16x64xf32, #tpu.memory_space<vmem>>, vector<1x16xf32>,
      %swap3A_84 = arith.index_cast %scan3A_69 : i32 to index
      %swap3A_85 = arith.constant 48 : index
      %swap3A_86 = tpu.vector_load %arg23[%swap3A_84, %swap3A_85] {strides = array<i32>} : memref<16x64xf32, #tpu.memory_space<vmem>>, vector<1x16xf32>,
      %swap3A_87 = vector.shape_cast %swap3A_86 : vector<1x16xf32> to vector<16xf32>
      %swap3A_88 = vector.shape_cast %broadcast_in_dim3A_0 : vector<16xf32> to vector<1x16xf32>
      tpu.vector_store %arg23[%swap3A_84, %swap3A_85], %swap3A_88 {strides = array<i32>} : memref<16x64xf32, #tpu.memory_space<vmem>>, vector<1x16xf32>,
    }
    %scan3A_4 = arith.constant 16 : i32
    %scan3A_5 = arith.constant 0 : i32
    %scan3A_6 = arith.constant 39 : i32
    %scan3A_7 = arith.addi %scan3A_5, %scan3A_6 : i32
    %scan3A_8 = arith.constant 1 : i32
    scf.for %scan3A_69 = %scan3A_5 to %scan3A_7 step %scan3A_8  : i32 {
      %mul3A_70 = arith.constant 624 : i32
      %mul3A_71 = arith.muli %arg1, %mul3A_70 : i32
      %mul3A_72 = arith.constant 16 : i32
      %mul3A_73 = arith.muli %scan3A_69, %mul3A_72 : i32
      %add3A_74 = arith.addi %mul3A_71, %mul3A_73 : i32
      "tpu.region"() ({
        %run_scoped3A = tpu.sem_alloc : memref<!tpu.dma_semaphore, #tpu.memory_space<semaphore_mem>>
        %dma_start3A_75 = arith.constant 0 : i32
        %dma_start3A_76 = tpu.memref_slice %arg24[%add3A_74, %dma_start3A_75] : memref<10000x64xf32, #tpu.memory_space<vmem_shared>> -> memref<16x64xf32, #tpu.memory_space<vmem_shared>>
        %dma_start3A_77 = arith.constant 0 : i32
        %dma_start3A_78 = tpu.memref_slice %arg24[%add3A_74, %dma_start3A_77] : memref<10000x64xf32, #tpu.memory_space<vmem_shared>> -> memref<16x64xf32, #tpu.memory_space<vmem_shared>>
        tpu.enqueue_dma source(%arg23 : memref<16x64xf32, #tpu.memory_space<vmem>>) target(%dma_start3A_78 : memref<16x64xf32, #tpu.memory_space<vmem_shared>>) target_semaphore(%run_scoped3A : memref<!tpu.dma_semaphore, #tpu.memory_space<semaphore_mem>>)
        %dma_wait3A_79 = arith.constant 0 : i32
        %dma_wait3A_80 = tpu.memref_slice %arg24[%add3A_74, %dma_wait3A_79] : memref<10000x64xf32, #tpu.memory_space<vmem_shared>> -> memref<16x64xf32, #tpu.memory_space<vmem_shared>>
        %dma_wait3A_81 = arith.constant 0 : i32
        %dma_wait3A_82 = tpu.memref_slice %arg24[%add3A_74, %dma_wait3A_81] : memref<10000x64xf32, #tpu.memory_space<vmem_shared>> -> memref<16x64xf32, #tpu.memory_space<vmem_shared>>
        tpu.wait_dma2 semaphore(%run_scoped3A : memref<!tpu.dma_semaphore, #tpu.memory_space<semaphore_mem>>) src(%arg23 : memref<16x64xf32, #tpu.memory_space<vmem>>) dst(%dma_wait3A_82 : memref<16x64xf32, #tpu.memory_space<vmem_shared>>)
        tpu.yield
      }) : () -> ()
    }
    %scan3A_9 = arith.constant 39 : i32
    %eq3A = arith.constant 15 : i32
    %eq3A_10 = arith.cmpi eq, %arg1, %eq3A : i32
    %convert_element_type3A = arith.extui %eq3A_10 : i1 to i32
    %cond3A = arith.constant 0 : i32
    %cond3A_11 = arith.cmpi ne, %convert_element_type3A, %cond3A : i32
    scf.if %cond3A_11 {
      "tpu.region"() ({
        %run_scoped3A = tpu.sem_alloc : memref<!tpu.dma_semaphore, #tpu.memory_space<semaphore_mem>>
        %dma_start3A_69 = arith.constant 9984 : i32
        %dma_start3A_70 = arith.constant 0 : i32
        %dma_start3A_71 = tpu.memref_slice %arg24[%dma_start3A_69, %dma_start3A_70] : memref<10000x64xf32, #tpu.memory_space<vmem_shared>> -> memref<16x64xf32, #tpu.memory_space<vmem_shared>>
        %dma_start3A_72 = arith.constant 9984 : i32
        %dma_start3A_73 = arith.constant 0 : i32
        %dma_start3A_74 = tpu.memref_slice %arg24[%dma_start3A_72, %dma_start3A_73] : memref<10000x64xf32, #tpu.memory_space<vmem_shared>> -> memref<16x64xf32, #tpu.memory_space<vmem_shared>>
        tpu.enqueue_dma source(%arg23 : memref<16x64xf32, #tpu.memory_space<vmem>>) target(%dma_start3A_74 : memref<16x64xf32, #tpu.memory_space<vmem_shared>>) target_semaphore(%run_scoped3A : memref<!tpu.dma_semaphore, #tpu.memory_space<semaphore_mem>>)
        %dma_wait3A_75 = arith.constant 9984 : i32
        %dma_wait3A_76 = arith.constant 0 : i32
        %dma_wait3A_77 = tpu.memref_slice %arg24[%dma_wait3A_75, %dma_wait3A_76] : memref<10000x64xf32, #tpu.memory_space<vmem_shared>> -> memref<16x64xf32, #tpu.memory_space<vmem_shared>>
        %dma_wait3A_78 = arith.constant 9984 : i32
        %dma_wait3A_79 = arith.constant 0 : i32
        %dma_wait3A_80 = tpu.memref_slice %arg24[%dma_wait3A_78, %dma_wait3A_79] : memref<10000x64xf32, #tpu.memory_space<vmem_shared>> -> memref<16x64xf32, #tpu.memory_space<vmem_shared>>
        tpu.wait_dma2 semaphore(%run_scoped3A : memref<!tpu.dma_semaphore, #tpu.memory_space<semaphore_mem>>) src(%arg23 : memref<16x64xf32, #tpu.memory_space<vmem>>) dst(%dma_wait3A_80 : memref<16x64xf32, #tpu.memory_space<vmem_shared>>)
        tpu.yield
      }) : () -> ()
    } else {
    }
    %barrier3A = arith.constant 0 : index
    tpu.barrier barrier_id(%barrier3A)
    %mul3A = arith.constant 20000 : i32
    %mul3A_12 = arith.muli %arg1, %mul3A : i32
    %add3A = arith.constant 0 : i32
    %add3A_13 = arith.addi %mul3A_12, %add3A : i32
    %dma_start3A = tpu.memref_slice %arg3[%add3A_13] : memref<320000xi32, #tpu.memory_space<hbm>> -> memref<80xi32, #tpu.memory_space<hbm>>
    %dma_start3A_14 = tpu.memref_slice %arg3[%add3A_13] : memref<320000xi32, #tpu.memory_space<hbm>> -> memref<80xi32, #tpu.memory_space<hbm>>
    tpu.enqueue_dma source(%dma_start3A_14 : memref<80xi32, #tpu.memory_space<hbm>>) target(%arg7 : memref<80xi32, #tpu.memory_space<vmem>>) target_semaphore(%arg25 : memref<!tpu.dma_semaphore, #tpu.memory_space<semaphore_mem>>)
    %dma_start3A_15 = tpu.memref_slice %arg4[%add3A_13] : memref<320000xi32, #tpu.memory_space<hbm>> -> memref<80xi32, #tpu.memory_space<hbm>>
    %dma_start3A_16 = tpu.memref_slice %arg4[%add3A_13] : memref<320000xi32, #tpu.memory_space<hbm>> -> memref<80xi32, #tpu.memory_space<hbm>>
    tpu.enqueue_dma source(%dma_start3A_16 : memref<80xi32, #tpu.memory_space<hbm>>) target(%arg8 : memref<80xi32, #tpu.memory_space<vmem>>) target_semaphore(%arg25 : memref<!tpu.dma_semaphore, #tpu.memory_space<semaphore_mem>>)
    %mul3A_17 = arith.constant 20000 : i32
    %mul3A_18 = arith.muli %arg1, %mul3A_17 : i32
    %add3A_19 = arith.constant 80 : i32
    %add3A_20 = arith.addi %mul3A_18, %add3A_19 : i32
    %dma_start3A_21 = tpu.memref_slice %arg3[%add3A_20] : memref<320000xi32, #tpu.memory_space<hbm>> -> memref<80xi32, #tpu.memory_space<hbm>>
    %dma_start3A_22 = tpu.memref_slice %arg3[%add3A_20] : memref<320000xi32, #tpu.memory_space<hbm>> -> memref<80xi32, #tpu.memory_space<hbm>>
    tpu.enqueue_dma source(%dma_start3A_22 : memref<80xi32, #tpu.memory_space<hbm>>) target(%arg15 : memref<80xi32, #tpu.memory_space<vmem>>) target_semaphore(%arg25 : memref<!tpu.dma_semaphore, #tpu.memory_space<semaphore_mem>>)
    %dma_start3A_23 = tpu.memref_slice %arg4[%add3A_20] : memref<320000xi32, #tpu.memory_space<hbm>> -> memref<80xi32, #tpu.memory_space<hbm>>
    %dma_start3A_24 = tpu.memref_slice %arg4[%add3A_20] : memref<320000xi32, #tpu.memory_space<hbm>> -> memref<80xi32, #tpu.memory_space<hbm>>
    tpu.enqueue_dma source(%dma_start3A_24 : memref<80xi32, #tpu.memory_space<hbm>>) target(%arg16 : memref<80xi32, #tpu.memory_space<vmem>>) target_semaphore(%arg25 : memref<!tpu.dma_semaphore, #tpu.memory_space<semaphore_mem>>)
    %scan3A_25 = arith.constant 0 : i32
    %scan3A_26 = arith.constant 125 : i32
    %scan3A_27 = arith.addi %scan3A_25, %scan3A_26 : i32
    %scan3A_28 = arith.constant 1 : i32
    scf.for %scan3A_69 = %scan3A_25 to %scan3A_27 step %scan3A_28  : i32 {
      %mul3A_70 = arith.constant 2 : i32
      %mul3A_71 = arith.muli %mul3A_70, %scan3A_69 : i32
      %mul3A_72 = arith.constant 20000 : i32
      %mul3A_73 = arith.muli %arg1, %mul3A_72 : i32
      %mul3A_74 = arith.constant 80 : i32
      %mul3A_75 = arith.muli %mul3A_71, %mul3A_74 : i32
      %add3A_76 = arith.addi %mul3A_73, %mul3A_75 : i32
      %dma_wait3A_77 = arith.constant 0 : i32
      %dma_wait3A_78 = tpu.memref_slice %arg3[%dma_wait3A_77] : memref<320000xi32, #tpu.memory_space<hbm>> -> memref<80xi32, #tpu.memory_space<hbm>>
      %dma_wait3A_79 = arith.constant 0 : i32
      %dma_wait3A_80 = tpu.memref_slice %arg3[%dma_wait3A_79] : memref<320000xi32, #tpu.memory_space<hbm>> -> memref<80xi32, #tpu.memory_space<hbm>>
      tpu.wait_dma2 semaphore(%arg25 : memref<!tpu.dma_semaphore, #tpu.memory_space<semaphore_mem>>) src(%dma_wait3A_80 : memref<80xi32, #tpu.memory_space<hbm>>) dst(%arg7 : memref<80xi32, #tpu.memory_space<vmem>>)
      %dma_wait3A_81 = arith.constant 0 : i32
      %dma_wait3A_82 = tpu.memref_slice %arg3[%dma_wait3A_81] : memref<320000xi32, #tpu.memory_space<hbm>> -> memref<80xi32, #tpu.memory_space<hbm>>
      %dma_wait3A_83 = arith.constant 0 : i32
      %dma_wait3A_84 = tpu.memref_slice %arg3[%dma_wait3A_83] : memref<320000xi32, #tpu.memory_space<hbm>> -> memref<80xi32, #tpu.memory_space<hbm>>
      tpu.wait_dma2 semaphore(%arg25 : memref<!tpu.dma_semaphore, #tpu.memory_space<semaphore_mem>>) src(%dma_wait3A_84 : memref<80xi32, #tpu.memory_space<hbm>>) dst(%arg8 : memref<80xi32, #tpu.memory_space<vmem>>)
      %ge3A = arith.constant 1 : i32
      %ge3A_85 = arith.cmpi sge, %scan3A_69, %ge3A : i32
      %convert_element_type3A_86 = arith.extui %ge3A_85 : i1 to i32
      %cond3A_87 = arith.constant 0 : i32
      %cond3A_88 = arith.cmpi ne, %convert_element_type3A_86, %cond3A_87 : i32
      scf.if %cond3A_88 {
        %dma_wait3A_200 = arith.constant 0 : i32
        %dma_wait3A_201 = arith.constant 0 : i32
        %dma_wait3A_202 = tpu.memref_slice %arg5[%dma_wait3A_200, %dma_wait3A_201] : memref<320000x128xf32, #tpu.memory_space<hbm>> -> memref<80x64xf32, #tpu.memory_space<hbm>>
        %dma_wait3A_203 = arith.constant 0 : i32
        %dma_wait3A_204 = arith.constant 0 : i32
        %dma_wait3A_205 = tpu.memref_slice %arg5[%dma_wait3A_203, %dma_wait3A_204] : memref<320000x128xf32, #tpu.memory_space<hbm>> -> memref<80x64xf32, #tpu.memory_space<hbm>>
        tpu.wait_dma2 semaphore(%arg27 : memref<!tpu.dma_semaphore, #tpu.memory_space<semaphore_mem>>) src(%arg14 : memref<80x64xf32, #tpu.memory_space<vmem>>) dst(%dma_wait3A_205 : memref<80x64xf32, #tpu.memory_space<hbm>>)
      } else {
      }
      %broadcast_in_dim3A_89 = arith.constant 1 : i32
      %broadcast_in_dim3A_90 = vector.broadcast %broadcast_in_dim3A_89 : i32 to vector<16xi32>
      %mul3A_91 = arith.constant 10000 : i32
      %mul3A_92 = arith.muli %arg0, %mul3A_91 : i32
      %mul3A_93 = vector.broadcast %mul3A_92 : i32 to vector<16xi32>
      %mul3A_94 = arith.muli %broadcast_in_dim3A_90, %mul3A_93 : vector<16xi32>
      %scan3A_95 = arith.constant 0 : i32
      %scan3A_96 = arith.constant 5 : i32
      %scan3A_97 = arith.addi %scan3A_95, %scan3A_96 : i32
      %scan3A_98 = arith.constant 1 : i32
      scf.for %scan3A_200 = %scan3A_95 to %scan3A_97 step %scan3A_98  : i32 {
        %mul3A_201 = arith.constant 16 : i32
        %mul3A_202 = arith.muli %scan3A_200, %mul3A_201 : i32
        %get3A = arith.index_cast %mul3A_202 : i32 to index
        %get3A_203 = tpu.vector_load %arg7[%get3A] {strides = array<i32>} : memref<80xi32, #tpu.memory_space<vmem>>, vector<16xi32>,
        %get3A_204 = vector.shape_cast %get3A_203 : vector<16xi32> to vector<16xi32>
        %mul3A_205 = arith.constant 16 : i32
        %mul3A_206 = arith.muli %scan3A_200, %mul3A_205 : i32
        %swap3A = arith.index_cast %mul3A_206 : i32 to index
        %swap3A_207 = tpu.vector_load %arg11[%swap3A] {strides = array<i32>} : memref<80xi32, #tpu.memory_space<vmem>>, vector<16xi32>,
        %swap3A_208 = vector.shape_cast %swap3A_207 : vector<16xi32> to vector<16xi32>
        %swap3A_209 = vector.shape_cast %get3A_204 : vector<16xi32> to vector<16xi32>
        tpu.vector_store %arg11[%swap3A], %swap3A_209 {strides = array<i32>} : memref<80xi32, #tpu.memory_space<vmem>>, vector<16xi32>,
        %add3A_210 = arith.addi %get3A_204, %mul3A_94 : vector<16xi32>
        %mul3A_211 = arith.constant 16 : i32
        %mul3A_212 = arith.muli %scan3A_200, %mul3A_211 : i32
        %swap3A_213 = arith.index_cast %mul3A_212 : i32 to index
        %swap3A_214 = tpu.vector_load %arg9[%swap3A_213] {strides = array<i32>} : memref<80xi32, #tpu.memory_space<vmem>>, vector<16xi32>,
        %swap3A_215 = vector.shape_cast %swap3A_214 : vector<16xi32> to vector<16xi32>
        %swap3A_216 = vector.shape_cast %add3A_210 : vector<16xi32> to vector<16xi32>
        tpu.vector_store %arg9[%swap3A_213], %swap3A_216 {strides = array<i32>} : memref<80xi32, #tpu.memory_space<vmem>>, vector<16xi32>,
        %mul3A_217 = arith.constant 16 : i32
        %mul3A_218 = arith.muli %scan3A_200, %mul3A_217 : i32
        %get3A_219 = arith.index_cast %mul3A_218 : i32 to index
        %get3A_220 = tpu.vector_load %arg8[%get3A_219] {strides = array<i32>} : memref<80xi32, #tpu.memory_space<vmem>>, vector<16xi32>,
        %get3A_221 = vector.shape_cast %get3A_220 : vector<16xi32> to vector<16xi32>
        %add3A_222 = arith.addi %get3A_221, %mul3A_94 : vector<16xi32>
        %mul3A_223 = arith.constant 16 : i32
        %mul3A_224 = arith.muli %scan3A_200, %mul3A_223 : i32
        %swap3A_225 = arith.index_cast %mul3A_224 : i32 to index
        %swap3A_226 = tpu.vector_load %arg10[%swap3A_225] {strides = array<i32>} : memref<80xi32, #tpu.memory_space<vmem>>, vector<16xi32>,
        %swap3A_227 = vector.shape_cast %swap3A_226 : vector<16xi32> to vector<16xi32>
        %swap3A_228 = vector.shape_cast %add3A_222 : vector<16xi32> to vector<16xi32>
        tpu.vector_store %arg10[%swap3A_225], %swap3A_228 {strides = array<i32>} : memref<80xi32, #tpu.memory_space<vmem>>, vector<16xi32>,
      }
      %scan3A_99 = arith.constant 5 : i32
      %dma_start3A_100 = arith.constant 0 : i32
      %dma_start3A_101 = arith.constant 0 : i32
      %dma_start3A_102 = tpu.memref_slice %arg2[%dma_start3A_100, %dma_start3A_101] : memref<20000x64xf32, #tpu.memory_space<hbm>> -> memref<20000x64xf32, #tpu.memory_space<hbm>>
      tpu.enqueue_indirect_dma source(%dma_start3A_102 : memref<20000x64xf32, #tpu.memory_space<hbm>>) target(%arg12 : memref<80x64xf32, #tpu.memory_space<vmem>>) offsets(%arg9 : memref<80xi32, #tpu.memory_space<vmem>>) semaphore(%arg26 : memref<!tpu.dma_semaphore, #tpu.memory_space<semaphore_mem>>)
      %dma_start3A_103 = arith.constant 0 : i32
      %dma_start3A_104 = arith.constant 0 : i32
      %dma_start3A_105 = tpu.memref_slice %arg2[%dma_start3A_103, %dma_start3A_104] : memref<20000x64xf32, #tpu.memory_space<hbm>> -> memref<20000x64xf32, #tpu.memory_space<hbm>>
      tpu.enqueue_indirect_dma source(%dma_start3A_105 : memref<20000x64xf32, #tpu.memory_space<hbm>>) target(%arg13 : memref<80x64xf32, #tpu.memory_space<vmem>>) offsets(%arg10 : memref<80xi32, #tpu.memory_space<vmem>>) semaphore(%arg26 : memref<!tpu.dma_semaphore, #tpu.memory_space<semaphore_mem>>)
      %add3A_106 = arith.constant 2 : i32
      %add3A_107 = arith.addi %mul3A_71, %add3A_106 : i32
      %min3A = arith.constant 249 : i32
      %min3A_108 = arith.minsi %add3A_107, %min3A : i32
      %mul3A_109 = arith.constant 20000 : i32
      %mul3A_110 = arith.muli %arg1, %mul3A_109 : i32
      %mul3A_111 = arith.constant 80 : i32
      %mul3A_112 = arith.muli %min3A_108, %mul3A_111 : i32
      %add3A_113 = arith.addi %mul3A_110, %mul3A_112 : i32
      %dma_start3A_114 = tpu.memref_slice %arg3[%add3A_113] : memref<320000xi32, #tpu.memory_space<hbm>> -> memref<80xi32, #tpu.memory_space<hbm>>
      %dma_start3A_115 = tpu.memref_slice %arg3[%add3A_113] : memref<320000xi32, #tpu.memory_space<hbm>> -> memref<80xi32, #tpu.memory_space<hbm>>
      tpu.enqueue_dma source(%dma_start3A_115 : memref<80xi32, #tpu.memory_space<hbm>>) target(%arg7 : memref<80xi32, #tpu.memory_space<vmem>>) target_semaphore(%arg25 : memref<!tpu.dma_semaphore, #tpu.memory_space<semaphore_mem>>)
      %dma_start3A_116 = tpu.memref_slice %arg4[%add3A_113] : memref<320000xi32, #tpu.memory_space<hbm>> -> memref<80xi32, #tpu.memory_space<hbm>>
      %dma_start3A_117 = tpu.memref_slice %arg4[%add3A_113] : memref<320000xi32, #tpu.memory_space<hbm>> -> memref<80xi32, #tpu.memory_space<hbm>>
      tpu.enqueue_dma source(%dma_start3A_117 : memref<80xi32, #tpu.memory_space<hbm>>) target(%arg8 : memref<80xi32, #tpu.memory_space<vmem>>) target_semaphore(%arg25 : memref<!tpu.dma_semaphore, #tpu.memory_space<semaphore_mem>>)
      %dma_wait3A_118 = arith.constant 0 : i32
      %dma_wait3A_119 = arith.constant 0 : i32
      %dma_wait3A_120 = tpu.memref_slice %arg2[%dma_wait3A_118, %dma_wait3A_119] : memref<20000x64xf32, #tpu.memory_space<hbm>> -> memref<20000x64xf32, #tpu.memory_space<hbm>>
      tpu.wait_indirect_dma semaphore(%arg26 : memref<!tpu.dma_semaphore, #tpu.memory_space<semaphore_mem>>) src(%dma_wait3A_120 : memref<20000x64xf32, #tpu.memory_space<hbm>>) dst(%arg12 : memref<80x64xf32, #tpu.memory_space<vmem>>)
      %dma_wait3A_121 = arith.constant 0 : i32
      %dma_wait3A_122 = arith.constant 0 : i32
      %dma_wait3A_123 = tpu.memref_slice %arg2[%dma_wait3A_121, %dma_wait3A_122] : memref<20000x64xf32, #tpu.memory_space<hbm>> -> memref<20000x64xf32, #tpu.memory_space<hbm>>
      tpu.wait_indirect_dma semaphore(%arg26 : memref<!tpu.dma_semaphore, #tpu.memory_space<semaphore_mem>>) src(%dma_wait3A_123 : memref<20000x64xf32, #tpu.memory_space<hbm>>) dst(%arg13 : memref<80x64xf32, #tpu.memory_space<vmem>>)
      %scan3A_124 = arith.constant 0 : i32
      %scan3A_125 = arith.constant 80 : i32
      %scan3A_126 = arith.addi %scan3A_124, %scan3A_125 : i32
      %scan3A_127 = arith.constant 1 : i32
      scf.for %scan3A_200 = %scan3A_124 to %scan3A_126 step %scan3A_127  : i32 {
        %get3A = arith.index_cast %scan3A_200 : i32 to index
        %get3A_201 = arith.constant 0 : index
        %get3A_202 = tpu.vector_load %arg12[%get3A, %get3A_201] {strides = array<i32>} : memref<80x64xf32, #tpu.memory_space<vmem>>, vector<1x16xf32>,
        %get3A_203 = vector.shape_cast %get3A_202 : vector<1x16xf32> to vector<16xf32>
        %get3A_204 = arith.index_cast %scan3A_200 : i32 to index
        %get3A_205 = arith.constant 0 : index
        %get3A_206 = tpu.vector_load %arg13[%get3A_204, %get3A_205] {strides = array<i32>} : memref<80x64xf32, #tpu.memory_space<vmem>>, vector<1x16xf32>,
        %get3A_207 = vector.shape_cast %get3A_206 : vector<1x16xf32> to vector<16xf32>
        %sub3A = arith.subf %get3A_203, %get3A_207 : vector<16xf32>
        %abs3A = math.absf %sub3A : vector<16xf32>
        %swap3A = arith.index_cast %scan3A_200 : i32 to index
        %swap3A_208 = arith.constant 0 : index
        %swap3A_209 = tpu.vector_load %arg14[%swap3A, %swap3A_208] {strides = array<i32>} : memref<80x64xf32, #tpu.memory_space<vmem>>, vector<1x16xf32>,
        %swap3A_210 = vector.shape_cast %swap3A_209 : vector<1x16xf32> to vector<16xf32>
        %swap3A_211 = vector.shape_cast %abs3A : vector<16xf32> to vector<1x16xf32>
        tpu.vector_store %arg14[%swap3A, %swap3A_208], %swap3A_211 {strides = array<i32>} : memref<80x64xf32, #tpu.memory_space<vmem>>, vector<1x16xf32>,
        %get3A_212 = arith.index_cast %scan3A_200 : i32 to index
        %get3A_213 = arith.constant 16 : index
        %get3A_214 = tpu.vector_load %arg12[%get3A_212, %get3A_213] {strides = array<i32>} : memref<80x64xf32, #tpu.memory_space<vmem>>, vector<1x16xf32>,
        %get3A_215 = vector.shape_cast %get3A_214 : vector<1x16xf32> to vector<16xf32>
        %get3A_216 = arith.index_cast %scan3A_200 : i32 to index
        %get3A_217 = arith.constant 16 : index
        %get3A_218 = tpu.vector_load %arg13[%get3A_216, %get3A_217] {strides = array<i32>} : memref<80x64xf32, #tpu.memory_space<vmem>>, vector<1x16xf32>,
        %get3A_219 = vector.shape_cast %get3A_218 : vector<1x16xf32> to vector<16xf32>
        %sub3A_220 = arith.subf %get3A_215, %get3A_219 : vector<16xf32>
        %abs3A_221 = math.absf %sub3A_220 : vector<16xf32>
        %swap3A_222 = arith.index_cast %scan3A_200 : i32 to index
        %swap3A_223 = arith.constant 16 : index
        %swap3A_224 = tpu.vector_load %arg14[%swap3A_222, %swap3A_223] {strides = array<i32>} : memref<80x64xf32, #tpu.memory_space<vmem>>, vector<1x16xf32>,
        %swap3A_225 = vector.shape_cast %swap3A_224 : vector<1x16xf32> to vector<16xf32>
        %swap3A_226 = vector.shape_cast %abs3A_221 : vector<16xf32> to vector<1x16xf32>
        tpu.vector_store %arg14[%swap3A_222, %swap3A_223], %swap3A_226 {strides = array<i32>} : memref<80x64xf32, #tpu.memory_space<vmem>>, vector<1x16xf32>,
        %get3A_227 = arith.index_cast %scan3A_200 : i32 to index
        %get3A_228 = arith.constant 32 : index
        %get3A_229 = tpu.vector_load %arg12[%get3A_227, %get3A_228] {strides = array<i32>} : memref<80x64xf32, #tpu.memory_space<vmem>>, vector<1x16xf32>,
        %get3A_230 = vector.shape_cast %get3A_229 : vector<1x16xf32> to vector<16xf32>
        %get3A_231 = arith.index_cast %scan3A_200 : i32 to index
        %get3A_232 = arith.constant 32 : index
        %get3A_233 = tpu.vector_load %arg13[%get3A_231, %get3A_232] {strides = array<i32>} : memref<80x64xf32, #tpu.memory_space<vmem>>, vector<1x16xf32>,
        %get3A_234 = vector.shape_cast %get3A_233 : vector<1x16xf32> to vector<16xf32>
        %sub3A_235 = arith.subf %get3A_230, %get3A_234 : vector<16xf32>
        %abs3A_236 = math.absf %sub3A_235 : vector<16xf32>
        %swap3A_237 = arith.index_cast %scan3A_200 : i32 to index
        %swap3A_238 = arith.constant 32 : index
        %swap3A_239 = tpu.vector_load %arg14[%swap3A_237, %swap3A_238] {strides = array<i32>} : memref<80x64xf32, #tpu.memory_space<vmem>>, vector<1x16xf32>,
        %swap3A_240 = vector.shape_cast %swap3A_239 : vector<1x16xf32> to vector<16xf32>
        %swap3A_241 = vector.shape_cast %abs3A_236 : vector<16xf32> to vector<1x16xf32>
        tpu.vector_store %arg14[%swap3A_237, %swap3A_238], %swap3A_241 {strides = array<i32>} : memref<80x64xf32, #tpu.memory_space<vmem>>, vector<1x16xf32>,
        %get3A_242 = arith.index_cast %scan3A_200 : i32 to index
        %get3A_243 = arith.constant 48 : index
        %get3A_244 = tpu.vector_load %arg12[%get3A_242, %get3A_243] {strides = array<i32>} : memref<80x64xf32, #tpu.memory_space<vmem>>, vector<1x16xf32>,
        %get3A_245 = vector.shape_cast %get3A_244 : vector<1x16xf32> to vector<16xf32>
        %get3A_246 = arith.index_cast %scan3A_200 : i32 to index
        %get3A_247 = arith.constant 48 : index
        %get3A_248 = tpu.vector_load %arg13[%get3A_246, %get3A_247] {strides = array<i32>} : memref<80x64xf32, #tpu.memory_space<vmem>>, vector<1x16xf32>,
        %get3A_249 = vector.shape_cast %get3A_248 : vector<1x16xf32> to vector<16xf32>
        %sub3A_250 = arith.subf %get3A_245, %get3A_249 : vector<16xf32>
        %abs3A_251 = math.absf %sub3A_250 : vector<16xf32>
        %swap3A_252 = arith.index_cast %scan3A_200 : i32 to index
        %swap3A_253 = arith.constant 48 : index
        %swap3A_254 = tpu.vector_load %arg14[%swap3A_252, %swap3A_253] {strides = array<i32>} : memref<80x64xf32, #tpu.memory_space<vmem>>, vector<1x16xf32>,
        %swap3A_255 = vector.shape_cast %swap3A_254 : vector<1x16xf32> to vector<16xf32>
        %swap3A_256 = vector.shape_cast %abs3A_251 : vector<16xf32> to vector<1x16xf32>
        tpu.vector_store %arg14[%swap3A_252, %swap3A_253], %swap3A_256 {strides = array<i32>} : memref<80x64xf32, #tpu.memory_space<vmem>>, vector<1x16xf32>,
      }
      %scan3A_128 = arith.constant 80 : i32
      %mul3A_129 = arith.constant 64 : i32
      %mul3A_130 = arith.muli %arg0, %mul3A_129 : i32
      %dma_start3A_131 = tpu.memref_slice %arg5[%add3A_76, %mul3A_130] : memref<320000x128xf32, #tpu.memory_space<hbm>> -> memref<80x64xf32, #tpu.memory_space<hbm>>
      %dma_start3A_132 = tpu.memref_slice %arg5[%add3A_76, %mul3A_130] : memref<320000x128xf32, #tpu.memory_space<hbm>> -> memref<80x64xf32, #tpu.memory_space<hbm>>
      tpu.enqueue_dma source(%arg14 : memref<80x64xf32, #tpu.memory_space<vmem>>) target(%dma_start3A_132 : memref<80x64xf32, #tpu.memory_space<hbm>>) target_semaphore(%arg27 : memref<!tpu.dma_semaphore, #tpu.memory_space<semaphore_mem>>)
      "tpu.region"() ({
        %run_scoped3A = tpu.sem_alloc : memref<!tpu.dma_semaphore, #tpu.memory_space<semaphore_mem>>
        %dma_start3A_200 = arith.constant 0 : i32
        %dma_start3A_201 = arith.constant 0 : i32
        %dma_start3A_202 = tpu.memref_slice %arg24[%dma_start3A_200, %dma_start3A_201] : memref<10000x64xf32, #tpu.memory_space<vmem_shared>> -> memref<10000x64xf32, #tpu.memory_space<vmem_shared>>
        tpu.enqueue_indirect_dma source(%arg14 : memref<80x64xf32, #tpu.memory_space<vmem>>) target(%dma_start3A_202 : memref<10000x64xf32, #tpu.memory_space<vmem_shared>>) offsets(%arg11 : memref<80xi32, #tpu.memory_space<vmem>>) semaphore(%run_scoped3A : memref<!tpu.dma_semaphore, #tpu.memory_space<semaphore_mem>>) {add = true}
        %dma_wait3A_203 = arith.constant 0 : i32
        %dma_wait3A_204 = arith.constant 0 : i32
        %dma_wait3A_205 = tpu.memref_slice %arg24[%dma_wait3A_203, %dma_wait3A_204] : memref<10000x64xf32, #tpu.memory_space<vmem_shared>> -> memref<10000x64xf32, #tpu.memory_space<vmem_shared>>
        tpu.wait_indirect_dma semaphore(%run_scoped3A : memref<!tpu.dma_semaphore, #tpu.memory_space<semaphore_mem>>) src(%arg14 : memref<80x64xf32, #tpu.memory_space<vmem>>) dst(%dma_wait3A_205 : memref<10000x64xf32, #tpu.memory_space<vmem_shared>>)
        tpu.yield
      }) : () -> ()
      %mul3A_133 = arith.constant 2 : i32
      %mul3A_134 = arith.muli %mul3A_133, %scan3A_69 : i32
      %add3A_135 = arith.constant 1 : i32
      %add3A_136 = arith.addi %mul3A_134, %add3A_135 : i32
      %mul3A_137 = arith.constant 20000 : i32
      %mul3A_138 = arith.muli %arg1, %mul3A_137 : i32
      %mul3A_139 = arith.constant 80 : i32
      %mul3A_140 = arith.muli %add3A_136, %mul3A_139 : i32
      %add3A_141 = arith.addi %mul3A_138, %mul3A_140 : i32
      %dma_wait3A_142 = arith.constant 0 : i32
      %dma_wait3A_143 = tpu.memref_slice %arg3[%dma_wait3A_142] : memref<320000xi32, #tpu.memory_space<hbm>> -> memref<80xi32, #tpu.memory_space<hbm>>
      %dma_wait3A_144 = arith.constant 0 : i32
      %dma_wait3A_145 = tpu.memref_slice %arg3[%dma_wait3A_144] : memref<320000xi32, #tpu.memory_space<hbm>> -> memref<80xi32, #tpu.memory_space<hbm>>
      tpu.wait_dma2 semaphore(%arg25 : memref<!tpu.dma_semaphore, #tpu.memory_space<semaphore_mem>>) src(%dma_wait3A_145 : memref<80xi32, #tpu.memory_space<hbm>>) dst(%arg15 : memref<80xi32, #tpu.memory_space<vmem>>)
      %dma_wait3A_146 = arith.constant 0 : i32
      %dma_wait3A_147 = tpu.memref_slice %arg3[%dma_wait3A_146] : memref<320000xi32, #tpu.memory_space<hbm>> -> memref<80xi32, #tpu.memory_space<hbm>>
      %dma_wait3A_148 = arith.constant 0 : i32
      %dma_wait3A_149 = tpu.memref_slice %arg3[%dma_wait3A_148] : memref<320000xi32, #tpu.memory_space<hbm>> -> memref<80xi32, #tpu.memory_space<hbm>>
      tpu.wait_dma2 semaphore(%arg25 : memref<!tpu.dma_semaphore, #tpu.memory_space<semaphore_mem>>) src(%dma_wait3A_149 : memref<80xi32, #tpu.memory_space<hbm>>) dst(%arg16 : memref<80xi32, #tpu.memory_space<vmem>>)
      %ge3A_150 = arith.constant 1 : i32
      %ge3A_151 = arith.cmpi sge, %scan3A_69, %ge3A_150 : i32
      %convert_element_type3A_152 = arith.extui %ge3A_151 : i1 to i32
      %cond3A_153 = arith.constant 0 : i32
      %cond3A_154 = arith.cmpi ne, %convert_element_type3A_152, %cond3A_153 : i32
      scf.if %cond3A_154 {
        %dma_wait3A_200 = arith.constant 0 : i32
        %dma_wait3A_201 = arith.constant 0 : i32
        %dma_wait3A_202 = tpu.memref_slice %arg5[%dma_wait3A_200, %dma_wait3A_201] : memref<320000x128xf32, #tpu.memory_space<hbm>> -> memref<80x64xf32, #tpu.memory_space<hbm>>
        %dma_wait3A_203 = arith.constant 0 : i32
        %dma_wait3A_204 = arith.constant 0 : i32
        %dma_wait3A_205 = tpu.memref_slice %arg5[%dma_wait3A_203, %dma_wait3A_204] : memref<320000x128xf32, #tpu.memory_space<hbm>> -> memref<80x64xf32, #tpu.memory_space<hbm>>
        tpu.wait_dma2 semaphore(%arg27 : memref<!tpu.dma_semaphore, #tpu.memory_space<semaphore_mem>>) src(%arg22 : memref<80x64xf32, #tpu.memory_space<vmem>>) dst(%dma_wait3A_205 : memref<80x64xf32, #tpu.memory_space<hbm>>)
      } else {
      }
      %broadcast_in_dim3A_155 = arith.constant 1 : i32
      %broadcast_in_dim3A_156 = vector.broadcast %broadcast_in_dim3A_155 : i32 to vector<16xi32>
      %mul3A_157 = arith.constant 10000 : i32
      %mul3A_158 = arith.muli %arg0, %mul3A_157 : i32
      %mul3A_159 = vector.broadcast %mul3A_158 : i32 to vector<16xi32>
      %mul3A_160 = arith.muli %broadcast_in_dim3A_156, %mul3A_159 : vector<16xi32>
      %scan3A_161 = arith.constant 0 : i32
      %scan3A_162 = arith.constant 5 : i32
      %scan3A_163 = arith.addi %scan3A_161, %scan3A_162 : i32
      %scan3A_164 = arith.constant 1 : i32
      scf.for %scan3A_200 = %scan3A_161 to %scan3A_163 step %scan3A_164  : i32 {
        %mul3A_201 = arith.constant 16 : i32
        %mul3A_202 = arith.muli %scan3A_200, %mul3A_201 : i32
        %get3A = arith.index_cast %mul3A_202 : i32 to index
        %get3A_203 = tpu.vector_load %arg15[%get3A] {strides = array<i32>} : memref<80xi32, #tpu.memory_space<vmem>>, vector<16xi32>,
        %get3A_204 = vector.shape_cast %get3A_203 : vector<16xi32> to vector<16xi32>
        %mul3A_205 = arith.constant 16 : i32
        %mul3A_206 = arith.muli %scan3A_200, %mul3A_205 : i32
        %swap3A = arith.index_cast %mul3A_206 : i32 to index
        %swap3A_207 = tpu.vector_load %arg19[%swap3A] {strides = array<i32>} : memref<80xi32, #tpu.memory_space<vmem>>, vector<16xi32>,
        %swap3A_208 = vector.shape_cast %swap3A_207 : vector<16xi32> to vector<16xi32>
        %swap3A_209 = vector.shape_cast %get3A_204 : vector<16xi32> to vector<16xi32>
        tpu.vector_store %arg19[%swap3A], %swap3A_209 {strides = array<i32>} : memref<80xi32, #tpu.memory_space<vmem>>, vector<16xi32>,
        %add3A_210 = arith.addi %get3A_204, %mul3A_160 : vector<16xi32>
        %mul3A_211 = arith.constant 16 : i32
        %mul3A_212 = arith.muli %scan3A_200, %mul3A_211 : i32
        %swap3A_213 = arith.index_cast %mul3A_212 : i32 to index
        %swap3A_214 = tpu.vector_load %arg17[%swap3A_213] {strides = array<i32>} : memref<80xi32, #tpu.memory_space<vmem>>, vector<16xi32>,
        %swap3A_215 = vector.shape_cast %swap3A_214 : vector<16xi32> to vector<16xi32>
        %swap3A_216 = vector.shape_cast %add3A_210 : vector<16xi32> to vector<16xi32>
        tpu.vector_store %arg17[%swap3A_213], %swap3A_216 {strides = array<i32>} : memref<80xi32, #tpu.memory_space<vmem>>, vector<16xi32>,
        %mul3A_217 = arith.constant 16 : i32
        %mul3A_218 = arith.muli %scan3A_200, %mul3A_217 : i32
        %get3A_219 = arith.index_cast %mul3A_218 : i32 to index
        %get3A_220 = tpu.vector_load %arg16[%get3A_219] {strides = array<i32>} : memref<80xi32, #tpu.memory_space<vmem>>, vector<16xi32>,
        %get3A_221 = vector.shape_cast %get3A_220 : vector<16xi32> to vector<16xi32>
        %add3A_222 = arith.addi %get3A_221, %mul3A_160 : vector<16xi32>
        %mul3A_223 = arith.constant 16 : i32
        %mul3A_224 = arith.muli %scan3A_200, %mul3A_223 : i32
        %swap3A_225 = arith.index_cast %mul3A_224 : i32 to index
        %swap3A_226 = tpu.vector_load %arg18[%swap3A_225] {strides = array<i32>} : memref<80xi32, #tpu.memory_space<vmem>>, vector<16xi32>,
        %swap3A_227 = vector.shape_cast %swap3A_226 : vector<16xi32> to vector<16xi32>
        %swap3A_228 = vector.shape_cast %add3A_222 : vector<16xi32> to vector<16xi32>
        tpu.vector_store %arg18[%swap3A_225], %swap3A_228 {strides = array<i32>} : memref<80xi32, #tpu.memory_space<vmem>>, vector<16xi32>,
      }
      %scan3A_165 = arith.constant 5 : i32
      %dma_start3A_166 = arith.constant 0 : i32
      %dma_start3A_167 = arith.constant 0 : i32
      %dma_start3A_168 = tpu.memref_slice %arg2[%dma_start3A_166, %dma_start3A_167] : memref<20000x64xf32, #tpu.memory_space<hbm>> -> memref<20000x64xf32, #tpu.memory_space<hbm>>
      tpu.enqueue_indirect_dma source(%dma_start3A_168 : memref<20000x64xf32, #tpu.memory_space<hbm>>) target(%arg20 : memref<80x64xf32, #tpu.memory_space<vmem>>) offsets(%arg17 : memref<80xi32, #tpu.memory_space<vmem>>) semaphore(%arg26 : memref<!tpu.dma_semaphore, #tpu.memory_space<semaphore_mem>>)
      %dma_start3A_169 = arith.constant 0 : i32
      %dma_start3A_170 = arith.constant 0 : i32
      %dma_start3A_171 = tpu.memref_slice %arg2[%dma_start3A_169, %dma_start3A_170] : memref<20000x64xf32, #tpu.memory_space<hbm>> -> memref<20000x64xf32, #tpu.memory_space<hbm>>
      tpu.enqueue_indirect_dma source(%dma_start3A_171 : memref<20000x64xf32, #tpu.memory_space<hbm>>) target(%arg21 : memref<80x64xf32, #tpu.memory_space<vmem>>) offsets(%arg18 : memref<80xi32, #tpu.memory_space<vmem>>) semaphore(%arg26 : memref<!tpu.dma_semaphore, #tpu.memory_space<semaphore_mem>>)
      %add3A_172 = arith.constant 2 : i32
      %add3A_173 = arith.addi %add3A_136, %add3A_172 : i32
      %min3A_174 = arith.constant 249 : i32
      %min3A_175 = arith.minsi %add3A_173, %min3A_174 : i32
      %mul3A_176 = arith.constant 20000 : i32
      %mul3A_177 = arith.muli %arg1, %mul3A_176 : i32
      %mul3A_178 = arith.constant 80 : i32
      %mul3A_179 = arith.muli %min3A_175, %mul3A_178 : i32
      %add3A_180 = arith.addi %mul3A_177, %mul3A_179 : i32
      %dma_start3A_181 = tpu.memref_slice %arg3[%add3A_180] : memref<320000xi32, #tpu.memory_space<hbm>> -> memref<80xi32, #tpu.memory_space<hbm>>
      %dma_start3A_182 = tpu.memref_slice %arg3[%add3A_180] : memref<320000xi32, #tpu.memory_space<hbm>> -> memref<80xi32, #tpu.memory_space<hbm>>
      tpu.enqueue_dma source(%dma_start3A_182 : memref<80xi32, #tpu.memory_space<hbm>>) target(%arg15 : memref<80xi32, #tpu.memory_space<vmem>>) target_semaphore(%arg25 : memref<!tpu.dma_semaphore, #tpu.memory_space<semaphore_mem>>)
      %dma_start3A_183 = tpu.memref_slice %arg4[%add3A_180] : memref<320000xi32, #tpu.memory_space<hbm>> -> memref<80xi32, #tpu.memory_space<hbm>>
      %dma_start3A_184 = tpu.memref_slice %arg4[%add3A_180] : memref<320000xi32, #tpu.memory_space<hbm>> -> memref<80xi32, #tpu.memory_space<hbm>>
      tpu.enqueue_dma source(%dma_start3A_184 : memref<80xi32, #tpu.memory_space<hbm>>) target(%arg16 : memref<80xi32, #tpu.memory_space<vmem>>) target_semaphore(%arg25 : memref<!tpu.dma_semaphore, #tpu.memory_space<semaphore_mem>>)
      %dma_wait3A_185 = arith.constant 0 : i32
      %dma_wait3A_186 = arith.constant 0 : i32
      %dma_wait3A_187 = tpu.memref_slice %arg2[%dma_wait3A_185, %dma_wait3A_186] : memref<20000x64xf32, #tpu.memory_space<hbm>> -> memref<20000x64xf32, #tpu.memory_space<hbm>>
      tpu.wait_indirect_dma semaphore(%arg26 : memref<!tpu.dma_semaphore, #tpu.memory_space<semaphore_mem>>) src(%dma_wait3A_187 : memref<20000x64xf32, #tpu.memory_space<hbm>>) dst(%arg20 : memref<80x64xf32, #tpu.memory_space<vmem>>)
      %dma_wait3A_188 = arith.constant 0 : i32
      %dma_wait3A_189 = arith.constant 0 : i32
      %dma_wait3A_190 = tpu.memref_slice %arg2[%dma_wait3A_188, %dma_wait3A_189] : memref<20000x64xf32, #tpu.memory_space<hbm>> -> memref<20000x64xf32, #tpu.memory_space<hbm>>
      tpu.wait_indirect_dma semaphore(%arg26 : memref<!tpu.dma_semaphore, #tpu.memory_space<semaphore_mem>>) src(%dma_wait3A_190 : memref<20000x64xf32, #tpu.memory_space<hbm>>) dst(%arg21 : memref<80x64xf32, #tpu.memory_space<vmem>>)
      %scan3A_191 = arith.constant 0 : i32
      %scan3A_192 = arith.constant 80 : i32
      %scan3A_193 = arith.addi %scan3A_191, %scan3A_192 : i32
      %scan3A_194 = arith.constant 1 : i32
      scf.for %scan3A_200 = %scan3A_191 to %scan3A_193 step %scan3A_194  : i32 {
        %get3A = arith.index_cast %scan3A_200 : i32 to index
        %get3A_201 = arith.constant 0 : index
        %get3A_202 = tpu.vector_load %arg20[%get3A, %get3A_201] {strides = array<i32>} : memref<80x64xf32, #tpu.memory_space<vmem>>, vector<1x16xf32>,
        %get3A_203 = vector.shape_cast %get3A_202 : vector<1x16xf32> to vector<16xf32>
        %get3A_204 = arith.index_cast %scan3A_200 : i32 to index
        %get3A_205 = arith.constant 0 : index
        %get3A_206 = tpu.vector_load %arg21[%get3A_204, %get3A_205] {strides = array<i32>} : memref<80x64xf32, #tpu.memory_space<vmem>>, vector<1x16xf32>,
        %get3A_207 = vector.shape_cast %get3A_206 : vector<1x16xf32> to vector<16xf32>
        %sub3A = arith.subf %get3A_203, %get3A_207 : vector<16xf32>
        %abs3A = math.absf %sub3A : vector<16xf32>
        %swap3A = arith.index_cast %scan3A_200 : i32 to index
        %swap3A_208 = arith.constant 0 : index
        %swap3A_209 = tpu.vector_load %arg22[%swap3A, %swap3A_208] {strides = array<i32>} : memref<80x64xf32, #tpu.memory_space<vmem>>, vector<1x16xf32>,
        %swap3A_210 = vector.shape_cast %swap3A_209 : vector<1x16xf32> to vector<16xf32>
        %swap3A_211 = vector.shape_cast %abs3A : vector<16xf32> to vector<1x16xf32>
        tpu.vector_store %arg22[%swap3A, %swap3A_208], %swap3A_211 {strides = array<i32>} : memref<80x64xf32, #tpu.memory_space<vmem>>, vector<1x16xf32>,
        %get3A_212 = arith.index_cast %scan3A_200 : i32 to index
        %get3A_213 = arith.constant 16 : index
        %get3A_214 = tpu.vector_load %arg20[%get3A_212, %get3A_213] {strides = array<i32>} : memref<80x64xf32, #tpu.memory_space<vmem>>, vector<1x16xf32>,
        %get3A_215 = vector.shape_cast %get3A_214 : vector<1x16xf32> to vector<16xf32>
        %get3A_216 = arith.index_cast %scan3A_200 : i32 to index
        %get3A_217 = arith.constant 16 : index
        %get3A_218 = tpu.vector_load %arg21[%get3A_216, %get3A_217] {strides = array<i32>} : memref<80x64xf32, #tpu.memory_space<vmem>>, vector<1x16xf32>,
        %get3A_219 = vector.shape_cast %get3A_218 : vector<1x16xf32> to vector<16xf32>
        %sub3A_220 = arith.subf %get3A_215, %get3A_219 : vector<16xf32>
        %abs3A_221 = math.absf %sub3A_220 : vector<16xf32>
        %swap3A_222 = arith.index_cast %scan3A_200 : i32 to index
        %swap3A_223 = arith.constant 16 : index
        %swap3A_224 = tpu.vector_load %arg22[%swap3A_222, %swap3A_223] {strides = array<i32>} : memref<80x64xf32, #tpu.memory_space<vmem>>, vector<1x16xf32>,
        %swap3A_225 = vector.shape_cast %swap3A_224 : vector<1x16xf32> to vector<16xf32>
        %swap3A_226 = vector.shape_cast %abs3A_221 : vector<16xf32> to vector<1x16xf32>
        tpu.vector_store %arg22[%swap3A_222, %swap3A_223], %swap3A_226 {strides = array<i32>} : memref<80x64xf32, #tpu.memory_space<vmem>>, vector<1x16xf32>,
        %get3A_227 = arith.index_cast %scan3A_200 : i32 to index
        %get3A_228 = arith.constant 32 : index
        %get3A_229 = tpu.vector_load %arg20[%get3A_227, %get3A_228] {strides = array<i32>} : memref<80x64xf32, #tpu.memory_space<vmem>>, vector<1x16xf32>,
        %get3A_230 = vector.shape_cast %get3A_229 : vector<1x16xf32> to vector<16xf32>
        %get3A_231 = arith.index_cast %scan3A_200 : i32 to index
        %get3A_232 = arith.constant 32 : index
        %get3A_233 = tpu.vector_load %arg21[%get3A_231, %get3A_232] {strides = array<i32>} : memref<80x64xf32, #tpu.memory_space<vmem>>, vector<1x16xf32>,
        %get3A_234 = vector.shape_cast %get3A_233 : vector<1x16xf32> to vector<16xf32>
        %sub3A_235 = arith.subf %get3A_230, %get3A_234 : vector<16xf32>
        %abs3A_236 = math.absf %sub3A_235 : vector<16xf32>
        %swap3A_237 = arith.index_cast %scan3A_200 : i32 to index
        %swap3A_238 = arith.constant 32 : index
        %swap3A_239 = tpu.vector_load %arg22[%swap3A_237, %swap3A_238] {strides = array<i32>} : memref<80x64xf32, #tpu.memory_space<vmem>>, vector<1x16xf32>,
        %swap3A_240 = vector.shape_cast %swap3A_239 : vector<1x16xf32> to vector<16xf32>
        %swap3A_241 = vector.shape_cast %abs3A_236 : vector<16xf32> to vector<1x16xf32>
        tpu.vector_store %arg22[%swap3A_237, %swap3A_238], %swap3A_241 {strides = array<i32>} : memref<80x64xf32, #tpu.memory_space<vmem>>, vector<1x16xf32>,
        %get3A_242 = arith.index_cast %scan3A_200 : i32 to index
        %get3A_243 = arith.constant 48 : index
        %get3A_244 = tpu.vector_load %arg20[%get3A_242, %get3A_243] {strides = array<i32>} : memref<80x64xf32, #tpu.memory_space<vmem>>, vector<1x16xf32>,
        %get3A_245 = vector.shape_cast %get3A_244 : vector<1x16xf32> to vector<16xf32>
        %get3A_246 = arith.index_cast %scan3A_200 : i32 to index
        %get3A_247 = arith.constant 48 : index
        %get3A_248 = tpu.vector_load %arg21[%get3A_246, %get3A_247] {strides = array<i32>} : memref<80x64xf32, #tpu.memory_space<vmem>>, vector<1x16xf32>,
        %get3A_249 = vector.shape_cast %get3A_248 : vector<1x16xf32> to vector<16xf32>
        %sub3A_250 = arith.subf %get3A_245, %get3A_249 : vector<16xf32>
        %abs3A_251 = math.absf %sub3A_250 : vector<16xf32>
        %swap3A_252 = arith.index_cast %scan3A_200 : i32 to index
        %swap3A_253 = arith.constant 48 : index
        %swap3A_254 = tpu.vector_load %arg22[%swap3A_252, %swap3A_253] {strides = array<i32>} : memref<80x64xf32, #tpu.memory_space<vmem>>, vector<1x16xf32>,
        %swap3A_255 = vector.shape_cast %swap3A_254 : vector<1x16xf32> to vector<16xf32>
        %swap3A_256 = vector.shape_cast %abs3A_251 : vector<16xf32> to vector<1x16xf32>
        tpu.vector_store %arg22[%swap3A_252, %swap3A_253], %swap3A_256 {strides = array<i32>} : memref<80x64xf32, #tpu.memory_space<vmem>>, vector<1x16xf32>,
      }
      %scan3A_195 = arith.constant 80 : i32
      %mul3A_196 = arith.constant 64 : i32
      %mul3A_197 = arith.muli %arg0, %mul3A_196 : i32
      %dma_start3A_198 = tpu.memref_slice %arg5[%add3A_141, %mul3A_197] : memref<320000x128xf32, #tpu.memory_space<hbm>> -> memref<80x64xf32, #tpu.memory_space<hbm>>
      %dma_start3A_199 = tpu.memref_slice %arg5[%add3A_141, %mul3A_197] : memref<320000x128xf32, #tpu.memory_space<hbm>> -> memref<80x64xf32, #tpu.memory_space<hbm>>
      tpu.enqueue_dma source(%arg22 : memref<80x64xf32, #tpu.memory_space<vmem>>) target(%dma_start3A_199 : memref<80x64xf32, #tpu.memory_space<hbm>>) target_semaphore(%arg27 : memref<!tpu.dma_semaphore, #tpu.memory_space<semaphore_mem>>)
      "tpu.region"() ({
        %run_scoped3A = tpu.sem_alloc : memref<!tpu.dma_semaphore, #tpu.memory_space<semaphore_mem>>
        %dma_start3A_200 = arith.constant 0 : i32
        %dma_start3A_201 = arith.constant 0 : i32
        %dma_start3A_202 = tpu.memref_slice %arg24[%dma_start3A_200, %dma_start3A_201] : memref<10000x64xf32, #tpu.memory_space<vmem_shared>> -> memref<10000x64xf32, #tpu.memory_space<vmem_shared>>
        tpu.enqueue_indirect_dma source(%arg22 : memref<80x64xf32, #tpu.memory_space<vmem>>) target(%dma_start3A_202 : memref<10000x64xf32, #tpu.memory_space<vmem_shared>>) offsets(%arg19 : memref<80xi32, #tpu.memory_space<vmem>>) semaphore(%run_scoped3A : memref<!tpu.dma_semaphore, #tpu.memory_space<semaphore_mem>>) {add = true}
        %dma_wait3A_203 = arith.constant 0 : i32
        %dma_wait3A_204 = arith.constant 0 : i32
        %dma_wait3A_205 = tpu.memref_slice %arg24[%dma_wait3A_203, %dma_wait3A_204] : memref<10000x64xf32, #tpu.memory_space<vmem_shared>> -> memref<10000x64xf32, #tpu.memory_space<vmem_shared>>
        tpu.wait_indirect_dma semaphore(%run_scoped3A : memref<!tpu.dma_semaphore, #tpu.memory_space<semaphore_mem>>) src(%arg22 : memref<80x64xf32, #tpu.memory_space<vmem>>) dst(%dma_wait3A_205 : memref<10000x64xf32, #tpu.memory_space<vmem_shared>>)
        tpu.yield
      }) : () -> ()
    }
    %scan3A_29 = arith.constant 125 : i32
    %dma_wait3A = arith.constant 0 : i32
    %dma_wait3A_30 = arith.constant 0 : i32
    %dma_wait3A_31 = tpu.memref_slice %arg5[%dma_wait3A, %dma_wait3A_30] : memref<320000x128xf32, #tpu.memory_space<hbm>> -> memref<80x64xf32, #tpu.memory_space<hbm>>
    %dma_wait3A_32 = arith.constant 0 : i32
    %dma_wait3A_33 = arith.constant 0 : i32
    %dma_wait3A_34 = tpu.memref_slice %arg5[%dma_wait3A_32, %dma_wait3A_33] : memref<320000x128xf32, #tpu.memory_space<hbm>> -> memref<80x64xf32, #tpu.memory_space<hbm>>
    tpu.wait_dma2 semaphore(%arg27 : memref<!tpu.dma_semaphore, #tpu.memory_space<semaphore_mem>>) src(%arg14 : memref<80x64xf32, #tpu.memory_space<vmem>>) dst(%dma_wait3A_34 : memref<80x64xf32, #tpu.memory_space<hbm>>)
    %dma_wait3A_35 = arith.constant 0 : i32
    %dma_wait3A_36 = tpu.memref_slice %arg3[%dma_wait3A_35] : memref<320000xi32, #tpu.memory_space<hbm>> -> memref<80xi32, #tpu.memory_space<hbm>>
    %dma_wait3A_37 = arith.constant 0 : i32
    %dma_wait3A_38 = tpu.memref_slice %arg3[%dma_wait3A_37] : memref<320000xi32, #tpu.memory_space<hbm>> -> memref<80xi32, #tpu.memory_space<hbm>>
    tpu.wait_dma2 semaphore(%arg25 : memref<!tpu.dma_semaphore, #tpu.memory_space<semaphore_mem>>) src(%dma_wait3A_38 : memref<80xi32, #tpu.memory_space<hbm>>) dst(%arg7 : memref<80xi32, #tpu.memory_space<vmem>>)
    %dma_wait3A_39 = arith.constant 0 : i32
    %dma_wait3A_40 = tpu.memref_slice %arg3[%dma_wait3A_39] : memref<320000xi32, #tpu.memory_space<hbm>> -> memref<80xi32, #tpu.memory_space<hbm>>
    %dma_wait3A_41 = arith.constant 0 : i32
    %dma_wait3A_42 = tpu.memref_slice %arg3[%dma_wait3A_41] : memref<320000xi32, #tpu.memory_space<hbm>> -> memref<80xi32, #tpu.memory_space<hbm>>
    tpu.wait_dma2 semaphore(%arg25 : memref<!tpu.dma_semaphore, #tpu.memory_space<semaphore_mem>>) src(%dma_wait3A_42 : memref<80xi32, #tpu.memory_space<hbm>>) dst(%arg8 : memref<80xi32, #tpu.memory_space<vmem>>)
    %dma_wait3A_43 = arith.constant 0 : i32
    %dma_wait3A_44 = arith.constant 0 : i32
    %dma_wait3A_45 = tpu.memref_slice %arg5[%dma_wait3A_43, %dma_wait3A_44] : memref<320000x128xf32, #tpu.memory_space<hbm>> -> memref<80x64xf32, #tpu.memory_space<hbm>>
    %dma_wait3A_46 = arith.constant 0 : i32
    %dma_wait3A_47 = arith.constant 0 : i32
    %dma_wait3A_48 = tpu.memref_slice %arg5[%dma_wait3A_46, %dma_wait3A_47] : memref<320000x128xf32, #tpu.memory_space<hbm>> -> memref<80x64xf32, #tpu.memory_space<hbm>>
    tpu.wait_dma2 semaphore(%arg27 : memref<!tpu.dma_semaphore, #tpu.memory_space<semaphore_mem>>) src(%arg22 : memref<80x64xf32, #tpu.memory_space<vmem>>) dst(%dma_wait3A_48 : memref<80x64xf32, #tpu.memory_space<hbm>>)
    %dma_wait3A_49 = arith.constant 0 : i32
    %dma_wait3A_50 = tpu.memref_slice %arg3[%dma_wait3A_49] : memref<320000xi32, #tpu.memory_space<hbm>> -> memref<80xi32, #tpu.memory_space<hbm>>
    %dma_wait3A_51 = arith.constant 0 : i32
    %dma_wait3A_52 = tpu.memref_slice %arg3[%dma_wait3A_51] : memref<320000xi32, #tpu.memory_space<hbm>> -> memref<80xi32, #tpu.memory_space<hbm>>
    tpu.wait_dma2 semaphore(%arg25 : memref<!tpu.dma_semaphore, #tpu.memory_space<semaphore_mem>>) src(%dma_wait3A_52 : memref<80xi32, #tpu.memory_space<hbm>>) dst(%arg15 : memref<80xi32, #tpu.memory_space<vmem>>)
    %dma_wait3A_53 = arith.constant 0 : i32
    %dma_wait3A_54 = tpu.memref_slice %arg3[%dma_wait3A_53] : memref<320000xi32, #tpu.memory_space<hbm>> -> memref<80xi32, #tpu.memory_space<hbm>>
    %dma_wait3A_55 = arith.constant 0 : i32
    %dma_wait3A_56 = tpu.memref_slice %arg3[%dma_wait3A_55] : memref<320000xi32, #tpu.memory_space<hbm>> -> memref<80xi32, #tpu.memory_space<hbm>>
    tpu.wait_dma2 semaphore(%arg25 : memref<!tpu.dma_semaphore, #tpu.memory_space<semaphore_mem>>) src(%dma_wait3A_56 : memref<80xi32, #tpu.memory_space<hbm>>) dst(%arg16 : memref<80xi32, #tpu.memory_space<vmem>>)
    %barrier3A_57 = arith.constant 0 : index
    tpu.barrier barrier_id(%barrier3A_57)
    %mul3A_58 = arith.constant 624 : i32
    %mul3A_59 = arith.muli %arg1, %mul3A_58 : i32
    %mul3A_60 = arith.constant 624 : i32
    %mul3A_61 = arith.muli %arg1, %mul3A_60 : i32
    %mul3A_62 = arith.constant 64 : i32
    %mul3A_63 = arith.muli %arg0, %mul3A_62 : i32
    "tpu.region"() ({
      %run_scoped3A = tpu.sem_alloc : memref<!tpu.dma_semaphore, #tpu.memory_space<semaphore_mem>>
      %dma_start3A_69 = tpu.memref_slice %arg6[%mul3A_61, %mul3A_63] : memref<10000x128xf32, #tpu.memory_space<hbm>> -> memref<624x64xf32, #tpu.memory_space<hbm>>
      %dma_start3A_70 = arith.constant 0 : i32
      %dma_start3A_71 = tpu.memref_slice %arg24[%mul3A_59, %dma_start3A_70] : memref<10000x64xf32, #tpu.memory_space<vmem_shared>> -> memref<624x64xf32, #tpu.memory_space<vmem_shared>>
      tpu.enqueue_dma source(%dma_start3A_71 : memref<624x64xf32, #tpu.memory_space<vmem_shared>>) target(%dma_start3A_69 : memref<624x64xf32, #tpu.memory_space<hbm>>) target_semaphore(%run_scoped3A : memref<!tpu.dma_semaphore, #tpu.memory_space<semaphore_mem>>)
      %dma_wait3A_72 = tpu.memref_slice %arg6[%mul3A_61, %mul3A_63] : memref<10000x128xf32, #tpu.memory_space<hbm>> -> memref<624x64xf32, #tpu.memory_space<hbm>>
      %dma_wait3A_73 = arith.constant 0 : i32
      %dma_wait3A_74 = tpu.memref_slice %arg24[%mul3A_59, %dma_wait3A_73] : memref<10000x64xf32, #tpu.memory_space<vmem_shared>> -> memref<624x64xf32, #tpu.memory_space<vmem_shared>>
      tpu.wait_dma2 semaphore(%run_scoped3A : memref<!tpu.dma_semaphore, #tpu.memory_space<semaphore_mem>>) src(%dma_wait3A_74 : memref<624x64xf32, #tpu.memory_space<vmem_shared>>) dst(%dma_wait3A_72 : memref<624x64xf32, #tpu.memory_space<hbm>>)
      tpu.yield
    }) : () -> ()
    %eq3A_64 = arith.constant 15 : i32
    %eq3A_65 = arith.cmpi eq, %arg1, %eq3A_64 : i32
    %convert_element_type3A_66 = arith.extui %eq3A_65 : i1 to i32
    %cond3A_67 = arith.constant 0 : i32
    %cond3A_68 = arith.cmpi ne, %convert_element_type3A_66, %cond3A_67 : i32
    scf.if %cond3A_68 {
      %mul3A_69 = arith.constant 64 : i32
      %mul3A_70 = arith.muli %arg0, %mul3A_69 : i32
      "tpu.region"() ({
        %run_scoped3A = tpu.sem_alloc : memref<!tpu.dma_semaphore, #tpu.memory_space<semaphore_mem>>
        %dma_start3A_71 = arith.constant 9984 : i32
        %dma_start3A_72 = tpu.memref_slice %arg6[%dma_start3A_71, %mul3A_70] : memref<10000x128xf32, #tpu.memory_space<hbm>> -> memref<16x64xf32, #tpu.memory_space<hbm>>
        %dma_start3A_73 = arith.constant 9984 : i32
        %dma_start3A_74 = arith.constant 0 : i32
        %dma_start3A_75 = tpu.memref_slice %arg24[%dma_start3A_73, %dma_start3A_74] : memref<10000x64xf32, #tpu.memory_space<vmem_shared>> -> memref<16x64xf32, #tpu.memory_space<vmem_shared>>
        tpu.enqueue_dma source(%dma_start3A_75 : memref<16x64xf32, #tpu.memory_space<vmem_shared>>) target(%dma_start3A_72 : memref<16x64xf32, #tpu.memory_space<hbm>>) target_semaphore(%run_scoped3A : memref<!tpu.dma_semaphore, #tpu.memory_space<semaphore_mem>>)
        %dma_wait3A_76 = arith.constant 9984 : i32
        %dma_wait3A_77 = tpu.memref_slice %arg6[%dma_wait3A_76, %mul3A_70] : memref<10000x128xf32, #tpu.memory_space<hbm>> -> memref<16x64xf32, #tpu.memory_space<hbm>>
        %dma_wait3A_78 = arith.constant 9984 : i32
        %dma_wait3A_79 = arith.constant 0 : i32
        %dma_wait3A_80 = tpu.memref_slice %arg24[%dma_wait3A_78, %dma_wait3A_79] : memref<10000x64xf32, #tpu.memory_space<vmem_shared>> -> memref<16x64xf32, #tpu.memory_space<vmem_shared>>
        tpu.wait_dma2 semaphore(%run_scoped3A : memref<!tpu.dma_semaphore, #tpu.memory_space<semaphore_mem>>) src(%dma_wait3A_80 : memref<16x64xf32, #tpu.memory_space<vmem_shared>>) dst(%dma_wait3A_77 : memref<16x64xf32, #tpu.memory_space<hbm>>)
        tpu.yield
      }) : () -> ()
    } else {
    }
    return
  }
}

#map = affine_map<(d0, d1) -> (0, 0)>
#map1 = affine_map<(d0, d1) -> (0)>
module attributes {stable_mosaic.version = 14 : i64} {
  func.func @_sc_ef_body(%arg0: i32, %arg1: i32, %arg2: memref<10000x32xf32, #tpu.memory_space<hbm>>, %arg3: memref<320000xi32, #tpu.memory_space<hbm>>, %arg4: memref<320000xi32, #tpu.memory_space<hbm>>, %arg5: memref<320000x64xf32, #tpu.memory_space<hbm>>, %arg6: memref<80xi32, #tpu.memory_space<vmem>>, %arg7: memref<80xi32, #tpu.memory_space<vmem>>, %arg8: memref<80xi32, #tpu.memory_space<vmem>>, %arg9: memref<80xi32, #tpu.memory_space<vmem>>, %arg10: memref<80x32xf32, #tpu.memory_space<vmem>>, %arg11: memref<80x32xf32, #tpu.memory_space<vmem>>, %arg12: memref<80x64xf32, #tpu.memory_space<vmem>>, %arg13: memref<80xi32, #tpu.memory_space<vmem>>, %arg14: memref<80xi32, #tpu.memory_space<vmem>>, %arg15: memref<80xi32, #tpu.memory_space<vmem>>, %arg16: memref<80xi32, #tpu.memory_space<vmem>>, %arg17: memref<80x32xf32, #tpu.memory_space<vmem>>, %arg18: memref<80x32xf32, #tpu.memory_space<vmem>>, %arg19: memref<80x64xf32, #tpu.memory_space<vmem>>, %arg20: memref<!tpu.dma_semaphore, #tpu.memory_space<semaphore_mem>>, %arg21: memref<!tpu.dma_semaphore, #tpu.memory_space<semaphore_mem>>, %arg22: memref<!tpu.dma_semaphore, #tpu.memory_space<semaphore_mem>>) attributes {dimension_semantics = [#tpu.dimension_semantics<core_parallel>, #tpu.dimension_semantics<subcore_parallel>], iteration_bounds = array<i64: 2, 16>, scalar_prefetch = 0 : i64, scratch_operands = 17 : i64, tpu.core_type = #tpu.core_type<sc_vector_subcore>, window_params = [{transform_indices = #map}, {transform_indices = #map1}, {transform_indices = #map1}, {transform_indices = #map}]} {
    %mul3A = arith.constant 16 : i32
    %mul3A_0 = arith.muli %arg0, %mul3A : i32
    %add3A = arith.addi %mul3A_0, %arg1 : i32
    %broadcast_in_dim3A = arith.constant 5.000000e-01 : f32
    %broadcast_in_dim3A_1 = vector.broadcast %broadcast_in_dim3A : f32 to vector<16xf32>
    %mul3A_2 = arith.constant 10000 : i32
    %mul3A_3 = arith.muli %add3A, %mul3A_2 : i32
    %add3A_4 = arith.constant 0 : i32
    %add3A_5 = arith.addi %mul3A_3, %add3A_4 : i32
    %dma_start3A = tpu.memref_slice %arg3[%add3A_5] : memref<320000xi32, #tpu.memory_space<hbm>> -> memref<80xi32, #tpu.memory_space<hbm>>
    %dma_start3A_6 = tpu.memref_slice %arg3[%add3A_5] : memref<320000xi32, #tpu.memory_space<hbm>> -> memref<80xi32, #tpu.memory_space<hbm>>
    tpu.enqueue_dma source(%dma_start3A_6 : memref<80xi32, #tpu.memory_space<hbm>>) target(%arg6 : memref<80xi32, #tpu.memory_space<vmem>>) target_semaphore(%arg20 : memref<!tpu.dma_semaphore, #tpu.memory_space<semaphore_mem>>)
    %dma_start3A_7 = tpu.memref_slice %arg4[%add3A_5] : memref<320000xi32, #tpu.memory_space<hbm>> -> memref<80xi32, #tpu.memory_space<hbm>>
    %dma_start3A_8 = tpu.memref_slice %arg4[%add3A_5] : memref<320000xi32, #tpu.memory_space<hbm>> -> memref<80xi32, #tpu.memory_space<hbm>>
    tpu.enqueue_dma source(%dma_start3A_8 : memref<80xi32, #tpu.memory_space<hbm>>) target(%arg7 : memref<80xi32, #tpu.memory_space<vmem>>) target_semaphore(%arg20 : memref<!tpu.dma_semaphore, #tpu.memory_space<semaphore_mem>>)
    %mul3A_9 = arith.constant 10000 : i32
    %mul3A_10 = arith.muli %add3A, %mul3A_9 : i32
    %add3A_11 = arith.constant 80 : i32
    %add3A_12 = arith.addi %mul3A_10, %add3A_11 : i32
    %dma_start3A_13 = tpu.memref_slice %arg3[%add3A_12] : memref<320000xi32, #tpu.memory_space<hbm>> -> memref<80xi32, #tpu.memory_space<hbm>>
    %dma_start3A_14 = tpu.memref_slice %arg3[%add3A_12] : memref<320000xi32, #tpu.memory_space<hbm>> -> memref<80xi32, #tpu.memory_space<hbm>>
    tpu.enqueue_dma source(%dma_start3A_14 : memref<80xi32, #tpu.memory_space<hbm>>) target(%arg13 : memref<80xi32, #tpu.memory_space<vmem>>) target_semaphore(%arg20 : memref<!tpu.dma_semaphore, #tpu.memory_space<semaphore_mem>>)
    %dma_start3A_15 = tpu.memref_slice %arg4[%add3A_12] : memref<320000xi32, #tpu.memory_space<hbm>> -> memref<80xi32, #tpu.memory_space<hbm>>
    %dma_start3A_16 = tpu.memref_slice %arg4[%add3A_12] : memref<320000xi32, #tpu.memory_space<hbm>> -> memref<80xi32, #tpu.memory_space<hbm>>
    tpu.enqueue_dma source(%dma_start3A_16 : memref<80xi32, #tpu.memory_space<hbm>>) target(%arg14 : memref<80xi32, #tpu.memory_space<vmem>>) target_semaphore(%arg20 : memref<!tpu.dma_semaphore, #tpu.memory_space<semaphore_mem>>)
    %scan3A = arith.constant 0 : i32
    %scan3A_17 = arith.constant 62 : i32
    %scan3A_18 = arith.addi %scan3A, %scan3A_17 : i32
    %scan3A_19 = arith.constant 1 : i32
    scf.for %scan3A_103 = %scan3A to %scan3A_18 step %scan3A_19  : i32 {
      %mul3A_104 = arith.constant 2 : i32
      %mul3A_105 = arith.muli %mul3A_104, %scan3A_103 : i32
      %mul3A_106 = arith.constant 10000 : i32
      %mul3A_107 = arith.muli %add3A, %mul3A_106 : i32
      %mul3A_108 = arith.constant 80 : i32
      %mul3A_109 = arith.muli %mul3A_105, %mul3A_108 : i32
      %add3A_110 = arith.addi %mul3A_107, %mul3A_109 : i32
      %dma_wait3A_111 = arith.constant 0 : i32
      %dma_wait3A_112 = tpu.memref_slice %arg3[%dma_wait3A_111] : memref<320000xi32, #tpu.memory_space<hbm>> -> memref<80xi32, #tpu.memory_space<hbm>>
      %dma_wait3A_113 = arith.constant 0 : i32
      %dma_wait3A_114 = tpu.memref_slice %arg3[%dma_wait3A_113] : memref<320000xi32, #tpu.memory_space<hbm>> -> memref<80xi32, #tpu.memory_space<hbm>>
      tpu.wait_dma2 semaphore(%arg20 : memref<!tpu.dma_semaphore, #tpu.memory_space<semaphore_mem>>) src(%dma_wait3A_114 : memref<80xi32, #tpu.memory_space<hbm>>) dst(%arg6 : memref<80xi32, #tpu.memory_space<vmem>>)
      %dma_wait3A_115 = arith.constant 0 : i32
      %dma_wait3A_116 = tpu.memref_slice %arg3[%dma_wait3A_115] : memref<320000xi32, #tpu.memory_space<hbm>> -> memref<80xi32, #tpu.memory_space<hbm>>
      %dma_wait3A_117 = arith.constant 0 : i32
      %dma_wait3A_118 = tpu.memref_slice %arg3[%dma_wait3A_117] : memref<320000xi32, #tpu.memory_space<hbm>> -> memref<80xi32, #tpu.memory_space<hbm>>
      tpu.wait_dma2 semaphore(%arg20 : memref<!tpu.dma_semaphore, #tpu.memory_space<semaphore_mem>>) src(%dma_wait3A_118 : memref<80xi32, #tpu.memory_space<hbm>>) dst(%arg7 : memref<80xi32, #tpu.memory_space<vmem>>)
      %scan3A_119 = arith.constant 0 : i32
      %scan3A_120 = arith.constant 5 : i32
      %scan3A_121 = arith.addi %scan3A_119, %scan3A_120 : i32
      %scan3A_122 = arith.constant 1 : i32
      scf.for %scan3A_221 = %scan3A_119 to %scan3A_121 step %scan3A_122  : i32 {
        %mul3A_222 = arith.constant 16 : i32
        %mul3A_223 = arith.muli %scan3A_221, %mul3A_222 : i32
        %get3A = arith.index_cast %mul3A_223 : i32 to index
        %get3A_224 = tpu.vector_load %arg6[%get3A] {strides = array<i32>} : memref<80xi32, #tpu.memory_space<vmem>>, vector<16xi32>,
        %get3A_225 = vector.shape_cast %get3A_224 : vector<16xi32> to vector<16xi32>
        %mul3A_226 = arith.constant 16 : i32
        %mul3A_227 = arith.muli %scan3A_221, %mul3A_226 : i32
        %swap3A = arith.index_cast %mul3A_227 : i32 to index
        %swap3A_228 = tpu.vector_load %arg8[%swap3A] {strides = array<i32>} : memref<80xi32, #tpu.memory_space<vmem>>, vector<16xi32>,
        %swap3A_229 = vector.shape_cast %swap3A_228 : vector<16xi32> to vector<16xi32>
        %swap3A_230 = vector.shape_cast %get3A_225 : vector<16xi32> to vector<16xi32>
        tpu.vector_store %arg8[%swap3A], %swap3A_230 {strides = array<i32>} : memref<80xi32, #tpu.memory_space<vmem>>, vector<16xi32>,
        %mul3A_231 = arith.constant 16 : i32
        %mul3A_232 = arith.muli %scan3A_221, %mul3A_231 : i32
        %get3A_233 = arith.index_cast %mul3A_232 : i32 to index
        %get3A_234 = tpu.vector_load %arg7[%get3A_233] {strides = array<i32>} : memref<80xi32, #tpu.memory_space<vmem>>, vector<16xi32>,
        %get3A_235 = vector.shape_cast %get3A_234 : vector<16xi32> to vector<16xi32>
        %mul3A_236 = arith.constant 16 : i32
        %mul3A_237 = arith.muli %scan3A_221, %mul3A_236 : i32
        %swap3A_238 = arith.index_cast %mul3A_237 : i32 to index
        %swap3A_239 = tpu.vector_load %arg9[%swap3A_238] {strides = array<i32>} : memref<80xi32, #tpu.memory_space<vmem>>, vector<16xi32>,
        %swap3A_240 = vector.shape_cast %swap3A_239 : vector<16xi32> to vector<16xi32>
        %swap3A_241 = vector.shape_cast %get3A_235 : vector<16xi32> to vector<16xi32>
        tpu.vector_store %arg9[%swap3A_238], %swap3A_241 {strides = array<i32>} : memref<80xi32, #tpu.memory_space<vmem>>, vector<16xi32>,
      }
      %scan3A_123 = arith.constant 5 : i32
      %dma_start3A_124 = arith.constant 0 : i32
      %dma_start3A_125 = arith.constant 0 : i32
      %dma_start3A_126 = tpu.memref_slice %arg2[%dma_start3A_124, %dma_start3A_125] : memref<10000x32xf32, #tpu.memory_space<hbm>> -> memref<10000x32xf32, #tpu.memory_space<hbm>>
      tpu.enqueue_indirect_dma source(%dma_start3A_126 : memref<10000x32xf32, #tpu.memory_space<hbm>>) target(%arg10 : memref<80x32xf32, #tpu.memory_space<vmem>>) offsets(%arg8 : memref<80xi32, #tpu.memory_space<vmem>>) semaphore(%arg21 : memref<!tpu.dma_semaphore, #tpu.memory_space<semaphore_mem>>)
      %dma_start3A_127 = arith.constant 0 : i32
      %dma_start3A_128 = arith.constant 0 : i32
      %dma_start3A_129 = tpu.memref_slice %arg2[%dma_start3A_127, %dma_start3A_128] : memref<10000x32xf32, #tpu.memory_space<hbm>> -> memref<10000x32xf32, #tpu.memory_space<hbm>>
      tpu.enqueue_indirect_dma source(%dma_start3A_129 : memref<10000x32xf32, #tpu.memory_space<hbm>>) target(%arg11 : memref<80x32xf32, #tpu.memory_space<vmem>>) offsets(%arg9 : memref<80xi32, #tpu.memory_space<vmem>>) semaphore(%arg21 : memref<!tpu.dma_semaphore, #tpu.memory_space<semaphore_mem>>)
      %add3A_130 = arith.constant 2 : i32
      %add3A_131 = arith.addi %mul3A_105, %add3A_130 : i32
      %min3A_132 = arith.constant 124 : i32
      %min3A_133 = arith.minsi %add3A_131, %min3A_132 : i32
      %mul3A_134 = arith.constant 10000 : i32
      %mul3A_135 = arith.muli %add3A, %mul3A_134 : i32
      %mul3A_136 = arith.constant 80 : i32
      %mul3A_137 = arith.muli %min3A_133, %mul3A_136 : i32
      %add3A_138 = arith.addi %mul3A_135, %mul3A_137 : i32
      %dma_start3A_139 = tpu.memref_slice %arg3[%add3A_138] : memref<320000xi32, #tpu.memory_space<hbm>> -> memref<80xi32, #tpu.memory_space<hbm>>
      %dma_start3A_140 = tpu.memref_slice %arg3[%add3A_138] : memref<320000xi32, #tpu.memory_space<hbm>> -> memref<80xi32, #tpu.memory_space<hbm>>
      tpu.enqueue_dma source(%dma_start3A_140 : memref<80xi32, #tpu.memory_space<hbm>>) target(%arg6 : memref<80xi32, #tpu.memory_space<vmem>>) target_semaphore(%arg20 : memref<!tpu.dma_semaphore, #tpu.memory_space<semaphore_mem>>)
      %dma_start3A_141 = tpu.memref_slice %arg4[%add3A_138] : memref<320000xi32, #tpu.memory_space<hbm>> -> memref<80xi32, #tpu.memory_space<hbm>>
      %dma_start3A_142 = tpu.memref_slice %arg4[%add3A_138] : memref<320000xi32, #tpu.memory_space<hbm>> -> memref<80xi32, #tpu.memory_space<hbm>>
      tpu.enqueue_dma source(%dma_start3A_142 : memref<80xi32, #tpu.memory_space<hbm>>) target(%arg7 : memref<80xi32, #tpu.memory_space<vmem>>) target_semaphore(%arg20 : memref<!tpu.dma_semaphore, #tpu.memory_space<semaphore_mem>>)
      %dma_wait3A_143 = arith.constant 0 : i32
      %dma_wait3A_144 = arith.constant 0 : i32
      %dma_wait3A_145 = tpu.memref_slice %arg2[%dma_wait3A_143, %dma_wait3A_144] : memref<10000x32xf32, #tpu.memory_space<hbm>> -> memref<10000x32xf32, #tpu.memory_space<hbm>>
      tpu.wait_indirect_dma semaphore(%arg21 : memref<!tpu.dma_semaphore, #tpu.memory_space<semaphore_mem>>) src(%dma_wait3A_145 : memref<10000x32xf32, #tpu.memory_space<hbm>>) dst(%arg10 : memref<80x32xf32, #tpu.memory_space<vmem>>)
      %dma_wait3A_146 = arith.constant 0 : i32
      %dma_wait3A_147 = arith.constant 0 : i32
      %dma_wait3A_148 = tpu.memref_slice %arg2[%dma_wait3A_146, %dma_wait3A_147] : memref<10000x32xf32, #tpu.memory_space<hbm>> -> memref<10000x32xf32, #tpu.memory_space<hbm>>
      tpu.wait_indirect_dma semaphore(%arg21 : memref<!tpu.dma_semaphore, #tpu.memory_space<semaphore_mem>>) src(%dma_wait3A_148 : memref<10000x32xf32, #tpu.memory_space<hbm>>) dst(%arg11 : memref<80x32xf32, #tpu.memory_space<vmem>>)
      %ge3A = arith.constant 1 : i32
      %ge3A_149 = arith.cmpi sge, %scan3A_103, %ge3A : i32
      %convert_element_type3A = arith.extui %ge3A_149 : i1 to i32
      %cond3A = arith.constant 0 : i32
      %cond3A_150 = arith.cmpi ne, %convert_element_type3A, %cond3A : i32
      scf.if %cond3A_150 {
        %dma_wait3A_221 = arith.constant 0 : i32
        %dma_wait3A_222 = arith.constant 0 : i32
        %dma_wait3A_223 = tpu.memref_slice %arg5[%dma_wait3A_221, %dma_wait3A_222] : memref<320000x64xf32, #tpu.memory_space<hbm>> -> memref<80x64xf32, #tpu.memory_space<hbm>>
        %dma_wait3A_224 = arith.constant 0 : i32
        %dma_wait3A_225 = arith.constant 0 : i32
        %dma_wait3A_226 = tpu.memref_slice %arg5[%dma_wait3A_224, %dma_wait3A_225] : memref<320000x64xf32, #tpu.memory_space<hbm>> -> memref<80x64xf32, #tpu.memory_space<hbm>>
        tpu.wait_dma2 semaphore(%arg22 : memref<!tpu.dma_semaphore, #tpu.memory_space<semaphore_mem>>) src(%arg12 : memref<80x64xf32, #tpu.memory_space<vmem>>) dst(%dma_wait3A_226 : memref<80x64xf32, #tpu.memory_space<hbm>>)
      } else {
      }
      %scan3A_151 = arith.constant 0 : i32
      %scan3A_152 = arith.constant 80 : i32
      %scan3A_153 = arith.addi %scan3A_151, %scan3A_152 : i32
      %scan3A_154 = arith.constant 1 : i32
      scf.for %scan3A_221 = %scan3A_151 to %scan3A_153 step %scan3A_154  : i32 {
        %get3A = arith.index_cast %scan3A_221 : i32 to index
        %get3A_222 = arith.constant 0 : index
        %get3A_223 = tpu.vector_load %arg10[%get3A, %get3A_222] {strides = array<i32>} : memref<80x32xf32, #tpu.memory_space<vmem>>, vector<1x16xf32>,
        %get3A_224 = vector.shape_cast %get3A_223 : vector<1x16xf32> to vector<16xf32>
        %get3A_225 = arith.index_cast %scan3A_221 : i32 to index
        %get3A_226 = arith.constant 0 : index
        %get3A_227 = tpu.vector_load %arg11[%get3A_225, %get3A_226] {strides = array<i32>} : memref<80x32xf32, #tpu.memory_space<vmem>>, vector<1x16xf32>,
        %get3A_228 = vector.shape_cast %get3A_227 : vector<1x16xf32> to vector<16xf32>
        %sub3A = arith.subf %get3A_224, %get3A_228 : vector<16xf32>
        %mul3A_229 = arith.mulf %sub3A, %broadcast_in_dim3A_1 : vector<16xf32>
        %swap3A = arith.index_cast %scan3A_221 : i32 to index
        %swap3A_230 = arith.constant 0 : index
        %swap3A_231 = tpu.vector_load %arg12[%swap3A, %swap3A_230] {strides = array<i32>} : memref<80x64xf32, #tpu.memory_space<vmem>>, vector<1x16xf32>,
        %swap3A_232 = vector.shape_cast %swap3A_231 : vector<1x16xf32> to vector<16xf32>
        %swap3A_233 = vector.shape_cast %mul3A_229 : vector<16xf32> to vector<1x16xf32>
        tpu.vector_store %arg12[%swap3A, %swap3A_230], %swap3A_233 {strides = array<i32>} : memref<80x64xf32, #tpu.memory_space<vmem>>, vector<1x16xf32>,
        %add3A_234 = arith.addf %get3A_224, %get3A_228 : vector<16xf32>
        %mul3A_235 = arith.mulf %add3A_234, %broadcast_in_dim3A_1 : vector<16xf32>
        %swap3A_236 = arith.index_cast %scan3A_221 : i32 to index
        %swap3A_237 = arith.constant 32 : index
        %swap3A_238 = tpu.vector_load %arg12[%swap3A_236, %swap3A_237] {strides = array<i32>} : memref<80x64xf32, #tpu.memory_space<vmem>>, vector<1x16xf32>,
        %swap3A_239 = vector.shape_cast %swap3A_238 : vector<1x16xf32> to vector<16xf32>
        %swap3A_240 = vector.shape_cast %mul3A_235 : vector<16xf32> to vector<1x16xf32>
        tpu.vector_store %arg12[%swap3A_236, %swap3A_237], %swap3A_240 {strides = array<i32>} : memref<80x64xf32, #tpu.memory_space<vmem>>, vector<1x16xf32>,
        %get3A_241 = arith.index_cast %scan3A_221 : i32 to index
        %get3A_242 = arith.constant 16 : index
        %get3A_243 = tpu.vector_load %arg10[%get3A_241, %get3A_242] {strides = array<i32>} : memref<80x32xf32, #tpu.memory_space<vmem>>, vector<1x16xf32>,
        %get3A_244 = vector.shape_cast %get3A_243 : vector<1x16xf32> to vector<16xf32>
        %get3A_245 = arith.index_cast %scan3A_221 : i32 to index
        %get3A_246 = arith.constant 16 : index
        %get3A_247 = tpu.vector_load %arg11[%get3A_245, %get3A_246] {strides = array<i32>} : memref<80x32xf32, #tpu.memory_space<vmem>>, vector<1x16xf32>,
        %get3A_248 = vector.shape_cast %get3A_247 : vector<1x16xf32> to vector<16xf32>
        %sub3A_249 = arith.subf %get3A_244, %get3A_248 : vector<16xf32>
        %mul3A_250 = arith.mulf %sub3A_249, %broadcast_in_dim3A_1 : vector<16xf32>
        %swap3A_251 = arith.index_cast %scan3A_221 : i32 to index
        %swap3A_252 = arith.constant 16 : index
        %swap3A_253 = tpu.vector_load %arg12[%swap3A_251, %swap3A_252] {strides = array<i32>} : memref<80x64xf32, #tpu.memory_space<vmem>>, vector<1x16xf32>,
        %swap3A_254 = vector.shape_cast %swap3A_253 : vector<1x16xf32> to vector<16xf32>
        %swap3A_255 = vector.shape_cast %mul3A_250 : vector<16xf32> to vector<1x16xf32>
        tpu.vector_store %arg12[%swap3A_251, %swap3A_252], %swap3A_255 {strides = array<i32>} : memref<80x64xf32, #tpu.memory_space<vmem>>, vector<1x16xf32>,
        %add3A_256 = arith.addf %get3A_244, %get3A_248 : vector<16xf32>
        %mul3A_257 = arith.mulf %add3A_256, %broadcast_in_dim3A_1 : vector<16xf32>
        %swap3A_258 = arith.index_cast %scan3A_221 : i32 to index
        %swap3A_259 = arith.constant 48 : index
        %swap3A_260 = tpu.vector_load %arg12[%swap3A_258, %swap3A_259] {strides = array<i32>} : memref<80x64xf32, #tpu.memory_space<vmem>>, vector<1x16xf32>,
        %swap3A_261 = vector.shape_cast %swap3A_260 : vector<1x16xf32> to vector<16xf32>
        %swap3A_262 = vector.shape_cast %mul3A_257 : vector<16xf32> to vector<1x16xf32>
        tpu.vector_store %arg12[%swap3A_258, %swap3A_259], %swap3A_262 {strides = array<i32>} : memref<80x64xf32, #tpu.memory_space<vmem>>, vector<1x16xf32>,
      }
      %scan3A_155 = arith.constant 80 : i32
      %dma_start3A_156 = arith.constant 0 : i32
      %dma_start3A_157 = tpu.memref_slice %arg5[%add3A_110, %dma_start3A_156] : memref<320000x64xf32, #tpu.memory_space<hbm>> -> memref<80x64xf32, #tpu.memory_space<hbm>>
      %dma_start3A_158 = arith.constant 0 : i32
      %dma_start3A_159 = tpu.memref_slice %arg5[%add3A_110, %dma_start3A_158] : memref<320000x64xf32, #tpu.memory_space<hbm>> -> memref<80x64xf32, #tpu.memory_space<hbm>>
      tpu.enqueue_dma source(%arg12 : memref<80x64xf32, #tpu.memory_space<vmem>>) target(%dma_start3A_159 : memref<80x64xf32, #tpu.memory_space<hbm>>) target_semaphore(%arg22 : memref<!tpu.dma_semaphore, #tpu.memory_space<semaphore_mem>>)
      %mul3A_160 = arith.constant 2 : i32
      %mul3A_161 = arith.muli %mul3A_160, %scan3A_103 : i32
      %add3A_162 = arith.constant 1 : i32
      %add3A_163 = arith.addi %mul3A_161, %add3A_162 : i32
      %mul3A_164 = arith.constant 10000 : i32
      %mul3A_165 = arith.muli %add3A, %mul3A_164 : i32
      %mul3A_166 = arith.constant 80 : i32
      %mul3A_167 = arith.muli %add3A_163, %mul3A_166 : i32
      %add3A_168 = arith.addi %mul3A_165, %mul3A_167 : i32
      %dma_wait3A_169 = arith.constant 0 : i32
      %dma_wait3A_170 = tpu.memref_slice %arg3[%dma_wait3A_169] : memref<320000xi32, #tpu.memory_space<hbm>> -> memref<80xi32, #tpu.memory_space<hbm>>
      %dma_wait3A_171 = arith.constant 0 : i32
      %dma_wait3A_172 = tpu.memref_slice %arg3[%dma_wait3A_171] : memref<320000xi32, #tpu.memory_space<hbm>> -> memref<80xi32, #tpu.memory_space<hbm>>
      tpu.wait_dma2 semaphore(%arg20 : memref<!tpu.dma_semaphore, #tpu.memory_space<semaphore_mem>>) src(%dma_wait3A_172 : memref<80xi32, #tpu.memory_space<hbm>>) dst(%arg13 : memref<80xi32, #tpu.memory_space<vmem>>)
      %dma_wait3A_173 = arith.constant 0 : i32
      %dma_wait3A_174 = tpu.memref_slice %arg3[%dma_wait3A_173] : memref<320000xi32, #tpu.memory_space<hbm>> -> memref<80xi32, #tpu.memory_space<hbm>>
      %dma_wait3A_175 = arith.constant 0 : i32
      %dma_wait3A_176 = tpu.memref_slice %arg3[%dma_wait3A_175] : memref<320000xi32, #tpu.memory_space<hbm>> -> memref<80xi32, #tpu.memory_space<hbm>>
      tpu.wait_dma2 semaphore(%arg20 : memref<!tpu.dma_semaphore, #tpu.memory_space<semaphore_mem>>) src(%dma_wait3A_176 : memref<80xi32, #tpu.memory_space<hbm>>) dst(%arg14 : memref<80xi32, #tpu.memory_space<vmem>>)
      %scan3A_177 = arith.constant 0 : i32
      %scan3A_178 = arith.constant 5 : i32
      %scan3A_179 = arith.addi %scan3A_177, %scan3A_178 : i32
      %scan3A_180 = arith.constant 1 : i32
      scf.for %scan3A_221 = %scan3A_177 to %scan3A_179 step %scan3A_180  : i32 {
        %mul3A_222 = arith.constant 16 : i32
        %mul3A_223 = arith.muli %scan3A_221, %mul3A_222 : i32
        %get3A = arith.index_cast %mul3A_223 : i32 to index
        %get3A_224 = tpu.vector_load %arg13[%get3A] {strides = array<i32>} : memref<80xi32, #tpu.memory_space<vmem>>, vector<16xi32>,
        %get3A_225 = vector.shape_cast %get3A_224 : vector<16xi32> to vector<16xi32>
        %mul3A_226 = arith.constant 16 : i32
        %mul3A_227 = arith.muli %scan3A_221, %mul3A_226 : i32
        %swap3A = arith.index_cast %mul3A_227 : i32 to index
        %swap3A_228 = tpu.vector_load %arg15[%swap3A] {strides = array<i32>} : memref<80xi32, #tpu.memory_space<vmem>>, vector<16xi32>,
        %swap3A_229 = vector.shape_cast %swap3A_228 : vector<16xi32> to vector<16xi32>
        %swap3A_230 = vector.shape_cast %get3A_225 : vector<16xi32> to vector<16xi32>
        tpu.vector_store %arg15[%swap3A], %swap3A_230 {strides = array<i32>} : memref<80xi32, #tpu.memory_space<vmem>>, vector<16xi32>,
        %mul3A_231 = arith.constant 16 : i32
        %mul3A_232 = arith.muli %scan3A_221, %mul3A_231 : i32
        %get3A_233 = arith.index_cast %mul3A_232 : i32 to index
        %get3A_234 = tpu.vector_load %arg14[%get3A_233] {strides = array<i32>} : memref<80xi32, #tpu.memory_space<vmem>>, vector<16xi32>,
        %get3A_235 = vector.shape_cast %get3A_234 : vector<16xi32> to vector<16xi32>
        %mul3A_236 = arith.constant 16 : i32
        %mul3A_237 = arith.muli %scan3A_221, %mul3A_236 : i32
        %swap3A_238 = arith.index_cast %mul3A_237 : i32 to index
        %swap3A_239 = tpu.vector_load %arg16[%swap3A_238] {strides = array<i32>} : memref<80xi32, #tpu.memory_space<vmem>>, vector<16xi32>,
        %swap3A_240 = vector.shape_cast %swap3A_239 : vector<16xi32> to vector<16xi32>
        %swap3A_241 = vector.shape_cast %get3A_235 : vector<16xi32> to vector<16xi32>
        tpu.vector_store %arg16[%swap3A_238], %swap3A_241 {strides = array<i32>} : memref<80xi32, #tpu.memory_space<vmem>>, vector<16xi32>,
      }
      %scan3A_181 = arith.constant 5 : i32
      %dma_start3A_182 = arith.constant 0 : i32
      %dma_start3A_183 = arith.constant 0 : i32
      %dma_start3A_184 = tpu.memref_slice %arg2[%dma_start3A_182, %dma_start3A_183] : memref<10000x32xf32, #tpu.memory_space<hbm>> -> memref<10000x32xf32, #tpu.memory_space<hbm>>
      tpu.enqueue_indirect_dma source(%dma_start3A_184 : memref<10000x32xf32, #tpu.memory_space<hbm>>) target(%arg17 : memref<80x32xf32, #tpu.memory_space<vmem>>) offsets(%arg15 : memref<80xi32, #tpu.memory_space<vmem>>) semaphore(%arg21 : memref<!tpu.dma_semaphore, #tpu.memory_space<semaphore_mem>>)
      %dma_start3A_185 = arith.constant 0 : i32
      %dma_start3A_186 = arith.constant 0 : i32
      %dma_start3A_187 = tpu.memref_slice %arg2[%dma_start3A_185, %dma_start3A_186] : memref<10000x32xf32, #tpu.memory_space<hbm>> -> memref<10000x32xf32, #tpu.memory_space<hbm>>
      tpu.enqueue_indirect_dma source(%dma_start3A_187 : memref<10000x32xf32, #tpu.memory_space<hbm>>) target(%arg18 : memref<80x32xf32, #tpu.memory_space<vmem>>) offsets(%arg16 : memref<80xi32, #tpu.memory_space<vmem>>) semaphore(%arg21 : memref<!tpu.dma_semaphore, #tpu.memory_space<semaphore_mem>>)
      %add3A_188 = arith.constant 2 : i32
      %add3A_189 = arith.addi %add3A_163, %add3A_188 : i32
      %min3A_190 = arith.constant 124 : i32
      %min3A_191 = arith.minsi %add3A_189, %min3A_190 : i32
      %mul3A_192 = arith.constant 10000 : i32
      %mul3A_193 = arith.muli %add3A, %mul3A_192 : i32
      %mul3A_194 = arith.constant 80 : i32
      %mul3A_195 = arith.muli %min3A_191, %mul3A_194 : i32
      %add3A_196 = arith.addi %mul3A_193, %mul3A_195 : i32
      %dma_start3A_197 = tpu.memref_slice %arg3[%add3A_196] : memref<320000xi32, #tpu.memory_space<hbm>> -> memref<80xi32, #tpu.memory_space<hbm>>
      %dma_start3A_198 = tpu.memref_slice %arg3[%add3A_196] : memref<320000xi32, #tpu.memory_space<hbm>> -> memref<80xi32, #tpu.memory_space<hbm>>
      tpu.enqueue_dma source(%dma_start3A_198 : memref<80xi32, #tpu.memory_space<hbm>>) target(%arg13 : memref<80xi32, #tpu.memory_space<vmem>>) target_semaphore(%arg20 : memref<!tpu.dma_semaphore, #tpu.memory_space<semaphore_mem>>)
      %dma_start3A_199 = tpu.memref_slice %arg4[%add3A_196] : memref<320000xi32, #tpu.memory_space<hbm>> -> memref<80xi32, #tpu.memory_space<hbm>>
      %dma_start3A_200 = tpu.memref_slice %arg4[%add3A_196] : memref<320000xi32, #tpu.memory_space<hbm>> -> memref<80xi32, #tpu.memory_space<hbm>>
      tpu.enqueue_dma source(%dma_start3A_200 : memref<80xi32, #tpu.memory_space<hbm>>) target(%arg14 : memref<80xi32, #tpu.memory_space<vmem>>) target_semaphore(%arg20 : memref<!tpu.dma_semaphore, #tpu.memory_space<semaphore_mem>>)
      %dma_wait3A_201 = arith.constant 0 : i32
      %dma_wait3A_202 = arith.constant 0 : i32
      %dma_wait3A_203 = tpu.memref_slice %arg2[%dma_wait3A_201, %dma_wait3A_202] : memref<10000x32xf32, #tpu.memory_space<hbm>> -> memref<10000x32xf32, #tpu.memory_space<hbm>>
      tpu.wait_indirect_dma semaphore(%arg21 : memref<!tpu.dma_semaphore, #tpu.memory_space<semaphore_mem>>) src(%dma_wait3A_203 : memref<10000x32xf32, #tpu.memory_space<hbm>>) dst(%arg17 : memref<80x32xf32, #tpu.memory_space<vmem>>)
      %dma_wait3A_204 = arith.constant 0 : i32
      %dma_wait3A_205 = arith.constant 0 : i32
      %dma_wait3A_206 = tpu.memref_slice %arg2[%dma_wait3A_204, %dma_wait3A_205] : memref<10000x32xf32, #tpu.memory_space<hbm>> -> memref<10000x32xf32, #tpu.memory_space<hbm>>
      tpu.wait_indirect_dma semaphore(%arg21 : memref<!tpu.dma_semaphore, #tpu.memory_space<semaphore_mem>>) src(%dma_wait3A_206 : memref<10000x32xf32, #tpu.memory_space<hbm>>) dst(%arg18 : memref<80x32xf32, #tpu.memory_space<vmem>>)
      %ge3A_207 = arith.constant 1 : i32
      %ge3A_208 = arith.cmpi sge, %scan3A_103, %ge3A_207 : i32
      %convert_element_type3A_209 = arith.extui %ge3A_208 : i1 to i32
      %cond3A_210 = arith.constant 0 : i32
      %cond3A_211 = arith.cmpi ne, %convert_element_type3A_209, %cond3A_210 : i32
      scf.if %cond3A_211 {
        %dma_wait3A_221 = arith.constant 0 : i32
        %dma_wait3A_222 = arith.constant 0 : i32
        %dma_wait3A_223 = tpu.memref_slice %arg5[%dma_wait3A_221, %dma_wait3A_222] : memref<320000x64xf32, #tpu.memory_space<hbm>> -> memref<80x64xf32, #tpu.memory_space<hbm>>
        %dma_wait3A_224 = arith.constant 0 : i32
        %dma_wait3A_225 = arith.constant 0 : i32
        %dma_wait3A_226 = tpu.memref_slice %arg5[%dma_wait3A_224, %dma_wait3A_225] : memref<320000x64xf32, #tpu.memory_space<hbm>> -> memref<80x64xf32, #tpu.memory_space<hbm>>
        tpu.wait_dma2 semaphore(%arg22 : memref<!tpu.dma_semaphore, #tpu.memory_space<semaphore_mem>>) src(%arg19 : memref<80x64xf32, #tpu.memory_space<vmem>>) dst(%dma_wait3A_226 : memref<80x64xf32, #tpu.memory_space<hbm>>)
      } else {
      }
      %scan3A_212 = arith.constant 0 : i32
      %scan3A_213 = arith.constant 80 : i32
      %scan3A_214 = arith.addi %scan3A_212, %scan3A_213 : i32
      %scan3A_215 = arith.constant 1 : i32
      scf.for %scan3A_221 = %scan3A_212 to %scan3A_214 step %scan3A_215  : i32 {
        %get3A = arith.index_cast %scan3A_221 : i32 to index
        %get3A_222 = arith.constant 0 : index
        %get3A_223 = tpu.vector_load %arg17[%get3A, %get3A_222] {strides = array<i32>} : memref<80x32xf32, #tpu.memory_space<vmem>>, vector<1x16xf32>,
        %get3A_224 = vector.shape_cast %get3A_223 : vector<1x16xf32> to vector<16xf32>
        %get3A_225 = arith.index_cast %scan3A_221 : i32 to index
        %get3A_226 = arith.constant 0 : index
        %get3A_227 = tpu.vector_load %arg18[%get3A_225, %get3A_226] {strides = array<i32>} : memref<80x32xf32, #tpu.memory_space<vmem>>, vector<1x16xf32>,
        %get3A_228 = vector.shape_cast %get3A_227 : vector<1x16xf32> to vector<16xf32>
        %sub3A = arith.subf %get3A_224, %get3A_228 : vector<16xf32>
        %mul3A_229 = arith.mulf %sub3A, %broadcast_in_dim3A_1 : vector<16xf32>
        %swap3A = arith.index_cast %scan3A_221 : i32 to index
        %swap3A_230 = arith.constant 0 : index
        %swap3A_231 = tpu.vector_load %arg19[%swap3A, %swap3A_230] {strides = array<i32>} : memref<80x64xf32, #tpu.memory_space<vmem>>, vector<1x16xf32>,
        %swap3A_232 = vector.shape_cast %swap3A_231 : vector<1x16xf32> to vector<16xf32>
        %swap3A_233 = vector.shape_cast %mul3A_229 : vector<16xf32> to vector<1x16xf32>
        tpu.vector_store %arg19[%swap3A, %swap3A_230], %swap3A_233 {strides = array<i32>} : memref<80x64xf32, #tpu.memory_space<vmem>>, vector<1x16xf32>,
        %add3A_234 = arith.addf %get3A_224, %get3A_228 : vector<16xf32>
        %mul3A_235 = arith.mulf %add3A_234, %broadcast_in_dim3A_1 : vector<16xf32>
        %swap3A_236 = arith.index_cast %scan3A_221 : i32 to index
        %swap3A_237 = arith.constant 32 : index
        %swap3A_238 = tpu.vector_load %arg19[%swap3A_236, %swap3A_237] {strides = array<i32>} : memref<80x64xf32, #tpu.memory_space<vmem>>, vector<1x16xf32>,
        %swap3A_239 = vector.shape_cast %swap3A_238 : vector<1x16xf32> to vector<16xf32>
        %swap3A_240 = vector.shape_cast %mul3A_235 : vector<16xf32> to vector<1x16xf32>
        tpu.vector_store %arg19[%swap3A_236, %swap3A_237], %swap3A_240 {strides = array<i32>} : memref<80x64xf32, #tpu.memory_space<vmem>>, vector<1x16xf32>,
        %get3A_241 = arith.index_cast %scan3A_221 : i32 to index
        %get3A_242 = arith.constant 16 : index
        %get3A_243 = tpu.vector_load %arg17[%get3A_241, %get3A_242] {strides = array<i32>} : memref<80x32xf32, #tpu.memory_space<vmem>>, vector<1x16xf32>,
        %get3A_244 = vector.shape_cast %get3A_243 : vector<1x16xf32> to vector<16xf32>
        %get3A_245 = arith.index_cast %scan3A_221 : i32 to index
        %get3A_246 = arith.constant 16 : index
        %get3A_247 = tpu.vector_load %arg18[%get3A_245, %get3A_246] {strides = array<i32>} : memref<80x32xf32, #tpu.memory_space<vmem>>, vector<1x16xf32>,
        %get3A_248 = vector.shape_cast %get3A_247 : vector<1x16xf32> to vector<16xf32>
        %sub3A_249 = arith.subf %get3A_244, %get3A_248 : vector<16xf32>
        %mul3A_250 = arith.mulf %sub3A_249, %broadcast_in_dim3A_1 : vector<16xf32>
        %swap3A_251 = arith.index_cast %scan3A_221 : i32 to index
        %swap3A_252 = arith.constant 16 : index
        %swap3A_253 = tpu.vector_load %arg19[%swap3A_251, %swap3A_252] {strides = array<i32>} : memref<80x64xf32, #tpu.memory_space<vmem>>, vector<1x16xf32>,
        %swap3A_254 = vector.shape_cast %swap3A_253 : vector<1x16xf32> to vector<16xf32>
        %swap3A_255 = vector.shape_cast %mul3A_250 : vector<16xf32> to vector<1x16xf32>
        tpu.vector_store %arg19[%swap3A_251, %swap3A_252], %swap3A_255 {strides = array<i32>} : memref<80x64xf32, #tpu.memory_space<vmem>>, vector<1x16xf32>,
        %add3A_256 = arith.addf %get3A_244, %get3A_248 : vector<16xf32>
        %mul3A_257 = arith.mulf %add3A_256, %broadcast_in_dim3A_1 : vector<16xf32>
        %swap3A_258 = arith.index_cast %scan3A_221 : i32 to index
        %swap3A_259 = arith.constant 48 : index
        %swap3A_260 = tpu.vector_load %arg19[%swap3A_258, %swap3A_259] {strides = array<i32>} : memref<80x64xf32, #tpu.memory_space<vmem>>, vector<1x16xf32>,
        %swap3A_261 = vector.shape_cast %swap3A_260 : vector<1x16xf32> to vector<16xf32>
        %swap3A_262 = vector.shape_cast %mul3A_257 : vector<16xf32> to vector<1x16xf32>
        tpu.vector_store %arg19[%swap3A_258, %swap3A_259], %swap3A_262 {strides = array<i32>} : memref<80x64xf32, #tpu.memory_space<vmem>>, vector<1x16xf32>,
      }
      %scan3A_216 = arith.constant 80 : i32
      %dma_start3A_217 = arith.constant 0 : i32
      %dma_start3A_218 = tpu.memref_slice %arg5[%add3A_168, %dma_start3A_217] : memref<320000x64xf32, #tpu.memory_space<hbm>> -> memref<80x64xf32, #tpu.memory_space<hbm>>
      %dma_start3A_219 = arith.constant 0 : i32
      %dma_start3A_220 = tpu.memref_slice %arg5[%add3A_168, %dma_start3A_219] : memref<320000x64xf32, #tpu.memory_space<hbm>> -> memref<80x64xf32, #tpu.memory_space<hbm>>
      tpu.enqueue_dma source(%arg19 : memref<80x64xf32, #tpu.memory_space<vmem>>) target(%dma_start3A_220 : memref<80x64xf32, #tpu.memory_space<hbm>>) target_semaphore(%arg22 : memref<!tpu.dma_semaphore, #tpu.memory_space<semaphore_mem>>)
    }
    %scan3A_20 = arith.constant 62 : i32
    %mul3A_21 = arith.constant 10000 : i32
    %mul3A_22 = arith.muli %add3A, %mul3A_21 : i32
    %add3A_23 = arith.constant 9920 : i32
    %add3A_24 = arith.addi %mul3A_22, %add3A_23 : i32
    %dma_wait3A = arith.constant 0 : i32
    %dma_wait3A_25 = tpu.memref_slice %arg3[%dma_wait3A] : memref<320000xi32, #tpu.memory_space<hbm>> -> memref<80xi32, #tpu.memory_space<hbm>>
    %dma_wait3A_26 = arith.constant 0 : i32
    %dma_wait3A_27 = tpu.memref_slice %arg3[%dma_wait3A_26] : memref<320000xi32, #tpu.memory_space<hbm>> -> memref<80xi32, #tpu.memory_space<hbm>>
    tpu.wait_dma2 semaphore(%arg20 : memref<!tpu.dma_semaphore, #tpu.memory_space<semaphore_mem>>) src(%dma_wait3A_27 : memref<80xi32, #tpu.memory_space<hbm>>) dst(%arg6 : memref<80xi32, #tpu.memory_space<vmem>>)
    %dma_wait3A_28 = arith.constant 0 : i32
    %dma_wait3A_29 = tpu.memref_slice %arg3[%dma_wait3A_28] : memref<320000xi32, #tpu.memory_space<hbm>> -> memref<80xi32, #tpu.memory_space<hbm>>
    %dma_wait3A_30 = arith.constant 0 : i32
    %dma_wait3A_31 = tpu.memref_slice %arg3[%dma_wait3A_30] : memref<320000xi32, #tpu.memory_space<hbm>> -> memref<80xi32, #tpu.memory_space<hbm>>
    tpu.wait_dma2 semaphore(%arg20 : memref<!tpu.dma_semaphore, #tpu.memory_space<semaphore_mem>>) src(%dma_wait3A_31 : memref<80xi32, #tpu.memory_space<hbm>>) dst(%arg7 : memref<80xi32, #tpu.memory_space<vmem>>)
    %scan3A_32 = arith.constant 0 : i32
    %scan3A_33 = arith.constant 5 : i32
    %scan3A_34 = arith.addi %scan3A_32, %scan3A_33 : i32
    %scan3A_35 = arith.constant 1 : i32
    scf.for %scan3A_103 = %scan3A_32 to %scan3A_34 step %scan3A_35  : i32 {
      %mul3A_104 = arith.constant 16 : i32
      %mul3A_105 = arith.muli %scan3A_103, %mul3A_104 : i32
      %get3A = arith.index_cast %mul3A_105 : i32 to index
      %get3A_106 = tpu.vector_load %arg6[%get3A] {strides = array<i32>} : memref<80xi32, #tpu.memory_space<vmem>>, vector<16xi32>,
      %get3A_107 = vector.shape_cast %get3A_106 : vector<16xi32> to vector<16xi32>
      %mul3A_108 = arith.constant 16 : i32
      %mul3A_109 = arith.muli %scan3A_103, %mul3A_108 : i32
      %swap3A = arith.index_cast %mul3A_109 : i32 to index
      %swap3A_110 = tpu.vector_load %arg8[%swap3A] {strides = array<i32>} : memref<80xi32, #tpu.memory_space<vmem>>, vector<16xi32>,
      %swap3A_111 = vector.shape_cast %swap3A_110 : vector<16xi32> to vector<16xi32>
      %swap3A_112 = vector.shape_cast %get3A_107 : vector<16xi32> to vector<16xi32>
      tpu.vector_store %arg8[%swap3A], %swap3A_112 {strides = array<i32>} : memref<80xi32, #tpu.memory_space<vmem>>, vector<16xi32>,
      %mul3A_113 = arith.constant 16 : i32
      %mul3A_114 = arith.muli %scan3A_103, %mul3A_113 : i32
      %get3A_115 = arith.index_cast %mul3A_114 : i32 to index
      %get3A_116 = tpu.vector_load %arg7[%get3A_115] {strides = array<i32>} : memref<80xi32, #tpu.memory_space<vmem>>, vector<16xi32>,
      %get3A_117 = vector.shape_cast %get3A_116 : vector<16xi32> to vector<16xi32>
      %mul3A_118 = arith.constant 16 : i32
      %mul3A_119 = arith.muli %scan3A_103, %mul3A_118 : i32
      %swap3A_120 = arith.index_cast %mul3A_119 : i32 to index
      %swap3A_121 = tpu.vector_load %arg9[%swap3A_120] {strides = array<i32>} : memref<80xi32, #tpu.memory_space<vmem>>, vector<16xi32>,
      %swap3A_122 = vector.shape_cast %swap3A_121 : vector<16xi32> to vector<16xi32>
      %swap3A_123 = vector.shape_cast %get3A_117 : vector<16xi32> to vector<16xi32>
      tpu.vector_store %arg9[%swap3A_120], %swap3A_123 {strides = array<i32>} : memref<80xi32, #tpu.memory_space<vmem>>, vector<16xi32>,
    }
    %scan3A_36 = arith.constant 5 : i32
    %dma_start3A_37 = arith.constant 0 : i32
    %dma_start3A_38 = arith.constant 0 : i32
    %dma_start3A_39 = tpu.memref_slice %arg2[%dma_start3A_37, %dma_start3A_38] : memref<10000x32xf32, #tpu.memory_space<hbm>> -> memref<10000x32xf32, #tpu.memory_space<hbm>>
    tpu.enqueue_indirect_dma source(%dma_start3A_39 : memref<10000x32xf32, #tpu.memory_space<hbm>>) target(%arg10 : memref<80x32xf32, #tpu.memory_space<vmem>>) offsets(%arg8 : memref<80xi32, #tpu.memory_space<vmem>>) semaphore(%arg21 : memref<!tpu.dma_semaphore, #tpu.memory_space<semaphore_mem>>)
    %dma_start3A_40 = arith.constant 0 : i32
    %dma_start3A_41 = arith.constant 0 : i32
    %dma_start3A_42 = tpu.memref_slice %arg2[%dma_start3A_40, %dma_start3A_41] : memref<10000x32xf32, #tpu.memory_space<hbm>> -> memref<10000x32xf32, #tpu.memory_space<hbm>>
    tpu.enqueue_indirect_dma source(%dma_start3A_42 : memref<10000x32xf32, #tpu.memory_space<hbm>>) target(%arg11 : memref<80x32xf32, #tpu.memory_space<vmem>>) offsets(%arg9 : memref<80xi32, #tpu.memory_space<vmem>>) semaphore(%arg21 : memref<!tpu.dma_semaphore, #tpu.memory_space<semaphore_mem>>)
    %min3A = arith.constant 126 : i32
    %min3A_43 = arith.constant 124 : i32
    %min3A_44 = arith.minsi %min3A, %min3A_43 : i32
    %mul3A_45 = arith.constant 10000 : i32
    %mul3A_46 = arith.muli %add3A, %mul3A_45 : i32
    %mul3A_47 = arith.constant 80 : i32
    %mul3A_48 = arith.muli %min3A_44, %mul3A_47 : i32
    %add3A_49 = arith.addi %mul3A_46, %mul3A_48 : i32
    %dma_start3A_50 = tpu.memref_slice %arg3[%add3A_49] : memref<320000xi32, #tpu.memory_space<hbm>> -> memref<80xi32, #tpu.memory_space<hbm>>
    %dma_start3A_51 = tpu.memref_slice %arg3[%add3A_49] : memref<320000xi32, #tpu.memory_space<hbm>> -> memref<80xi32, #tpu.memory_space<hbm>>
    tpu.enqueue_dma source(%dma_start3A_51 : memref<80xi32, #tpu.memory_space<hbm>>) target(%arg6 : memref<80xi32, #tpu.memory_space<vmem>>) target_semaphore(%arg20 : memref<!tpu.dma_semaphore, #tpu.memory_space<semaphore_mem>>)
    %dma_start3A_52 = tpu.memref_slice %arg4[%add3A_49] : memref<320000xi32, #tpu.memory_space<hbm>> -> memref<80xi32, #tpu.memory_space<hbm>>
    %dma_start3A_53 = tpu.memref_slice %arg4[%add3A_49] : memref<320000xi32, #tpu.memory_space<hbm>> -> memref<80xi32, #tpu.memory_space<hbm>>
    tpu.enqueue_dma source(%dma_start3A_53 : memref<80xi32, #tpu.memory_space<hbm>>) target(%arg7 : memref<80xi32, #tpu.memory_space<vmem>>) target_semaphore(%arg20 : memref<!tpu.dma_semaphore, #tpu.memory_space<semaphore_mem>>)
    %dma_wait3A_54 = arith.constant 0 : i32
    %dma_wait3A_55 = arith.constant 0 : i32
    %dma_wait3A_56 = tpu.memref_slice %arg2[%dma_wait3A_54, %dma_wait3A_55] : memref<10000x32xf32, #tpu.memory_space<hbm>> -> memref<10000x32xf32, #tpu.memory_space<hbm>>
    tpu.wait_indirect_dma semaphore(%arg21 : memref<!tpu.dma_semaphore, #tpu.memory_space<semaphore_mem>>) src(%dma_wait3A_56 : memref<10000x32xf32, #tpu.memory_space<hbm>>) dst(%arg10 : memref<80x32xf32, #tpu.memory_space<vmem>>)
    %dma_wait3A_57 = arith.constant 0 : i32
    %dma_wait3A_58 = arith.constant 0 : i32
    %dma_wait3A_59 = tpu.memref_slice %arg2[%dma_wait3A_57, %dma_wait3A_58] : memref<10000x32xf32, #tpu.memory_space<hbm>> -> memref<10000x32xf32, #tpu.memory_space<hbm>>
    tpu.wait_indirect_dma semaphore(%arg21 : memref<!tpu.dma_semaphore, #tpu.memory_space<semaphore_mem>>) src(%dma_wait3A_59 : memref<10000x32xf32, #tpu.memory_space<hbm>>) dst(%arg11 : memref<80x32xf32, #tpu.memory_space<vmem>>)
    %dma_wait3A_60 = arith.constant 0 : i32
    %dma_wait3A_61 = arith.constant 0 : i32
    %dma_wait3A_62 = tpu.memref_slice %arg5[%dma_wait3A_60, %dma_wait3A_61] : memref<320000x64xf32, #tpu.memory_space<hbm>> -> memref<80x64xf32, #tpu.memory_space<hbm>>
    %dma_wait3A_63 = arith.constant 0 : i32
    %dma_wait3A_64 = arith.constant 0 : i32
    %dma_wait3A_65 = tpu.memref_slice %arg5[%dma_wait3A_63, %dma_wait3A_64] : memref<320000x64xf32, #tpu.memory_space<hbm>> -> memref<80x64xf32, #tpu.memory_space<hbm>>
    tpu.wait_dma2 semaphore(%arg22 : memref<!tpu.dma_semaphore, #tpu.memory_space<semaphore_mem>>) src(%arg12 : memref<80x64xf32, #tpu.memory_space<vmem>>) dst(%dma_wait3A_65 : memref<80x64xf32, #tpu.memory_space<hbm>>)
    %scan3A_66 = arith.constant 0 : i32
    %scan3A_67 = arith.constant 80 : i32
    %scan3A_68 = arith.addi %scan3A_66, %scan3A_67 : i32
    %scan3A_69 = arith.constant 1 : i32
    scf.for %scan3A_103 = %scan3A_66 to %scan3A_68 step %scan3A_69  : i32 {
      %get3A = arith.index_cast %scan3A_103 : i32 to index
      %get3A_104 = arith.constant 0 : index
      %get3A_105 = tpu.vector_load %arg10[%get3A, %get3A_104] {strides = array<i32>} : memref<80x32xf32, #tpu.memory_space<vmem>>, vector<1x16xf32>,
      %get3A_106 = vector.shape_cast %get3A_105 : vector<1x16xf32> to vector<16xf32>
      %get3A_107 = arith.index_cast %scan3A_103 : i32 to index
      %get3A_108 = arith.constant 0 : index
      %get3A_109 = tpu.vector_load %arg11[%get3A_107, %get3A_108] {strides = array<i32>} : memref<80x32xf32, #tpu.memory_space<vmem>>, vector<1x16xf32>,
      %get3A_110 = vector.shape_cast %get3A_109 : vector<1x16xf32> to vector<16xf32>
      %sub3A = arith.subf %get3A_106, %get3A_110 : vector<16xf32>
      %mul3A_111 = arith.mulf %sub3A, %broadcast_in_dim3A_1 : vector<16xf32>
      %swap3A = arith.index_cast %scan3A_103 : i32 to index
      %swap3A_112 = arith.constant 0 : index
      %swap3A_113 = tpu.vector_load %arg12[%swap3A, %swap3A_112] {strides = array<i32>} : memref<80x64xf32, #tpu.memory_space<vmem>>, vector<1x16xf32>,
      %swap3A_114 = vector.shape_cast %swap3A_113 : vector<1x16xf32> to vector<16xf32>
      %swap3A_115 = vector.shape_cast %mul3A_111 : vector<16xf32> to vector<1x16xf32>
      tpu.vector_store %arg12[%swap3A, %swap3A_112], %swap3A_115 {strides = array<i32>} : memref<80x64xf32, #tpu.memory_space<vmem>>, vector<1x16xf32>,
      %add3A_116 = arith.addf %get3A_106, %get3A_110 : vector<16xf32>
      %mul3A_117 = arith.mulf %add3A_116, %broadcast_in_dim3A_1 : vector<16xf32>
      %swap3A_118 = arith.index_cast %scan3A_103 : i32 to index
      %swap3A_119 = arith.constant 32 : index
      %swap3A_120 = tpu.vector_load %arg12[%swap3A_118, %swap3A_119] {strides = array<i32>} : memref<80x64xf32, #tpu.memory_space<vmem>>, vector<1x16xf32>,
      %swap3A_121 = vector.shape_cast %swap3A_120 : vector<1x16xf32> to vector<16xf32>
      %swap3A_122 = vector.shape_cast %mul3A_117 : vector<16xf32> to vector<1x16xf32>
      tpu.vector_store %arg12[%swap3A_118, %swap3A_119], %swap3A_122 {strides = array<i32>} : memref<80x64xf32, #tpu.memory_space<vmem>>, vector<1x16xf32>,
      %get3A_123 = arith.index_cast %scan3A_103 : i32 to index
      %get3A_124 = arith.constant 16 : index
      %get3A_125 = tpu.vector_load %arg10[%get3A_123, %get3A_124] {strides = array<i32>} : memref<80x32xf32, #tpu.memory_space<vmem>>, vector<1x16xf32>,
      %get3A_126 = vector.shape_cast %get3A_125 : vector<1x16xf32> to vector<16xf32>
      %get3A_127 = arith.index_cast %scan3A_103 : i32 to index
      %get3A_128 = arith.constant 16 : index
      %get3A_129 = tpu.vector_load %arg11[%get3A_127, %get3A_128] {strides = array<i32>} : memref<80x32xf32, #tpu.memory_space<vmem>>, vector<1x16xf32>,
      %get3A_130 = vector.shape_cast %get3A_129 : vector<1x16xf32> to vector<16xf32>
      %sub3A_131 = arith.subf %get3A_126, %get3A_130 : vector<16xf32>
      %mul3A_132 = arith.mulf %sub3A_131, %broadcast_in_dim3A_1 : vector<16xf32>
      %swap3A_133 = arith.index_cast %scan3A_103 : i32 to index
      %swap3A_134 = arith.constant 16 : index
      %swap3A_135 = tpu.vector_load %arg12[%swap3A_133, %swap3A_134] {strides = array<i32>} : memref<80x64xf32, #tpu.memory_space<vmem>>, vector<1x16xf32>,
      %swap3A_136 = vector.shape_cast %swap3A_135 : vector<1x16xf32> to vector<16xf32>
      %swap3A_137 = vector.shape_cast %mul3A_132 : vector<16xf32> to vector<1x16xf32>
      tpu.vector_store %arg12[%swap3A_133, %swap3A_134], %swap3A_137 {strides = array<i32>} : memref<80x64xf32, #tpu.memory_space<vmem>>, vector<1x16xf32>,
      %add3A_138 = arith.addf %get3A_126, %get3A_130 : vector<16xf32>
      %mul3A_139 = arith.mulf %add3A_138, %broadcast_in_dim3A_1 : vector<16xf32>
      %swap3A_140 = arith.index_cast %scan3A_103 : i32 to index
      %swap3A_141 = arith.constant 48 : index
      %swap3A_142 = tpu.vector_load %arg12[%swap3A_140, %swap3A_141] {strides = array<i32>} : memref<80x64xf32, #tpu.memory_space<vmem>>, vector<1x16xf32>,
      %swap3A_143 = vector.shape_cast %swap3A_142 : vector<1x16xf32> to vector<16xf32>
      %swap3A_144 = vector.shape_cast %mul3A_139 : vector<16xf32> to vector<1x16xf32>
      tpu.vector_store %arg12[%swap3A_140, %swap3A_141], %swap3A_144 {strides = array<i32>} : memref<80x64xf32, #tpu.memory_space<vmem>>, vector<1x16xf32>,
    }
    %scan3A_70 = arith.constant 80 : i32
    %dma_start3A_71 = arith.constant 0 : i32
    %dma_start3A_72 = tpu.memref_slice %arg5[%add3A_24, %dma_start3A_71] : memref<320000x64xf32, #tpu.memory_space<hbm>> -> memref<80x64xf32, #tpu.memory_space<hbm>>
    %dma_start3A_73 = arith.constant 0 : i32
    %dma_start3A_74 = tpu.memref_slice %arg5[%add3A_24, %dma_start3A_73] : memref<320000x64xf32, #tpu.memory_space<hbm>> -> memref<80x64xf32, #tpu.memory_space<hbm>>
    tpu.enqueue_dma source(%arg12 : memref<80x64xf32, #tpu.memory_space<vmem>>) target(%dma_start3A_74 : memref<80x64xf32, #tpu.memory_space<hbm>>) target_semaphore(%arg22 : memref<!tpu.dma_semaphore, #tpu.memory_space<semaphore_mem>>)
    %dma_wait3A_75 = arith.constant 0 : i32
    %dma_wait3A_76 = arith.constant 0 : i32
    %dma_wait3A_77 = tpu.memref_slice %arg5[%dma_wait3A_75, %dma_wait3A_76] : memref<320000x64xf32, #tpu.memory_space<hbm>> -> memref<80x64xf32, #tpu.memory_space<hbm>>
    %dma_wait3A_78 = arith.constant 0 : i32
    %dma_wait3A_79 = arith.constant 0 : i32
    %dma_wait3A_80 = tpu.memref_slice %arg5[%dma_wait3A_78, %dma_wait3A_79] : memref<320000x64xf32, #tpu.memory_space<hbm>> -> memref<80x64xf32, #tpu.memory_space<hbm>>
    tpu.wait_dma2 semaphore(%arg22 : memref<!tpu.dma_semaphore, #tpu.memory_space<semaphore_mem>>) src(%arg12 : memref<80x64xf32, #tpu.memory_space<vmem>>) dst(%dma_wait3A_80 : memref<80x64xf32, #tpu.memory_space<hbm>>)
    %dma_wait3A_81 = arith.constant 0 : i32
    %dma_wait3A_82 = arith.constant 0 : i32
    %dma_wait3A_83 = tpu.memref_slice %arg5[%dma_wait3A_81, %dma_wait3A_82] : memref<320000x64xf32, #tpu.memory_space<hbm>> -> memref<80x64xf32, #tpu.memory_space<hbm>>
    %dma_wait3A_84 = arith.constant 0 : i32
    %dma_wait3A_85 = arith.constant 0 : i32
    %dma_wait3A_86 = tpu.memref_slice %arg5[%dma_wait3A_84, %dma_wait3A_85] : memref<320000x64xf32, #tpu.memory_space<hbm>> -> memref<80x64xf32, #tpu.memory_space<hbm>>
    tpu.wait_dma2 semaphore(%arg22 : memref<!tpu.dma_semaphore, #tpu.memory_space<semaphore_mem>>) src(%arg19 : memref<80x64xf32, #tpu.memory_space<vmem>>) dst(%dma_wait3A_86 : memref<80x64xf32, #tpu.memory_space<hbm>>)
    %dma_wait3A_87 = arith.constant 0 : i32
    %dma_wait3A_88 = tpu.memref_slice %arg3[%dma_wait3A_87] : memref<320000xi32, #tpu.memory_space<hbm>> -> memref<80xi32, #tpu.memory_space<hbm>>
    %dma_wait3A_89 = arith.constant 0 : i32
    %dma_wait3A_90 = tpu.memref_slice %arg3[%dma_wait3A_89] : memref<320000xi32, #tpu.memory_space<hbm>> -> memref<80xi32, #tpu.memory_space<hbm>>
    tpu.wait_dma2 semaphore(%arg20 : memref<!tpu.dma_semaphore, #tpu.memory_space<semaphore_mem>>) src(%dma_wait3A_90 : memref<80xi32, #tpu.memory_space<hbm>>) dst(%arg6 : memref<80xi32, #tpu.memory_space<vmem>>)
    %dma_wait3A_91 = arith.constant 0 : i32
    %dma_wait3A_92 = tpu.memref_slice %arg3[%dma_wait3A_91] : memref<320000xi32, #tpu.memory_space<hbm>> -> memref<80xi32, #tpu.memory_space<hbm>>
    %dma_wait3A_93 = arith.constant 0 : i32
    %dma_wait3A_94 = tpu.memref_slice %arg3[%dma_wait3A_93] : memref<320000xi32, #tpu.memory_space<hbm>> -> memref<80xi32, #tpu.memory_space<hbm>>
    tpu.wait_dma2 semaphore(%arg20 : memref<!tpu.dma_semaphore, #tpu.memory_space<semaphore_mem>>) src(%dma_wait3A_94 : memref<80xi32, #tpu.memory_space<hbm>>) dst(%arg7 : memref<80xi32, #tpu.memory_space<vmem>>)
    %dma_wait3A_95 = arith.constant 0 : i32
    %dma_wait3A_96 = tpu.memref_slice %arg3[%dma_wait3A_95] : memref<320000xi32, #tpu.memory_space<hbm>> -> memref<80xi32, #tpu.memory_space<hbm>>
    %dma_wait3A_97 = arith.constant 0 : i32
    %dma_wait3A_98 = tpu.memref_slice %arg3[%dma_wait3A_97] : memref<320000xi32, #tpu.memory_space<hbm>> -> memref<80xi32, #tpu.memory_space<hbm>>
    tpu.wait_dma2 semaphore(%arg20 : memref<!tpu.dma_semaphore, #tpu.memory_space<semaphore_mem>>) src(%dma_wait3A_98 : memref<80xi32, #tpu.memory_space<hbm>>) dst(%arg13 : memref<80xi32, #tpu.memory_space<vmem>>)
    %dma_wait3A_99 = arith.constant 0 : i32
    %dma_wait3A_100 = tpu.memref_slice %arg3[%dma_wait3A_99] : memref<320000xi32, #tpu.memory_space<hbm>> -> memref<80xi32, #tpu.memory_space<hbm>>
    %dma_wait3A_101 = arith.constant 0 : i32
    %dma_wait3A_102 = tpu.memref_slice %arg3[%dma_wait3A_101] : memref<320000xi32, #tpu.memory_space<hbm>> -> memref<80xi32, #tpu.memory_space<hbm>>
    tpu.wait_dma2 semaphore(%arg20 : memref<!tpu.dma_semaphore, #tpu.memory_space<semaphore_mem>>) src(%dma_wait3A_102 : memref<80xi32, #tpu.memory_space<hbm>>) dst(%arg14 : memref<80xi32, #tpu.memory_space<vmem>>)
    return
  }
}

#map = affine_map<(d0, d1) -> (0, 0)>
#map1 = affine_map<(d0, d1) -> (0)>
module attributes {stable_mosaic.version = 14 : i64} {
  func.func @_sc_scatter_body(%arg0: i32, %arg1: i32, %arg2: memref<320000x32xf32, #tpu.memory_space<hbm>>, %arg3: memref<320000xi32, #tpu.memory_space<hbm>>, %arg4: memref<20000x32xf32, #tpu.memory_space<hbm>>, %arg5: memref<80xi32, #tpu.memory_space<vmem>>, %arg6: memref<80xi32, #tpu.memory_space<vmem>>, %arg7: memref<80x32xf32, #tpu.memory_space<vmem>>, %arg8: memref<80xi32, #tpu.memory_space<vmem>>, %arg9: memref<80xi32, #tpu.memory_space<vmem>>, %arg10: memref<80x32xf32, #tpu.memory_space<vmem>>, %arg11: memref<16x32xf32, #tpu.memory_space<vmem>>, %arg12: memref<10000x32xf32, #tpu.memory_space<vmem_shared>>, %arg13: memref<!tpu.dma_semaphore, #tpu.memory_space<semaphore_mem>>) attributes {dimension_semantics = [#tpu.dimension_semantics<core_parallel>, #tpu.dimension_semantics<subcore_parallel>], iteration_bounds = array<i64: 2, 16>, scalar_prefetch = 0 : i64, scratch_operands = 9 : i64, tpu.core_type = #tpu.core_type<sc_vector_subcore>, window_params = [{transform_indices = #map}, {transform_indices = #map1}, {transform_indices = #map}]} {
    %mul3A = arith.constant 16 : i32
    %mul3A_0 = arith.muli %arg0, %mul3A : i32
    %add3A = arith.addi %mul3A_0, %arg1 : i32
    %broadcast_in_dim3A = arith.constant 0.000000e+00 : f32
    %broadcast_in_dim3A_1 = vector.broadcast %broadcast_in_dim3A : f32 to vector<16xf32>
    %scan3A = arith.constant 0 : i32
    %scan3A_2 = arith.constant 16 : i32
    %scan3A_3 = arith.addi %scan3A, %scan3A_2 : i32
    %scan3A_4 = arith.constant 1 : i32
    scf.for %scan3A_97 = %scan3A to %scan3A_3 step %scan3A_4  : i32 {
      %swap3A = arith.index_cast %scan3A_97 : i32 to index
      %swap3A_98 = arith.constant 0 : index
      %swap3A_99 = tpu.vector_load %arg11[%swap3A, %swap3A_98] {strides = array<i32>} : memref<16x32xf32, #tpu.memory_space<vmem>>, vector<1x16xf32>,
      %swap3A_100 = vector.shape_cast %swap3A_99 : vector<1x16xf32> to vector<16xf32>
      %swap3A_101 = vector.shape_cast %broadcast_in_dim3A_1 : vector<16xf32> to vector<1x16xf32>
      tpu.vector_store %arg11[%swap3A, %swap3A_98], %swap3A_101 {strides = array<i32>} : memref<16x32xf32, #tpu.memory_space<vmem>>, vector<1x16xf32>,
      %swap3A_102 = arith.index_cast %scan3A_97 : i32 to index
      %swap3A_103 = arith.constant 16 : index
      %swap3A_104 = tpu.vector_load %arg11[%swap3A_102, %swap3A_103] {strides = array<i32>} : memref<16x32xf32, #tpu.memory_space<vmem>>, vector<1x16xf32>,
      %swap3A_105 = vector.shape_cast %swap3A_104 : vector<1x16xf32> to vector<16xf32>
      %swap3A_106 = vector.shape_cast %broadcast_in_dim3A_1 : vector<16xf32> to vector<1x16xf32>
      tpu.vector_store %arg11[%swap3A_102, %swap3A_103], %swap3A_106 {strides = array<i32>} : memref<16x32xf32, #tpu.memory_space<vmem>>, vector<1x16xf32>,
    }
    %scan3A_5 = arith.constant 16 : i32
    %scan3A_6 = arith.constant 0 : i32
    %scan3A_7 = arith.constant 39 : i32
    %scan3A_8 = arith.addi %scan3A_6, %scan3A_7 : i32
    %scan3A_9 = arith.constant 1 : i32
    scf.for %scan3A_97 = %scan3A_6 to %scan3A_8 step %scan3A_9  : i32 {
      %mul3A_98 = arith.constant 624 : i32
      %mul3A_99 = arith.muli %arg1, %mul3A_98 : i32
      %mul3A_100 = arith.constant 16 : i32
      %mul3A_101 = arith.muli %scan3A_97, %mul3A_100 : i32
      %add3A_102 = arith.addi %mul3A_99, %mul3A_101 : i32
      "tpu.region"() ({
        %run_scoped3A = tpu.sem_alloc : memref<!tpu.dma_semaphore, #tpu.memory_space<semaphore_mem>>
        %dma_start3A_103 = arith.constant 0 : i32
        %dma_start3A_104 = tpu.memref_slice %arg12[%add3A_102, %dma_start3A_103] : memref<10000x32xf32, #tpu.memory_space<vmem_shared>> -> memref<16x32xf32, #tpu.memory_space<vmem_shared>>
        %dma_start3A_105 = arith.constant 0 : i32
        %dma_start3A_106 = tpu.memref_slice %arg12[%add3A_102, %dma_start3A_105] : memref<10000x32xf32, #tpu.memory_space<vmem_shared>> -> memref<16x32xf32, #tpu.memory_space<vmem_shared>>
        tpu.enqueue_dma source(%arg11 : memref<16x32xf32, #tpu.memory_space<vmem>>) target(%dma_start3A_106 : memref<16x32xf32, #tpu.memory_space<vmem_shared>>) target_semaphore(%run_scoped3A : memref<!tpu.dma_semaphore, #tpu.memory_space<semaphore_mem>>)
        %dma_wait3A_107 = arith.constant 0 : i32
        %dma_wait3A_108 = tpu.memref_slice %arg12[%add3A_102, %dma_wait3A_107] : memref<10000x32xf32, #tpu.memory_space<vmem_shared>> -> memref<16x32xf32, #tpu.memory_space<vmem_shared>>
        %dma_wait3A_109 = arith.constant 0 : i32
        %dma_wait3A_110 = tpu.memref_slice %arg12[%add3A_102, %dma_wait3A_109] : memref<10000x32xf32, #tpu.memory_space<vmem_shared>> -> memref<16x32xf32, #tpu.memory_space<vmem_shared>>
        tpu.wait_dma2 semaphore(%run_scoped3A : memref<!tpu.dma_semaphore, #tpu.memory_space<semaphore_mem>>) src(%arg11 : memref<16x32xf32, #tpu.memory_space<vmem>>) dst(%dma_wait3A_110 : memref<16x32xf32, #tpu.memory_space<vmem_shared>>)
        tpu.yield
      }) : () -> ()
    }
    %scan3A_10 = arith.constant 39 : i32
    %eq3A = arith.constant 15 : i32
    %eq3A_11 = arith.cmpi eq, %arg1, %eq3A : i32
    %convert_element_type3A = arith.extui %eq3A_11 : i1 to i32
    %cond3A = arith.constant 0 : i32
    %cond3A_12 = arith.cmpi ne, %convert_element_type3A, %cond3A : i32
    scf.if %cond3A_12 {
      "tpu.region"() ({
        %run_scoped3A = tpu.sem_alloc : memref<!tpu.dma_semaphore, #tpu.memory_space<semaphore_mem>>
        %dma_start3A_97 = arith.constant 9984 : i32
        %dma_start3A_98 = arith.constant 0 : i32
        %dma_start3A_99 = tpu.memref_slice %arg12[%dma_start3A_97, %dma_start3A_98] : memref<10000x32xf32, #tpu.memory_space<vmem_shared>> -> memref<16x32xf32, #tpu.memory_space<vmem_shared>>
        %dma_start3A_100 = arith.constant 9984 : i32
        %dma_start3A_101 = arith.constant 0 : i32
        %dma_start3A_102 = tpu.memref_slice %arg12[%dma_start3A_100, %dma_start3A_101] : memref<10000x32xf32, #tpu.memory_space<vmem_shared>> -> memref<16x32xf32, #tpu.memory_space<vmem_shared>>
        tpu.enqueue_dma source(%arg11 : memref<16x32xf32, #tpu.memory_space<vmem>>) target(%dma_start3A_102 : memref<16x32xf32, #tpu.memory_space<vmem_shared>>) target_semaphore(%run_scoped3A : memref<!tpu.dma_semaphore, #tpu.memory_space<semaphore_mem>>)
        %dma_wait3A_103 = arith.constant 9984 : i32
        %dma_wait3A_104 = arith.constant 0 : i32
        %dma_wait3A_105 = tpu.memref_slice %arg12[%dma_wait3A_103, %dma_wait3A_104] : memref<10000x32xf32, #tpu.memory_space<vmem_shared>> -> memref<16x32xf32, #tpu.memory_space<vmem_shared>>
        %dma_wait3A_106 = arith.constant 9984 : i32
        %dma_wait3A_107 = arith.constant 0 : i32
        %dma_wait3A_108 = tpu.memref_slice %arg12[%dma_wait3A_106, %dma_wait3A_107] : memref<10000x32xf32, #tpu.memory_space<vmem_shared>> -> memref<16x32xf32, #tpu.memory_space<vmem_shared>>
        tpu.wait_dma2 semaphore(%run_scoped3A : memref<!tpu.dma_semaphore, #tpu.memory_space<semaphore_mem>>) src(%arg11 : memref<16x32xf32, #tpu.memory_space<vmem>>) dst(%dma_wait3A_108 : memref<16x32xf32, #tpu.memory_space<vmem_shared>>)
        tpu.yield
      }) : () -> ()
    } else {
    }
    %barrier3A = arith.constant 0 : index
    tpu.barrier barrier_id(%barrier3A)
    %mul3A_13 = arith.constant 10000 : i32
    %mul3A_14 = arith.muli %add3A, %mul3A_13 : i32
    %add3A_15 = arith.constant 0 : i32
    %add3A_16 = arith.addi %mul3A_14, %add3A_15 : i32
    %dma_start3A = tpu.memref_slice %arg3[%add3A_16] : memref<320000xi32, #tpu.memory_space<hbm>> -> memref<80xi32, #tpu.memory_space<hbm>>
    %dma_start3A_17 = tpu.memref_slice %arg3[%add3A_16] : memref<320000xi32, #tpu.memory_space<hbm>> -> memref<80xi32, #tpu.memory_space<hbm>>
    tpu.enqueue_dma source(%dma_start3A_17 : memref<80xi32, #tpu.memory_space<hbm>>) target(%arg5 : memref<80xi32, #tpu.memory_space<vmem>>) target_semaphore(%arg13 : memref<!tpu.dma_semaphore, #tpu.memory_space<semaphore_mem>>)
    %dma_start3A_18 = arith.constant 0 : i32
    %dma_start3A_19 = tpu.memref_slice %arg2[%add3A_16, %dma_start3A_18] : memref<320000x32xf32, #tpu.memory_space<hbm>> -> memref<80x32xf32, #tpu.memory_space<hbm>>
    %dma_start3A_20 = arith.constant 0 : i32
    %dma_start3A_21 = tpu.memref_slice %arg2[%add3A_16, %dma_start3A_20] : memref<320000x32xf32, #tpu.memory_space<hbm>> -> memref<80x32xf32, #tpu.memory_space<hbm>>
    tpu.enqueue_dma source(%dma_start3A_21 : memref<80x32xf32, #tpu.memory_space<hbm>>) target(%arg7 : memref<80x32xf32, #tpu.memory_space<vmem>>) target_semaphore(%arg13 : memref<!tpu.dma_semaphore, #tpu.memory_space<semaphore_mem>>)
    %mul3A_22 = arith.constant 10000 : i32
    %mul3A_23 = arith.muli %add3A, %mul3A_22 : i32
    %add3A_24 = arith.constant 80 : i32
    %add3A_25 = arith.addi %mul3A_23, %add3A_24 : i32
    %dma_start3A_26 = tpu.memref_slice %arg3[%add3A_25] : memref<320000xi32, #tpu.memory_space<hbm>> -> memref<80xi32, #tpu.memory_space<hbm>>
    %dma_start3A_27 = tpu.memref_slice %arg3[%add3A_25] : memref<320000xi32, #tpu.memory_space<hbm>> -> memref<80xi32, #tpu.memory_space<hbm>>
    tpu.enqueue_dma source(%dma_start3A_27 : memref<80xi32, #tpu.memory_space<hbm>>) target(%arg8 : memref<80xi32, #tpu.memory_space<vmem>>) target_semaphore(%arg13 : memref<!tpu.dma_semaphore, #tpu.memory_space<semaphore_mem>>)
    %dma_start3A_28 = arith.constant 0 : i32
    %dma_start3A_29 = tpu.memref_slice %arg2[%add3A_25, %dma_start3A_28] : memref<320000x32xf32, #tpu.memory_space<hbm>> -> memref<80x32xf32, #tpu.memory_space<hbm>>
    %dma_start3A_30 = arith.constant 0 : i32
    %dma_start3A_31 = tpu.memref_slice %arg2[%add3A_25, %dma_start3A_30] : memref<320000x32xf32, #tpu.memory_space<hbm>> -> memref<80x32xf32, #tpu.memory_space<hbm>>
    tpu.enqueue_dma source(%dma_start3A_31 : memref<80x32xf32, #tpu.memory_space<hbm>>) target(%arg10 : memref<80x32xf32, #tpu.memory_space<vmem>>) target_semaphore(%arg13 : memref<!tpu.dma_semaphore, #tpu.memory_space<semaphore_mem>>)
    %scan3A_32 = arith.constant 0 : i32
    %scan3A_33 = arith.constant 62 : i32
    %scan3A_34 = arith.addi %scan3A_32, %scan3A_33 : i32
    %scan3A_35 = arith.constant 1 : i32
    scf.for %scan3A_97 = %scan3A_32 to %scan3A_34 step %scan3A_35  : i32 {
      %mul3A_98 = arith.constant 2 : i32
      %mul3A_99 = arith.muli %mul3A_98, %scan3A_97 : i32
      %dma_wait3A_100 = arith.constant 0 : i32
      %dma_wait3A_101 = tpu.memref_slice %arg3[%dma_wait3A_100] : memref<320000xi32, #tpu.memory_space<hbm>> -> memref<80xi32, #tpu.memory_space<hbm>>
      %dma_wait3A_102 = arith.constant 0 : i32
      %dma_wait3A_103 = tpu.memref_slice %arg3[%dma_wait3A_102] : memref<320000xi32, #tpu.memory_space<hbm>> -> memref<80xi32, #tpu.memory_space<hbm>>
      tpu.wait_dma2 semaphore(%arg13 : memref<!tpu.dma_semaphore, #tpu.memory_space<semaphore_mem>>) src(%dma_wait3A_103 : memref<80xi32, #tpu.memory_space<hbm>>) dst(%arg5 : memref<80xi32, #tpu.memory_space<vmem>>)
      %dma_wait3A_104 = arith.constant 0 : i32
      %dma_wait3A_105 = arith.constant 0 : i32
      %dma_wait3A_106 = tpu.memref_slice %arg2[%dma_wait3A_104, %dma_wait3A_105] : memref<320000x32xf32, #tpu.memory_space<hbm>> -> memref<80x32xf32, #tpu.memory_space<hbm>>
      %dma_wait3A_107 = arith.constant 0 : i32
      %dma_wait3A_108 = arith.constant 0 : i32
      %dma_wait3A_109 = tpu.memref_slice %arg2[%dma_wait3A_107, %dma_wait3A_108] : memref<320000x32xf32, #tpu.memory_space<hbm>> -> memref<80x32xf32, #tpu.memory_space<hbm>>
      tpu.wait_dma2 semaphore(%arg13 : memref<!tpu.dma_semaphore, #tpu.memory_space<semaphore_mem>>) src(%dma_wait3A_109 : memref<80x32xf32, #tpu.memory_space<hbm>>) dst(%arg7 : memref<80x32xf32, #tpu.memory_space<vmem>>)
      %scan3A_110 = arith.constant 0 : i32
      %scan3A_111 = arith.constant 5 : i32
      %scan3A_112 = arith.addi %scan3A_110, %scan3A_111 : i32
      %scan3A_113 = arith.constant 1 : i32
      scf.for %scan3A_164 = %scan3A_110 to %scan3A_112 step %scan3A_113  : i32 {
        %mul3A_165 = arith.constant 16 : i32
        %mul3A_166 = arith.muli %scan3A_164, %mul3A_165 : i32
        %get3A = arith.index_cast %mul3A_166 : i32 to index
        %get3A_167 = tpu.vector_load %arg5[%get3A] {strides = array<i32>} : memref<80xi32, #tpu.memory_space<vmem>>, vector<16xi32>,
        %get3A_168 = vector.shape_cast %get3A_167 : vector<16xi32> to vector<16xi32>
        %mul3A_169 = arith.constant 16 : i32
        %mul3A_170 = arith.muli %scan3A_164, %mul3A_169 : i32
        %swap3A = arith.index_cast %mul3A_170 : i32 to index
        %swap3A_171 = tpu.vector_load %arg6[%swap3A] {strides = array<i32>} : memref<80xi32, #tpu.memory_space<vmem>>, vector<16xi32>,
        %swap3A_172 = vector.shape_cast %swap3A_171 : vector<16xi32> to vector<16xi32>
        %swap3A_173 = vector.shape_cast %get3A_168 : vector<16xi32> to vector<16xi32>
        tpu.vector_store %arg6[%swap3A], %swap3A_173 {strides = array<i32>} : memref<80xi32, #tpu.memory_space<vmem>>, vector<16xi32>,
      }
      %scan3A_114 = arith.constant 5 : i32
      "tpu.region"() ({
        %run_scoped3A = tpu.sem_alloc : memref<!tpu.dma_semaphore, #tpu.memory_space<semaphore_mem>>
        %dma_start3A_164 = arith.constant 0 : i32
        %dma_start3A_165 = arith.constant 0 : i32
        %dma_start3A_166 = tpu.memref_slice %arg12[%dma_start3A_164, %dma_start3A_165] : memref<10000x32xf32, #tpu.memory_space<vmem_shared>> -> memref<10000x32xf32, #tpu.memory_space<vmem_shared>>
        tpu.enqueue_indirect_dma source(%arg7 : memref<80x32xf32, #tpu.memory_space<vmem>>) target(%dma_start3A_166 : memref<10000x32xf32, #tpu.memory_space<vmem_shared>>) offsets(%arg6 : memref<80xi32, #tpu.memory_space<vmem>>) semaphore(%run_scoped3A : memref<!tpu.dma_semaphore, #tpu.memory_space<semaphore_mem>>) {add = true}
        %dma_wait3A_167 = arith.constant 0 : i32
        %dma_wait3A_168 = arith.constant 0 : i32
        %dma_wait3A_169 = tpu.memref_slice %arg12[%dma_wait3A_167, %dma_wait3A_168] : memref<10000x32xf32, #tpu.memory_space<vmem_shared>> -> memref<10000x32xf32, #tpu.memory_space<vmem_shared>>
        tpu.wait_indirect_dma semaphore(%run_scoped3A : memref<!tpu.dma_semaphore, #tpu.memory_space<semaphore_mem>>) src(%arg7 : memref<80x32xf32, #tpu.memory_space<vmem>>) dst(%dma_wait3A_169 : memref<10000x32xf32, #tpu.memory_space<vmem_shared>>)
        tpu.yield
      }) : () -> ()
      %add3A_115 = arith.constant 2 : i32
      %add3A_116 = arith.addi %mul3A_99, %add3A_115 : i32
      %min3A_117 = arith.constant 124 : i32
      %min3A_118 = arith.minsi %add3A_116, %min3A_117 : i32
      %mul3A_119 = arith.constant 10000 : i32
      %mul3A_120 = arith.muli %add3A, %mul3A_119 : i32
      %mul3A_121 = arith.constant 80 : i32
      %mul3A_122 = arith.muli %min3A_118, %mul3A_121 : i32
      %add3A_123 = arith.addi %mul3A_120, %mul3A_122 : i32
      %dma_start3A_124 = tpu.memref_slice %arg3[%add3A_123] : memref<320000xi32, #tpu.memory_space<hbm>> -> memref<80xi32, #tpu.memory_space<hbm>>
      %dma_start3A_125 = tpu.memref_slice %arg3[%add3A_123] : memref<320000xi32, #tpu.memory_space<hbm>> -> memref<80xi32, #tpu.memory_space<hbm>>
      tpu.enqueue_dma source(%dma_start3A_125 : memref<80xi32, #tpu.memory_space<hbm>>) target(%arg5 : memref<80xi32, #tpu.memory_space<vmem>>) target_semaphore(%arg13 : memref<!tpu.dma_semaphore, #tpu.memory_space<semaphore_mem>>)
      %dma_start3A_126 = arith.constant 0 : i32
      %dma_start3A_127 = tpu.memref_slice %arg2[%add3A_123, %dma_start3A_126] : memref<320000x32xf32, #tpu.memory_space<hbm>> -> memref<80x32xf32, #tpu.memory_space<hbm>>
      %dma_start3A_128 = arith.constant 0 : i32
      %dma_start3A_129 = tpu.memref_slice %arg2[%add3A_123, %dma_start3A_128] : memref<320000x32xf32, #tpu.memory_space<hbm>> -> memref<80x32xf32, #tpu.memory_space<hbm>>
      tpu.enqueue_dma source(%dma_start3A_129 : memref<80x32xf32, #tpu.memory_space<hbm>>) target(%arg7 : memref<80x32xf32, #tpu.memory_space<vmem>>) target_semaphore(%arg13 : memref<!tpu.dma_semaphore, #tpu.memory_space<semaphore_mem>>)
      %mul3A_130 = arith.constant 2 : i32
      %mul3A_131 = arith.muli %mul3A_130, %scan3A_97 : i32
      %add3A_132 = arith.constant 1 : i32
      %add3A_133 = arith.addi %mul3A_131, %add3A_132 : i32
      %dma_wait3A_134 = arith.constant 0 : i32
      %dma_wait3A_135 = tpu.memref_slice %arg3[%dma_wait3A_134] : memref<320000xi32, #tpu.memory_space<hbm>> -> memref<80xi32, #tpu.memory_space<hbm>>
      %dma_wait3A_136 = arith.constant 0 : i32
      %dma_wait3A_137 = tpu.memref_slice %arg3[%dma_wait3A_136] : memref<320000xi32, #tpu.memory_space<hbm>> -> memref<80xi32, #tpu.memory_space<hbm>>
      tpu.wait_dma2 semaphore(%arg13 : memref<!tpu.dma_semaphore, #tpu.memory_space<semaphore_mem>>) src(%dma_wait3A_137 : memref<80xi32, #tpu.memory_space<hbm>>) dst(%arg8 : memref<80xi32, #tpu.memory_space<vmem>>)
      %dma_wait3A_138 = arith.constant 0 : i32
      %dma_wait3A_139 = arith.constant 0 : i32
      %dma_wait3A_140 = tpu.memref_slice %arg2[%dma_wait3A_138, %dma_wait3A_139] : memref<320000x32xf32, #tpu.memory_space<hbm>> -> memref<80x32xf32, #tpu.memory_space<hbm>>
      %dma_wait3A_141 = arith.constant 0 : i32
      %dma_wait3A_142 = arith.constant 0 : i32
      %dma_wait3A_143 = tpu.memref_slice %arg2[%dma_wait3A_141, %dma_wait3A_142] : memref<320000x32xf32, #tpu.memory_space<hbm>> -> memref<80x32xf32, #tpu.memory_space<hbm>>
      tpu.wait_dma2 semaphore(%arg13 : memref<!tpu.dma_semaphore, #tpu.memory_space<semaphore_mem>>) src(%dma_wait3A_143 : memref<80x32xf32, #tpu.memory_space<hbm>>) dst(%arg10 : memref<80x32xf32, #tpu.memory_space<vmem>>)
      %scan3A_144 = arith.constant 0 : i32
      %scan3A_145 = arith.constant 5 : i32
      %scan3A_146 = arith.addi %scan3A_144, %scan3A_145 : i32
      %scan3A_147 = arith.constant 1 : i32
      scf.for %scan3A_164 = %scan3A_144 to %scan3A_146 step %scan3A_147  : i32 {
        %mul3A_165 = arith.constant 16 : i32
        %mul3A_166 = arith.muli %scan3A_164, %mul3A_165 : i32
        %get3A = arith.index_cast %mul3A_166 : i32 to index
        %get3A_167 = tpu.vector_load %arg8[%get3A] {strides = array<i32>} : memref<80xi32, #tpu.memory_space<vmem>>, vector<16xi32>,
        %get3A_168 = vector.shape_cast %get3A_167 : vector<16xi32> to vector<16xi32>
        %mul3A_169 = arith.constant 16 : i32
        %mul3A_170 = arith.muli %scan3A_164, %mul3A_169 : i32
        %swap3A = arith.index_cast %mul3A_170 : i32 to index
        %swap3A_171 = tpu.vector_load %arg9[%swap3A] {strides = array<i32>} : memref<80xi32, #tpu.memory_space<vmem>>, vector<16xi32>,
        %swap3A_172 = vector.shape_cast %swap3A_171 : vector<16xi32> to vector<16xi32>
        %swap3A_173 = vector.shape_cast %get3A_168 : vector<16xi32> to vector<16xi32>
        tpu.vector_store %arg9[%swap3A], %swap3A_173 {strides = array<i32>} : memref<80xi32, #tpu.memory_space<vmem>>, vector<16xi32>,
      }
      %scan3A_148 = arith.constant 5 : i32
      "tpu.region"() ({
        %run_scoped3A = tpu.sem_alloc : memref<!tpu.dma_semaphore, #tpu.memory_space<semaphore_mem>>
        %dma_start3A_164 = arith.constant 0 : i32
        %dma_start3A_165 = arith.constant 0 : i32
        %dma_start3A_166 = tpu.memref_slice %arg12[%dma_start3A_164, %dma_start3A_165] : memref<10000x32xf32, #tpu.memory_space<vmem_shared>> -> memref<10000x32xf32, #tpu.memory_space<vmem_shared>>
        tpu.enqueue_indirect_dma source(%arg10 : memref<80x32xf32, #tpu.memory_space<vmem>>) target(%dma_start3A_166 : memref<10000x32xf32, #tpu.memory_space<vmem_shared>>) offsets(%arg9 : memref<80xi32, #tpu.memory_space<vmem>>) semaphore(%run_scoped3A : memref<!tpu.dma_semaphore, #tpu.memory_space<semaphore_mem>>) {add = true}
        %dma_wait3A_167 = arith.constant 0 : i32
        %dma_wait3A_168 = arith.constant 0 : i32
        %dma_wait3A_169 = tpu.memref_slice %arg12[%dma_wait3A_167, %dma_wait3A_168] : memref<10000x32xf32, #tpu.memory_space<vmem_shared>> -> memref<10000x32xf32, #tpu.memory_space<vmem_shared>>
        tpu.wait_indirect_dma semaphore(%run_scoped3A : memref<!tpu.dma_semaphore, #tpu.memory_space<semaphore_mem>>) src(%arg10 : memref<80x32xf32, #tpu.memory_space<vmem>>) dst(%dma_wait3A_169 : memref<10000x32xf32, #tpu.memory_space<vmem_shared>>)
        tpu.yield
      }) : () -> ()
      %add3A_149 = arith.constant 2 : i32
      %add3A_150 = arith.addi %add3A_133, %add3A_149 : i32
      %min3A_151 = arith.constant 124 : i32
      %min3A_152 = arith.minsi %add3A_150, %min3A_151 : i32
      %mul3A_153 = arith.constant 10000 : i32
      %mul3A_154 = arith.muli %add3A, %mul3A_153 : i32
      %mul3A_155 = arith.constant 80 : i32
      %mul3A_156 = arith.muli %min3A_152, %mul3A_155 : i32
      %add3A_157 = arith.addi %mul3A_154, %mul3A_156 : i32
      %dma_start3A_158 = tpu.memref_slice %arg3[%add3A_157] : memref<320000xi32, #tpu.memory_space<hbm>> -> memref<80xi32, #tpu.memory_space<hbm>>
      %dma_start3A_159 = tpu.memref_slice %arg3[%add3A_157] : memref<320000xi32, #tpu.memory_space<hbm>> -> memref<80xi32, #tpu.memory_space<hbm>>
      tpu.enqueue_dma source(%dma_start3A_159 : memref<80xi32, #tpu.memory_space<hbm>>) target(%arg8 : memref<80xi32, #tpu.memory_space<vmem>>) target_semaphore(%arg13 : memref<!tpu.dma_semaphore, #tpu.memory_space<semaphore_mem>>)
      %dma_start3A_160 = arith.constant 0 : i32
      %dma_start3A_161 = tpu.memref_slice %arg2[%add3A_157, %dma_start3A_160] : memref<320000x32xf32, #tpu.memory_space<hbm>> -> memref<80x32xf32, #tpu.memory_space<hbm>>
      %dma_start3A_162 = arith.constant 0 : i32
      %dma_start3A_163 = tpu.memref_slice %arg2[%add3A_157, %dma_start3A_162] : memref<320000x32xf32, #tpu.memory_space<hbm>> -> memref<80x32xf32, #tpu.memory_space<hbm>>
      tpu.enqueue_dma source(%dma_start3A_163 : memref<80x32xf32, #tpu.memory_space<hbm>>) target(%arg10 : memref<80x32xf32, #tpu.memory_space<vmem>>) target_semaphore(%arg13 : memref<!tpu.dma_semaphore, #tpu.memory_space<semaphore_mem>>)
    }
    %scan3A_36 = arith.constant 62 : i32
    %dma_wait3A = arith.constant 0 : i32
    %dma_wait3A_37 = tpu.memref_slice %arg3[%dma_wait3A] : memref<320000xi32, #tpu.memory_space<hbm>> -> memref<80xi32, #tpu.memory_space<hbm>>
    %dma_wait3A_38 = arith.constant 0 : i32
    %dma_wait3A_39 = tpu.memref_slice %arg3[%dma_wait3A_38] : memref<320000xi32, #tpu.memory_space<hbm>> -> memref<80xi32, #tpu.memory_space<hbm>>
    tpu.wait_dma2 semaphore(%arg13 : memref<!tpu.dma_semaphore, #tpu.memory_space<semaphore_mem>>) src(%dma_wait3A_39 : memref<80xi32, #tpu.memory_space<hbm>>) dst(%arg5 : memref<80xi32, #tpu.memory_space<vmem>>)
    %dma_wait3A_40 = arith.constant 0 : i32
    %dma_wait3A_41 = arith.constant 0 : i32
    %dma_wait3A_42 = tpu.memref_slice %arg2[%dma_wait3A_40, %dma_wait3A_41] : memref<320000x32xf32, #tpu.memory_space<hbm>> -> memref<80x32xf32, #tpu.memory_space<hbm>>
    %dma_wait3A_43 = arith.constant 0 : i32
    %dma_wait3A_44 = arith.constant 0 : i32
    %dma_wait3A_45 = tpu.memref_slice %arg2[%dma_wait3A_43, %dma_wait3A_44] : memref<320000x32xf32, #tpu.memory_space<hbm>> -> memref<80x32xf32, #tpu.memory_space<hbm>>
    tpu.wait_dma2 semaphore(%arg13 : memref<!tpu.dma_semaphore, #tpu.memory_space<semaphore_mem>>) src(%dma_wait3A_45 : memref<80x32xf32, #tpu.memory_space<hbm>>) dst(%arg7 : memref<80x32xf32, #tpu.memory_space<vmem>>)
    %scan3A_46 = arith.constant 0 : i32
    %scan3A_47 = arith.constant 5 : i32
    %scan3A_48 = arith.addi %scan3A_46, %scan3A_47 : i32
    %scan3A_49 = arith.constant 1 : i32
    scf.for %scan3A_97 = %scan3A_46 to %scan3A_48 step %scan3A_49  : i32 {
      %mul3A_98 = arith.constant 16 : i32
      %mul3A_99 = arith.muli %scan3A_97, %mul3A_98 : i32
      %get3A = arith.index_cast %mul3A_99 : i32 to index
      %get3A_100 = tpu.vector_load %arg5[%get3A] {strides = array<i32>} : memref<80xi32, #tpu.memory_space<vmem>>, vector<16xi32>,
      %get3A_101 = vector.shape_cast %get3A_100 : vector<16xi32> to vector<16xi32>
      %mul3A_102 = arith.constant 16 : i32
      %mul3A_103 = arith.muli %scan3A_97, %mul3A_102 : i32
      %swap3A = arith.index_cast %mul3A_103 : i32 to index
      %swap3A_104 = tpu.vector_load %arg6[%swap3A] {strides = array<i32>} : memref<80xi32, #tpu.memory_space<vmem>>, vector<16xi32>,
      %swap3A_105 = vector.shape_cast %swap3A_104 : vector<16xi32> to vector<16xi32>
      %swap3A_106 = vector.shape_cast %get3A_101 : vector<16xi32> to vector<16xi32>
      tpu.vector_store %arg6[%swap3A], %swap3A_106 {strides = array<i32>} : memref<80xi32, #tpu.memory_space<vmem>>, vector<16xi32>,
    }
    %scan3A_50 = arith.constant 5 : i32
    "tpu.region"() ({
      %run_scoped3A = tpu.sem_alloc : memref<!tpu.dma_semaphore, #tpu.memory_space<semaphore_mem>>
      %dma_start3A_97 = arith.constant 0 : i32
      %dma_start3A_98 = arith.constant 0 : i32
      %dma_start3A_99 = tpu.memref_slice %arg12[%dma_start3A_97, %dma_start3A_98] : memref<10000x32xf32, #tpu.memory_space<vmem_shared>> -> memref<10000x32xf32, #tpu.memory_space<vmem_shared>>
      tpu.enqueue_indirect_dma source(%arg7 : memref<80x32xf32, #tpu.memory_space<vmem>>) target(%dma_start3A_99 : memref<10000x32xf32, #tpu.memory_space<vmem_shared>>) offsets(%arg6 : memref<80xi32, #tpu.memory_space<vmem>>) semaphore(%run_scoped3A : memref<!tpu.dma_semaphore, #tpu.memory_space<semaphore_mem>>) {add = true}
      %dma_wait3A_100 = arith.constant 0 : i32
      %dma_wait3A_101 = arith.constant 0 : i32
      %dma_wait3A_102 = tpu.memref_slice %arg12[%dma_wait3A_100, %dma_wait3A_101] : memref<10000x32xf32, #tpu.memory_space<vmem_shared>> -> memref<10000x32xf32, #tpu.memory_space<vmem_shared>>
      tpu.wait_indirect_dma semaphore(%run_scoped3A : memref<!tpu.dma_semaphore, #tpu.memory_space<semaphore_mem>>) src(%arg7 : memref<80x32xf32, #tpu.memory_space<vmem>>) dst(%dma_wait3A_102 : memref<10000x32xf32, #tpu.memory_space<vmem_shared>>)
      tpu.yield
    }) : () -> ()
    %min3A = arith.constant 126 : i32
    %min3A_51 = arith.constant 124 : i32
    %min3A_52 = arith.minsi %min3A, %min3A_51 : i32
    %mul3A_53 = arith.constant 10000 : i32
    %mul3A_54 = arith.muli %add3A, %mul3A_53 : i32
    %mul3A_55 = arith.constant 80 : i32
    %mul3A_56 = arith.muli %min3A_52, %mul3A_55 : i32
    %add3A_57 = arith.addi %mul3A_54, %mul3A_56 : i32
    %dma_start3A_58 = tpu.memref_slice %arg3[%add3A_57] : memref<320000xi32, #tpu.memory_space<hbm>> -> memref<80xi32, #tpu.memory_space<hbm>>
    %dma_start3A_59 = tpu.memref_slice %arg3[%add3A_57] : memref<320000xi32, #tpu.memory_space<hbm>> -> memref<80xi32, #tpu.memory_space<hbm>>
    tpu.enqueue_dma source(%dma_start3A_59 : memref<80xi32, #tpu.memory_space<hbm>>) target(%arg5 : memref<80xi32, #tpu.memory_space<vmem>>) target_semaphore(%arg13 : memref<!tpu.dma_semaphore, #tpu.memory_space<semaphore_mem>>)
    %dma_start3A_60 = arith.constant 0 : i32
    %dma_start3A_61 = tpu.memref_slice %arg2[%add3A_57, %dma_start3A_60] : memref<320000x32xf32, #tpu.memory_space<hbm>> -> memref<80x32xf32, #tpu.memory_space<hbm>>
    %dma_start3A_62 = arith.constant 0 : i32
    %dma_start3A_63 = tpu.memref_slice %arg2[%add3A_57, %dma_start3A_62] : memref<320000x32xf32, #tpu.memory_space<hbm>> -> memref<80x32xf32, #tpu.memory_space<hbm>>
    tpu.enqueue_dma source(%dma_start3A_63 : memref<80x32xf32, #tpu.memory_space<hbm>>) target(%arg7 : memref<80x32xf32, #tpu.memory_space<vmem>>) target_semaphore(%arg13 : memref<!tpu.dma_semaphore, #tpu.memory_space<semaphore_mem>>)
    %dma_wait3A_64 = arith.constant 0 : i32
    %dma_wait3A_65 = tpu.memref_slice %arg3[%dma_wait3A_64] : memref<320000xi32, #tpu.memory_space<hbm>> -> memref<80xi32, #tpu.memory_space<hbm>>
    %dma_wait3A_66 = arith.constant 0 : i32
    %dma_wait3A_67 = tpu.memref_slice %arg3[%dma_wait3A_66] : memref<320000xi32, #tpu.memory_space<hbm>> -> memref<80xi32, #tpu.memory_space<hbm>>
    tpu.wait_dma2 semaphore(%arg13 : memref<!tpu.dma_semaphore, #tpu.memory_space<semaphore_mem>>) src(%dma_wait3A_67 : memref<80xi32, #tpu.memory_space<hbm>>) dst(%arg5 : memref<80xi32, #tpu.memory_space<vmem>>)
    %dma_wait3A_68 = arith.constant 0 : i32
    %dma_wait3A_69 = arith.constant 0 : i32
    %dma_wait3A_70 = tpu.memref_slice %arg2[%dma_wait3A_68, %dma_wait3A_69] : memref<320000x32xf32, #tpu.memory_space<hbm>> -> memref<80x32xf32, #tpu.memory_space<hbm>>
    %dma_wait3A_71 = arith.constant 0 : i32
    %dma_wait3A_72 = arith.constant 0 : i32
    %dma_wait3A_73 = tpu.memref_slice %arg2[%dma_wait3A_71, %dma_wait3A_72] : memref<320000x32xf32, #tpu.memory_space<hbm>> -> memref<80x32xf32, #tpu.memory_space<hbm>>
    tpu.wait_dma2 semaphore(%arg13 : memref<!tpu.dma_semaphore, #tpu.memory_space<semaphore_mem>>) src(%dma_wait3A_73 : memref<80x32xf32, #tpu.memory_space<hbm>>) dst(%arg7 : memref<80x32xf32, #tpu.memory_space<vmem>>)
    %dma_wait3A_74 = arith.constant 0 : i32
    %dma_wait3A_75 = tpu.memref_slice %arg3[%dma_wait3A_74] : memref<320000xi32, #tpu.memory_space<hbm>> -> memref<80xi32, #tpu.memory_space<hbm>>
    %dma_wait3A_76 = arith.constant 0 : i32
    %dma_wait3A_77 = tpu.memref_slice %arg3[%dma_wait3A_76] : memref<320000xi32, #tpu.memory_space<hbm>> -> memref<80xi32, #tpu.memory_space<hbm>>
    tpu.wait_dma2 semaphore(%arg13 : memref<!tpu.dma_semaphore, #tpu.memory_space<semaphore_mem>>) src(%dma_wait3A_77 : memref<80xi32, #tpu.memory_space<hbm>>) dst(%arg8 : memref<80xi32, #tpu.memory_space<vmem>>)
    %dma_wait3A_78 = arith.constant 0 : i32
    %dma_wait3A_79 = arith.constant 0 : i32
    %dma_wait3A_80 = tpu.memref_slice %arg2[%dma_wait3A_78, %dma_wait3A_79] : memref<320000x32xf32, #tpu.memory_space<hbm>> -> memref<80x32xf32, #tpu.memory_space<hbm>>
    %dma_wait3A_81 = arith.constant 0 : i32
    %dma_wait3A_82 = arith.constant 0 : i32
    %dma_wait3A_83 = tpu.memref_slice %arg2[%dma_wait3A_81, %dma_wait3A_82] : memref<320000x32xf32, #tpu.memory_space<hbm>> -> memref<80x32xf32, #tpu.memory_space<hbm>>
    tpu.wait_dma2 semaphore(%arg13 : memref<!tpu.dma_semaphore, #tpu.memory_space<semaphore_mem>>) src(%dma_wait3A_83 : memref<80x32xf32, #tpu.memory_space<hbm>>) dst(%arg10 : memref<80x32xf32, #tpu.memory_space<vmem>>)
    %barrier3A_84 = arith.constant 0 : index
    tpu.barrier barrier_id(%barrier3A_84)
    %mul3A_85 = arith.constant 624 : i32
    %mul3A_86 = arith.muli %arg1, %mul3A_85 : i32
    %mul3A_87 = arith.constant 10000 : i32
    %mul3A_88 = arith.muli %arg0, %mul3A_87 : i32
    %mul3A_89 = arith.constant 624 : i32
    %mul3A_90 = arith.muli %arg1, %mul3A_89 : i32
    %add3A_91 = arith.addi %mul3A_88, %mul3A_90 : i32
    "tpu.region"() ({
      %run_scoped3A = tpu.sem_alloc : memref<!tpu.dma_semaphore, #tpu.memory_space<semaphore_mem>>
      %dma_start3A_97 = arith.constant 0 : i32
      %dma_start3A_98 = tpu.memref_slice %arg4[%add3A_91, %dma_start3A_97] : memref<20000x32xf32, #tpu.memory_space<hbm>> -> memref<624x32xf32, #tpu.memory_space<hbm>>
      %dma_start3A_99 = arith.constant 0 : i32
      %dma_start3A_100 = tpu.memref_slice %arg12[%mul3A_86, %dma_start3A_99] : memref<10000x32xf32, #tpu.memory_space<vmem_shared>> -> memref<624x32xf32, #tpu.memory_space<vmem_shared>>
      tpu.enqueue_dma source(%dma_start3A_100 : memref<624x32xf32, #tpu.memory_space<vmem_shared>>) target(%dma_start3A_98 : memref<624x32xf32, #tpu.memory_space<hbm>>) target_semaphore(%run_scoped3A : memref<!tpu.dma_semaphore, #tpu.memory_space<semaphore_mem>>)
      %dma_wait3A_101 = arith.constant 0 : i32
      %dma_wait3A_102 = tpu.memref_slice %arg4[%add3A_91, %dma_wait3A_101] : memref<20000x32xf32, #tpu.memory_space<hbm>> -> memref<624x32xf32, #tpu.memory_space<hbm>>
      %dma_wait3A_103 = arith.constant 0 : i32
      %dma_wait3A_104 = tpu.memref_slice %arg12[%mul3A_86, %dma_wait3A_103] : memref<10000x32xf32, #tpu.memory_space<vmem_shared>> -> memref<624x32xf32, #tpu.memory_space<vmem_shared>>
      tpu.wait_dma2 semaphore(%run_scoped3A : memref<!tpu.dma_semaphore, #tpu.memory_space<semaphore_mem>>) src(%dma_wait3A_104 : memref<624x32xf32, #tpu.memory_space<vmem_shared>>) dst(%dma_wait3A_102 : memref<624x32xf32, #tpu.memory_space<hbm>>)
      tpu.yield
    }) : () -> ()
    %eq3A_92 = arith.constant 15 : i32
    %eq3A_93 = arith.cmpi eq, %arg1, %eq3A_92 : i32
    %convert_element_type3A_94 = arith.extui %eq3A_93 : i1 to i32
    %cond3A_95 = arith.constant 0 : i32
    %cond3A_96 = arith.cmpi ne, %convert_element_type3A_94, %cond3A_95 : i32
    scf.if %cond3A_96 {
      %mul3A_97 = arith.constant 10000 : i32
      %mul3A_98 = arith.muli %arg0, %mul3A_97 : i32
      %add3A_99 = arith.constant 9984 : i32
      %add3A_100 = arith.addi %mul3A_98, %add3A_99 : i32
      "tpu.region"() ({
        %run_scoped3A = tpu.sem_alloc : memref<!tpu.dma_semaphore, #tpu.memory_space<semaphore_mem>>
        %dma_start3A_101 = arith.constant 0 : i32
        %dma_start3A_102 = tpu.memref_slice %arg4[%add3A_100, %dma_start3A_101] : memref<20000x32xf32, #tpu.memory_space<hbm>> -> memref<16x32xf32, #tpu.memory_space<hbm>>
        %dma_start3A_103 = arith.constant 9984 : i32
        %dma_start3A_104 = arith.constant 0 : i32
        %dma_start3A_105 = tpu.memref_slice %arg12[%dma_start3A_103, %dma_start3A_104] : memref<10000x32xf32, #tpu.memory_space<vmem_shared>> -> memref<16x32xf32, #tpu.memory_space<vmem_shared>>
        tpu.enqueue_dma source(%dma_start3A_105 : memref<16x32xf32, #tpu.memory_space<vmem_shared>>) target(%dma_start3A_102 : memref<16x32xf32, #tpu.memory_space<hbm>>) target_semaphore(%run_scoped3A : memref<!tpu.dma_semaphore, #tpu.memory_space<semaphore_mem>>)
        %dma_wait3A_106 = arith.constant 0 : i32
        %dma_wait3A_107 = tpu.memref_slice %arg4[%add3A_100, %dma_wait3A_106] : memref<20000x32xf32, #tpu.memory_space<hbm>> -> memref<16x32xf32, #tpu.memory_space<hbm>>
        %dma_wait3A_108 = arith.constant 9984 : i32
        %dma_wait3A_109 = arith.constant 0 : i32
        %dma_wait3A_110 = tpu.memref_slice %arg12[%dma_wait3A_108, %dma_wait3A_109] : memref<10000x32xf32, #tpu.memory_space<vmem_shared>> -> memref<16x32xf32, #tpu.memory_space<vmem_shared>>
        tpu.wait_dma2 semaphore(%run_scoped3A : memref<!tpu.dma_semaphore, #tpu.memory_space<semaphore_mem>>) src(%dma_wait3A_110 : memref<16x32xf32, #tpu.memory_space<vmem_shared>>) dst(%dma_wait3A_107 : memref<16x32xf32, #tpu.memory_space<hbm>>)
        tpu.yield
      }) : () -> ()
    } else {
    }
    return
  }
}

module attributes {stable_mosaic.version = 14 : i64} {
  func.func @_tc_node1_body(%arg0: i32, %arg1: memref<2000x128xf32, #tpu.memory_space<vmem>>, %arg2: memref<2000x1xf32, #tpu.memory_space<vmem>>, %arg3: memref<32x128xf32, #tpu.memory_space<vmem>>, %arg4: memref<1x32xf32, #tpu.memory_space<vmem>>, %arg5: memref<1x32xf32, #tpu.memory_space<vmem>>, %arg6: memref<2000x32xf32, #tpu.memory_space<vmem>>) attributes {dimension_semantics = [#tpu.dimension_semantics<arbitrary>], iteration_bounds = array<i64: 5>, scalar_prefetch = 0 : i64, scratch_operands = 0 : i64, tpu.core_type = #tpu.core_type<tc>, window_params = [{transform_indices = @transform_0, window_bounds = array<i64: 2000, 128>}, {transform_indices = @transform_1, window_bounds = array<i64: 2000, 1>}, {pipeline_mode = #tpu.pipeline_mode<synchronous>, transform_indices = @transform_2, window_bounds = array<i64: 32, 128>}, {pipeline_mode = #tpu.pipeline_mode<synchronous>, transform_indices = @transform_3, window_bounds = array<i64: 1, 32>}, {pipeline_mode = #tpu.pipeline_mode<synchronous>, transform_indices = @transform_4, window_bounds = array<i64: 1, 32>}, {transform_indices = @transform_5, window_bounds = array<i64: 2000, 32>}]} {
    %get3A = arith.constant 0 : index
    %get3A_0 = arith.constant 0 : index
    %get3A_1 = vector.load %arg1[%get3A, %get3A_0] : memref<2000x128xf32, #tpu.memory_space<vmem>>, vector<2000x128xf32>
    %get3A_2 = arith.constant 0 : index
    %get3A_3 = arith.constant 0 : index
    %get3A_4 = vector.load %arg2[%get3A_2, %get3A_3] : memref<2000x1xf32, #tpu.memory_space<vmem>>, vector<2000x1xf32>
    %mul3A = vector.broadcast %get3A_4 : vector<2000x1xf32> to vector<2000x128xf32>
    %mul3A_5 = arith.mulf %get3A_1, %mul3A : vector<2000x128xf32>
    %get3A_6 = arith.constant 0 : index
    %get3A_7 = arith.constant 0 : index
    %get3A_8 = vector.load %arg3[%get3A_6, %get3A_7] : memref<32x128xf32, #tpu.memory_space<vmem>>, vector<32x128xf32>
    %dot_general3A = arith.constant dense<0.000000e+00> : vector<2000x32xf32>
    %dot_general3A_9 = tpu.matmul %mul3A_5, %get3A_8, %dot_general3A {dimension_numbers = #tpu.dot_dimension_numbers<[1], [1], [0], [0], [0, 0, 1, 0], [], []>, transpose_lhs_hint = false} : vector<2000x128xf32>, vector<32x128xf32>, vector<2000x32xf32> -> vector<2000x32xf32>
    %get3A_10 = arith.constant 0 : index
    %get3A_11 = arith.constant 0 : index
    %get3A_12 = vector.load %arg4[%get3A_10, %get3A_11] : memref<1x32xf32, #tpu.memory_space<vmem>>, vector<1x32xf32>
    %add3A = vector.broadcast %get3A_12 : vector<1x32xf32> to vector<2000x32xf32>
    %add3A_13 = arith.addf %dot_general3A_9, %add3A : vector<2000x32xf32>
    %get3A_14 = arith.constant 0 : index
    %get3A_15 = arith.constant 0 : index
    %get3A_16 = vector.load %arg5[%get3A_14, %get3A_15] : memref<1x32xf32, #tpu.memory_space<vmem>>, vector<1x32xf32>
    %add3A_17 = vector.broadcast %get3A_16 : vector<1x32xf32> to vector<2000x32xf32>
    %add3A_18 = arith.addf %add3A_13, %add3A_17 : vector<2000x32xf32>
    %max3A = arith.constant 0.000000e+00 : f32
    %max3A_19 = vector.broadcast %max3A : f32 to vector<2000x32xf32>
    %max3A_20 = arith.maximumf %add3A_18, %max3A_19 : vector<2000x32xf32>
    %swap3A = arith.constant 0 : index
    %swap3A_21 = arith.constant 0 : index
    %swap3A_22 = vector.load %arg6[%swap3A, %swap3A_21] : memref<2000x32xf32, #tpu.memory_space<vmem>>, vector<2000x32xf32>
    tpu.vector_store %arg6[%swap3A, %swap3A_21], %max3A_20 {strides = array<i32>} : memref<2000x32xf32, #tpu.memory_space<vmem>>, vector<2000x32xf32>,
    return
  }
  func.func @transform_0(%arg0: i32) -> (i32, i32) {
    %c0_i32 = arith.constant 0 : i32
    %c0_i32_0 = arith.constant 0 : i32
    return %arg0, %c0_i32 : i32, i32
  }
  func.func @transform_1(%arg0: i32) -> (i32, i32) {
    %c0_i32 = arith.constant 0 : i32
    %c0_i32_0 = arith.constant 0 : i32
    return %arg0, %c0_i32 : i32, i32
  }
  func.func @transform_2(%arg0: i32) -> (i32, i32) {
    %c0_i32 = arith.constant 0 : i32
    %c0_i32_0 = arith.constant 0 : i32
    %c0_i32_1 = arith.constant 0 : i32
    return %c0_i32, %c0_i32_0 : i32, i32
  }
  func.func @transform_3(%arg0: i32) -> (i32, i32) {
    %c0_i32 = arith.constant 0 : i32
    %c0_i32_0 = arith.constant 0 : i32
    %c0_i32_1 = arith.constant 0 : i32
    return %c0_i32, %c0_i32_0 : i32, i32
  }
  func.func @transform_4(%arg0: i32) -> (i32, i32) {
    %c0_i32 = arith.constant 0 : i32
    %c0_i32_0 = arith.constant 0 : i32
    %c0_i32_1 = arith.constant 0 : i32
    return %c0_i32, %c0_i32_0 : i32, i32
  }
  func.func @transform_5(%arg0: i32) -> (i32, i32) {
    %c0_i32 = arith.constant 0 : i32
    %c0_i32_0 = arith.constant 0 : i32
    return %arg0, %c0_i32 : i32, i32
  }
}

module attributes {stable_mosaic.version = 14 : i64} {
  func.func @_tc_mm_body(%arg0: i32, %arg1: memref<3200x128xf32, #tpu.memory_space<vmem>>, %arg2: memref<32x128xf32, #tpu.memory_space<vmem>>, %arg3: memref<3200x32xf32, #tpu.memory_space<vmem>>) attributes {dimension_semantics = [#tpu.dimension_semantics<arbitrary>], iteration_bounds = array<i64: 100>, scalar_prefetch = 0 : i64, scratch_operands = 0 : i64, tpu.core_type = #tpu.core_type<tc>, window_params = [{transform_indices = @transform_0, window_bounds = array<i64: 3200, 128>}, {pipeline_mode = #tpu.pipeline_mode<synchronous>, transform_indices = @transform_1, window_bounds = array<i64: 32, 128>}, {transform_indices = @transform_2, window_bounds = array<i64: 3200, 32>}]} {
    %get3A = arith.constant 0 : index
    %get3A_0 = arith.constant 0 : index
    %get3A_1 = vector.load %arg1[%get3A, %get3A_0] : memref<3200x128xf32, #tpu.memory_space<vmem>>, vector<3200x128xf32>
    %get3A_2 = arith.constant 0 : index
    %get3A_3 = arith.constant 0 : index
    %get3A_4 = vector.load %arg2[%get3A_2, %get3A_3] : memref<32x128xf32, #tpu.memory_space<vmem>>, vector<32x128xf32>
    %dot_general3A = arith.constant dense<0.000000e+00> : vector<3200x32xf32>
    %dot_general3A_5 = tpu.matmul %get3A_1, %get3A_4, %dot_general3A {dimension_numbers = #tpu.dot_dimension_numbers<[1], [1], [0], [0], [0, 0, 1, 0], [], []>, transpose_lhs_hint = false} : vector<3200x128xf32>, vector<32x128xf32>, vector<3200x32xf32> -> vector<3200x32xf32>
    %swap3A = arith.constant 0 : index
    %swap3A_6 = arith.constant 0 : index
    %swap3A_7 = vector.load %arg3[%swap3A, %swap3A_6] : memref<3200x32xf32, #tpu.memory_space<vmem>>, vector<3200x32xf32>
    tpu.vector_store %arg3[%swap3A, %swap3A_6], %dot_general3A_5 {strides = array<i32>} : memref<3200x32xf32, #tpu.memory_space<vmem>>, vector<3200x32xf32>,
    return
  }
  func.func @transform_0(%arg0: i32) -> (i32, i32) {
    %c0_i32 = arith.constant 0 : i32
    %c0_i32_0 = arith.constant 0 : i32
    return %arg0, %c0_i32 : i32, i32
  }
  func.func @transform_1(%arg0: i32) -> (i32, i32) {
    %c0_i32 = arith.constant 0 : i32
    %c0_i32_0 = arith.constant 0 : i32
    %c0_i32_1 = arith.constant 0 : i32
    return %c0_i32, %c0_i32_0 : i32, i32
  }
  func.func @transform_2(%arg0: i32) -> (i32, i32) {
    %c0_i32 = arith.constant 0 : i32
    %c0_i32_0 = arith.constant 0 : i32
    return %arg0, %c0_i32 : i32, i32
  }
}

module attributes {stable_mosaic.version = 14 : i64} {
  func.func @body(%arg0: i32, %arg1: memref<3200x64xf32, #tpu.memory_space<vmem>>, %arg2: memref<3200x32xf32, #tpu.memory_space<vmem>>, %arg3: memref<32x64xf32, #tpu.memory_space<vmem>>, %arg4: memref<1x32xf32, #tpu.memory_space<vmem>>, %arg5: memref<1x32xf32, #tpu.memory_space<vmem>>, %arg6: memref<32x32xf32, #tpu.memory_space<vmem>>, %arg7: memref<3200x32xf32, #tpu.memory_space<vmem>>, %arg8: memref<3200x32xf32, #tpu.memory_space<vmem>>) attributes {dimension_semantics = [#tpu.dimension_semantics<arbitrary>], iteration_bounds = array<i64: 100>, scalar_prefetch = 0 : i64, scratch_operands = 0 : i64, tpu.core_type = #tpu.core_type<tc>, window_params = [{transform_indices = @transform_0, window_bounds = array<i64: 3200, 64>}, {transform_indices = @transform_1, window_bounds = array<i64: 3200, 32>}, {pipeline_mode = #tpu.pipeline_mode<synchronous>, transform_indices = @transform_2, window_bounds = array<i64: 32, 64>}, {pipeline_mode = #tpu.pipeline_mode<synchronous>, transform_indices = @transform_3, window_bounds = array<i64: 1, 32>}, {pipeline_mode = #tpu.pipeline_mode<synchronous>, transform_indices = @transform_4, window_bounds = array<i64: 1, 32>}, {pipeline_mode = #tpu.pipeline_mode<synchronous>, transform_indices = @transform_5, window_bounds = array<i64: 32, 32>}, {transform_indices = @transform_6, window_bounds = array<i64: 3200, 32>}, {transform_indices = @transform_7, window_bounds = array<i64: 3200, 32>}]} {
    %get3A = arith.constant 0 : index
    %get3A_0 = arith.constant 0 : index
    %get3A_1 = vector.load %arg1[%get3A, %get3A_0] : memref<3200x64xf32, #tpu.memory_space<vmem>>, vector<3200x64xf32>
    %get3A_2 = arith.constant 0 : index
    %get3A_3 = arith.constant 0 : index
    %get3A_4 = vector.load %arg3[%get3A_2, %get3A_3] : memref<32x64xf32, #tpu.memory_space<vmem>>, vector<32x64xf32>
    %dot_general3A = arith.constant dense<0.000000e+00> : vector<3200x32xf32>
    %dot_general3A_5 = tpu.matmul %get3A_1, %get3A_4, %dot_general3A {dimension_numbers = #tpu.dot_dimension_numbers<[1], [1], [0], [0], [0, 0, 1, 0], [], []>, transpose_lhs_hint = false} : vector<3200x64xf32>, vector<32x64xf32>, vector<3200x32xf32> -> vector<3200x32xf32>
    %get3A_6 = arith.constant 0 : index
    %get3A_7 = arith.constant 0 : index
    %get3A_8 = vector.load %arg4[%get3A_6, %get3A_7] : memref<1x32xf32, #tpu.memory_space<vmem>>, vector<1x32xf32>
    %add3A = vector.broadcast %get3A_8 : vector<1x32xf32> to vector<3200x32xf32>
    %add3A_9 = arith.addf %dot_general3A_5, %add3A : vector<3200x32xf32>
    %get3A_10 = arith.constant 0 : index
    %get3A_11 = arith.constant 0 : index
    %get3A_12 = vector.load %arg2[%get3A_10, %get3A_11] : memref<3200x32xf32, #tpu.memory_space<vmem>>, vector<3200x32xf32>
    %get3A_13 = arith.constant 0 : index
    %get3A_14 = arith.constant 0 : index
    %get3A_15 = vector.load %arg5[%get3A_13, %get3A_14] : memref<1x32xf32, #tpu.memory_space<vmem>>, vector<1x32xf32>
    %add3A_16 = vector.broadcast %get3A_15 : vector<1x32xf32> to vector<3200x32xf32>
    %add3A_17 = arith.addf %get3A_12, %add3A_16 : vector<3200x32xf32>
    %add3A_18 = arith.addf %add3A_9, %add3A_17 : vector<3200x32xf32>
    %max3A = arith.constant 0.000000e+00 : f32
    %max3A_19 = vector.broadcast %max3A : f32 to vector<3200x32xf32>
    %max3A_20 = arith.maximumf %add3A_18, %max3A_19 : vector<3200x32xf32>
    %swap3A = arith.constant 0 : index
    %swap3A_21 = arith.constant 0 : index
    %swap3A_22 = vector.load %arg7[%swap3A, %swap3A_21] : memref<3200x32xf32, #tpu.memory_space<vmem>>, vector<3200x32xf32>
    tpu.vector_store %arg7[%swap3A, %swap3A_21], %max3A_20 {strides = array<i32>} : memref<3200x32xf32, #tpu.memory_space<vmem>>, vector<3200x32xf32>,
    %get3A_23 = arith.constant 0 : index
    %get3A_24 = arith.constant 0 : index
    %get3A_25 = vector.load %arg6[%get3A_23, %get3A_24] : memref<32x32xf32, #tpu.memory_space<vmem>>, vector<32x32xf32>
    %dot_general3A_26 = arith.constant dense<0.000000e+00> : vector<3200x32xf32>
    %dot_general3A_27 = tpu.matmul %max3A_20, %get3A_25, %dot_general3A_26 {dimension_numbers = #tpu.dot_dimension_numbers<[1], [1], [0], [0], [0, 0, 1, 0], [], []>, transpose_lhs_hint = false} : vector<3200x32xf32>, vector<32x32xf32>, vector<3200x32xf32> -> vector<3200x32xf32>
    %swap3A_28 = arith.constant 0 : index
    %swap3A_29 = arith.constant 0 : index
    %swap3A_30 = vector.load %arg8[%swap3A_28, %swap3A_29] : memref<3200x32xf32, #tpu.memory_space<vmem>>, vector<3200x32xf32>
    tpu.vector_store %arg8[%swap3A_28, %swap3A_29], %dot_general3A_27 {strides = array<i32>} : memref<3200x32xf32, #tpu.memory_space<vmem>>, vector<3200x32xf32>,
    return
  }
  func.func @transform_0(%arg0: i32) -> (i32, i32) {
    %c0_i32 = arith.constant 0 : i32
    %c0_i32_0 = arith.constant 0 : i32
    return %arg0, %c0_i32 : i32, i32
  }
  func.func @transform_1(%arg0: i32) -> (i32, i32) {
    %c0_i32 = arith.constant 0 : i32
    %c0_i32_0 = arith.constant 0 : i32
    return %arg0, %c0_i32 : i32, i32
  }
  func.func @transform_2(%arg0: i32) -> (i32, i32) {
    %c0_i32 = arith.constant 0 : i32
    %c0_i32_0 = arith.constant 0 : i32
    %c0_i32_1 = arith.constant 0 : i32
    return %c0_i32, %c0_i32_0 : i32, i32
  }
  func.func @transform_3(%arg0: i32) -> (i32, i32) {
    %c0_i32 = arith.constant 0 : i32
    %c0_i32_0 = arith.constant 0 : i32
    %c0_i32_1 = arith.constant 0 : i32
    return %c0_i32, %c0_i32_0 : i32, i32
  }
  func.func @transform_4(%arg0: i32) -> (i32, i32) {
    %c0_i32 = arith.constant 0 : i32
    %c0_i32_0 = arith.constant 0 : i32
    %c0_i32_1 = arith.constant 0 : i32
    return %c0_i32, %c0_i32_0 : i32, i32
  }
  func.func @transform_5(%arg0: i32) -> (i32, i32) {
    %c0_i32 = arith.constant 0 : i32
    %c0_i32_0 = arith.constant 0 : i32
    %c0_i32_1 = arith.constant 0 : i32
    return %c0_i32, %c0_i32_0 : i32, i32
  }
  func.func @transform_6(%arg0: i32) -> (i32, i32) {
    %c0_i32 = arith.constant 0 : i32
    %c0_i32_0 = arith.constant 0 : i32
    return %arg0, %c0_i32 : i32, i32
  }
  func.func @transform_7(%arg0: i32) -> (i32, i32) {
    %c0_i32 = arith.constant 0 : i32
    %c0_i32_0 = arith.constant 0 : i32
    return %arg0, %c0_i32 : i32, i32
  }
}

module attributes {stable_mosaic.version = 14 : i64} {
  func.func @_tc_node2_body(%arg0: i32, %arg1: memref<2x2000x32xf32, #tpu.memory_space<vmem>>, %arg2: memref<2000x1xf32, #tpu.memory_space<vmem>>, %arg3: memref<2000x32xf32, #tpu.memory_space<vmem>>, %arg4: memref<32x32xf32, #tpu.memory_space<vmem>>, %arg5: memref<1x32xf32, #tpu.memory_space<vmem>>, %arg6: memref<32x32xf32, #tpu.memory_space<vmem>>, %arg7: memref<1x32xf32, #tpu.memory_space<vmem>>, %arg8: memref<2000x32xf32, #tpu.memory_space<vmem>>) attributes {dimension_semantics = [#tpu.dimension_semantics<arbitrary>], iteration_bounds = array<i64: 5>, scalar_prefetch = 0 : i64, scratch_operands = 0 : i64, tpu.core_type = #tpu.core_type<tc>, window_params = [{transform_indices = @transform_0, window_bounds = array<i64: 2, 2000, 32>}, {transform_indices = @transform_1, window_bounds = array<i64: 2000, 1>}, {transform_indices = @transform_2, window_bounds = array<i64: 2000, 32>}, {pipeline_mode = #tpu.pipeline_mode<synchronous>, transform_indices = @transform_3, window_bounds = array<i64: 32, 32>}, {pipeline_mode = #tpu.pipeline_mode<synchronous>, transform_indices = @transform_4, window_bounds = array<i64: 1, 32>}, {pipeline_mode = #tpu.pipeline_mode<synchronous>, transform_indices = @transform_5, window_bounds = array<i64: 32, 32>}, {pipeline_mode = #tpu.pipeline_mode<synchronous>, transform_indices = @transform_6, window_bounds = array<i64: 1, 32>}, {transform_indices = @transform_7, window_bounds = array<i64: 2000, 32>}]} {
    %get3A = arith.constant 0 : index
    %get3A_0 = arith.constant 0 : index
    %get3A_1 = arith.constant 0 : index
    %get3A_2 = vector.load %arg1[%get3A, %get3A_0, %get3A_1] : memref<2x2000x32xf32, #tpu.memory_space<vmem>>, vector<1x2000x32xf32>
    %get3A_3 = vector.shape_cast %get3A_2 : vector<1x2000x32xf32> to vector<2000x32xf32>
    %get3A_4 = arith.constant 1 : index
    %get3A_5 = arith.constant 0 : index
    %get3A_6 = arith.constant 0 : index
    %get3A_7 = vector.load %arg1[%get3A_4, %get3A_5, %get3A_6] : memref<2x2000x32xf32, #tpu.memory_space<vmem>>, vector<1x2000x32xf32>
    %get3A_8 = vector.shape_cast %get3A_7 : vector<1x2000x32xf32> to vector<2000x32xf32>
    %add3A = arith.addf %get3A_3, %get3A_8 : vector<2000x32xf32>
    %get3A_9 = arith.constant 0 : index
    %get3A_10 = arith.constant 0 : index
    %get3A_11 = vector.load %arg2[%get3A_9, %get3A_10] : memref<2000x1xf32, #tpu.memory_space<vmem>>, vector<2000x1xf32>
    %mul3A = vector.broadcast %get3A_11 : vector<2000x1xf32> to vector<2000x32xf32>
    %mul3A_12 = arith.mulf %add3A, %mul3A : vector<2000x32xf32>
    %get3A_13 = arith.constant 0 : index
    %get3A_14 = arith.constant 0 : index
    %get3A_15 = vector.load %arg4[%get3A_13, %get3A_14] : memref<32x32xf32, #tpu.memory_space<vmem>>, vector<32x32xf32>
    %dot_general3A = arith.constant dense<0.000000e+00> : vector<2000x32xf32>
    %dot_general3A_16 = tpu.matmul %mul3A_12, %get3A_15, %dot_general3A {dimension_numbers = #tpu.dot_dimension_numbers<[1], [1], [0], [0], [0, 0, 1, 0], [], []>, transpose_lhs_hint = false} : vector<2000x32xf32>, vector<32x32xf32>, vector<2000x32xf32> -> vector<2000x32xf32>
    %get3A_17 = arith.constant 0 : index
    %get3A_18 = arith.constant 0 : index
    %get3A_19 = vector.load %arg5[%get3A_17, %get3A_18] : memref<1x32xf32, #tpu.memory_space<vmem>>, vector<1x32xf32>
    %add3A_20 = vector.broadcast %get3A_19 : vector<1x32xf32> to vector<2000x32xf32>
    %add3A_21 = arith.addf %dot_general3A_16, %add3A_20 : vector<2000x32xf32>
    %get3A_22 = arith.constant 0 : index
    %get3A_23 = arith.constant 0 : index
    %get3A_24 = vector.load %arg3[%get3A_22, %get3A_23] : memref<2000x32xf32, #tpu.memory_space<vmem>>, vector<2000x32xf32>
    %get3A_25 = arith.constant 0 : index
    %get3A_26 = arith.constant 0 : index
    %get3A_27 = vector.load %arg6[%get3A_25, %get3A_26] : memref<32x32xf32, #tpu.memory_space<vmem>>, vector<32x32xf32>
    %dot_general3A_28 = arith.constant dense<0.000000e+00> : vector<2000x32xf32>
    %dot_general3A_29 = tpu.matmul %get3A_24, %get3A_27, %dot_general3A_28 {dimension_numbers = #tpu.dot_dimension_numbers<[1], [1], [0], [0], [0, 0, 1, 0], [], []>, transpose_lhs_hint = false} : vector<2000x32xf32>, vector<32x32xf32>, vector<2000x32xf32> -> vector<2000x32xf32>
    %get3A_30 = arith.constant 0 : index
    %get3A_31 = arith.constant 0 : index
    %get3A_32 = vector.load %arg7[%get3A_30, %get3A_31] : memref<1x32xf32, #tpu.memory_space<vmem>>, vector<1x32xf32>
    %add3A_33 = vector.broadcast %get3A_32 : vector<1x32xf32> to vector<2000x32xf32>
    %add3A_34 = arith.addf %dot_general3A_29, %add3A_33 : vector<2000x32xf32>
    %add3A_35 = arith.addf %add3A_21, %add3A_34 : vector<2000x32xf32>
    %max3A = arith.constant 0.000000e+00 : f32
    %max3A_36 = vector.broadcast %max3A : f32 to vector<2000x32xf32>
    %max3A_37 = arith.maximumf %add3A_35, %max3A_36 : vector<2000x32xf32>
    %swap3A = arith.constant 0 : index
    %swap3A_38 = arith.constant 0 : index
    %swap3A_39 = vector.load %arg8[%swap3A, %swap3A_38] : memref<2000x32xf32, #tpu.memory_space<vmem>>, vector<2000x32xf32>
    tpu.vector_store %arg8[%swap3A, %swap3A_38], %max3A_37 {strides = array<i32>} : memref<2000x32xf32, #tpu.memory_space<vmem>>, vector<2000x32xf32>,
    return
  }
  func.func @transform_0(%arg0: i32) -> (i32, i32, i32) {
    %c0_i32 = arith.constant 0 : i32
    %c0_i32_0 = arith.constant 0 : i32
    %c0_i32_1 = arith.constant 0 : i32
    return %c0_i32, %arg0, %c0_i32_0 : i32, i32, i32
  }
  func.func @transform_1(%arg0: i32) -> (i32, i32) {
    %c0_i32 = arith.constant 0 : i32
    %c0_i32_0 = arith.constant 0 : i32
    return %arg0, %c0_i32 : i32, i32
  }
  func.func @transform_2(%arg0: i32) -> (i32, i32) {
    %c0_i32 = arith.constant 0 : i32
    %c0_i32_0 = arith.constant 0 : i32
    return %arg0, %c0_i32 : i32, i32
  }
  func.func @transform_3(%arg0: i32) -> (i32, i32) {
    %c0_i32 = arith.constant 0 : i32
    %c0_i32_0 = arith.constant 0 : i32
    %c0_i32_1 = arith.constant 0 : i32
    return %c0_i32, %c0_i32_0 : i32, i32
  }
  func.func @transform_4(%arg0: i32) -> (i32, i32) {
    %c0_i32 = arith.constant 0 : i32
    %c0_i32_0 = arith.constant 0 : i32
    %c0_i32_1 = arith.constant 0 : i32
    return %c0_i32, %c0_i32_0 : i32, i32
  }
  func.func @transform_5(%arg0: i32) -> (i32, i32) {
    %c0_i32 = arith.constant 0 : i32
    %c0_i32_0 = arith.constant 0 : i32
    %c0_i32_1 = arith.constant 0 : i32
    return %c0_i32, %c0_i32_0 : i32, i32
  }
  func.func @transform_6(%arg0: i32) -> (i32, i32) {
    %c0_i32 = arith.constant 0 : i32
    %c0_i32_0 = arith.constant 0 : i32
    %c0_i32_1 = arith.constant 0 : i32
    return %c0_i32, %c0_i32_0 : i32, i32
  }
  func.func @transform_7(%arg0: i32) -> (i32, i32) {
    %c0_i32 = arith.constant 0 : i32
    %c0_i32_0 = arith.constant 0 : i32
    return %arg0, %c0_i32 : i32, i32
  }
}

module attributes {stable_mosaic.version = 14 : i64} {
  func.func @body(%arg0: i32, %arg1: memref<3200x64xf32, #tpu.memory_space<vmem>>, %arg2: memref<3200x32xf32, #tpu.memory_space<vmem>>, %arg3: memref<32x64xf32, #tpu.memory_space<vmem>>, %arg4: memref<1x32xf32, #tpu.memory_space<vmem>>, %arg5: memref<1x32xf32, #tpu.memory_space<vmem>>, %arg6: memref<32x32xf32, #tpu.memory_space<vmem>>, %arg7: memref<3200x32xf32, #tpu.memory_space<vmem>>) attributes {dimension_semantics = [#tpu.dimension_semantics<arbitrary>], iteration_bounds = array<i64: 100>, scalar_prefetch = 0 : i64, scratch_operands = 0 : i64, tpu.core_type = #tpu.core_type<tc>, window_params = [{transform_indices = @transform_0, window_bounds = array<i64: 3200, 64>}, {transform_indices = @transform_1, window_bounds = array<i64: 3200, 32>}, {pipeline_mode = #tpu.pipeline_mode<synchronous>, transform_indices = @transform_2, window_bounds = array<i64: 32, 64>}, {pipeline_mode = #tpu.pipeline_mode<synchronous>, transform_indices = @transform_3, window_bounds = array<i64: 1, 32>}, {pipeline_mode = #tpu.pipeline_mode<synchronous>, transform_indices = @transform_4, window_bounds = array<i64: 1, 32>}, {pipeline_mode = #tpu.pipeline_mode<synchronous>, transform_indices = @transform_5, window_bounds = array<i64: 32, 32>}, {transform_indices = @transform_6, window_bounds = array<i64: 3200, 32>}]} {
    %get3A = arith.constant 0 : index
    %get3A_0 = arith.constant 0 : index
    %get3A_1 = vector.load %arg1[%get3A, %get3A_0] : memref<3200x64xf32, #tpu.memory_space<vmem>>, vector<3200x64xf32>
    %get3A_2 = arith.constant 0 : index
    %get3A_3 = arith.constant 0 : index
    %get3A_4 = vector.load %arg3[%get3A_2, %get3A_3] : memref<32x64xf32, #tpu.memory_space<vmem>>, vector<32x64xf32>
    %dot_general3A = arith.constant dense<0.000000e+00> : vector<3200x32xf32>
    %dot_general3A_5 = tpu.matmul %get3A_1, %get3A_4, %dot_general3A {dimension_numbers = #tpu.dot_dimension_numbers<[1], [1], [0], [0], [0, 0, 1, 0], [], []>, transpose_lhs_hint = false} : vector<3200x64xf32>, vector<32x64xf32>, vector<3200x32xf32> -> vector<3200x32xf32>
    %get3A_6 = arith.constant 0 : index
    %get3A_7 = arith.constant 0 : index
    %get3A_8 = vector.load %arg4[%get3A_6, %get3A_7] : memref<1x32xf32, #tpu.memory_space<vmem>>, vector<1x32xf32>
    %add3A = vector.broadcast %get3A_8 : vector<1x32xf32> to vector<3200x32xf32>
    %add3A_9 = arith.addf %dot_general3A_5, %add3A : vector<3200x32xf32>
    %get3A_10 = arith.constant 0 : index
    %get3A_11 = arith.constant 0 : index
    %get3A_12 = vector.load %arg2[%get3A_10, %get3A_11] : memref<3200x32xf32, #tpu.memory_space<vmem>>, vector<3200x32xf32>
    %get3A_13 = arith.constant 0 : index
    %get3A_14 = arith.constant 0 : index
    %get3A_15 = vector.load %arg5[%get3A_13, %get3A_14] : memref<1x32xf32, #tpu.memory_space<vmem>>, vector<1x32xf32>
    %add3A_16 = vector.broadcast %get3A_15 : vector<1x32xf32> to vector<3200x32xf32>
    %add3A_17 = arith.addf %get3A_12, %add3A_16 : vector<3200x32xf32>
    %add3A_18 = arith.addf %add3A_9, %add3A_17 : vector<3200x32xf32>
    %max3A = arith.constant 0.000000e+00 : f32
    %max3A_19 = vector.broadcast %max3A : f32 to vector<3200x32xf32>
    %max3A_20 = arith.maximumf %add3A_18, %max3A_19 : vector<3200x32xf32>
    %swap3A = arith.constant 0 : index
    %swap3A_21 = arith.constant 0 : index
    %swap3A_22 = vector.load %arg7[%swap3A, %swap3A_21] : memref<3200x32xf32, #tpu.memory_space<vmem>>, vector<3200x32xf32>
    tpu.vector_store %arg7[%swap3A, %swap3A_21], %max3A_20 {strides = array<i32>} : memref<3200x32xf32, #tpu.memory_space<vmem>>, vector<3200x32xf32>,
    return
  }
  func.func @transform_0(%arg0: i32) -> (i32, i32) {
    %c0_i32 = arith.constant 0 : i32
    %c0_i32_0 = arith.constant 0 : i32
    return %arg0, %c0_i32 : i32, i32
  }
  func.func @transform_1(%arg0: i32) -> (i32, i32) {
    %c0_i32 = arith.constant 0 : i32
    %c0_i32_0 = arith.constant 0 : i32
    return %arg0, %c0_i32 : i32, i32
  }
  func.func @transform_2(%arg0: i32) -> (i32, i32) {
    %c0_i32 = arith.constant 0 : i32
    %c0_i32_0 = arith.constant 0 : i32
    %c0_i32_1 = arith.constant 0 : i32
    return %c0_i32, %c0_i32_0 : i32, i32
  }
  func.func @transform_3(%arg0: i32) -> (i32, i32) {
    %c0_i32 = arith.constant 0 : i32
    %c0_i32_0 = arith.constant 0 : i32
    %c0_i32_1 = arith.constant 0 : i32
    return %c0_i32, %c0_i32_0 : i32, i32
  }
  func.func @transform_4(%arg0: i32) -> (i32, i32) {
    %c0_i32 = arith.constant 0 : i32
    %c0_i32_0 = arith.constant 0 : i32
    %c0_i32_1 = arith.constant 0 : i32
    return %c0_i32, %c0_i32_0 : i32, i32
  }
  func.func @transform_5(%arg0: i32) -> (i32, i32) {
    %c0_i32 = arith.constant 0 : i32
    %c0_i32_0 = arith.constant 0 : i32
    %c0_i32_1 = arith.constant 0 : i32
    return %c0_i32, %c0_i32_0 : i32, i32
  }
  func.func @transform_6(%arg0: i32) -> (i32, i32) {
    %c0_i32 = arith.constant 0 : i32
    %c0_i32_0 = arith.constant 0 : i32
    return %arg0, %c0_i32 : i32, i32
  }
}

module attributes {stable_mosaic.version = 14 : i64} {
  func.func @_tc_node3_body(%arg0: i32, %arg1: memref<2x2000x32xf32, #tpu.memory_space<vmem>>, %arg2: memref<2000x1xf32, #tpu.memory_space<vmem>>, %arg3: memref<2000x32xf32, #tpu.memory_space<vmem>>, %arg4: memref<30x32xf32, #tpu.memory_space<vmem>>, %arg5: memref<1x30xf32, #tpu.memory_space<vmem>>, %arg6: memref<30x32xf32, #tpu.memory_space<vmem>>, %arg7: memref<1x30xf32, #tpu.memory_space<vmem>>, %arg8: memref<2000x30xf32, #tpu.memory_space<vmem>>) attributes {dimension_semantics = [#tpu.dimension_semantics<arbitrary>], iteration_bounds = array<i64: 5>, scalar_prefetch = 0 : i64, scratch_operands = 0 : i64, tpu.core_type = #tpu.core_type<tc>, window_params = [{transform_indices = @transform_0, window_bounds = array<i64: 2, 2000, 32>}, {transform_indices = @transform_1, window_bounds = array<i64: 2000, 1>}, {transform_indices = @transform_2, window_bounds = array<i64: 2000, 32>}, {pipeline_mode = #tpu.pipeline_mode<synchronous>, transform_indices = @transform_3, window_bounds = array<i64: 30, 32>}, {pipeline_mode = #tpu.pipeline_mode<synchronous>, transform_indices = @transform_4, window_bounds = array<i64: 1, 30>}, {pipeline_mode = #tpu.pipeline_mode<synchronous>, transform_indices = @transform_5, window_bounds = array<i64: 30, 32>}, {pipeline_mode = #tpu.pipeline_mode<synchronous>, transform_indices = @transform_6, window_bounds = array<i64: 1, 30>}, {transform_indices = @transform_7, window_bounds = array<i64: 2000, 30>}]} {
    %get3A = arith.constant 0 : index
    %get3A_0 = arith.constant 0 : index
    %get3A_1 = arith.constant 0 : index
    %get3A_2 = vector.load %arg1[%get3A, %get3A_0, %get3A_1] : memref<2x2000x32xf32, #tpu.memory_space<vmem>>, vector<1x2000x32xf32>
    %get3A_3 = vector.shape_cast %get3A_2 : vector<1x2000x32xf32> to vector<2000x32xf32>
    %get3A_4 = arith.constant 1 : index
    %get3A_5 = arith.constant 0 : index
    %get3A_6 = arith.constant 0 : index
    %get3A_7 = vector.load %arg1[%get3A_4, %get3A_5, %get3A_6] : memref<2x2000x32xf32, #tpu.memory_space<vmem>>, vector<1x2000x32xf32>
    %get3A_8 = vector.shape_cast %get3A_7 : vector<1x2000x32xf32> to vector<2000x32xf32>
    %add3A = arith.addf %get3A_3, %get3A_8 : vector<2000x32xf32>
    %get3A_9 = arith.constant 0 : index
    %get3A_10 = arith.constant 0 : index
    %get3A_11 = vector.load %arg2[%get3A_9, %get3A_10] : memref<2000x1xf32, #tpu.memory_space<vmem>>, vector<2000x1xf32>
    %mul3A = vector.broadcast %get3A_11 : vector<2000x1xf32> to vector<2000x32xf32>
    %mul3A_12 = arith.mulf %add3A, %mul3A : vector<2000x32xf32>
    %get3A_13 = arith.constant 0 : index
    %get3A_14 = arith.constant 0 : index
    %get3A_15 = vector.load %arg4[%get3A_13, %get3A_14] : memref<30x32xf32, #tpu.memory_space<vmem>>, vector<30x32xf32>
    %dot_general3A = arith.constant dense<0.000000e+00> : vector<2000x30xf32>
    %dot_general3A_16 = tpu.matmul %mul3A_12, %get3A_15, %dot_general3A {dimension_numbers = #tpu.dot_dimension_numbers<[1], [1], [0], [0], [0, 0, 1, 0], [], []>, transpose_lhs_hint = false} : vector<2000x32xf32>, vector<30x32xf32>, vector<2000x30xf32> -> vector<2000x30xf32>
    %get3A_17 = arith.constant 0 : index
    %get3A_18 = arith.constant 0 : index
    %get3A_19 = vector.load %arg5[%get3A_17, %get3A_18] : memref<1x30xf32, #tpu.memory_space<vmem>>, vector<1x30xf32>
    %add3A_20 = vector.broadcast %get3A_19 : vector<1x30xf32> to vector<2000x30xf32>
    %add3A_21 = arith.addf %dot_general3A_16, %add3A_20 : vector<2000x30xf32>
    %get3A_22 = arith.constant 0 : index
    %get3A_23 = arith.constant 0 : index
    %get3A_24 = vector.load %arg3[%get3A_22, %get3A_23] : memref<2000x32xf32, #tpu.memory_space<vmem>>, vector<2000x32xf32>
    %get3A_25 = arith.constant 0 : index
    %get3A_26 = arith.constant 0 : index
    %get3A_27 = vector.load %arg6[%get3A_25, %get3A_26] : memref<30x32xf32, #tpu.memory_space<vmem>>, vector<30x32xf32>
    %dot_general3A_28 = arith.constant dense<0.000000e+00> : vector<2000x30xf32>
    %dot_general3A_29 = tpu.matmul %get3A_24, %get3A_27, %dot_general3A_28 {dimension_numbers = #tpu.dot_dimension_numbers<[1], [1], [0], [0], [0, 0, 1, 0], [], []>, transpose_lhs_hint = false} : vector<2000x32xf32>, vector<30x32xf32>, vector<2000x30xf32> -> vector<2000x30xf32>
    %get3A_30 = arith.constant 0 : index
    %get3A_31 = arith.constant 0 : index
    %get3A_32 = vector.load %arg7[%get3A_30, %get3A_31] : memref<1x30xf32, #tpu.memory_space<vmem>>, vector<1x30xf32>
    %add3A_33 = vector.broadcast %get3A_32 : vector<1x30xf32> to vector<2000x30xf32>
    %add3A_34 = arith.addf %dot_general3A_29, %add3A_33 : vector<2000x30xf32>
    %add3A_35 = arith.addf %add3A_21, %add3A_34 : vector<2000x30xf32>
    %reduce_max3A = arith.constant dense<0xFF800000> : vector<2000xf32>
    %reduce_max3A_36 = vector.multi_reduction <maximumf>, %add3A_35, %reduce_max3A [1] : vector<2000x30xf32> to vector<2000xf32>
    %broadcast_in_dim3A = vector.shape_cast %reduce_max3A_36 : vector<2000xf32> to vector<2000x1xf32>
    %sub3A = vector.broadcast %broadcast_in_dim3A : vector<2000x1xf32> to vector<2000x30xf32>
    %sub3A_37 = arith.subf %add3A_35, %sub3A : vector<2000x30xf32>
    %exp3A = math.exp %sub3A_37 : vector<2000x30xf32>
    %reduce_sum3A = arith.constant dense<0.000000e+00> : vector<2000xf32>
    %reduce_sum3A_38 = vector.multi_reduction <add>, %exp3A, %reduce_sum3A [1] : vector<2000x30xf32> to vector<2000xf32>
    %broadcast_in_dim3A_39 = vector.shape_cast %reduce_sum3A_38 : vector<2000xf32> to vector<2000x1xf32>
    %div3A = vector.broadcast %broadcast_in_dim3A_39 : vector<2000x1xf32> to vector<2000x30xf32>
    %div3A_40 = arith.divf %exp3A, %div3A : vector<2000x30xf32>
    %swap3A = arith.constant 0 : index
    %swap3A_41 = arith.constant 0 : index
    %swap3A_42 = vector.load %arg8[%swap3A, %swap3A_41] : memref<2000x30xf32, #tpu.memory_space<vmem>>, vector<2000x30xf32>
    tpu.vector_store %arg8[%swap3A, %swap3A_41], %div3A_40 {strides = array<i32>} : memref<2000x30xf32, #tpu.memory_space<vmem>>, vector<2000x30xf32>,
    return
  }
  func.func @transform_0(%arg0: i32) -> (i32, i32, i32) {
    %c0_i32 = arith.constant 0 : i32
    %c0_i32_0 = arith.constant 0 : i32
    %c0_i32_1 = arith.constant 0 : i32
    return %c0_i32, %arg0, %c0_i32_0 : i32, i32, i32
  }
  func.func @transform_1(%arg0: i32) -> (i32, i32) {
    %c0_i32 = arith.constant 0 : i32
    %c0_i32_0 = arith.constant 0 : i32
    return %arg0, %c0_i32 : i32, i32
  }
  func.func @transform_2(%arg0: i32) -> (i32, i32) {
    %c0_i32 = arith.constant 0 : i32
    %c0_i32_0 = arith.constant 0 : i32
    return %arg0, %c0_i32 : i32, i32
  }
  func.func @transform_3(%arg0: i32) -> (i32, i32) {
    %c0_i32 = arith.constant 0 : i32
    %c0_i32_0 = arith.constant 0 : i32
    %c0_i32_1 = arith.constant 0 : i32
    return %c0_i32, %c0_i32_0 : i32, i32
  }
  func.func @transform_4(%arg0: i32) -> (i32, i32) {
    %c0_i32 = arith.constant 0 : i32
    %c0_i32_0 = arith.constant 0 : i32
    %c0_i32_1 = arith.constant 0 : i32
    return %c0_i32, %c0_i32_0 : i32, i32
  }
  func.func @transform_5(%arg0: i32) -> (i32, i32) {
    %c0_i32 = arith.constant 0 : i32
    %c0_i32_0 = arith.constant 0 : i32
    %c0_i32_1 = arith.constant 0 : i32
    return %c0_i32, %c0_i32_0 : i32, i32
  }
  func.func @transform_6(%arg0: i32) -> (i32, i32) {
    %c0_i32 = arith.constant 0 : i32
    %c0_i32_0 = arith.constant 0 : i32
    %c0_i32_1 = arith.constant 0 : i32
    return %c0_i32, %c0_i32_0 : i32, i32
  }
  func.func @transform_7(%arg0: i32) -> (i32, i32) {
    %c0_i32 = arith.constant 0 : i32
    %c0_i32_0 = arith.constant 0 : i32
    return %arg0, %c0_i32 : i32, i32
  }
}

</mosaic_0001>

<sc_bundles>
// kernel: kernel.13.cloned.1.call-start
scs
__scs_entry_jumppad:
0x0: {  	(pc) =	sbr.rel $0x88, $3  }
0x1: {  	(tag) =	ssettag $0x0;
	lr =	simm.s32 $0x1  }
0x2: {  	[smem:$0x3F8B] =	sst lr;
	_ =	strace $0xD0000000  }
0x3: {  	_ = 	snop  }
0x4: {  	_ = 	snop  }
0x5: {  	_ = 	snop  }
0x6: {  	_ = 	snop  }
0x7: {  	_ = 	snop  }
__scs_overlays_trampoline_lowered:
0x8: {  	[smem:$0x3F9A] =	sst s0  }
0x9: {  	[smem:$0x3F9B] =	sst s1  }
0xa: {  	[smem:$0x3F9C] =	sst s2  }
0xb: {  	[smem:$0x3F9D] =	sst s3  }
0xc: {  	[smem:$0x3F9E] =	sst s4  }
0xd: {  	[smem:$0x3F9F] =	sst s5  }
0xe: {  	[smem:$0x3FA0] =	sst s6  }
0xf: {  	[smem:$0x3FA1] =	sst s7  }
0x10: {  	[smem:$0x3FA2] =	sst s8  }
0x11: {  	[smem:$0x3FA3] =	sst s9;
	s0 =	simm.s32 @!p0 $0x0  }
0x12: {  	s1 =	sld [smem:$0x3F89];
	s0 =	simm.s32 @p0 $0x1  }
0x13: {  	[smem:$0x3FA4] =	sst s0;
	s0 =	simm.s32 @!p1 $0x0  }
0x14: {  	s2 =	sld [smem:$0x3F88];
	s0 =	simm.s32 @p1 $0x1  }
0x15: {  	[smem:$0x3FA5] =	sst s0;
	s0 =	simm.s32 @!p2 $0x0  }
0x16: {  	s3 =	sld [smem:$0x3FDB];
	s0 =	simm.s32 @p2 $0x1  }
0x17: {  	s4 =	simm.s32 $0x1BF5;
	[smem:$0x3FA7] =	sst s0  }
0x18: {  	s0 =	sld [smem:$0x3F8A];
	_ =	swait.ge [sflag:s4], $0x0  }
0x19: {  	s7 =	sld [smem:$0x3F8B]  }
0x1a: {  	s8 =	sadd.s32 $0xFFFFE003, lr  }
0x1b: {  	s9 =	sadd.s32 $0xFFFFFEF7, lr;
	s5 =	simm.s32 $0xFFFFFFFF;
	p2 =	slt.u32 s8, $0xFFFFF086  }
0x1c: {  	p1 =	slt.u32 s9, $0xF7A;
	s5 =	simm.s32 @!p2 $0x0  }
0x1d: {  	s5 =	simm.s32 @p1 $0x1;
	p0 =	seq.s32 s7, s2  }
0x1e: {  	s7 =	smul.u32 @!p0 $0xF7A, s2;
	p2 =	seq.s32 @!p0 s5, $0x0  }
0x1f: {  	s9 =	smul.u32 $0xF7A, s1;
	s8 =	simm.s32 @!p0 $0x1BF5;
	p2 =	por !p2, p0  }
0x20: {  	[sflag:s8] =	ssyncset.s32 @!p0 $0xFFFFF086;
	s6 =	sadd.s32 @!p0 s3, s7;
	s7 =	simm.s32 @!p0 $0x108  }
0x21: {  	s3 =	sadd.s32 s3, s9;
	s6 =	sadd.s32 @!p0 $0x88, s6;
	s7 =	simm.s32 @p2 $0x1082  }
0x22: {  	[simem:s7], [sflag:s8] =	dma.local @!p0 [hbm:s6], $0xF7A  }
0x23: {  	s9 =	sor.u32 $0xD0000000, s2;
	s6 =	simm.s32 $0x108;
	_ =	swait.ge @!p0 [sflag:s8], $0x0  }
0x24: {  	s3 =	sadd.s32 $0x88, s3;
	s6 =	simm.s32 @!p1 $0x1082;
	[sflag:s4] =	ssyncset.s32 $0xFFFFF086  }
0x25: {  	[simem:s6], [sflag:s4] =	dma.local [hbm:s3], $0xF7A  }
0x26: {  	[smem:$0x3F8B] =	sst s1;
	(tag) =	ssettag s2;
	_ =	strace s9  }
0x27: {  	s1 =	sld [smem:$0x3F9B]  }
0x28: {  	s2 =	sld [smem:$0x3F9C]  }
0x29: {  	s4 =	sld [smem:$0x3F9E]  }
0x2a: {  	p0 =	seq.s32 s5, $0x0;
	s5 =	sld [smem:$0x3F9F]  }
0x2b: {  	s6 =	sld [smem:$0x3FA0]  }
0x2c: {  	s7 =	sld [smem:$0x3FA1]  }
0x2d: {  	s3 =	simm.s32 $0x108;
	s8 =	sld [smem:$0x3FA2]  }
0x2e: {  	s3 =	simm.s32 @!p0 $0x1082;
	s9 =	sld [smem:$0x3FA3]  }
0x2f: {  	lr =	sadd.s32 s0, s3;
	s0 =	sld [smem:$0x3F9A]  }
0x30: {  	s3 =	sld [smem:$0x3F9D]  }
0x31: {  	[smem:$0x3FA6] =	sst s10  }
0x32: {  	s10 =	sld [smem:$0x3FA4];
	_ =	sdelay $0x3  }
0x33: {  	p0 =	seq.s32 s10, $0x1;
	s10 =	sld [smem:$0x3FA6];
	_ =	sdelay $0x3  }
0x34: {  	[smem:$0x3FA6] =	sst s10  }
0x35: {  	s10 =	sld [smem:$0x3FA5];
	_ =	sdelay $0x3  }
0x36: {  	p1 =	seq.s32 s10, $0x1;
	s10 =	sld [smem:$0x3FA6];
	_ =	sdelay $0x3  }
0x37: {  	[smem:$0x3FA6] =	sst s10  }
0x38: {  	s10 =	sld [smem:$0x3FA7]  }
0x39: {  	_ = 	snop;
	(pc) =	sbr.ind lr, $3  }
0x3a: {  	_ = 	snop  }
0x3b: {  	_ = 	snop  }
0x3c: {  	p2 =	seq.s32 s10, $0x1;
	s10 =	sld [smem:$0x3FA6]  }
0x3d: {  	_ =	shalt  }
0x3e: {  	_ =	shalt  }
0x3f: {  	_ =	shalt  }
0x40: {  	_ =	shalt  }
0x41: {  	_ =	shalt  }
0x42: {  	_ =	shalt  }
0x43: {  	_ =	shalt  }
0x44: {  	_ =	shalt  }
0x45: {  	_ =	shalt  }
0x46: {  	_ =	shalt  }
0x47: {  	_ =	shalt  }
0x48: {  	_ =	shalt  }
0x49: {  	_ =	shalt  }
0x4a: {  	_ =	shalt  }
0x4b: {  	_ =	shalt  }
0x4c: {  	_ =	shalt  }
0x4d: {  	_ =	shalt  }
0x4e: {  	_ =	shalt  }
0x4f: {  	_ =	shalt  }
0x50: {  	_ =	shalt  }
0x51: {  	_ =	shalt  }
0x52: {  	_ =	shalt  }
0x53: {  	_ =	shalt  }
0x54: {  	_ =	shalt  }
0x55: {  	_ =	shalt  }
0x56: {  	_ =	shalt  }
0x57: {  	_ =	shalt  }
0x58: {  	_ =	shalt  }
0x59: {  	_ =	shalt  }
0x5a: {  	_ =	shalt  }
0x5b: {  	_ =	shalt  }
0x5c: {  	_ =	shalt  }
0x5d: {  	_ =	shalt  }
0x5e: {  	_ =	shalt  }
0x5f: {  	_ =	shalt  }
0x60: {  	_ =	shalt  }
0x61: {  	_ =	shalt  }
0x62: {  	_ =	shalt  }
0x63: {  	_ =	shalt  }
0x64: {  	_ =	shalt  }
0x65: {  	_ =	shalt  }
0x66: {  	_ =	shalt  }
0x67: {  	_ =	shalt  }
0x68: {  	_ =	shalt  }
0x69: {  	_ =	shalt  }
0x6a: {  	_ =	shalt  }
0x6b: {  	_ =	shalt  }
0x6c: {  	_ =	shalt  }
0x6d: {  	_ =	shalt  }
0x6e: {  	_ =	shalt  }
0x6f: {  	_ =	shalt  }
0x70: {  	_ =	shalt  }
0x71: {  	_ =	shalt  }
0x72: {  	_ =	shalt  }
0x73: {  	_ =	shalt  }
0x74: {  	_ =	shalt  }
0x75: {  	_ =	shalt  }
0x76: {  	_ =	shalt  }
0x77: {  	_ =	shalt  }
0x78: {  	_ =	shalt  }
0x79: {  	_ =	shalt  }
0x7a: {  	_ =	shalt  }
0x7b: {  	_ =	shalt  }
0x7c: {  	_ =	shalt  }
0x7d: {  	_ =	shalt  }
0x7e: {  	_ =	shalt  }
0x7f: {  	_ =	shalt  }
0x80: {  	_ =	shalt  }
0x81: {  	_ =	shalt  }
0x82: {  	_ =	shalt  }
0x83: {  	_ =	shalt  }
0x84: {  	_ =	shalt  }
0x85: {  	_ =	shalt  }
0x86: {  	_ =	shalt  }
0x87: {  	_ =	shalt  }
.Lfunc_end0:
.L_simem_size_0:
called_computation_lowered:
.L_overlay_start_0:
0x88: {  	s2 =	sld [smem:$0x3FD9]  }
0x89: {  	s3 =	sld [smem:$0x3FFE];
	_ =	sdelay $0x1  }
0x8a: {  	s1 =	srdreg.scid  }
0x8b: {  	s0 =	sand.u32 $0x1, s1  }
0x8c: {  	s17 =	sshll.u32 s0, $0xA;
	s2 =	sadd.s32 s3, s2  }
0x8d: {  	s2 =	sadd.s32 s2, s17  }
0x8e: {  	[smem:$0x3FB2] =	sst s2  }
0x8f: {  	_ = 	snop  }
0x90: {  	s2 =	sld [smem:$0x3FD0];
	(tm) =	ssettm $0x1  }
0x91: {  	s18 =	sld [smem:$0x3FFB];
	_ =	sdelay $0x3  }
0x92: {  	_ =	strace s18  }
0x93: {  	s3 =	sld [smem:$0x3FFC];
	_ =	sdelay $0x3  }
0x94: {  	_ =	strace s3  }
0x95: {  	s3 =	sld [smem:$0x3FFD];
	_ =	sdelay $0x3  }
0x96: {  	_ =	strace s3  }
0x97: {  	_ =	strace $0x8FFFFFFF  }
0x98: {  	s19 =	sld [smem:$0x3FDB];
	_ =	sdelay $0x1  }
0x99: {  	s4 =	simm.s32 $_scs_section_size  }
0x9a: {  	s5 =	simm.s32 $_size__tile_overlayer_lowered;
	s6 =	simm.s32 $_tile_overlayer_lowered  }
0x9b: {  	s22 =	simm.s32 $0x1BFF;
	s21 =	sshll.u32 s6, $0x1;
	s3 =	sadd.s32 s4, s19  }
0x9c: {  	s7 =	simm.s32 $0x0;
	s20 =	sshll.u32 s5, $0x1;
	s5 =	sadd.s32 s21, s3  }
0x9d: {  	[timem:s7], [sflag:s22] =	dma.local [hbm:s5], s20  }
0x9e: {  	_ =	swait.ge [sflag:s22], s20  }
0x9f: {  	s4 =	ssub.s32 $0x0, s20;
	[sflag:s22] =	ssyncset.done $0x0  }
0xa0: {  	[sflag:s22] =	ssyncadd.s32 s4;
	_ =	sdelay $0x1  }
0xa1: {  	s23 =	simm.s32 $0x1B8B  }
0xa2: {  	_ =	swait.ge [sflag:s23], $0x1  }
0xa3: {  	[sflag:s23] =	ssyncset.done $0x0  }
0xa4: {  	s25 =	simm.s32 $0x1B8E;
	s24 =	sld [smem:$0x3FFE];
	[sflag:s23] =	ssyncadd.s32 $0xFFFFFFFF  }
0xa5: {  	s26 =	simm.s32 $execute0_lowered;
	[smem:$0x3FD2] =	sst s25  }
0xa6: {  	s5 =	sshll.u32 s26, $0x1;
	_ =	strace $0x80000046;
	[dreg:$0x1] =	wrdreg $0xFFFFFFFF  }
0xa7: {  	s28 =	simm.s32 $_size_execute0_lowered;
	s3 =	sadd.s32 s3, s5;
	[dreg:$0x0] =	wrdreg $0x0  }
0xa8: {  	s5 =	sshll.u32 s28, $0x1;
	[dreg:$0x2] =	wrdreg s3  }
0xa9: {  	[dreg:$0x3] =	wrdreg s5  }
0xaa: {  	[dreg:$0x4] =	wrdreg $0xC0  }
0xab: {  	_ =	task [dreg:s7], $0x5FFFF  }
0xac: {  	[dreg:$0x1] =	wrdreg $0xFFFFFFFF  }
0xad: {  	[dreg:$0x0] =	wrdreg $0x60  }
0xae: {  	[dreg:$0x2] =	wrdreg s24  }
0xaf: {  	[dreg:$0x3] =	wrdreg s2  }
0xb0: {  	[dreg:$0x4] =	wrdreg $0x7F200  }
0xb1: {  	[dreg:$0x5] =	wrdreg $0x9  }
0xb2: {  	_ =	task.clear_ibuf [dreg:s7], $0x6FFFF;
	_ =	strace $0x90000046  }
0xb3: {  	s29 =	simm.s32 $0x9;
	_ =	strace $0x80000048  }
0xb4: {  	_ =	swait.ge [sflag:s29], $0x1  }
0xb5: {  	[sflag:s29] =	ssyncadd.s32 $0xFFFFFFFF  }
0xb6: {  	_ =	strace $0x90000048  }
0xb7: {  	_ =	sfence  }
0xb8: {  	s30 =	sld [smem:$0x0];
	_ =	sdelay $0x2  }
0xb9: {  	s31 =	sshll.u32 s1, $0xD;
	s1 =	sshrl.u32 s1, $0x2  }
0xba: {  	s3 =	sand.u32 $0x4000, s31;
	s1 =	sadd.s32 s1, s30  }
0xbb: {  	s0 =	sor.u32 s3, s0;
	s1 =	sshll.u32 s1, $0x11  }
0xbc: {  	s0 =	sor.u32 s1, s0  }
0xbd: {  	s0 =	sadd.s32 $0x8F2B, s0  }
0xbe: {  	[sflag:s0] =	ssyncadd.remote.s32 $0x1  }
0xbf: {  	_ =	sfence.sel $0xFFFF  }
0xc0: {  	[dreg:$0x0] =	wrdreg $0xFFFFFFFF;
	(pc) =	sbr.abs _section_cstart, $3  }
0xc1: {  	[dreg:$0x1] =	wrdreg $0xFFFFFFFF  }
0xc2: {  	_ =	task.clear_ibuf [dreg:s7], $0x2FFFF;
	_ =	strace $0x9FFFFFFF  }
0xc3: {  	(tm) =	ssettm $0x7FFFFFFF  }
tec
execute0_lowered:
.L_overlay_start_1:
0x0: {  	(tag) =	ssettag $0x1  }
0x1: {  	s0 =	rddreg [dreg:$0x0]  }
0x2: {  	s1 =	rddreg [dreg:$0x1]  }
0x3: {  	s2 =	rddreg [dreg:$0x2];
	s19 =	simm.s32 $0x0  }
0x4: {  	s3 =	srdreg.scid;
	s14 =	stileid.u32;
	s22 =	simm.s32 $0x7B20  }
0x5: {  	s28 =	simm.s32 $0x1;
	s29 =	simm.s32 $0x3ED0;
	[smem:$0x7FF] =	sst s19  }
0x6: {  	s5 =	sadd.s32 $0xEE00, s0;
	s3 =	sand.u32 $0x1, s3;
	s4 =	smul.u32 $0x27000, s14  }
0x7: {  	s6 =	sadd.s32 $0x5000, s0;
	s7 =	sadd.s32 $0x5D200, s0;
	s8 =	smul.u32 $0x4E20, s14  }
0x8: {  	s0 =	sadd.s32 $0x36000, s0;
	s21 =	sadd.s32 $0x9C000, s2;
	s13 =	smul.u32 $0x13800, s14  }
0x9: {  	p0 =	sne.s32 s14, $0xF;
	s14 =	simm.s32 $0x2990;
	_ =	strace $0x80000047  }
0xa: {  	s9 =	ssub.s32 $0x2, s3;
	s15 =	sshll.u32 s3, $0x6;
	s16 =	smul.u32 $0x2710, s3  }
0xb: {  	s3 =	sshll.u32 s3, $0x3;
	[dreg:$0x5] =	wrdreg s21;
	s10 =	sshrl.u32 s9, $0x1  }
0xc: {  	s4 =	sshrl.u32 s4, $0x2;
	s23 =	sshrl.u32 s8, $0x3;
	s11 =	sadd.s32 $0x50, s8  }
0xd: {  	s30 =	sor.u32 s15, s13;
	s17 =	sadd.s32 $0xA0, s8;
	s18 =	sadd.s32 $0xF0, s8  }
0xe: {  	s13 =	simm.s32 $0x80;
	s10 =	ssub.s32 s9, s10;
	s12 =	sadd.s32 s6, s23  }
0xf: {  	s9 =	sadd.s32 s4, s2;
	s4 =	sadd.s32 s1, s23;
	[dreg:$0x6] =	wrdreg s12  }
0x10: {  	s24 =	sshrl.u32 s11, $0x3;
	s23 =	simm.s32 $0x4;
	[dreg:$0x7] =	wrdreg s4  }
0x11: {  	s25 =	sadd.s32 s6, s24;
	s26 =	sadd.s32 s1, s24;
	s4 =	sshrl.u32 s30, $0x3  }
0x12: {  	s31 =	smax.u32 s10, $0x1;
	s24 =	simm.s32 $0x50;
	[dreg:$0x8] =	wrdreg s25  }
0x13: {  	s12 =	simm.s32 $0x40;
	[dreg:$0x9] =	wrdreg s26;
	s4 =	sadd.s32 s0, s4  }
0x14: {  	s0 =	sadd.s32 s3, s0;
	[dreg:$0xc] =	wrdreg s31;
	s25 =	simm.s32 $0x3D90  }
0x15: {  	s26 =	simm.s32 $0x3DE0;
	[dreg:$0xa] =	wrdreg s4;
	s0 =	sadd.s32 $0x27000, s0  }
0x16: {  	v1 =	vimm.f32 $0.0e+00;
	v0 =	vmov s16;
	s3 =	simm.s32 $0x2;
	s4 =	simm.s32 $0x6720;
	[dreg:$0xb] =	wrdreg s0  }
.LBB2_1:
0x17: {  	[tilespmem:$0x7B20] =	vst v1  }
0x18: {  	[tilespmem:$0x7B30] =	vst v1  }
0x19: {  	[tilespmem:$0x7B40] =	vst v1  }
0x1a: {  	[tilespmem:$0x7B50] =	vst v1  }
0x1b: {  	[tilespmem:$0x7B60] =	vst v1  }
0x1c: {  	[tilespmem:$0x7B70] =	vst v1  }
0x1d: {  	[tilespmem:$0x7B80] =	vst v1  }
0x1e: {  	[tilespmem:$0x7B90] =	vst v1  }
0x1f: {  	[tilespmem:$0x7BA0] =	vst v1  }
0x20: {  	[tilespmem:$0x7BB0] =	vst v1  }
0x21: {  	[tilespmem:$0x7BC0] =	vst v1  }
0x22: {  	[tilespmem:$0x7BD0] =	vst v1  }
0x23: {  	[tilespmem:$0x7BE0] =	vst v1  }
0x24: {  	[tilespmem:$0x7BF0] =	vst v1  }
0x25: {  	[tilespmem:$0x7C00] =	vst v1  }
0x26: {  	[tilespmem:$0x7C10] =	vst v1  }
0x27: {  	[tilespmem:$0x7C20] =	vst v1  }
0x28: {  	[tilespmem:$0x7C30] =	vst v1  }
0x29: {  	[tilespmem:$0x7C40] =	vst v1  }
0x2a: {  	[tilespmem:$0x7C50] =	vst v1  }
0x2b: {  	[tilespmem:$0x7C60] =	vst v1  }
0x2c: {  	[tilespmem:$0x7C70] =	vst v1  }
0x2d: {  	[tilespmem:$0x7C80] =	vst v1  }
0x2e: {  	[tilespmem:$0x7C90] =	vst v1  }
0x2f: {  	[tilespmem:$0x7CA0] =	vst v1  }
0x30: {  	[tilespmem:$0x7CB0] =	vst v1  }
0x31: {  	[tilespmem:$0x7CC0] =	vst v1  }
0x32: {  	[tilespmem:$0x7CD0] =	vst v1  }
0x33: {  	[tilespmem:$0x7CE0] =	vst v1  }
0x34: {  	[tilespmem:$0x7CF0] =	vst v1  }
0x35: {  	[tilespmem:$0x7D00] =	vst v1  }
0x36: {  	[tilespmem:$0x7D10] =	vst v1  }
0x37: {  	[tilespmem:$0x7D20] =	vst v1  }
0x38: {  	[tilespmem:$0x7D30] =	vst v1  }
0x39: {  	[tilespmem:$0x7D40] =	vst v1  }
0x3a: {  	[tilespmem:$0x7D50] =	vst v1  }
0x3b: {  	[tilespmem:$0x7D60] =	vst v1  }
0x3c: {  	[tilespmem:$0x7D70] =	vst v1  }
0x3d: {  	[tilespmem:$0x7D80] =	vst v1  }
0x3e: {  	[tilespmem:$0x7D90] =	vst v1  }
0x3f: {  	[tilespmem:$0x7DA0] =	vst v1  }
0x40: {  	[tilespmem:$0x7DB0] =	vst v1  }
0x41: {  	[tilespmem:$0x7DC0] =	vst v1  }
0x42: {  	[tilespmem:$0x7DD0] =	vst v1  }
0x43: {  	[tilespmem:$0x7DE0] =	vst v1  }
0x44: {  	[tilespmem:$0x7DF0] =	vst v1  }
0x45: {  	[tilespmem:$0x7E00] =	vst v1  }
0x46: {  	[tilespmem:$0x7E10] =	vst v1  }
0x47: {  	[tilespmem:$0x7E20] =	vst v1  }
0x48: {  	[tilespmem:$0x7E30] =	vst v1  }
0x49: {  	[tilespmem:$0x7E40] =	vst v1  }
0x4a: {  	[tilespmem:$0x7E50] =	vst v1  }
0x4b: {  	[tilespmem:$0x7E60] =	vst v1  }
0x4c: {  	[tilespmem:$0x7E70] =	vst v1  }
0x4d: {  	[tilespmem:$0x7E80] =	vst v1  }
0x4e: {  	[tilespmem:$0x7E90] =	vst v1  }
0x4f: {  	[tilespmem:$0x7EA0] =	vst v1  }
0x50: {  	[tilespmem:$0x7EB0] =	vst v1  }
0x51: {  	[tilespmem:$0x7EC0] =	vst v1  }
0x52: {  	[tilespmem:$0x7ED0] =	vst v1  }
0x53: {  	[tilespmem:$0x7EE0] =	vst v1  }
0x54: {  	[tilespmem:$0x7EF0] =	vst v1  }
0x55: {  	[tilespmem:$0x7F00] =	vst v1  }
0x56: {  	[tilespmem:$0x7F10] =	vst v1;
	s0 =	sadd.s32 $0x0, s9  }
0x57: {  	[spmem:s0] =	stream.linear.scatter [tilespmem:s22], [sflag:$0x4], $0x400, $0x38;
	[tilespmem:$0x11B60] =	vst v63  }
0x58: {  	s0 =	simm.s32 $0x1000;
	_ =	swait.ge [sflag:s23], $0x400  }
.LBB2_2:
0x59: {  	s10 =	sshra.s32 s0, $0x2;
	[sflag:s23] =	ssyncset.done $0x0;
	p1 =	sne.s32 s0, $0x26000  }
.Ltmp0:
0x5a: {  	s10 =	sadd.s32 s10, s9;
	[sflag:s23] =	ssyncadd.s32 $0xFFFFFC00;
	(pc) =	sbr.rel @p1 .LBB2_2-.Ltmp0, $3  }
0x5b: {  	[spmem:s10] =	stream.linear.scatter [tilespmem:s22], [sflag:$0x4], $0x400, $0x38;
	[tilespmem:$0x11B60] =	vst v63  }
0x5c: {  	s0 =	sadd.s32 $0x1000, s0;
	_ =	sdelay $0x1  }
0x5d: {  	_ =	swait.ge [sflag:s23], $0x400  }
0x5e: {  	[sflag:s23] =	ssyncset.done $0x0  }
0x5f: {  	s0 =	simm.s32 @!p0 $0x7B20;
	[sflag:s23] =	ssyncadd.s32 $0xFFFFFC00  }
0x60: {  	[spmem:s21] =	stream.linear.scatter @!p0 [tilespmem:s0], [sflag:$0x4], $0x400, $0x38;
	[tilespmem:$0x11B60] =	vst v63  }
0x61: {  	[dreg:$0x4] =	wrdreg s19;
	s0 =	simm.s32 @!p0 $0x4  }
0x62: {  	_ =	swait.ge @!p0 [sflag:s0], $0x400  }
0x63: {  	[sflag:s0] =	ssyncset.done @!p0 $0x0  }
0x64: {  	[sflag:s0] =	ssyncadd.s32 @!p0 $0xFFFFFC00  }
0x65: {  	[bflag:$0x0] =	sbarrier.arrive $0xFFFF  }
0x66: {  	s30 =	simm.s32 $0x0;
	s16 =	rddreg [dreg:$0x6]  }
0x67: {  	[tilespmem:s30], [sflag:$0x1] =	stream.linear.gather [hbm4b:s16+s30], $0x50, $0x38;
	[tilespmem:$0x11B60] =	vst v63  }
0x68: {  	s19 =	rddreg [dreg:$0x7]  }
0x69: {  	[tilespmem:s24], [sflag:$0x1] =	stream.linear.gather [hbm4b:s19+s30], $0x50, $0x38;
	[tilespmem:$0x11B60] =	vst v63  }
0x6a: {  	s20 =	rddreg [dreg:$0x8]  }
0x6b: {  	[tilespmem:s25], [sflag:$0x1] =	stream.linear.gather [hbm4b:s20+s30], $0x50, $0x38;
	[tilespmem:$0x11B60] =	vst v63  }
0x6c: {  	s31 =	simm.s32 $0x0;
	s21 =	rddreg [dreg:$0x9]  }
0x6d: {  	[tilespmem:s26], [sflag:$0x1] =	stream.linear.gather [hbm4b:s21+s30], $0x50, $0x38;
	[tilespmem:$0x11B60] =	vst v63  }
.LBB2_4:
0x6e: {  	_ =	swait.ge [sflag:s28], $0x50  }
0x6f: {  	[sflag:s28] =	ssyncset.done $0x0  }
0x70: {  	[sflag:s28] =	ssyncadd.s32 $0xFFFFFFB0  }
0x71: {  	_ =	swait.ge [sflag:s28], $0x50  }
0x72: {  	p1 =	seq.s32 s31, $0x0;
	[sflag:s28] =	ssyncset.done $0x0  }
0x73: {  	s0 =	simm.s32 @!p1 $0x3;
	[sflag:s28] =	ssyncadd.s32 $0xFFFFFFB0  }
0x74: {  	_ =	swait.ge @!p1 [sflag:s0], $0x1400  }
0x75: {  	[sflag:s0] =	ssyncset.done @!p1 $0x0  }
0x76: {  	[sflag:s0] =	ssyncadd.s32 @!p1 $0xFFFFEC00  }
0x77: {  	v2 =	vld [tilespmem:$0x0]  }
0x78: {  	v3 =	vld [tilespmem:$0x50];
	_ =	sdelay $0x1  }
0x79: {  	v4 =	vld [tilespmem:$0x10]  }
0x7a: {  	v5 =	vld [tilespmem:$0x60]  }
0x7b: {  	[tilespmem:$0x140] =	vst v2;
	v2 =	vadd.s32 v0, v2  }
0x7c: {  	[tilespmem:$0xA0] =	vst v2;
	v2 =	vadd.s32 v0, v3;
	v3 =	vld [tilespmem:$0x20]  }
0x7d: {  	[tilespmem:$0xF0] =	vst v2;
	v2 =	vld [tilespmem:$0x70]  }
0x7e: {  	[tilespmem:$0x150] =	vst v4;
	v4 =	vadd.s32 v0, v4  }
0x7f: {  	[tilespmem:$0xB0] =	vst v4;
	v4 =	vadd.s32 v0, v5;
	v5 =	vld [tilespmem:$0x30]  }
0x80: {  	[tilespmem:$0x100] =	vst v4;
	v4 =	vld [tilespmem:$0x80]  }
0x81: {  	[tilespmem:$0x160] =	vst v3;
	v3 =	vadd.s32 v0, v3  }
0x82: {  	[tilespmem:$0xC0] =	vst v3;
	v2 =	vadd.s32 v0, v2;
	v3 =	vld [tilespmem:$0x40]  }
0x83: {  	[tilespmem:$0x110] =	vst v2;
	v2 =	vld [tilespmem:$0x90]  }
0x84: {  	[tilespmem:$0x170] =	vst v5;
	v5 =	vadd.s32 v0, v5  }
0x85: {  	s16 =	sshll.u32 s31, $0x1;
	[tilespmem:$0xD0] =	vst v5;
	v4 =	vadd.s32 v0, v4  }
0x86: {  	s19 =	smin.u32 s16, $0xF7;
	[tilespmem:$0x120] =	vst v4  }
0x87: {  	s0 =	smul.u32 $0x50, s19;
	[tilespmem:$0x180] =	vst v3;
	v3 =	vadd.s32 v0, v3  }
0x88: {  	[tilespmem:$0xE0] =	vst v3;
	v2 =	vadd.s32 v0, v2  }
0x89: {  	s21 =	simm.s32 $0xA0;
	s10 =	simm.s32 $0x190;
	s0 =	sadd.s32 s0, s17;
	[tilespmem:$0x130] =	vst v2  }
0x8a: {  	[tilespmem:s10], [sflag:$0x2] =	stream.indirect.gather [hbm4b:s5+s24], $0x40, s21, s24, $0xb8;
	[tilespmem:$0x11B60] =	vst v63  }
0x8b: {  	s20 =	simm.s32 $0xF0;
	s19 =	simm.s32 $0x1590;
	s0 =	sshrl.u32 s0, $0x3  }
0x8c: {  	[tilespmem:s19], [sflag:$0x2] =	stream.indirect.gather [hbm4b:s5+s24], $0x40, s20, s24, $0xb8;
	[tilespmem:$0x11B60] =	vst v63  }
0x8d: {  	s21 =	sadd.s32 s6, s0  }
0x8e: {  	[tilespmem:s30], [sflag:$0x1] =	stream.linear.gather [hbm4b:s21+s30], $0x50, $0x38;
	[tilespmem:$0x11B60] =	vst v63  }
0x8f: {  	s0 =	sadd.s32 s1, s0  }
0x90: {  	[tilespmem:s24], [sflag:$0x1] =	stream.linear.gather [hbm4b:s0+s30], $0x50, $0x38;
	[tilespmem:$0x11B60] =	vst v63  }
0x91: {  	_ =	swait.ge [sflag:s3], $0x1400  }
0x92: {  	[sflag:s3] =	ssyncset.done $0x0  }
0x93: {  	[sflag:s3] =	ssyncadd.s32 $0xFFFFEC00  }
0x94: {  	_ =	swait.ge [sflag:s3], $0x1400  }
0x95: {  	[sflag:s3] =	ssyncset.done $0x0  }
0x96: {  	s20 =	simm.s32 $0x0;
	[sflag:s3] =	ssyncadd.s32 $0xFFFFEC00  }
0x97: {  	v4 =	vld [tilespmem:s20+$0x1C0]  }
0x98: {  	v5 =	vld [tilespmem:s20+$0x15C0]  }
0x99: {  	v7 =	vld [tilespmem:s20+$0x190]  }
0x9a: {  	v8 =	vld [tilespmem:s20+$0x1590]  }
0x9b: {  	v3 =	vld [tilespmem:s20+$0x1A0]  }
0x9c: {  	v6 =	vld [tilespmem:s20+$0x15A0]  }
0x9d: {  	s0 =	smul.u32 $0xA0, s31;
	v2 =	vld [tilespmem:s20+$0x1B0];
	v9 =	vsub.f32 v4, v5  }
0x9e: {  	s19 =	simm.s32 $0x40;
	v4 =	vld [tilespmem:s20+$0x15B0]  }
0x9f: {  	s10 =	simm.s32 $0x200;
	s21 =	sadd.s32 s8, s0;
	v5 =	vld [tilespmem:s19+$0x1C0];
	v7 =	vsub.f32 v7, v8;
	v8 =	vand.u32 $0x7FFFFFFF, v9  }
.LBB2_5:
0xa0: {  	p2 =	sne.s32 s10, $0x4F00;
	v9 =	vld [tilespmem:s19+$0x15C0];
	[tilespmem:s20+$0x29C0] =	vst v8  }
0xa1: {  	v8 =	vld [tilespmem:s19+$0x190];
	v7 =	vand.u32 $0x7FFFFFFF, v7;
	v6 =	vsub.f32 v3, v6  }
0xa2: {  	v10 =	vld [tilespmem:s19+$0x1590];
	[tilespmem:s20+$0x2990] =	vst v7  }
.Ltmp1:
0xa3: {  	v3 =	vld [tilespmem:s19+$0x1A0];
	v7 =	vand.u32 $0x7FFFFFFF, v6;
	v4 =	vsub.f32 v2, v4;
	(pc) =	sbr.rel @p2 .LBB2_5-.Ltmp1, $4  }
0xa4: {  	v6 =	vld [tilespmem:s19+$0x15A0];
	[tilespmem:s20+$0x29A0] =	vst v7  }
0xa5: {  	v2 =	vld [tilespmem:s19+$0x1B0];
	v9 =	vsub.f32 v5, v9;
	v5 =	vand.u32 $0x7FFFFFFF, v4  }
0xa6: {  	v4 =	vld [tilespmem:s19+$0x15B0];
	[tilespmem:s20+$0x29B0] =	vst v5;
	s20 =	smov.u32 s19;
	s19 =	sshra.s32 s10, $0x2  }
0xa7: {  	s10 =	sadd.s32 $0x100, s10;
	v5 =	vld [tilespmem:s19+$0x1C0];
	v7 =	vsub.f32 v8, v10;
	v8 =	vand.u32 $0x7FFFFFFF, v9  }
0xa8: {  	v9 =	vld [tilespmem:s19+$0x15C0];
	[tilespmem:s20+$0x29C0] =	vst v8  }
0xa9: {  	v8 =	vld [tilespmem:s19+$0x190];
	v7 =	vand.u32 $0x7FFFFFFF, v7;
	v3 =	vsub.f32 v3, v6  }
0xaa: {  	v10 =	vld [tilespmem:s19+$0x1590];
	[tilespmem:s20+$0x2990] =	vst v7  }
0xab: {  	v6 =	vld [tilespmem:s19+$0x1A0];
	v3 =	vand.u32 $0x7FFFFFFF, v3  }
0xac: {  	v7 =	vld [tilespmem:s19+$0x15A0];
	[tilespmem:s20+$0x29A0] =	vst v3  }
0xad: {  	v3 =	vld [tilespmem:s19+$0x1B0]  }
0xae: {  	v11 =	vld [tilespmem:s19+$0x15B0]  }
0xaf: {  	v2 =	vsub.f32 v2, v4  }
0xb0: {  	v4 =	vsub.f32 v5, v9  }
0xb1: {  	v2 =	vand.u32 $0x7FFFFFFF, v2;
	v5 =	vsub.f32 v8, v10  }
0xb2: {  	[tilespmem:s20+$0x29B0] =	vst v2;
	v2 =	vand.u32 $0x7FFFFFFF, v4;
	v4 =	vsub.f32 v6, v7  }
0xb3: {  	s10 =	sshll.u32 s21, $0x7;
	[tilespmem:s19+$0x29C0] =	vst v2;
	v2 =	vand.u32 $0x7FFFFFFF, v5;
	v3 =	vsub.f32 v3, v11  }
0xb4: {  	s10 =	sor.u32 s15, s10;
	[tilespmem:s19+$0x2990] =	vst v2;
	v2 =	vand.u32 $0x7FFFFFFF, v4  }
0xb5: {  	s10 =	sshrl.u32 s10, $0x3;
	[tilespmem:s19+$0x29A0] =	vst v2;
	v2 =	vand.u32 $0x7FFFFFFF, v3  }
0xb6: {  	s10 =	sadd.s32 s7, s10;
	[tilespmem:s19+$0x29B0] =	vst v2  }
0xb7: {  	[hbm4b:s10+s12] =	stream.strided.scatter [tilespmem:s14], [sflag:$0x3], $0x1400, s13, s12, $0x38;
	[tilespmem:$0x11B60] =	vst v63  }
0xb8: {  	s19 =	simm.s32 $0x140  }
0xb9: {  	[spmem:s2] =	stream.indirect.scatter.add.f32 [tilespmem:s14], [sflag:$0x4], $0x40, s19, s24, $0xb8;
	[tilespmem:$0x11B60] =	vst v63  }
0xba: {  	_ =	swait.ge [sflag:s23], $0x1400  }
0xbb: {  	[sflag:s23] =	ssyncset.done $0x0  }
0xbc: {  	[sflag:s23] =	ssyncadd.s32 $0xFFFFEC00  }
0xbd: {  	_ =	swait.ge [sflag:s28], $0x50  }
0xbe: {  	[sflag:s28] =	ssyncset.done $0x0  }
0xbf: {  	[sflag:s28] =	ssyncadd.s32 $0xFFFFFFB0  }
0xc0: {  	_ =	swait.ge [sflag:s28], $0x50  }
0xc1: {  	[sflag:s28] =	ssyncset.done $0x0  }
0xc2: {  	s10 =	simm.s32 @!p1 $0x3;
	[sflag:s28] =	ssyncadd.s32 $0xFFFFFFB0  }
0xc3: {  	_ =	swait.ge @!p1 [sflag:s10], $0x1400  }
0xc4: {  	[sflag:s10] =	ssyncset.done @!p1 $0x0  }
0xc5: {  	[sflag:s10] =	ssyncadd.s32 @!p1 $0xFFFFEC00  }
0xc6: {  	v2 =	vld [tilespmem:$0x3D90]  }
0xc7: {  	v3 =	vld [tilespmem:$0x3DE0];
	_ =	sdelay $0x1  }
0xc8: {  	v4 =	vld [tilespmem:$0x3DA0]  }
0xc9: {  	v5 =	vld [tilespmem:$0x3DF0]  }
0xca: {  	[tilespmem:$0x3ED0] =	vst v2;
	v2 =	vadd.s32 v0, v2  }
0xcb: {  	[tilespmem:$0x3E30] =	vst v2;
	v2 =	vadd.s32 v0, v3;
	v3 =	vld [tilespmem:$0x3DB0]  }
0xcc: {  	[tilespmem:$0x3E80] =	vst v2;
	v2 =	vld [tilespmem:$0x3E00]  }
0xcd: {  	[tilespmem:$0x3EE0] =	vst v4;
	v4 =	vadd.s32 v0, v4  }
0xce: {  	[tilespmem:$0x3E40] =	vst v4;
	v4 =	vadd.s32 v0, v5;
	v5 =	vld [tilespmem:$0x3DC0]  }
0xcf: {  	[tilespmem:$0x3E90] =	vst v4;
	v4 =	vld [tilespmem:$0x3E10]  }
0xd0: {  	[tilespmem:$0x3EF0] =	vst v3;
	v3 =	vadd.s32 v0, v3  }
0xd1: {  	[tilespmem:$0x3E50] =	vst v3;
	v2 =	vadd.s32 v0, v2;
	v3 =	vld [tilespmem:$0x3DD0]  }
0xd2: {  	[tilespmem:$0x3EA0] =	vst v2;
	v2 =	vld [tilespmem:$0x3E20]  }
0xd3: {  	[tilespmem:$0x3F00] =	vst v5;
	v5 =	vadd.s32 v0, v5  }
0xd4: {  	[tilespmem:$0x3E60] =	vst v5;
	v4 =	vadd.s32 v0, v4  }
0xd5: {  	s19 =	smin.u32 s16, $0xF6;
	[tilespmem:$0x3EB0] =	vst v4  }
0xd6: {  	s10 =	smul.u32 $0x50, s19;
	[tilespmem:$0x3F10] =	vst v3;
	v3 =	vadd.s32 v0, v3  }
0xd7: {  	[tilespmem:$0x3E70] =	vst v3;
	v2 =	vadd.s32 v0, v2  }
0xd8: {  	s21 =	simm.s32 $0x3F20;
	s20 =	simm.s32 $0x3E30;
	s10 =	sadd.s32 s10, s18;
	[tilespmem:$0x3EC0] =	vst v2  }
0xd9: {  	[tilespmem:s21], [sflag:$0x2] =	stream.indirect.gather [hbm4b:s5+s24], $0x40, s20, s24, $0xb8;
	[tilespmem:$0x11B60] =	vst v63  }
0xda: {  	s10 =	sshrl.u32 s10, $0x3;
	s20 =	simm.s32 $0x3E80;
	s21 =	simm.s32 $0x5320  }
0xdb: {  	[tilespmem:s21], [sflag:$0x2] =	stream.indirect.gather [hbm4b:s5+s24], $0x40, s20, s24, $0xb8;
	[tilespmem:$0x11B60] =	vst v63  }
0xdc: {  	s20 =	sadd.s32 s6, s10;
	s21 =	simm.s32 $0x0  }
0xdd: {  	[tilespmem:s25], [sflag:$0x1] =	stream.linear.gather [hbm4b:s20+s21], $0x50, $0x38;
	[tilespmem:$0x11B60] =	vst v63  }
0xde: {  	s10 =	sadd.s32 s1, s10  }
0xdf: {  	[tilespmem:s26], [sflag:$0x1] =	stream.linear.gather [hbm4b:s10+s21], $0x50, $0x38;
	[tilespmem:$0x11B60] =	vst v63  }
0xe0: {  	_ =	swait.ge [sflag:s3], $0x1400  }
0xe1: {  	[sflag:s3] =	ssyncset.done $0x0  }
0xe2: {  	[sflag:s3] =	ssyncadd.s32 $0xFFFFEC00  }
0xe3: {  	_ =	swait.ge [sflag:s3], $0x1400  }
0xe4: {  	[sflag:s3] =	ssyncset.done $0x0  }
0xe5: {  	s19 =	simm.s32 $0x0;
	[sflag:s3] =	ssyncadd.s32 $0xFFFFEC00  }
0xe6: {  	v4 =	vld [tilespmem:s19+$0x3F50]  }
0xe7: {  	v5 =	vld [tilespmem:s19+$0x5350]  }
0xe8: {  	v7 =	vld [tilespmem:s19+$0x3F20]  }
0xe9: {  	v8 =	vld [tilespmem:s19+$0x5320]  }
0xea: {  	v3 =	vld [tilespmem:s19+$0x3F30]  }
0xeb: {  	v6 =	vld [tilespmem:s19+$0x5330]  }
0xec: {  	v2 =	vld [tilespmem:s19+$0x3F40];
	v9 =	vsub.f32 v4, v5  }
0xed: {  	s16 =	simm.s32 $0x40;
	v4 =	vld [tilespmem:s19+$0x5340]  }
0xee: {  	s0 =	sadd.s32 s0, s11;
	s10 =	simm.s32 $0x200;
	v5 =	vld [tilespmem:s16+$0x3F50];
	v7 =	vsub.f32 v7, v8;
	v8 =	vand.u32 $0x7FFFFFFF, v9  }
.LBB2_7:
0xef: {  	p1 =	sne.s32 s10, $0x4F00;
	v9 =	vld [tilespmem:s16+$0x5350];
	[tilespmem:s19+$0x6750] =	vst v8  }
0xf0: {  	v8 =	vld [tilespmem:s16+$0x3F20];
	v7 =	vand.u32 $0x7FFFFFFF, v7;
	v6 =	vsub.f32 v3, v6  }
0xf1: {  	v10 =	vld [tilespmem:s16+$0x5320];
	[tilespmem:s19+$0x6720] =	vst v7  }
.Ltmp2:
0xf2: {  	v3 =	vld [tilespmem:s16+$0x3F30];
	v7 =	vand.u32 $0x7FFFFFFF, v6;
	v4 =	vsub.f32 v2, v4;
	(pc) =	sbr.rel @p1 .LBB2_7-.Ltmp2, $4  }
0xf3: {  	v6 =	vld [tilespmem:s16+$0x5330];
	[tilespmem:s19+$0x6730] =	vst v7  }
0xf4: {  	v2 =	vld [tilespmem:s16+$0x3F40];
	v9 =	vsub.f32 v5, v9;
	v5 =	vand.u32 $0x7FFFFFFF, v4  }
0xf5: {  	v4 =	vld [tilespmem:s16+$0x5340];
	[tilespmem:s19+$0x6740] =	vst v5;
	s19 =	smov.u32 s16;
	s16 =	sshra.s32 s10, $0x2  }
0xf6: {  	s10 =	sadd.s32 $0x100, s10;
	v5 =	vld [tilespmem:s16+$0x3F50];
	v7 =	vsub.f32 v8, v10;
	v8 =	vand.u32 $0x7FFFFFFF, v9  }
0xf7: {  	v9 =	vld [tilespmem:s16+$0x5350];
	[tilespmem:s19+$0x6750] =	vst v8  }
0xf8: {  	v8 =	vld [tilespmem:s16+$0x3F20];
	v7 =	vand.u32 $0x7FFFFFFF, v7;
	v3 =	vsub.f32 v3, v6  }
0xf9: {  	v10 =	vld [tilespmem:s16+$0x5320];
	[tilespmem:s19+$0x6720] =	vst v7  }
0xfa: {  	v60 =	vld [tilespmem:s16+$0x3F30];
	v3 =	vand.u32 $0x7FFFFFFF, v3  }
0xfb: {  	v7 =	vld [tilespmem:s16+$0x5330];
	[tilespmem:s19+$0x6730] =	vst v3  }
0xfc: {  	v3 =	vld [tilespmem:s16+$0x3F40]  }
0xfd: {  	v11 =	vld [tilespmem:s16+$0x5340]  }
0xfe: {  	v2 =	vsub.f32 v2, v4  }
0xff: {  	v61 =	vsub.f32 v5, v9  }
0x100: {  	v2 =	vand.u32 $0x7FFFFFFF, v2;
	v62 =	vsub.f32 v8, v10  }
0x101: {  	[tilespmem:s19+$0x6740] =	vst v2;
	v2 =	vand.u32 $0x7FFFFFFF, v61;
	v63 =	vsub.f32 v60, v7  }
0x102: {  	s0 =	sshll.u32 s0, $0x7;
	[tilespmem:s16+$0x6750] =	vst v2;
	v2 =	vand.u32 $0x7FFFFFFF, v62;
	v3 =	vsub.f32 v3, v11  }
0x103: {  	s0 =	sor.u32 s15, s0;
	[tilespmem:s16+$0x6720] =	vst v2;
	v2 =	vand.u32 $0x7FFFFFFF, v63  }
0x104: {  	s31 =	sadd.s32 $0x1, s31;
	s0 =	sshrl.u32 s0, $0x3;
	[tilespmem:s16+$0x6730] =	vst v2;
	v2 =	vand.u32 $0x7FFFFFFF, v3  }
0x105: {  	p1 =	sne.s32 s31, $0x7D;
	s0 =	sadd.s32 s7, s0;
	[tilespmem:s16+$0x6740] =	vst v2  }
0x106: {  	[hbm4b:s0+s12] =	stream.strided.scatter [tilespmem:s4], [sflag:$0x3], $0x1400, s13, s12, $0x38;
	[tilespmem:$0x11B60] =	vst v63  }
.Ltmp3:
0x107: {  	_ = 	snop;
	(pc) =	sbr.rel @p1 .LBB2_4-.Ltmp3, $4  }
0x108: {  	[spmem:s2] =	stream.indirect.scatter.add.f32 [tilespmem:s4], [sflag:$0x4], $0x40, s29, s24, $0xb8;
	[tilespmem:$0x11B60] =	vst v63  }
0x109: {  	_ =	swait.ge [sflag:s23], $0x1400  }
0x10a: {  	[sflag:s23] =	ssyncset.done $0x0  }
0x10b: {  	[sflag:s23] =	ssyncadd.s32 $0xFFFFEC00  }
0x10c: {  	s0 =	simm.s32 $0x3  }
0x10d: {  	_ =	swait.ge [sflag:s0], $0x1400  }
0x10e: {  	[sflag:s0] =	ssyncset.done $0x0  }
0x10f: {  	[sflag:s0] =	ssyncadd.s32 $0xFFFFEC00  }
0x110: {  	_ =	swait.ge [sflag:s28], $0x50  }
0x111: {  	[sflag:s28] =	ssyncset.done $0x0  }
0x112: {  	[sflag:s28] =	ssyncadd.s32 $0xFFFFFFB0  }
0x113: {  	_ =	swait.ge [sflag:s28], $0x50  }
0x114: {  	[sflag:s28] =	ssyncset.done $0x0  }
0x115: {  	[sflag:s28] =	ssyncadd.s32 $0xFFFFFFB0  }
0x116: {  	_ =	swait.ge [sflag:s0], $0x1400  }
0x117: {  	[sflag:s0] =	ssyncset.done $0x0  }
0x118: {  	[sflag:s0] =	ssyncadd.s32 $0xFFFFEC00  }
0x119: {  	_ =	swait.ge [sflag:s28], $0x50  }
0x11a: {  	[sflag:s28] =	ssyncset.done $0x0  }
0x11b: {  	[sflag:s28] =	ssyncadd.s32 $0xFFFFFFB0  }
0x11c: {  	_ =	swait.ge [sflag:s28], $0x50  }
0x11d: {  	[sflag:s28] =	ssyncset.done $0x0  }
0x11e: {  	s21 =	stileid.u32;
	s10 =	sshrl.u32 s9, $0x3;
	[sflag:s28] =	ssyncadd.s32 $0xFFFFFFB0  }
0x11f: {  	s19 =	simm.s32 $0x10;
	s0 =	sshll.u32 s21, $0x6;
	[bflag:$0x0] =	sbarrier.arrive $0xFFFF  }
0x120: {  	s20 =	simm.s32 $0x8;
	s0 =	sor.u32 $0x1C04, s0;
	s16 =	rddreg [dreg:$0xa]  }
0x121: {  	[hbm:s16@s19], [sflag:s0] =	dma.strided [spmem:s10@s20], $0x1380, s28, $0x8   }
0x122: {  	s16 =	simm.s32 @!p0 $0x1;
	s19 =	simm.s32 @!p0 $0x10;
	_ =	swait.ge [sflag:s23], $0x1380  }
0x123: {  	s20 =	simm.s32 @!p0 $0x8;
	[sflag:s23] =	ssyncset.done $0x0;
	s21 =	rddreg [dreg:$0x5]  }
0x124: {  	s30 =	rddreg [dreg:$0xb];
	[sflag:s23] =	ssyncadd.s32 $0xFFFFEC80;
	s10 =	sshrl.u32 @!p0 s21, $0x3  }
0x125: {  	[hbm:s30@s19], [sflag:s0] =	dma.strided @!p0 [spmem:s10@s20], $0x80, s16, $0x8   }
0x126: {  	s0 =	simm.s32 @!p0 $0x4  }
0x127: {  	_ =	swait.ge @!p0 [sflag:s0], $0x80  }
0x128: {  	s30 =	rddreg [dreg:$0x4]  }
0x129: {  	s31 =	rddreg [dreg:$0xc];
	s19 =	sadd.s32 $0x1, s30  }
0x12a: {  	p1 =	sne.s32 s19, s31  }
.Ltmp4:
0x12b: {  	_ = 	snop;
	(pc) =	sbr.rel @p1 .LBB2_1-.Ltmp4, $3  }
0x12c: {  	_ =	sdelay $0x1  }
0x12d: {  	[sflag:s0] =	ssyncset.done @!p0 $0x0  }
0x12e: {  	[sflag:s0] =	ssyncadd.s32 @!p0 $0xFFFFFF80  }
0x12f: {  	_ =	sfence.sel $0x180000  }
0x130: {  	[bflag:$0x0] =	sbarrier.arrive $0xFFFF  }
0x131: {  	_ =	strace $0x90000047  }
0x132: {  	s0 =	stileid.u32;
	[bflag:$0x2] =	sbarrier.arrive $0xFFFF  }
0x133: {  	p0 =	sne.s32 s0, $0x0;
	s0 =	rddreg [dreg:$0x3]  }
0x134: {  	s0 =	sadd.s32 @!p0 $0x100000, s0  }
0x135: {  	[sflag:s0] =	ssyncadd.tile.s32 @!p0 $0x1;
	_ =	shalt  }
.Lfunc_end2:
_tile_overlayer_lowered:
.L_overlay_start_2:
0x136: {  	(tag) =	ssettag $0x2  }
0x137: {  	s0 =	rddreg [dreg:$0x0];
	s2 =	stileid.u32  }
0x138: {  	s1 =	rddreg [dreg:$0x1];
	p0 =	sne.s32 s2, $0x0  }
0x139: {  	s3 =	rddreg [dreg:$0x2];
	[bflag:$0x3] =	sbarrier.arrive $0xFFFF;
	s2 =	simm.s32 @!p0 $0x1C04  }
0x13a: {  	[timem:s3], [sflag:s2] =	dma.local @!p0 [hbm:s0], s1  }
0x13b: {  	s0 =	simm.s32 @!p0 $0x4  }
0x13c: {  	_ =	swait.ge @!p0 [sflag:s0], s1  }
0x13d: {  	s1 =	ssub.s32 @!p0 $0x0, s1;
	[sflag:s0] =	ssyncset.done @!p0 $0x0  }
0x13e: {  	[sflag:s0] =	ssyncadd.s32 @!p0 s1  }
0x13f: {  	[bflag:$0x3] =	sbarrier.arrive $0xFFFF  }
0x140: {  	_ =	shalt  }

// kernel: kernel.16.cloned.1.call-start
scs
__scs_entry_jumppad:
0x0: {  	(pc) =	sbr.rel $0x88, $3  }
0x1: {  	(tag) =	ssettag $0x0;
	lr =	simm.s32 $0x1  }
0x2: {  	[smem:$0x3F8B] =	sst lr;
	_ =	strace $0xD0000000  }
0x3: {  	_ = 	snop  }
0x4: {  	_ = 	snop  }
0x5: {  	_ = 	snop  }
0x6: {  	_ = 	snop  }
0x7: {  	_ = 	snop  }
__scs_overlays_trampoline_lowered:
0x8: {  	[smem:$0x3F9A] =	sst s0  }
0x9: {  	[smem:$0x3F9B] =	sst s1  }
0xa: {  	[smem:$0x3F9C] =	sst s2  }
0xb: {  	[smem:$0x3F9D] =	sst s3  }
0xc: {  	[smem:$0x3F9E] =	sst s4  }
0xd: {  	[smem:$0x3F9F] =	sst s5  }
0xe: {  	[smem:$0x3FA0] =	sst s6  }
0xf: {  	[smem:$0x3FA1] =	sst s7  }
0x10: {  	[smem:$0x3FA2] =	sst s8  }
0x11: {  	[smem:$0x3FA3] =	sst s9;
	s0 =	simm.s32 @!p0 $0x0  }
0x12: {  	s1 =	sld [smem:$0x3F89];
	s0 =	simm.s32 @p0 $0x1  }
0x13: {  	[smem:$0x3FA4] =	sst s0;
	s0 =	simm.s32 @!p1 $0x0  }
0x14: {  	s2 =	sld [smem:$0x3F88];
	s0 =	simm.s32 @p1 $0x1  }
0x15: {  	[smem:$0x3FA5] =	sst s0;
	s0 =	simm.s32 @!p2 $0x0  }
0x16: {  	s3 =	sld [smem:$0x3FDB];
	s0 =	simm.s32 @p2 $0x1  }
0x17: {  	s4 =	simm.s32 $0x1BF5;
	[smem:$0x3FA7] =	sst s0  }
0x18: {  	s0 =	sld [smem:$0x3F8A];
	_ =	swait.ge [sflag:s4], $0x0  }
0x19: {  	s7 =	sld [smem:$0x3F8B]  }
0x1a: {  	s8 =	sadd.s32 $0xFFFFE003, lr  }
0x1b: {  	s9 =	sadd.s32 $0xFFFFFEF7, lr;
	s5 =	simm.s32 $0xFFFFFFFF;
	p2 =	slt.u32 s8, $0xFFFFF086  }
0x1c: {  	p1 =	slt.u32 s9, $0xF7A;
	s5 =	simm.s32 @!p2 $0x0  }
0x1d: {  	s5 =	simm.s32 @p1 $0x1;
	p0 =	seq.s32 s7, s2  }
0x1e: {  	s7 =	smul.u32 @!p0 $0xF7A, s2;
	p2 =	seq.s32 @!p0 s5, $0x0  }
0x1f: {  	s9 =	smul.u32 $0xF7A, s1;
	s8 =	simm.s32 @!p0 $0x1BF5;
	p2 =	por !p2, p0  }
0x20: {  	[sflag:s8] =	ssyncset.s32 @!p0 $0xFFFFF086;
	s6 =	sadd.s32 @!p0 s3, s7;
	s7 =	simm.s32 @!p0 $0x108  }
0x21: {  	s3 =	sadd.s32 s3, s9;
	s6 =	sadd.s32 @!p0 $0x88, s6;
	s7 =	simm.s32 @p2 $0x1082  }
0x22: {  	[simem:s7], [sflag:s8] =	dma.local @!p0 [hbm:s6], $0xF7A  }
0x23: {  	s9 =	sor.u32 $0xD0000000, s2;
	s6 =	simm.s32 $0x108;
	_ =	swait.ge @!p0 [sflag:s8], $0x0  }
0x24: {  	s3 =	sadd.s32 $0x88, s3;
	s6 =	simm.s32 @!p1 $0x1082;
	[sflag:s4] =	ssyncset.s32 $0xFFFFF086  }
0x25: {  	[simem:s6], [sflag:s4] =	dma.local [hbm:s3], $0xF7A  }
0x26: {  	[smem:$0x3F8B] =	sst s1;
	(tag) =	ssettag s2;
	_ =	strace s9  }
0x27: {  	s1 =	sld [smem:$0x3F9B]  }
0x28: {  	s2 =	sld [smem:$0x3F9C]  }
0x29: {  	s4 =	sld [smem:$0x3F9E]  }
0x2a: {  	p0 =	seq.s32 s5, $0x0;
	s5 =	sld [smem:$0x3F9F]  }
0x2b: {  	s6 =	sld [smem:$0x3FA0]  }
0x2c: {  	s7 =	sld [smem:$0x3FA1]  }
0x2d: {  	s3 =	simm.s32 $0x108;
	s8 =	sld [smem:$0x3FA2]  }
0x2e: {  	s3 =	simm.s32 @!p0 $0x1082;
	s9 =	sld [smem:$0x3FA3]  }
0x2f: {  	lr =	sadd.s32 s0, s3;
	s0 =	sld [smem:$0x3F9A]  }
0x30: {  	s3 =	sld [smem:$0x3F9D]  }
0x31: {  	[smem:$0x3FA6] =	sst s10  }
0x32: {  	s10 =	sld [smem:$0x3FA4];
	_ =	sdelay $0x3  }
0x33: {  	p0 =	seq.s32 s10, $0x1;
	s10 =	sld [smem:$0x3FA6];
	_ =	sdelay $0x3  }
0x34: {  	[smem:$0x3FA6] =	sst s10  }
0x35: {  	s10 =	sld [smem:$0x3FA5];
	_ =	sdelay $0x3  }
0x36: {  	p1 =	seq.s32 s10, $0x1;
	s10 =	sld [smem:$0x3FA6];
	_ =	sdelay $0x3  }
0x37: {  	[smem:$0x3FA6] =	sst s10  }
0x38: {  	s10 =	sld [smem:$0x3FA7]  }
0x39: {  	_ = 	snop;
	(pc) =	sbr.ind lr, $3  }
0x3a: {  	_ = 	snop  }
0x3b: {  	_ = 	snop  }
0x3c: {  	p2 =	seq.s32 s10, $0x1;
	s10 =	sld [smem:$0x3FA6]  }
0x3d: {  	_ =	shalt  }
0x3e: {  	_ =	shalt  }
0x3f: {  	_ =	shalt  }
0x40: {  	_ =	shalt  }
0x41: {  	_ =	shalt  }
0x42: {  	_ =	shalt  }
0x43: {  	_ =	shalt  }
0x44: {  	_ =	shalt  }
0x45: {  	_ =	shalt  }
0x46: {  	_ =	shalt  }
0x47: {  	_ =	shalt  }
0x48: {  	_ =	shalt  }
0x49: {  	_ =	shalt  }
0x4a: {  	_ =	shalt  }
0x4b: {  	_ =	shalt  }
0x4c: {  	_ =	shalt  }
0x4d: {  	_ =	shalt  }
0x4e: {  	_ =	shalt  }
0x4f: {  	_ =	shalt  }
0x50: {  	_ =	shalt  }
0x51: {  	_ =	shalt  }
0x52: {  	_ =	shalt  }
0x53: {  	_ =	shalt  }
0x54: {  	_ =	shalt  }
0x55: {  	_ =	shalt  }
0x56: {  	_ =	shalt  }
0x57: {  	_ =	shalt  }
0x58: {  	_ =	shalt  }
0x59: {  	_ =	shalt  }
0x5a: {  	_ =	shalt  }
0x5b: {  	_ =	shalt  }
0x5c: {  	_ =	shalt  }
0x5d: {  	_ =	shalt  }
0x5e: {  	_ =	shalt  }
0x5f: {  	_ =	shalt  }
0x60: {  	_ =	shalt  }
0x61: {  	_ =	shalt  }
0x62: {  	_ =	shalt  }
0x63: {  	_ =	shalt  }
0x64: {  	_ =	shalt  }
0x65: {  	_ =	shalt  }
0x66: {  	_ =	shalt  }
0x67: {  	_ =	shalt  }
0x68: {  	_ =	shalt  }
0x69: {  	_ =	shalt  }
0x6a: {  	_ =	shalt  }
0x6b: {  	_ =	shalt  }
0x6c: {  	_ =	shalt  }
0x6d: {  	_ =	shalt  }
0x6e: {  	_ =	shalt  }
0x6f: {  	_ =	shalt  }
0x70: {  	_ =	shalt  }
0x71: {  	_ =	shalt  }
0x72: {  	_ =	shalt  }
0x73: {  	_ =	shalt  }
0x74: {  	_ =	shalt  }
0x75: {  	_ =	shalt  }
0x76: {  	_ =	shalt  }
0x77: {  	_ =	shalt  }
0x78: {  	_ =	shalt  }
0x79: {  	_ =	shalt  }
0x7a: {  	_ =	shalt  }
0x7b: {  	_ =	shalt  }
0x7c: {  	_ =	shalt  }
0x7d: {  	_ =	shalt  }
0x7e: {  	_ =	shalt  }
0x7f: {  	_ =	shalt  }
0x80: {  	_ =	shalt  }
0x81: {  	_ =	shalt  }
0x82: {  	_ =	shalt  }
0x83: {  	_ =	shalt  }
0x84: {  	_ =	shalt  }
0x85: {  	_ =	shalt  }
0x86: {  	_ =	shalt  }
0x87: {  	_ =	shalt  }
.Lfunc_end0:
.L_simem_size_0:
called_computation.1_lowered:
.L_overlay_start_0:
0x88: {  	s2 =	sld [smem:$0x3FD9]  }
0x89: {  	s3 =	sld [smem:$0x3FFE];
	_ =	sdelay $0x1  }
0x8a: {  	s1 =	srdreg.scid  }
0x8b: {  	s0 =	sand.u32 $0x1, s1  }
0x8c: {  	s17 =	sshll.u32 s0, $0xA;
	s2 =	sadd.s32 s3, s2  }
0x8d: {  	s2 =	sadd.s32 s2, s17  }
0x8e: {  	[smem:$0x3FB2] =	sst s2  }
0x8f: {  	_ = 	snop  }
0x90: {  	s2 =	sld [smem:$0x3FD0];
	(tm) =	ssettm $0x1  }
0x91: {  	s18 =	sld [smem:$0x3FFB];
	_ =	sdelay $0x3  }
0x92: {  	_ =	strace s18  }
0x93: {  	s3 =	sld [smem:$0x3FFC];
	_ =	sdelay $0x3  }
0x94: {  	_ =	strace s3  }
0x95: {  	s3 =	sld [smem:$0x3FFD];
	_ =	sdelay $0x3  }
0x96: {  	_ =	strace s3  }
0x97: {  	_ =	strace $0x8FFFFFFF  }
0x98: {  	s19 =	sld [smem:$0x3FDB];
	_ =	sdelay $0x1  }
0x99: {  	s4 =	simm.s32 $_scs_section_size  }
0x9a: {  	s5 =	simm.s32 $_size__tile_overlayer_lowered;
	s6 =	simm.s32 $_tile_overlayer_lowered  }
0x9b: {  	s22 =	simm.s32 $0x1BFF;
	s21 =	sshll.u32 s6, $0x1;
	s3 =	sadd.s32 s4, s19  }
0x9c: {  	s7 =	simm.s32 $0x0;
	s20 =	sshll.u32 s5, $0x1;
	s5 =	sadd.s32 s21, s3  }
0x9d: {  	[timem:s7], [sflag:s22] =	dma.local [hbm:s5], s20  }
0x9e: {  	_ =	swait.ge [sflag:s22], s20  }
0x9f: {  	s4 =	ssub.s32 $0x0, s20;
	[sflag:s22] =	ssyncset.done $0x0  }
0xa0: {  	[sflag:s22] =	ssyncadd.s32 s4;
	_ =	sdelay $0x1  }
0xa1: {  	s23 =	simm.s32 $0x1B8B  }
0xa2: {  	_ =	swait.ge [sflag:s23], $0x1  }
0xa3: {  	[sflag:s23] =	ssyncset.done $0x0  }
0xa4: {  	s25 =	simm.s32 $0x1B8E;
	s24 =	sld [smem:$0x3FFE];
	[sflag:s23] =	ssyncadd.s32 $0xFFFFFFFF  }
0xa5: {  	s26 =	simm.s32 $execute0_lowered;
	[smem:$0x3FD2] =	sst s25  }
0xa6: {  	s5 =	sshll.u32 s26, $0x1;
	_ =	strace $0x80000049;
	[dreg:$0x1] =	wrdreg $0xFFFFFFFF  }
0xa7: {  	s28 =	simm.s32 $_size_execute0_lowered;
	s3 =	sadd.s32 s3, s5;
	[dreg:$0x0] =	wrdreg $0x0  }
0xa8: {  	s5 =	sshll.u32 s28, $0x1;
	[dreg:$0x2] =	wrdreg s3  }
0xa9: {  	[dreg:$0x3] =	wrdreg s5  }
0xaa: {  	[dreg:$0x4] =	wrdreg $0xC0  }
0xab: {  	_ =	task [dreg:s7], $0x5FFFF  }
0xac: {  	[dreg:$0x1] =	wrdreg $0xFFFFFFFF  }
0xad: {  	[dreg:$0x0] =	wrdreg $0x60  }
0xae: {  	[dreg:$0x2] =	wrdreg s24  }
0xaf: {  	[dreg:$0x3] =	wrdreg s2  }
0xb0: {  	[dreg:$0x4] =	wrdreg $0x9  }
0xb1: {  	_ =	task.clear_ibuf [dreg:s7], $0x5FFFF;
	_ =	strace $0x90000049  }
0xb2: {  	s29 =	simm.s32 $0x9;
	_ =	strace $0x8000004B  }
0xb3: {  	_ =	swait.ge [sflag:s29], $0x1  }
0xb4: {  	[sflag:s29] =	ssyncadd.s32 $0xFFFFFFFF  }
0xb5: {  	_ =	strace $0x9000004B  }
0xb6: {  	_ =	sfence  }
0xb7: {  	s30 =	sld [smem:$0x0];
	_ =	sdelay $0x2  }
0xb8: {  	s31 =	sshll.u32 s1, $0xD;
	s1 =	sshrl.u32 s1, $0x2  }
0xb9: {  	s3 =	sand.u32 $0x4000, s31;
	s1 =	sadd.s32 s1, s30  }
0xba: {  	s0 =	sor.u32 s3, s0;
	s1 =	sshll.u32 s1, $0x11  }
0xbb: {  	s0 =	sor.u32 s1, s0  }
0xbc: {  	s0 =	sadd.s32 $0x8F2B, s0  }
0xbd: {  	[sflag:s0] =	ssyncadd.remote.s32 $0x1  }
0xbe: {  	_ =	sfence.sel $0xFFFF  }
0xbf: {  	[dreg:$0x0] =	wrdreg $0xFFFFFFFF;
	(pc) =	sbr.abs _section_cstart, $3  }
0xc0: {  	[dreg:$0x1] =	wrdreg $0xFFFFFFFF  }
0xc1: {  	_ =	task.clear_ibuf [dreg:s7], $0x2FFFF;
	_ =	strace $0x9FFFFFFF  }
0xc2: {  	(tm) =	ssettm $0x7FFFFFFF  }
0xc3: {  	_ =	shalt  }
tec
execute0_lowered:
.L_overlay_start_1:
0x0: {  	(tag) =	ssettag $0x1  }
0x1: {  	s0 =	rddreg [dreg:$0x0]  }
0x2: {  	s1 =	rddreg [dreg:$0x1]  }
0x3: {  	s2 =	srdreg.scid;
	s3 =	simm.s32 $0x0;
	s5 =	stileid.u32  }
0x4: {  	s19 =	simm.s32 $0x50;
	s20 =	simm.s32 $0x2940;
	s28 =	simm.s32 $0x2  }
0x5: {  	s29 =	simm.s32 $0x1540;
	s31 =	simm.s32 $0x2A80;
	s2 =	sand.u32 $0x1, s2  }
0x6: {  	s11 =	simm.s32 $0x0;
	[smem:$0x7FF] =	sst s3;
	s4 =	sshll.u32 s2, $0x4  }
0x7: {  	s6 =	sadd.s32 $0x5000, s0;
	s2 =	ssub.s32 $0x2, s2;
	s4 =	sor.u32 s5, s4  }
0x8: {  	s7 =	sadd.s32 $0x566400, s0;
	s21 =	sshrl.u32 s2, $0x1;
	s4 =	smul.u32 $0x2710, s4  }
0x9: {  	_ =	strace $0x8000004A;
	s5 =	sadd.s32 $0x36000, s0;
	s0 =	ssub.s32 s2, s21  }
0xa: {  	s21 =	simm.s32 $0x2990;
	s0 =	smax.u32 s0, $0x1;
	s8 =	sadd.s32 $0x50, s4  }
0xb: {  	s22 =	sshrl.u32 s4, $0x3;
	s13 =	sadd.s32 $0xA0, s4;
	s25 =	sadd.s32 $0x26C0, s4  }
0xc: {  	s14 =	sadd.s32 $0xF0, s4;
	[dreg:$0xa] =	wrdreg s0;
	s10 =	sadd.s32 s6, s22  }
0xd: {  	s9 =	sshrl.u32 s8, $0x3;
	s2 =	sadd.s32 s1, s22;
	[dreg:$0x3] =	wrdreg s10  }
0xe: {  	s0 =	simm.s32 $0x2A30;
	[dreg:$0x4] =	wrdreg s2;
	s23 =	sadd.s32 s6, s9  }
0xf: {  	s26 =	sshrl.u32 s25, $0x3;
	s24 =	sadd.s32 s1, s9;
	[dreg:$0x5] =	wrdreg s23  }
0x10: {  	s22 =	simm.s32 $0x1;
	s30 =	sadd.s32 s6, s26;
	[dreg:$0x6] =	wrdreg s24  }
0x11: {  	s2 =	sshll.u32 s25, $0x3;
	s9 =	sadd.s32 s1, s26;
	[dreg:$0x7] =	wrdreg s30  }
0x12: {  	s25 =	simm.s32 $0xF0;
	s26 =	simm.s32 $0xB40;
	[dreg:$0x8] =	wrdreg s9  }
0x13: {  	s2 =	sadd.s32 s7, s2;
	s23 =	simm.s32 $0xA0;
	s24 =	simm.s32 $0x140  }
0x14: {  	s9 =	simm.s32 $0x3E80;
	[dreg:$0x9] =	wrdreg s2;
	s2 =	simm.s32 $0x3480  }
.LBB2_1:
0x15: {  	[dreg:$0xb] =	wrdreg s11  }
0x16: {  	s10 =	rddreg [dreg:$0x3]  }
0x17: {  	[tilespmem:s3], [sflag:$0x1] =	stream.linear.gather [hbm4b:s10+s3], $0x50, $0x38;
	[tilespmem:$0x5280] =	vst v63  }
0x18: {  	s17 =	rddreg [dreg:$0x4]  }
0x19: {  	[tilespmem:s19], [sflag:$0x1] =	stream.linear.gather [hbm4b:s17+s3], $0x50, $0x38;
	[tilespmem:$0x5280] =	vst v63  }
0x1a: {  	s18 =	rddreg [dreg:$0x5]  }
0x1b: {  	[tilespmem:s20], [sflag:$0x1] =	stream.linear.gather [hbm4b:s18+s3], $0x50, $0x38;
	[tilespmem:$0x5280] =	vst v63  }
0x1c: {  	s30 =	rddreg [dreg:$0x6];
	s12 =	simm.s32 $0x0  }
0x1d: {  	[tilespmem:s21], [sflag:$0x1] =	stream.linear.gather [hbm4b:s30+s3], $0x50, $0x38;
	[tilespmem:$0x5280] =	vst v63  }
.LBB2_2:
0x1e: {  	_ =	swait.ge [sflag:s22], $0x50  }
0x1f: {  	[sflag:s22] =	ssyncset.done $0x0  }
0x20: {  	[sflag:s22] =	ssyncadd.s32 $0xFFFFFFB0  }
0x21: {  	_ =	swait.ge [sflag:s22], $0x50  }
0x22: {  	[sflag:s22] =	ssyncset.done $0x0  }
0x23: {  	[sflag:s22] =	ssyncadd.s32 $0xFFFFFFB0  }
0x24: {  	v0 =	vld [tilespmem:$0x0]  }
0x25: {  	v1 =	vld [tilespmem:$0x50]  }
0x26: {  	v2 =	vld [tilespmem:$0x10]  }
0x27: {  	v3 =	vld [tilespmem:$0x60]  }
0x28: {  	v4 =	vld [tilespmem:$0x20]  }
0x29: {  	v63 =	vld [tilespmem:$0x90];
	[tilespmem:$0xA0] =	vst v0  }
0x2a: {  	v0 =	vld [tilespmem:$0x70];
	[tilespmem:$0xF0] =	vst v1  }
0x2b: {  	v1 =	vld [tilespmem:$0x30];
	[tilespmem:$0xB0] =	vst v2  }
0x2c: {  	v2 =	vld [tilespmem:$0x80];
	[tilespmem:$0x100] =	vst v3  }
0x2d: {  	v3 =	vld [tilespmem:$0x40];
	[tilespmem:$0xC0] =	vst v4  }
0x2e: {  	[tilespmem:$0x130] =	vst v63  }
0x2f: {  	[tilespmem:$0x110] =	vst v0  }
0x30: {  	s15 =	smul.u32 $0xA0, s12;
	[tilespmem:$0xD0] =	vst v1  }
0x31: {  	[tilespmem:$0x120] =	vst v2  }
0x32: {  	s10 =	sadd.s32 s15, s13;
	[tilespmem:$0xE0] =	vst v3  }
0x33: {  	[tilespmem:s24], [sflag:$0x2] =	stream.indirect.gather [hbm4b:s5+s19], $0x20, s23, s19, $0xb8;
	[tilespmem:$0x5280] =	vst v63  }
0x34: {  	s10 =	sshrl.u32 s10, $0x3  }
0x35: {  	[tilespmem:s26], [sflag:$0x2] =	stream.indirect.gather [hbm4b:s5+s19], $0x20, s25, s19, $0xb8;
	[tilespmem:$0x5280] =	vst v63  }
0x36: {  	s11 =	sadd.s32 s6, s10  }
0x37: {  	[tilespmem:s3], [sflag:$0x1] =	stream.linear.gather [hbm4b:s11+s3], $0x50, $0x38;
	[tilespmem:$0x5280] =	vst v63  }
0x38: {  	s10 =	sadd.s32 s1, s10  }
0x39: {  	[tilespmem:s19], [sflag:$0x1] =	stream.linear.gather [hbm4b:s10+s3], $0x50, $0x38;
	[tilespmem:$0x5280] =	vst v63  }
0x3a: {  	_ =	swait.ge [sflag:s28], $0xA00  }
0x3b: {  	[sflag:s28] =	ssyncset.done $0x0  }
0x3c: {  	[sflag:s28] =	ssyncadd.s32 $0xFFFFF600  }
0x3d: {  	_ =	swait.ge [sflag:s28], $0xA00  }
0x3e: {  	p0 =	seq.s32 s12, $0x0;
	[sflag:s28] =	ssyncset.done $0x0  }
0x3f: {  	s10 =	simm.s32 @!p0 $0x3;
	[sflag:s28] =	ssyncadd.s32 $0xFFFFF600  }
0x40: {  	_ =	swait.ge @!p0 [sflag:s10], $0x1400  }
0x41: {  	[sflag:s10] =	ssyncset.done @!p0 $0x0  }
0x42: {  	s30 =	simm.s32 $0x0;
	[sflag:s10] =	ssyncadd.s32 @!p0 $0xFFFFEC00  }
0x43: {  	v0 =	vld [tilespmem:s30+$0x140]  }
0x44: {  	v1 =	vld [tilespmem:s30+$0xB40];
	_ =	sdelay $0x4  }
0x45: {  	v2 =	vsub.f32 v0, v1  }
0x46: {  	v0 =	vadd.f32 v1, v0  }
0x47: {  	v1 =	vmul.f32 $5.000000000e-01, v2  }
0x48: {  	s17 =	simm.s32 $0x1560;
	v0 =	vmul.f32 $5.000000000e-01, v0  }
0x49: {  	[tilespmem:s17+$0xFFFFFFE0] =	vst v1  }
0x4a: {  	[tilespmem:s17+$0x0] =	vst v0  }
0x4b: {  	v1 =	vld [tilespmem:s30+$0x150]  }
0x4c: {  	v2 =	vld [tilespmem:s30+$0xB50];
	_ =	sdelay $0x3  }
0x4d: {  	s16 =	sshll.u32 s12, $0x1  }
0x4e: {  	s18 =	sadd.s32 s4, s15;
	s11 =	simm.s32 $0x80;
	s10 =	simm.s32 $0x1560;
	v0 =	vsub.f32 v1, v2;
	v1 =	vadd.f32 v2, v1  }
.LBB2_3:
0x4f: {  	p1 =	sne.s32 s11, $0x2780  }
0x50: {  	s17 =	sadd.s32 $0x40, s17;
	s30 =	smov.u32 s11;
	s11 =	sadd.s32 $0x80, s11  }
0x51: {  	v0 =	vmul.f32 $5.000000000e-01, v0;
	v1 =	vmul.f32 $5.000000000e-01, v1;
	_ =	sdelay $0x1  }
0x52: {  	[tilespmem:s10+$0xFFFFFFF0] =	vst v0  }
0x53: {  	s30 =	sshra.s32 s30, $0x2;
	[tilespmem:s10+$0x10] =	vst v1;
	s10 =	smov.u32 s17  }
0x54: {  	v0 =	vld [tilespmem:s30+$0x140]  }
0x55: {  	v1 =	vld [tilespmem:s30+$0xB40];
	_ =	sdelay $0x4  }
0x56: {  	v2 =	vsub.f32 v0, v1;
	v0 =	vadd.f32 v1, v0;
	_ =	sdelay $0x1  }
0x57: {  	v1 =	vmul.f32 $5.000000000e-01, v2;
	v0 =	vmul.f32 $5.000000000e-01, v0;
	_ =	sdelay $0x1  }
0x58: {  	[tilespmem:s17+$0xFFFFFFE0] =	vst v1  }
0x59: {  	[tilespmem:s17+$0x0] =	vst v0  }
0x5a: {  	v1 =	vld [tilespmem:s30+$0x150]  }
0x5b: {  	v2 =	vld [tilespmem:s30+$0xB50]  }
.Ltmp0:
0x5c: {  	(pc) =	sbr.rel @p1 .LBB2_3-.Ltmp0, $2  }
0x5d: {  	_ =	sdelay $0x2  }
0x5e: {  	v0 =	vsub.f32 v1, v2;
	v1 =	vadd.f32 v2, v1  }
0x5f: {  	_ = 	snop  }
0x60: {  	v0 =	vmul.f32 $5.000000000e-01, v0  }
0x61: {  	v1 =	vmul.f32 $5.000000000e-01, v1  }
0x62: {  	s11 =	sshll.u32 s18, $0x3;
	[tilespmem:s10+$0xFFFFFFF0] =	vst v0  }
0x63: {  	s30 =	sadd.s32 s7, s11;
	[tilespmem:s10+$0x10] =	vst v1  }
0x64: {  	[hbm4b:s30+s3] =	stream.linear.scatter [tilespmem:s29], [sflag:$0x3], $0x1400, $0x38;
	[tilespmem:$0x5280] =	vst v63  }
0x65: {  	_ =	swait.ge [sflag:s22], $0x50  }
0x66: {  	[sflag:s22] =	ssyncset.done $0x0  }
0x67: {  	[sflag:s22] =	ssyncadd.s32 $0xFFFFFFB0  }
0x68: {  	_ =	swait.ge [sflag:s22], $0x50  }
0x69: {  	[sflag:s22] =	ssyncset.done $0x0  }
0x6a: {  	[sflag:s22] =	ssyncadd.s32 $0xFFFFFFB0  }
0x6b: {  	v0 =	vld [tilespmem:$0x2940]  }
0x6c: {  	v1 =	vld [tilespmem:$0x2990]  }
0x6d: {  	v2 =	vld [tilespmem:$0x2950]  }
0x6e: {  	v3 =	vld [tilespmem:$0x29A0]  }
0x6f: {  	v4 =	vld [tilespmem:$0x2960]  }
0x70: {  	v63 =	vld [tilespmem:$0x29D0];
	[tilespmem:$0x29E0] =	vst v0  }
0x71: {  	v0 =	vld [tilespmem:$0x29B0];
	[tilespmem:$0x2A30] =	vst v1  }
0x72: {  	v1 =	vld [tilespmem:$0x2970];
	[tilespmem:$0x29F0] =	vst v2  }
0x73: {  	v2 =	vld [tilespmem:$0x29C0];
	[tilespmem:$0x2A40] =	vst v3  }
0x74: {  	v3 =	vld [tilespmem:$0x2980];
	[tilespmem:$0x2A00] =	vst v4  }
0x75: {  	[tilespmem:$0x2A70] =	vst v63  }
0x76: {  	s17 =	smin.u32 s16, $0x79;
	[tilespmem:$0x2A50] =	vst v0  }
0x77: {  	s10 =	smul.u32 $0x50, s17;
	[tilespmem:$0x2A10] =	vst v1  }
0x78: {  	[tilespmem:$0x2A60] =	vst v2  }
0x79: {  	s11 =	simm.s32 $0x29E0;
	s10 =	sadd.s32 s10, s14;
	[tilespmem:$0x2A20] =	vst v3  }
0x7a: {  	[tilespmem:s31], [sflag:$0x2] =	stream.indirect.gather [hbm4b:s5+s19], $0x20, s11, s19, $0xb8;
	[tilespmem:$0x5280] =	vst v63  }
0x7b: {  	s10 =	sshrl.u32 s10, $0x3  }
0x7c: {  	[tilespmem:s2], [sflag:$0x2] =	stream.indirect.gather [hbm4b:s5+s19], $0x20, s0, s19, $0xb8;
	[tilespmem:$0x5280] =	vst v63  }
0x7d: {  	s18 =	sadd.s32 s6, s10  }
0x7e: {  	[tilespmem:s20], [sflag:$0x1] =	stream.linear.gather [hbm4b:s18+s3], $0x50, $0x38;
	[tilespmem:$0x5280] =	vst v63  }
0x7f: {  	s10 =	sadd.s32 s1, s10  }
0x80: {  	[tilespmem:s21], [sflag:$0x1] =	stream.linear.gather [hbm4b:s10+s3], $0x50, $0x38;
	[tilespmem:$0x5280] =	vst v63  }
0x81: {  	_ =	swait.ge [sflag:s28], $0xA00  }
0x82: {  	[sflag:s28] =	ssyncset.done $0x0  }
0x83: {  	[sflag:s28] =	ssyncadd.s32 $0xFFFFF600  }
0x84: {  	_ =	swait.ge [sflag:s28], $0xA00  }
0x85: {  	[sflag:s28] =	ssyncset.done $0x0  }
0x86: {  	s10 =	simm.s32 @!p0 $0x3;
	[sflag:s28] =	ssyncadd.s32 $0xFFFFF600  }
0x87: {  	_ =	swait.ge @!p0 [sflag:s10], $0x1400  }
0x88: {  	[sflag:s10] =	ssyncset.done @!p0 $0x0  }
0x89: {  	s30 =	simm.s32 $0x0;
	[sflag:s10] =	ssyncadd.s32 @!p0 $0xFFFFEC00  }
0x8a: {  	v0 =	vld [tilespmem:s30+$0x2A80]  }
0x8b: {  	v1 =	vld [tilespmem:s30+$0x3480];
	_ =	sdelay $0x4  }
0x8c: {  	v2 =	vsub.f32 v0, v1  }
0x8d: {  	v0 =	vadd.f32 v1, v0  }
0x8e: {  	v1 =	vmul.f32 $5.000000000e-01, v2  }
0x8f: {  	s16 =	simm.s32 $0x3EA0;
	v0 =	vmul.f32 $5.000000000e-01, v0  }
0x90: {  	[tilespmem:s16+$0xFFFFFFE0] =	vst v1  }
0x91: {  	[tilespmem:s16+$0x0] =	vst v0  }
0x92: {  	v1 =	vld [tilespmem:s30+$0x2A90]  }
0x93: {  	v2 =	vld [tilespmem:s30+$0x3490];
	_ =	sdelay $0x4  }
0x94: {  	s15 =	sadd.s32 s15, s8;
	s17 =	simm.s32 $0x3EA0;
	s10 =	simm.s32 $0x80;
	v0 =	vsub.f32 v1, v2;
	v1 =	vadd.f32 v2, v1  }
.LBB2_5:
0x95: {  	p0 =	sne.s32 s10, $0x2780  }
0x96: {  	s16 =	sadd.s32 $0x40, s16;
	s11 =	smov.u32 s10;
	s10 =	sadd.s32 $0x80, s10  }
0x97: {  	v0 =	vmul.f32 $5.000000000e-01, v0;
	v1 =	vmul.f32 $5.000000000e-01, v1;
	_ =	sdelay $0x1  }
0x98: {  	[tilespmem:s17+$0xFFFFFFF0] =	vst v0  }
0x99: {  	s11 =	sshra.s32 s11, $0x2;
	[tilespmem:s17+$0x10] =	vst v1;
	s17 =	smov.u32 s16  }
0x9a: {  	v0 =	vld [tilespmem:s11+$0x2A80]  }
0x9b: {  	v1 =	vld [tilespmem:s11+$0x3480];
	_ =	sdelay $0x4  }
0x9c: {  	v2 =	vsub.f32 v0, v1;
	v0 =	vadd.f32 v1, v0;
	_ =	sdelay $0x1  }
0x9d: {  	v1 =	vmul.f32 $5.000000000e-01, v2;
	v0 =	vmul.f32 $5.000000000e-01, v0;
	_ =	sdelay $0x1  }
0x9e: {  	[tilespmem:s16+$0xFFFFFFE0] =	vst v1  }
0x9f: {  	[tilespmem:s16+$0x0] =	vst v0  }
0xa0: {  	v1 =	vld [tilespmem:s11+$0x2A90]  }
0xa1: {  	v2 =	vld [tilespmem:s11+$0x3490]  }
.Ltmp1:
0xa2: {  	(pc) =	sbr.rel @p0 .LBB2_5-.Ltmp1, $2  }
0xa3: {  	_ =	sdelay $0x2  }
0xa4: {  	v0 =	vsub.f32 v1, v2;
	v1 =	vadd.f32 v2, v1  }
0xa5: {  	s12 =	sadd.s32 $0x1, s12  }
0xa6: {  	p0 =	sne.s32 s12, $0x3E  }
.Ltmp2:
0xa7: {  	v0 =	vmul.f32 $5.000000000e-01, v0;
	(pc) =	sbr.rel @p0 .LBB2_2-.Ltmp2, $4  }
0xa8: {  	s10 =	sshll.u32 s15, $0x3;
	v1 =	vmul.f32 $5.000000000e-01, v1  }
0xa9: {  	s10 =	sand.u32 $0x1FFFFF80, s10;
	[tilespmem:s17+$0xFFFFFFF0] =	vst v0  }
0xaa: {  	s10 =	sadd.s32 s7, s10;
	[tilespmem:s17+$0x10] =	vst v1  }
0xab: {  	[hbm4b:s10+s3] =	stream.linear.scatter [tilespmem:s9], [sflag:$0x3], $0x1400, $0x38;
	[tilespmem:$0x5280] =	vst v63  }
0xac: {  	_ =	swait.ge [sflag:s22], $0x50  }
0xad: {  	[sflag:s22] =	ssyncset.done $0x0  }
0xae: {  	[sflag:s22] =	ssyncadd.s32 $0xFFFFFFB0  }
0xaf: {  	_ =	swait.ge [sflag:s22], $0x50  }
0xb0: {  	[sflag:s22] =	ssyncset.done $0x0  }
0xb1: {  	[sflag:s22] =	ssyncadd.s32 $0xFFFFFFB0  }
0xb2: {  	v0 =	vld [tilespmem:$0x0]  }
0xb3: {  	v1 =	vld [tilespmem:$0x50]  }
0xb4: {  	v2 =	vld [tilespmem:$0x10]  }
0xb5: {  	v3 =	vld [tilespmem:$0x60]  }
0xb6: {  	v4 =	vld [tilespmem:$0x20]  }
0xb7: {  	v63 =	vld [tilespmem:$0x90];
	[tilespmem:$0xA0] =	vst v0  }
0xb8: {  	v0 =	vld [tilespmem:$0x70];
	[tilespmem:$0xF0] =	vst v1  }
0xb9: {  	v1 =	vld [tilespmem:$0x30];
	[tilespmem:$0xB0] =	vst v2  }
0xba: {  	v2 =	vld [tilespmem:$0x80];
	[tilespmem:$0x100] =	vst v3  }
0xbb: {  	v3 =	vld [tilespmem:$0x40];
	[tilespmem:$0xC0] =	vst v4  }
0xbc: {  	[tilespmem:$0x130] =	vst v63  }
0xbd: {  	[tilespmem:$0x110] =	vst v0  }
0xbe: {  	[tilespmem:$0xD0] =	vst v1  }
0xbf: {  	[tilespmem:$0x120] =	vst v2  }
0xc0: {  	[tilespmem:$0xE0] =	vst v3  }
0xc1: {  	[tilespmem:s24], [sflag:$0x2] =	stream.indirect.gather [hbm4b:s5+s19], $0x20, s23, s19, $0xb8;
	[tilespmem:$0x5280] =	vst v63  }
0xc2: {  	_ = 	snop  }
0xc3: {  	[tilespmem:s26], [sflag:$0x2] =	stream.indirect.gather [hbm4b:s5+s19], $0x20, s25, s19, $0xb8;
	[tilespmem:$0x5280] =	vst v63  }
0xc4: {  	s10 =	simm.s32 $0x0;
	s11 =	rddreg [dreg:$0x7]  }
0xc5: {  	[tilespmem:s10], [sflag:$0x1] =	stream.linear.gather [hbm4b:s11+s10], $0x50, $0x38;
	[tilespmem:$0x5280] =	vst v63  }
0xc6: {  	s18 =	rddreg [dreg:$0x8]  }
0xc7: {  	[tilespmem:s19], [sflag:$0x1] =	stream.linear.gather [hbm4b:s18+s10], $0x50, $0x38;
	[tilespmem:$0x5280] =	vst v63  }
0xc8: {  	_ =	swait.ge [sflag:s28], $0xA00  }
0xc9: {  	[sflag:s28] =	ssyncset.done $0x0  }
0xca: {  	[sflag:s28] =	ssyncadd.s32 $0xFFFFF600  }
0xcb: {  	_ =	swait.ge [sflag:s28], $0xA00  }
0xcc: {  	[sflag:s28] =	ssyncset.done $0x0  }
0xcd: {  	s16 =	simm.s32 $0x3;
	[sflag:s28] =	ssyncadd.s32 $0xFFFFF600  }
0xce: {  	_ =	swait.ge [sflag:s16], $0x1400  }
0xcf: {  	[sflag:s16] =	ssyncset.done $0x0  }
0xd0: {  	s30 =	simm.s32 $0x0;
	[sflag:s16] =	ssyncadd.s32 $0xFFFFEC00  }
0xd1: {  	v0 =	vld [tilespmem:s30+$0x140]  }
0xd2: {  	v1 =	vld [tilespmem:s30+$0xB40];
	_ =	sdelay $0x4  }
0xd3: {  	v2 =	vsub.f32 v0, v1  }
0xd4: {  	v0 =	vadd.f32 v1, v0  }
0xd5: {  	v1 =	vmul.f32 $5.000000000e-01, v2  }
0xd6: {  	s12 =	simm.s32 $0x1560;
	v0 =	vmul.f32 $5.000000000e-01, v0  }
0xd7: {  	[tilespmem:s12+$0xFFFFFFE0] =	vst v1  }
0xd8: {  	[tilespmem:s12+$0x0] =	vst v0  }
0xd9: {  	v1 =	vld [tilespmem:s30+$0x150]  }
0xda: {  	v2 =	vld [tilespmem:s30+$0xB50];
	_ =	sdelay $0x4  }
0xdb: {  	s11 =	simm.s32 $0x80;
	s10 =	simm.s32 $0x1560;
	v0 =	vsub.f32 v1, v2;
	v1 =	vadd.f32 v2, v1  }
.LBB2_8:
0xdc: {  	p0 =	sne.s32 s11, $0x2780  }
0xdd: {  	s12 =	sadd.s32 $0x40, s12;
	s15 =	smov.u32 s11;
	s11 =	sadd.s32 $0x80, s11  }
0xde: {  	v0 =	vmul.f32 $5.000000000e-01, v0;
	v1 =	vmul.f32 $5.000000000e-01, v1;
	_ =	sdelay $0x1  }
0xdf: {  	[tilespmem:s10+$0xFFFFFFF0] =	vst v0  }
0xe0: {  	s15 =	sshra.s32 s15, $0x2;
	[tilespmem:s10+$0x10] =	vst v1;
	s10 =	smov.u32 s12  }
0xe1: {  	v0 =	vld [tilespmem:s15+$0x140]  }
0xe2: {  	v1 =	vld [tilespmem:s15+$0xB40];
	_ =	sdelay $0x4  }
0xe3: {  	v2 =	vsub.f32 v0, v1;
	v0 =	vadd.f32 v1, v0;
	_ =	sdelay $0x1  }
0xe4: {  	v1 =	vmul.f32 $5.000000000e-01, v2;
	v0 =	vmul.f32 $5.000000000e-01, v0;
	_ =	sdelay $0x1  }
0xe5: {  	[tilespmem:s12+$0xFFFFFFE0] =	vst v1  }
0xe6: {  	[tilespmem:s12+$0x0] =	vst v0  }
0xe7: {  	v1 =	vld [tilespmem:s15+$0x150]  }
0xe8: {  	v2 =	vld [tilespmem:s15+$0xB50]  }
.Ltmp3:
0xe9: {  	(pc) =	sbr.rel @p0 .LBB2_8-.Ltmp3, $2  }
0xea: {  	_ =	sdelay $0x2  }
0xeb: {  	v0 =	vsub.f32 v1, v2;
	v1 =	vadd.f32 v2, v1  }
0xec: {  	_ = 	snop  }
0xed: {  	v0 =	vmul.f32 $5.000000000e-01, v0  }
0xee: {  	v1 =	vmul.f32 $5.000000000e-01, v1  }
0xef: {  	[tilespmem:s10+$0xFFFFFFF0] =	vst v0  }
0xf0: {  	s18 =	rddreg [dreg:$0x9];
	[tilespmem:s10+$0x10] =	vst v1  }
0xf1: {  	[hbm4b:s18+s3] =	stream.linear.scatter [tilespmem:s29], [sflag:$0x3], $0x1400, $0x38;
	[tilespmem:$0x5280] =	vst v63  }
0xf2: {  	_ =	swait.ge [sflag:s16], $0x1400  }
0xf3: {  	[sflag:s16] =	ssyncset.done $0x0  }
0xf4: {  	[sflag:s16] =	ssyncadd.s32 $0xFFFFEC00  }
0xf5: {  	_ =	swait.ge [sflag:s16], $0x1400  }
0xf6: {  	[sflag:s16] =	ssyncset.done $0x0  }
0xf7: {  	[sflag:s16] =	ssyncadd.s32 $0xFFFFEC00  }
0xf8: {  	_ =	swait.ge [sflag:s22], $0x50  }
0xf9: {  	[sflag:s22] =	ssyncset.done $0x0  }
0xfa: {  	[sflag:s22] =	ssyncadd.s32 $0xFFFFFFB0  }
0xfb: {  	_ =	swait.ge [sflag:s22], $0x50  }
0xfc: {  	[sflag:s22] =	ssyncset.done $0x0  }
0xfd: {  	[sflag:s22] =	ssyncadd.s32 $0xFFFFFFB0  }
0xfe: {  	_ =	swait.ge [sflag:s22], $0x50  }
0xff: {  	[sflag:s22] =	ssyncset.done $0x0  }
0x100: {  	[sflag:s22] =	ssyncadd.s32 $0xFFFFFFB0  }
0x101: {  	_ =	swait.ge [sflag:s22], $0x50  }
0x102: {  	s11 =	rddreg [dreg:$0xb]  }
0x103: {  	s30 =	rddreg [dreg:$0xa];
	s11 =	sadd.s32 $0x1, s11  }
0x104: {  	p0 =	sne.s32 s11, s30  }
.Ltmp4:
0x105: {  	_ = 	snop;
	(pc) =	sbr.rel @p0 .LBB2_1-.Ltmp4, $3  }
0x106: {  	_ =	sdelay $0x1  }
0x107: {  	[sflag:s22] =	ssyncset.done $0x0  }
0x108: {  	[sflag:s22] =	ssyncadd.s32 $0xFFFFFFB0  }
0x109: {  	_ =	sfence.sel $0x180000  }
0x10a: {  	[bflag:$0x0] =	sbarrier.arrive $0xFFFF  }
0x10b: {  	_ =	strace $0x9000004A  }
0x10c: {  	s0 =	stileid.u32;
	[bflag:$0x2] =	sbarrier.arrive $0xFFFF  }
0x10d: {  	p0 =	sne.s32 s0, $0x0;
	s0 =	rddreg [dreg:$0x2]  }
0x10e: {  	s0 =	sadd.s32 @!p0 $0x100000, s0  }
0x10f: {  	[sflag:s0] =	ssyncadd.tile.s32 @!p0 $0x1;
	_ =	shalt  }
.Lfunc_end2:
_tile_overlayer_lowered:
.L_overlay_start_2:
0x110: {  	(tag) =	ssettag $0x2  }
0x111: {  	s0 =	rddreg [dreg:$0x0];
	s2 =	stileid.u32  }
0x112: {  	s1 =	rddreg [dreg:$0x1];
	p0 =	sne.s32 s2, $0x0  }
0x113: {  	s3 =	rddreg [dreg:$0x2];
	[bflag:$0x3] =	sbarrier.arrive $0xFFFF;
	s2 =	simm.s32 @!p0 $0x1C04  }
0x114: {  	[timem:s3], [sflag:s2] =	dma.local @!p0 [hbm:s0], s1  }
0x115: {  	s0 =	simm.s32 @!p0 $0x4  }
0x116: {  	_ =	swait.ge @!p0 [sflag:s0], s1  }
0x117: {  	s1 =	ssub.s32 @!p0 $0x0, s1;
	[sflag:s0] =	ssyncset.done @!p0 $0x0  }
0x118: {  	[sflag:s0] =	ssyncadd.s32 @!p0 s1  }
0x119: {  	[bflag:$0x3] =	sbarrier.arrive $0xFFFF  }
0x11a: {  	_ =	shalt  }

// kernel: kernel.19.cloned.1.call-start
scs
__scs_entry_jumppad:
0x0: {  	(pc) =	sbr.rel $0x88, $3  }
0x1: {  	(tag) =	ssettag $0x0;
	lr =	simm.s32 $0x1  }
0x2: {  	[smem:$0x3F8B] =	sst lr;
	_ =	strace $0xD0000000  }
0x3: {  	_ = 	snop  }
0x4: {  	_ = 	snop  }
0x5: {  	_ = 	snop  }
0x6: {  	_ = 	snop  }
0x7: {  	_ = 	snop  }
__scs_overlays_trampoline_lowered:
0x8: {  	[smem:$0x3F9A] =	sst s0  }
0x9: {  	[smem:$0x3F9B] =	sst s1  }
0xa: {  	[smem:$0x3F9C] =	sst s2  }
0xb: {  	[smem:$0x3F9D] =	sst s3  }
0xc: {  	[smem:$0x3F9E] =	sst s4  }
0xd: {  	[smem:$0x3F9F] =	sst s5  }
0xe: {  	[smem:$0x3FA0] =	sst s6  }
0xf: {  	[smem:$0x3FA1] =	sst s7  }
0x10: {  	[smem:$0x3FA2] =	sst s8  }
0x11: {  	[smem:$0x3FA3] =	sst s9;
	s0 =	simm.s32 @!p0 $0x0  }
0x12: {  	s1 =	sld [smem:$0x3F89];
	s0 =	simm.s32 @p0 $0x1  }
0x13: {  	[smem:$0x3FA4] =	sst s0;
	s0 =	simm.s32 @!p1 $0x0  }
0x14: {  	s2 =	sld [smem:$0x3F88];
	s0 =	simm.s32 @p1 $0x1  }
0x15: {  	[smem:$0x3FA5] =	sst s0;
	s0 =	simm.s32 @!p2 $0x0  }
0x16: {  	s3 =	sld [smem:$0x3FDB];
	s0 =	simm.s32 @p2 $0x1  }
0x17: {  	s4 =	simm.s32 $0x1BF5;
	[smem:$0x3FA7] =	sst s0  }
0x18: {  	s0 =	sld [smem:$0x3F8A];
	_ =	swait.ge [sflag:s4], $0x0  }
0x19: {  	s7 =	sld [smem:$0x3F8B]  }
0x1a: {  	s8 =	sadd.s32 $0xFFFFE003, lr  }
0x1b: {  	s9 =	sadd.s32 $0xFFFFFEF7, lr;
	s5 =	simm.s32 $0xFFFFFFFF;
	p2 =	slt.u32 s8, $0xFFFFF086  }
0x1c: {  	p1 =	slt.u32 s9, $0xF7A;
	s5 =	simm.s32 @!p2 $0x0  }
0x1d: {  	s5 =	simm.s32 @p1 $0x1;
	p0 =	seq.s32 s7, s2  }
0x1e: {  	s7 =	smul.u32 @!p0 $0xF7A, s2;
	p2 =	seq.s32 @!p0 s5, $0x0  }
0x1f: {  	s9 =	smul.u32 $0xF7A, s1;
	s8 =	simm.s32 @!p0 $0x1BF5;
	p2 =	por !p2, p0  }
0x20: {  	[sflag:s8] =	ssyncset.s32 @!p0 $0xFFFFF086;
	s6 =	sadd.s32 @!p0 s3, s7;
	s7 =	simm.s32 @!p0 $0x108  }
0x21: {  	s3 =	sadd.s32 s3, s9;
	s6 =	sadd.s32 @!p0 $0x88, s6;
	s7 =	simm.s32 @p2 $0x1082  }
0x22: {  	[simem:s7], [sflag:s8] =	dma.local @!p0 [hbm:s6], $0xF7A  }
0x23: {  	s9 =	sor.u32 $0xD0000000, s2;
	s6 =	simm.s32 $0x108;
	_ =	swait.ge @!p0 [sflag:s8], $0x0  }
0x24: {  	s3 =	sadd.s32 $0x88, s3;
	s6 =	simm.s32 @!p1 $0x1082;
	[sflag:s4] =	ssyncset.s32 $0xFFFFF086  }
0x25: {  	[simem:s6], [sflag:s4] =	dma.local [hbm:s3], $0xF7A  }
0x26: {  	[smem:$0x3F8B] =	sst s1;
	(tag) =	ssettag s2;
	_ =	strace s9  }
0x27: {  	s1 =	sld [smem:$0x3F9B]  }
0x28: {  	s2 =	sld [smem:$0x3F9C]  }
0x29: {  	s4 =	sld [smem:$0x3F9E]  }
0x2a: {  	p0 =	seq.s32 s5, $0x0;
	s5 =	sld [smem:$0x3F9F]  }
0x2b: {  	s6 =	sld [smem:$0x3FA0]  }
0x2c: {  	s7 =	sld [smem:$0x3FA1]  }
0x2d: {  	s3 =	simm.s32 $0x108;
	s8 =	sld [smem:$0x3FA2]  }
0x2e: {  	s3 =	simm.s32 @!p0 $0x1082;
	s9 =	sld [smem:$0x3FA3]  }
0x2f: {  	lr =	sadd.s32 s0, s3;
	s0 =	sld [smem:$0x3F9A]  }
0x30: {  	s3 =	sld [smem:$0x3F9D]  }
0x31: {  	[smem:$0x3FA6] =	sst s10  }
0x32: {  	s10 =	sld [smem:$0x3FA4];
	_ =	sdelay $0x3  }
0x33: {  	p0 =	seq.s32 s10, $0x1;
	s10 =	sld [smem:$0x3FA6];
	_ =	sdelay $0x3  }
0x34: {  	[smem:$0x3FA6] =	sst s10  }
0x35: {  	s10 =	sld [smem:$0x3FA5];
	_ =	sdelay $0x3  }
0x36: {  	p1 =	seq.s32 s10, $0x1;
	s10 =	sld [smem:$0x3FA6];
	_ =	sdelay $0x3  }
0x37: {  	[smem:$0x3FA6] =	sst s10  }
0x38: {  	s10 =	sld [smem:$0x3FA7]  }
0x39: {  	_ = 	snop;
	(pc) =	sbr.ind lr, $3  }
0x3a: {  	_ = 	snop  }
0x3b: {  	_ = 	snop  }
0x3c: {  	p2 =	seq.s32 s10, $0x1;
	s10 =	sld [smem:$0x3FA6]  }
0x3d: {  	_ =	shalt  }
0x3e: {  	_ =	shalt  }
0x3f: {  	_ =	shalt  }
0x40: {  	_ =	shalt  }
0x41: {  	_ =	shalt  }
0x42: {  	_ =	shalt  }
0x43: {  	_ =	shalt  }
0x44: {  	_ =	shalt  }
0x45: {  	_ =	shalt  }
0x46: {  	_ =	shalt  }
0x47: {  	_ =	shalt  }
0x48: {  	_ =	shalt  }
0x49: {  	_ =	shalt  }
0x4a: {  	_ =	shalt  }
0x4b: {  	_ =	shalt  }
0x4c: {  	_ =	shalt  }
0x4d: {  	_ =	shalt  }
0x4e: {  	_ =	shalt  }
0x4f: {  	_ =	shalt  }
0x50: {  	_ =	shalt  }
0x51: {  	_ =	shalt  }
0x52: {  	_ =	shalt  }
0x53: {  	_ =	shalt  }
0x54: {  	_ =	shalt  }
0x55: {  	_ =	shalt  }
0x56: {  	_ =	shalt  }
0x57: {  	_ =	shalt  }
0x58: {  	_ =	shalt  }
0x59: {  	_ =	shalt  }
0x5a: {  	_ =	shalt  }
0x5b: {  	_ =	shalt  }
0x5c: {  	_ =	shalt  }
0x5d: {  	_ =	shalt  }
0x5e: {  	_ =	shalt  }
0x5f: {  	_ =	shalt  }
0x60: {  	_ =	shalt  }
0x61: {  	_ =	shalt  }
0x62: {  	_ =	shalt  }
0x63: {  	_ =	shalt  }
0x64: {  	_ =	shalt  }
0x65: {  	_ =	shalt  }
0x66: {  	_ =	shalt  }
0x67: {  	_ =	shalt  }
0x68: {  	_ =	shalt  }
0x69: {  	_ =	shalt  }
0x6a: {  	_ =	shalt  }
0x6b: {  	_ =	shalt  }
0x6c: {  	_ =	shalt  }
0x6d: {  	_ =	shalt  }
0x6e: {  	_ =	shalt  }
0x6f: {  	_ =	shalt  }
0x70: {  	_ =	shalt  }
0x71: {  	_ =	shalt  }
0x72: {  	_ =	shalt  }
0x73: {  	_ =	shalt  }
0x74: {  	_ =	shalt  }
0x75: {  	_ =	shalt  }
0x76: {  	_ =	shalt  }
0x77: {  	_ =	shalt  }
0x78: {  	_ =	shalt  }
0x79: {  	_ =	shalt  }
0x7a: {  	_ =	shalt  }
0x7b: {  	_ =	shalt  }
0x7c: {  	_ =	shalt  }
0x7d: {  	_ =	shalt  }
0x7e: {  	_ =	shalt  }
0x7f: {  	_ =	shalt  }
0x80: {  	_ =	shalt  }
0x81: {  	_ =	shalt  }
0x82: {  	_ =	shalt  }
0x83: {  	_ =	shalt  }
0x84: {  	_ =	shalt  }
0x85: {  	_ =	shalt  }
0x86: {  	_ =	shalt  }
0x87: {  	_ =	shalt  }
.Lfunc_end0:
.L_simem_size_0:
called_computation.2_lowered:
.L_overlay_start_0:
0x88: {  	s2 =	sld [smem:$0x3FD9]  }
0x89: {  	s3 =	sld [smem:$0x3FFE];
	_ =	sdelay $0x1  }
0x8a: {  	s1 =	srdreg.scid  }
0x8b: {  	s0 =	sand.u32 $0x1, s1  }
0x8c: {  	s16 =	sshll.u32 s0, $0xA;
	s2 =	sadd.s32 s3, s2  }
0x8d: {  	s2 =	sadd.s32 s2, s16  }
0x8e: {  	[smem:$0x3FB2] =	sst s2  }
0x8f: {  	_ = 	snop  }
0x90: {  	(tm) =	ssettm $0x1  }
0x91: {  	s17 =	sld [smem:$0x3FFB];
	_ =	sdelay $0x3  }
0x92: {  	_ =	strace s17  }
0x93: {  	s2 =	sld [smem:$0x3FFC];
	_ =	sdelay $0x3  }
0x94: {  	_ =	strace s2  }
0x95: {  	s2 =	sld [smem:$0x3FFD];
	_ =	sdelay $0x3  }
0x96: {  	_ =	strace s2  }
0x97: {  	_ =	strace $0x8FFFFFFF  }
0x98: {  	s18 =	sld [smem:$0x3FDB];
	_ =	sdelay $0x1  }
0x99: {  	s19 =	simm.s32 $_scs_section_size  }
0x9a: {  	s4 =	simm.s32 $_size__tile_overlayer_lowered;
	s5 =	simm.s32 $_tile_overlayer_lowered  }
0x9b: {  	s22 =	simm.s32 $0x1BFF;
	s21 =	sshll.u32 s5, $0x1;
	s2 =	sadd.s32 s19, s18  }
0x9c: {  	s6 =	simm.s32 $0x0;
	s20 =	sshll.u32 s4, $0x1;
	s4 =	sadd.s32 s21, s2  }
0x9d: {  	[timem:s6], [sflag:s22] =	dma.local [hbm:s4], s20  }
0x9e: {  	_ =	swait.ge [sflag:s22], s20  }
0x9f: {  	s3 =	ssub.s32 $0x0, s20;
	[sflag:s22] =	ssyncset.done $0x0  }
0xa0: {  	[sflag:s22] =	ssyncadd.s32 s3;
	_ =	sdelay $0x1  }
0xa1: {  	s23 =	simm.s32 $0x1B8B  }
0xa2: {  	_ =	swait.ge [sflag:s23], $0x1  }
0xa3: {  	[sflag:s23] =	ssyncset.done $0x0  }
0xa4: {  	s25 =	simm.s32 $0x1B8E;
	s24 =	sld [smem:$0x3FFE];
	[sflag:s23] =	ssyncadd.s32 $0xFFFFFFFF  }
0xa5: {  	s26 =	simm.s32 $execute0_lowered;
	[smem:$0x3FD2] =	sst s25  }
0xa6: {  	s4 =	sshll.u32 s26, $0x1;
	_ =	strace $0x8000004C;
	[dreg:$0x1] =	wrdreg $0xFFFFFFFF  }
0xa7: {  	s28 =	simm.s32 $_size_execute0_lowered;
	s2 =	sadd.s32 s2, s4;
	[dreg:$0x0] =	wrdreg $0x0  }
0xa8: {  	s4 =	sshll.u32 s28, $0x1;
	[dreg:$0x2] =	wrdreg s2  }
0xa9: {  	[dreg:$0x3] =	wrdreg s4  }
0xaa: {  	[dreg:$0x4] =	wrdreg $0xC0  }
0xab: {  	_ =	task [dreg:s6], $0x5FFFF  }
0xac: {  	[dreg:$0x1] =	wrdreg $0xFFFFFFFF  }
0xad: {  	[dreg:$0x0] =	wrdreg $0x60  }
0xae: {  	[dreg:$0x2] =	wrdreg s24  }
0xaf: {  	[dreg:$0x3] =	wrdreg $0x17400  }
0xb0: {  	[dreg:$0x4] =	wrdreg $0x9  }
0xb1: {  	_ =	task.clear_ibuf [dreg:s6], $0x5FFFF;
	_ =	strace $0x9000004C  }
0xb2: {  	s29 =	simm.s32 $0x9;
	_ =	strace $0x8000004E  }
0xb3: {  	_ =	swait.ge [sflag:s29], $0x1  }
0xb4: {  	[sflag:s29] =	ssyncadd.s32 $0xFFFFFFFF  }
0xb5: {  	_ =	strace $0x9000004E  }
0xb6: {  	_ =	sfence  }
0xb7: {  	s30 =	sld [smem:$0x0];
	_ =	sdelay $0x2  }
0xb8: {  	s31 =	sshll.u32 s1, $0xD;
	s1 =	sshrl.u32 s1, $0x2  }
0xb9: {  	s3 =	sand.u32 $0x4000, s31;
	s1 =	sadd.s32 s1, s30  }
0xba: {  	s0 =	sor.u32 s3, s0;
	s1 =	sshll.u32 s1, $0x11  }
0xbb: {  	s0 =	sor.u32 s1, s0  }
0xbc: {  	s0 =	sadd.s32 $0x8F2B, s0  }
0xbd: {  	[sflag:s0] =	ssyncadd.remote.s32 $0x1  }
0xbe: {  	_ =	sfence.sel $0xFFFF  }
0xbf: {  	[dreg:$0x0] =	wrdreg $0xFFFFFFFF;
	(pc) =	sbr.abs _section_cstart, $3  }
0xc0: {  	[dreg:$0x1] =	wrdreg $0xFFFFFFFF  }
0xc1: {  	_ =	task.clear_ibuf [dreg:s6], $0x2FFFF;
	_ =	strace $0x9FFFFFFF  }
0xc2: {  	(tm) =	ssettm $0x7FFFFFFF  }
0xc3: {  	_ =	shalt  }
tec
execute0_lowered:
.L_overlay_start_1:
0x0: {  	(tag) =	ssettag $0x1  }
0x1: {  	s0 =	rddreg [dreg:$0x0]  }
0x2: {  	s1 =	rddreg [dreg:$0x1];
	s2 =	simm.s32 $0x0  }
0x3: {  	s3 =	srdreg.scid;
	s22 =	stileid.u32;
	s20 =	simm.s32 $0x1540  }
0x4: {  	s21 =	simm.s32 $0x2;
	s23 =	simm.s32 $0xAA0;
	s8 =	smul.u32 $0x13800, s22  }
0x5: {  	s28 =	simm.s32 $0xAF0;
	s29 =	simm.s32 $0x0;
	s18 =	smul.u32 $0x2710, s22  }
0x6: {  	[smem:$0x7FF] =	sst s2;
	s3 =	sand.u32 $0x1, s3;
	s19 =	smul.u32 $0x9C0, s22  }
0x7: {  	s4 =	sadd.s32 $0x36000, s0;
	p0 =	sne.s32 s22, $0xF;
	s16 =	smul.u32 $0x9C40, s3  }
0x8: {  	_ =	strace $0x8000004D;
	s5 =	sshll.u32 s3, $0x4;
	s17 =	smul.u32 $0x4E200, s3  }
0x9: {  	s6 =	ssub.s32 $0x2, s3;
	s3 =	smul.u32 $0x27100, s3;
	s7 =	sor.u32 s22, s5  }
0xa: {  	s5 =	sadd.s32 $0x5000, s0;
	s9 =	sshrl.u32 s6, $0x1;
	s0 =	sadd.s32 $0x16E800, s0  }
0xb: {  	s24 =	sshrl.u32 s8, $0x2;
	s22 =	simm.s32 $0xA0;
	s12 =	smul.u32 $0x2710, s7  }
0xc: {  	s15 =	ssub.s32 s6, s9;
	s6 =	sadd.s32 s24, s1;
	s26 =	smul.u32 $0x9C40, s7  }
0xd: {  	s7 =	sadd.s32 $0x4E000, s1;
	s17 =	sshrl.u32 s17, $0x3;
	s3 =	sadd.s32 s18, s3  }
0xe: {  	s16 =	sadd.s32 s19, s16;
	s24 =	simm.s32 $0xB40;
	s17 =	sadd.s32 s0, s17  }
0xf: {  	s3 =	sadd.s32 $0xA0, s3;
	s16 =	sadd.s32 s0, s16;
	s18 =	smax.u32 s15, $0x1  }
0x10: {  	s25 =	sshrl.u32 s12, $0x3;
	s11 =	sadd.s32 $0x50, s12;
	s30 =	sadd.s32 s4, s26  }
0x11: {  	s14 =	sadd.s32 $0x26C0, s12;
	s12 =	sadd.s32 $0xF0, s12;
	s17 =	sadd.s32 $0x9C00, s17  }
0x12: {  	s31 =	sshll.u32 s3, $0x2;
	s26 =	simm.s32 $0x50;
	s8 =	sadd.s32 s5, s25  }
0x13: {  	[dreg:$0x4] =	wrdreg s30;
	s10 =	sshrl.u32 s11, $0x3;
	s11 =	sshll.u32 s11, $0x2  }
0x14: {  	s13 =	sshrl.u32 s14, $0x3;
	s14 =	sshll.u32 s14, $0x2;
	s0 =	sadd.s32 s31, s4  }
0x15: {  	s25 =	simm.s32 $0x1;
	[dreg:$0x3] =	wrdreg s8;
	s10 =	sadd.s32 s5, s10  }
0x16: {  	v0 =	vimm.f32 $0.0e+00;
	s11 =	sadd.s32 s4, s11;
	s13 =	sadd.s32 s5, s13;
	s14 =	sadd.s32 s4, s14  }
.LBB2_1:
0x17: {  	[tilespmem:$0x1540] =	vst v0  }
0x18: {  	[tilespmem:$0x1550] =	vst v0  }
0x19: {  	[tilespmem:$0x1560] =	vst v0  }
0x1a: {  	[tilespmem:$0x1570] =	vst v0  }
0x1b: {  	[tilespmem:$0x1580] =	vst v0  }
0x1c: {  	[tilespmem:$0x1590] =	vst v0  }
0x1d: {  	[tilespmem:$0x15A0] =	vst v0  }
0x1e: {  	[tilespmem:$0x15B0] =	vst v0  }
0x1f: {  	[tilespmem:$0x15C0] =	vst v0  }
0x20: {  	[tilespmem:$0x15D0] =	vst v0  }
0x21: {  	[tilespmem:$0x15E0] =	vst v0  }
0x22: {  	[tilespmem:$0x15F0] =	vst v0  }
0x23: {  	[tilespmem:$0x1600] =	vst v0  }
0x24: {  	[tilespmem:$0x1610] =	vst v0  }
0x25: {  	[tilespmem:$0x1620] =	vst v0  }
0x26: {  	[tilespmem:$0x1630] =	vst v0  }
0x27: {  	[tilespmem:$0x1640] =	vst v0  }
0x28: {  	[tilespmem:$0x1650] =	vst v0  }
0x29: {  	[tilespmem:$0x1660] =	vst v0  }
0x2a: {  	[tilespmem:$0x1670] =	vst v0  }
0x2b: {  	[tilespmem:$0x1680] =	vst v0  }
0x2c: {  	[tilespmem:$0x1690] =	vst v0  }
0x2d: {  	[tilespmem:$0x16A0] =	vst v0  }
0x2e: {  	[tilespmem:$0x16B0] =	vst v0  }
0x2f: {  	[tilespmem:$0x16C0] =	vst v0  }
0x30: {  	[tilespmem:$0x16D0] =	vst v0  }
0x31: {  	[tilespmem:$0x16E0] =	vst v0  }
0x32: {  	[tilespmem:$0x16F0] =	vst v0  }
0x33: {  	[tilespmem:$0x1700] =	vst v0  }
0x34: {  	[tilespmem:$0x1710] =	vst v0  }
0x35: {  	[tilespmem:$0x1720] =	vst v0  }
0x36: {  	[tilespmem:$0x1730] =	vst v0;
	s15 =	sadd.s32 $0x0, s6  }
0x37: {  	[spmem:s15] =	stream.linear.scatter [tilespmem:s20], [sflag:$0x2], $0x200, $0x38;
	[tilespmem:$0x6560] =	vst v63  }
0x38: {  	s15 =	simm.s32 $0x800;
	_ =	swait.ge [sflag:s21], $0x200  }
.LBB2_2:
0x39: {  	s19 =	sshra.s32 s15, $0x2;
	[sflag:s21] =	ssyncset.done $0x0;
	p1 =	sne.s32 s15, $0x13000  }
.Ltmp0:
0x3a: {  	s19 =	sadd.s32 s19, s6;
	[sflag:s21] =	ssyncadd.s32 $0xFFFFFE00;
	(pc) =	sbr.rel @p1 .LBB2_2-.Ltmp0, $3  }
0x3b: {  	[spmem:s19] =	stream.linear.scatter [tilespmem:s20], [sflag:$0x2], $0x200, $0x38;
	[tilespmem:$0x6560] =	vst v63  }
0x3c: {  	s15 =	sadd.s32 $0x800, s15;
	_ =	sdelay $0x1  }
0x3d: {  	_ =	swait.ge [sflag:s21], $0x200  }
0x3e: {  	[sflag:s21] =	ssyncset.done $0x0  }
0x3f: {  	s15 =	simm.s32 @!p0 $0x1540;
	[sflag:s21] =	ssyncadd.s32 $0xFFFFFE00  }
0x40: {  	[spmem:s7] =	stream.linear.scatter @!p0 [tilespmem:s15], [sflag:$0x2], $0x200, $0x38;
	[tilespmem:$0x6560] =	vst v63  }
0x41: {  	s15 =	simm.s32 @!p0 $0x2  }
0x42: {  	_ =	swait.ge @!p0 [sflag:s15], $0x200  }
0x43: {  	[sflag:s15] =	ssyncset.done @!p0 $0x0  }
0x44: {  	[sflag:s15] =	ssyncadd.s32 @!p0 $0xFFFFFE00  }
0x45: {  	[bflag:$0x0] =	sbarrier.arrive $0xFFFF  }
0x46: {  	s30 =	simm.s32 $0x0;
	s8 =	rddreg [dreg:$0x3]  }
0x47: {  	[tilespmem:s30], [sflag:$0x1] =	stream.linear.gather [hbm4b:s8+s30], $0x50, $0x38;
	[tilespmem:$0x6560] =	vst v63  }
0x48: {  	s15 =	rddreg [dreg:$0x4]  }
0x49: {  	[tilespmem:s22], [sflag:$0x1] =	stream.linear.gather [hbm4b:s15+s30], $0xA00, $0x38;
	[tilespmem:$0x6560] =	vst v63  }
0x4a: {  	_ = 	snop  }
0x4b: {  	[tilespmem:s23], [sflag:$0x1] =	stream.linear.gather [hbm4b:s10+s30], $0x50, $0x38;
	[tilespmem:$0x6560] =	vst v63  }
0x4c: {  	_ = 	snop  }
0x4d: {  	[tilespmem:s24], [sflag:$0x1] =	stream.linear.gather [hbm4b:s11+s30], $0xA00, $0x38;
	[tilespmem:$0x6560] =	vst v63  }
0x4e: {  	_ =	swait.ge [sflag:s25], $0x50  }
0x4f: {  	[sflag:s25] =	ssyncset.done $0x0  }
0x50: {  	[sflag:s25] =	ssyncadd.s32 $0xFFFFFFB0  }
0x51: {  	_ =	swait.ge [sflag:s25], $0xA00  }
0x52: {  	[sflag:s25] =	ssyncset.done $0x0  }
0x53: {  	[sflag:s25] =	ssyncadd.s32 $0xFFFFF600  }
0x54: {  	v1 =	vld [tilespmem:$0x40]  }
0x55: {  	v2 =	vld [tilespmem:$0x30]  }
0x56: {  	v3 =	vld [tilespmem:$0x0]  }
0x57: {  	v4 =	vld [tilespmem:$0x20]  }
0x58: {  	v5 =	vld [tilespmem:$0x10]  }
0x59: {  	[tilespmem:$0x90] =	vst v1  }
0x5a: {  	[tilespmem:$0x80] =	vst v2  }
0x5b: {  	[tilespmem:$0x50] =	vst v3  }
0x5c: {  	[tilespmem:$0x70] =	vst v4  }
0x5d: {  	[tilespmem:$0x60] =	vst v5  }
0x5e: {  	[spmem:s1] =	stream.indirect.scatter.add.f32 [tilespmem:s22], [sflag:$0x2], $0x20, s26, s26, $0xb8;
	[tilespmem:$0x6560] =	vst v63  }
0x5f: {  	_ =	swait.ge [sflag:s21], $0xA00  }
0x60: {  	s19 =	sshrl.u32 s3, $0x3;
	[sflag:s21] =	ssyncset.done $0x0  }
0x61: {  	s15 =	sadd.s32 s5, s19;
	[sflag:s21] =	ssyncadd.s32 $0xFFFFF600  }
0x62: {  	[tilespmem:s2], [sflag:$0x1] =	stream.linear.gather [hbm4b:s15+s2], $0x50, $0x38;
	[tilespmem:$0x6560] =	vst v63  }
0x63: {  	_ = 	snop  }
0x64: {  	[tilespmem:s22], [sflag:$0x1] =	stream.linear.gather [hbm4b:s0+s2], $0xA00, $0x38;
	[tilespmem:$0x6560] =	vst v63  }
0x65: {  	_ =	swait.ge [sflag:s25], $0x50  }
0x66: {  	[sflag:s25] =	ssyncset.done $0x0  }
0x67: {  	[sflag:s25] =	ssyncadd.s32 $0xFFFFFFB0  }
0x68: {  	_ =	swait.ge [sflag:s25], $0xA00  }
0x69: {  	[sflag:s25] =	ssyncset.done $0x0  }
0x6a: {  	[sflag:s25] =	ssyncadd.s32 $0xFFFFF600  }
0x6b: {  	v1 =	vld [tilespmem:$0xAA0];
	_ =	sdelay $0x1  }
0x6c: {  	v3 =	vld [tilespmem:$0xAE0]  }
0x6d: {  	v63 =	vld [tilespmem:$0xAB0]  }
0x6e: {  	v2 =	vld [tilespmem:$0xAD0]  }
0x6f: {  	[tilespmem:$0xAF0] =	vst v1;
	v1 =	vld [tilespmem:$0xAC0];
	_ =	sdelay $0x1  }
0x70: {  	p1 =	por $0x1, $0x1;
	s31 =	simm.s32 $0x2;
	[tilespmem:$0xB30] =	vst v3  }
0x71: {  	s19 =	smov.u32 s0;
	s30 =	simm.s32 @!p1 $0x79;
	s15 =	smov.u32 s3;
	[tilespmem:$0xB00] =	vst v63  }
.LBB2_4:
0x72: {  	[tilespmem:$0xB20] =	vst v2;
	s8 =	smul.u32 $0x50, s30;
	s19 =	sadd.s32 $0x280, s19;
	s15 =	sadd.s32 $0xA0, s15  }
0x73: {  	p1 =	sne.s32 s31, $0x7A;
	s30 =	smov.u32 s31;
	s31 =	sadd.s32 $0x2, s31;
	[tilespmem:$0xB10] =	vst v1  }
0x74: {  	[spmem:s1] =	stream.indirect.scatter.add.f32 [tilespmem:s24], [sflag:$0x2], $0x20, s28, s26, $0xb8;
	[tilespmem:$0x6560] =	vst v63  }
0x75: {  	s8 =	sadd.s32 s8, s12;
	_ =	swait.ge [sflag:s21], $0xA00  }
0x76: {  	s9 =	sshrl.u32 s8, $0x3;
	s8 =	sshll.u32 s8, $0x2;
	[sflag:s21] =	ssyncset.done $0x0  }
0x77: {  	s9 =	sadd.s32 s5, s9;
	s8 =	sand.u32 $0x1FFFFFC0, s8;
	[sflag:s21] =	ssyncadd.s32 $0xFFFFF600  }
0x78: {  	[tilespmem:s23], [sflag:$0x1] =	stream.linear.gather [hbm4b:s9+s2], $0x50, $0x38;
	[tilespmem:$0x6560] =	vst v63  }
0x79: {  	s8 =	sadd.s32 s4, s8  }
0x7a: {  	[tilespmem:s24], [sflag:$0x1] =	stream.linear.gather [hbm4b:s8+s2], $0xA00, $0x38;
	[tilespmem:$0x6560] =	vst v63  }
0x7b: {  	_ =	swait.ge [sflag:s25], $0x50  }
0x7c: {  	[sflag:s25] =	ssyncset.done $0x0  }
0x7d: {  	[sflag:s25] =	ssyncadd.s32 $0xFFFFFFB0  }
0x7e: {  	_ =	swait.ge [sflag:s25], $0xA00  }
0x7f: {  	[sflag:s25] =	ssyncset.done $0x0  }
0x80: {  	[sflag:s25] =	ssyncadd.s32 $0xFFFFF600  }
0x81: {  	v1 =	vld [tilespmem:$0x40]  }
0x82: {  	v2 =	vld [tilespmem:$0x30]  }
0x83: {  	v3 =	vld [tilespmem:$0x0]  }
0x84: {  	v4 =	vld [tilespmem:$0x20]  }
0x85: {  	v5 =	vld [tilespmem:$0x10]  }
0x86: {  	[tilespmem:$0x90] =	vst v1  }
0x87: {  	[tilespmem:$0x80] =	vst v2  }
0x88: {  	[tilespmem:$0x50] =	vst v3  }
0x89: {  	[tilespmem:$0x70] =	vst v4  }
0x8a: {  	[tilespmem:$0x60] =	vst v5  }
0x8b: {  	[spmem:s1] =	stream.indirect.scatter.add.f32 [tilespmem:s22], [sflag:$0x2], $0x20, s26, s26, $0xb8;
	[tilespmem:$0x6560] =	vst v63  }
0x8c: {  	_ =	swait.ge [sflag:s21], $0xA00  }
0x8d: {  	s8 =	sshrl.u32 s15, $0x3;
	[sflag:s21] =	ssyncset.done $0x0  }
0x8e: {  	s8 =	sadd.s32 s5, s8;
	[sflag:s21] =	ssyncadd.s32 $0xFFFFF600  }
0x8f: {  	[tilespmem:s2], [sflag:$0x1] =	stream.linear.gather [hbm4b:s8+s2], $0x50, $0x38;
	[tilespmem:$0x6560] =	vst v63  }
0x90: {  	_ = 	snop  }
0x91: {  	[tilespmem:s22], [sflag:$0x1] =	stream.linear.gather [hbm4b:s19+s2], $0xA00, $0x38;
	[tilespmem:$0x6560] =	vst v63  }
0x92: {  	_ =	swait.ge [sflag:s25], $0x50  }
0x93: {  	[sflag:s25] =	ssyncset.done $0x0  }
0x94: {  	[sflag:s25] =	ssyncadd.s32 $0xFFFFFFB0  }
0x95: {  	_ =	swait.ge [sflag:s25], $0xA00  }
0x96: {  	[sflag:s25] =	ssyncset.done $0x0  }
0x97: {  	[sflag:s25] =	ssyncadd.s32 $0xFFFFF600  }
0x98: {  	v3 =	vld [tilespmem:$0xAA0]  }
0x99: {  	v4 =	vld [tilespmem:$0xAE0]  }
0x9a: {  	v5 =	vld [tilespmem:$0xAB0]  }
.Ltmp1:
0x9b: {  	v2 =	vld [tilespmem:$0xAD0];
	(pc) =	sbr.rel @p1 .LBB2_4-.Ltmp1, $4  }
0x9c: {  	v1 =	vld [tilespmem:$0xAC0]  }
0x9d: {  	[tilespmem:$0xAF0] =	vst v3  }
0x9e: {  	p2 =	slt.s32 s30, $0x79;
	[tilespmem:$0xB30] =	vst v4  }
0x9f: {  	s30 =	simm.s32 @!p2 $0x79;
	[tilespmem:$0xB00] =	vst v5  }
0xa0: {  	[tilespmem:$0xB20] =	vst v2  }
0xa1: {  	s8 =	smul.u32 $0x50, s30;
	[tilespmem:$0xB10] =	vst v1  }
0xa2: {  	[spmem:s1] =	stream.indirect.scatter.add.f32 [tilespmem:s24], [sflag:$0x2], $0x20, s28, s26, $0xb8;
	[tilespmem:$0x6560] =	vst v63  }
0xa3: {  	s8 =	sadd.s32 s8, s12;
	_ =	swait.ge [sflag:s21], $0xA00  }
0xa4: {  	s9 =	sshrl.u32 s8, $0x3;
	s8 =	sshll.u32 s8, $0x2;
	[sflag:s21] =	ssyncset.done $0x0  }
0xa5: {  	s9 =	sadd.s32 s5, s9;
	s8 =	sand.u32 $0x1FFFFFC0, s8;
	[sflag:s21] =	ssyncadd.s32 $0xFFFFF600  }
0xa6: {  	[tilespmem:s23], [sflag:$0x1] =	stream.linear.gather [hbm4b:s9+s2], $0x50, $0x38;
	[tilespmem:$0x6560] =	vst v63  }
0xa7: {  	s8 =	sadd.s32 s4, s8  }
0xa8: {  	[tilespmem:s24], [sflag:$0x1] =	stream.linear.gather [hbm4b:s8+s2], $0xA00, $0x38;
	[tilespmem:$0x6560] =	vst v63  }
0xa9: {  	_ =	swait.ge [sflag:s25], $0x50  }
0xaa: {  	[sflag:s25] =	ssyncset.done $0x0  }
0xab: {  	[sflag:s25] =	ssyncadd.s32 $0xFFFFFFB0  }
0xac: {  	_ =	swait.ge [sflag:s25], $0xA00  }
0xad: {  	[sflag:s25] =	ssyncset.done $0x0  }
0xae: {  	[sflag:s25] =	ssyncadd.s32 $0xFFFFF600  }
0xaf: {  	v1 =	vld [tilespmem:$0x0]  }
0xb0: {  	v2 =	vld [tilespmem:$0x10]  }
0xb1: {  	v3 =	vld [tilespmem:$0x20]  }
0xb2: {  	v4 =	vld [tilespmem:$0x30]  }
0xb3: {  	v5 =	vld [tilespmem:$0x40]  }
0xb4: {  	[tilespmem:$0x50] =	vst v1  }
0xb5: {  	[tilespmem:$0x60] =	vst v2  }
0xb6: {  	[tilespmem:$0x70] =	vst v3  }
0xb7: {  	[tilespmem:$0x80] =	vst v4  }
0xb8: {  	[tilespmem:$0x90] =	vst v5  }
0xb9: {  	[spmem:s1] =	stream.indirect.scatter.add.f32 [tilespmem:s22], [sflag:$0x2], $0x20, s26, s26, $0xb8;
	[tilespmem:$0x6560] =	vst v63  }
0xba: {  	_ =	swait.ge [sflag:s21], $0xA00  }
0xbb: {  	[sflag:s21] =	ssyncset.done $0x0  }
0xbc: {  	[sflag:s21] =	ssyncadd.s32 $0xFFFFF600  }
0xbd: {  	[tilespmem:s2], [sflag:$0x1] =	stream.linear.gather [hbm4b:s13+s2], $0x50, $0x38;
	[tilespmem:$0x6560] =	vst v63  }
0xbe: {  	_ = 	snop  }
0xbf: {  	[tilespmem:s22], [sflag:$0x1] =	stream.linear.gather [hbm4b:s14+s2], $0xA00, $0x38;
	[tilespmem:$0x6560] =	vst v63  }
0xc0: {  	_ =	swait.ge [sflag:s25], $0x50  }
0xc1: {  	[sflag:s25] =	ssyncset.done $0x0  }
0xc2: {  	[sflag:s25] =	ssyncadd.s32 $0xFFFFFFB0  }
0xc3: {  	_ =	swait.ge [sflag:s25], $0xA00  }
0xc4: {  	[sflag:s25] =	ssyncset.done $0x0  }
0xc5: {  	[sflag:s25] =	ssyncadd.s32 $0xFFFFF600  }
0xc6: {  	_ =	swait.ge [sflag:s25], $0x50  }
0xc7: {  	[sflag:s25] =	ssyncset.done $0x0  }
0xc8: {  	[sflag:s25] =	ssyncadd.s32 $0xFFFFFFB0  }
0xc9: {  	_ =	swait.ge [sflag:s25], $0xA00  }
0xca: {  	s30 =	stileid.u32;
	[sflag:s25] =	ssyncset.done $0x0  }
0xcb: {  	s8 =	sshll.u32 s30, $0x6;
	[sflag:s25] =	ssyncadd.s32 $0xFFFFF600  }
0xcc: {  	s31 =	sshrl.u32 s6, $0x3;
	s8 =	sor.u32 $0x1C02, s8;
	[bflag:$0x0] =	sbarrier.arrive $0xFFFF  }
0xcd: {  	[hbm:s16], [sflag:s8] =	dma.local [spmem:s31], $0x9C0  }
0xce: {  	_ =	swait.ge [sflag:s21], $0x9C0  }
0xcf: {  	s29 =	sadd.s32 $0x1, s29;
	[sflag:s21] =	ssyncset.done $0x0  }
0xd0: {  	p1 =	sne.s32 s29, s18;
	s9 =	sshrl.u32 @!p0 s7, $0x3;
	[sflag:s21] =	ssyncadd.s32 $0xFFFFF640  }
0xd1: {  	[hbm:s17], [sflag:s8] =	dma.local @!p0 [spmem:s9], $0x40  }
.Ltmp2:
0xd2: {  	_ = 	snop;
	(pc) =	sbr.rel @p1 .LBB2_1-.Ltmp2, $4  }
0xd3: {  	s8 =	simm.s32 @!p0 $0x2  }
0xd4: {  	_ =	swait.ge @!p0 [sflag:s8], $0x40  }
0xd5: {  	[sflag:s8] =	ssyncset.done @!p0 $0x0  }
0xd6: {  	[sflag:s8] =	ssyncadd.s32 @!p0 $0xFFFFFFC0  }
0xd7: {  	_ =	sfence.sel $0x180000  }
0xd8: {  	[bflag:$0x0] =	sbarrier.arrive $0xFFFF  }
0xd9: {  	_ =	strace $0x9000004D  }
0xda: {  	s0 =	stileid.u32;
	[bflag:$0x2] =	sbarrier.arrive $0xFFFF  }
0xdb: {  	p0 =	sne.s32 s0, $0x0;
	s0 =	rddreg [dreg:$0x2]  }
0xdc: {  	s0 =	sadd.s32 @!p0 $0x100000, s0  }
0xdd: {  	[sflag:s0] =	ssyncadd.tile.s32 @!p0 $0x1;
	_ =	shalt  }
.Lfunc_end2:
_tile_overlayer_lowered:
.L_overlay_start_2:
0xde: {  	(tag) =	ssettag $0x2  }
0xdf: {  	s0 =	rddreg [dreg:$0x0];
	s2 =	stileid.u32  }
0xe0: {  	s1 =	rddreg [dreg:$0x1];
	p0 =	sne.s32 s2, $0x0  }
0xe1: {  	s3 =	rddreg [dreg:$0x2];
	[bflag:$0x3] =	sbarrier.arrive $0xFFFF;
	s2 =	simm.s32 @!p0 $0x1C02  }
0xe2: {  	[timem:s3], [sflag:s2] =	dma.local @!p0 [hbm:s0], s1  }
0xe3: {  	s0 =	simm.s32 @!p0 $0x2  }
0xe4: {  	_ =	swait.ge @!p0 [sflag:s0], s1  }
0xe5: {  	s1 =	ssub.s32 @!p0 $0x0, s1;
	[sflag:s0] =	ssyncset.done @!p0 $0x0  }
0xe6: {  	[sflag:s0] =	ssyncadd.s32 @!p0 s1  }
0xe7: {  	[bflag:$0x3] =	sbarrier.arrive $0xFFFF  }
0xe8: {  	_ =	shalt  }

// kernel: kernel.22.cloned.1.call-start
scs
__scs_entry_jumppad:
0x0: {  	(pc) =	sbr.rel $0x88, $3  }
0x1: {  	(tag) =	ssettag $0x0;
	lr =	simm.s32 $0x1  }
0x2: {  	[smem:$0x3F8B] =	sst lr;
	_ =	strace $0xD0000000  }
0x3: {  	_ = 	snop  }
0x4: {  	_ = 	snop  }
0x5: {  	_ = 	snop  }
0x6: {  	_ = 	snop  }
0x7: {  	_ = 	snop  }
__scs_overlays_trampoline_lowered:
0x8: {  	[smem:$0x3F9A] =	sst s0  }
0x9: {  	[smem:$0x3F9B] =	sst s1  }
0xa: {  	[smem:$0x3F9C] =	sst s2  }
0xb: {  	[smem:$0x3F9D] =	sst s3  }
0xc: {  	[smem:$0x3F9E] =	sst s4  }
0xd: {  	[smem:$0x3F9F] =	sst s5  }
0xe: {  	[smem:$0x3FA0] =	sst s6  }
0xf: {  	[smem:$0x3FA1] =	sst s7  }
0x10: {  	[smem:$0x3FA2] =	sst s8  }
0x11: {  	[smem:$0x3FA3] =	sst s9;
	s0 =	simm.s32 @!p0 $0x0  }
0x12: {  	s1 =	sld [smem:$0x3F89];
	s0 =	simm.s32 @p0 $0x1  }
0x13: {  	[smem:$0x3FA4] =	sst s0;
	s0 =	simm.s32 @!p1 $0x0  }
0x14: {  	s2 =	sld [smem:$0x3F88];
	s0 =	simm.s32 @p1 $0x1  }
0x15: {  	[smem:$0x3FA5] =	sst s0;
	s0 =	simm.s32 @!p2 $0x0  }
0x16: {  	s3 =	sld [smem:$0x3FDB];
	s0 =	simm.s32 @p2 $0x1  }
0x17: {  	s4 =	simm.s32 $0x1BF5;
	[smem:$0x3FA7] =	sst s0  }
0x18: {  	s0 =	sld [smem:$0x3F8A];
	_ =	swait.ge [sflag:s4], $0x0  }
0x19: {  	s7 =	sld [smem:$0x3F8B]  }
0x1a: {  	s8 =	sadd.s32 $0xFFFFE003, lr  }
0x1b: {  	s9 =	sadd.s32 $0xFFFFFEF7, lr;
	s5 =	simm.s32 $0xFFFFFFFF;
	p2 =	slt.u32 s8, $0xFFFFF086  }
0x1c: {  	p1 =	slt.u32 s9, $0xF7A;
	s5 =	simm.s32 @!p2 $0x0  }
0x1d: {  	s5 =	simm.s32 @p1 $0x1;
	p0 =	seq.s32 s7, s2  }
0x1e: {  	s7 =	smul.u32 @!p0 $0xF7A, s2;
	p2 =	seq.s32 @!p0 s5, $0x0  }
0x1f: {  	s9 =	smul.u32 $0xF7A, s1;
	s8 =	simm.s32 @!p0 $0x1BF5;
	p2 =	por !p2, p0  }
0x20: {  	[sflag:s8] =	ssyncset.s32 @!p0 $0xFFFFF086;
	s6 =	sadd.s32 @!p0 s3, s7;
	s7 =	simm.s32 @!p0 $0x108  }
0x21: {  	s3 =	sadd.s32 s3, s9;
	s6 =	sadd.s32 @!p0 $0x88, s6;
	s7 =	simm.s32 @p2 $0x1082  }
0x22: {  	[simem:s7], [sflag:s8] =	dma.local @!p0 [hbm:s6], $0xF7A  }
0x23: {  	s9 =	sor.u32 $0xD0000000, s2;
	s6 =	simm.s32 $0x108;
	_ =	swait.ge @!p0 [sflag:s8], $0x0  }
0x24: {  	s3 =	sadd.s32 $0x88, s3;
	s6 =	simm.s32 @!p1 $0x1082;
	[sflag:s4] =	ssyncset.s32 $0xFFFFF086  }
0x25: {  	[simem:s6], [sflag:s4] =	dma.local [hbm:s3], $0xF7A  }
0x26: {  	[smem:$0x3F8B] =	sst s1;
	(tag) =	ssettag s2;
	_ =	strace s9  }
0x27: {  	s1 =	sld [smem:$0x3F9B]  }
0x28: {  	s2 =	sld [smem:$0x3F9C]  }
0x29: {  	s4 =	sld [smem:$0x3F9E]  }
0x2a: {  	p0 =	seq.s32 s5, $0x0;
	s5 =	sld [smem:$0x3F9F]  }
0x2b: {  	s6 =	sld [smem:$0x3FA0]  }
0x2c: {  	s7 =	sld [smem:$0x3FA1]  }
0x2d: {  	s3 =	simm.s32 $0x108;
	s8 =	sld [smem:$0x3FA2]  }
0x2e: {  	s3 =	simm.s32 @!p0 $0x1082;
	s9 =	sld [smem:$0x3FA3]  }
0x2f: {  	lr =	sadd.s32 s0, s3;
	s0 =	sld [smem:$0x3F9A]  }
0x30: {  	s3 =	sld [smem:$0x3F9D]  }
0x31: {  	[smem:$0x3FA6] =	sst s10  }
0x32: {  	s10 =	sld [smem:$0x3FA4];
	_ =	sdelay $0x3  }
0x33: {  	p0 =	seq.s32 s10, $0x1;
	s10 =	sld [smem:$0x3FA6];
	_ =	sdelay $0x3  }
0x34: {  	[smem:$0x3FA6] =	sst s10  }
0x35: {  	s10 =	sld [smem:$0x3FA5];
	_ =	sdelay $0x3  }
0x36: {  	p1 =	seq.s32 s10, $0x1;
	s10 =	sld [smem:$0x3FA6];
	_ =	sdelay $0x3  }
0x37: {  	[smem:$0x3FA6] =	sst s10  }
0x38: {  	s10 =	sld [smem:$0x3FA7]  }
0x39: {  	_ = 	snop;
	(pc) =	sbr.ind lr, $3  }
0x3a: {  	_ = 	snop  }
0x3b: {  	_ = 	snop  }
0x3c: {  	p2 =	seq.s32 s10, $0x1;
	s10 =	sld [smem:$0x3FA6]  }
0x3d: {  	_ =	shalt  }
0x3e: {  	_ =	shalt  }
0x3f: {  	_ =	shalt  }
0x40: {  	_ =	shalt  }
0x41: {  	_ =	shalt  }
0x42: {  	_ =	shalt  }
0x43: {  	_ =	shalt  }
0x44: {  	_ =	shalt  }
0x45: {  	_ =	shalt  }
0x46: {  	_ =	shalt  }
0x47: {  	_ =	shalt  }
0x48: {  	_ =	shalt  }
0x49: {  	_ =	shalt  }
0x4a: {  	_ =	shalt  }
0x4b: {  	_ =	shalt  }
0x4c: {  	_ =	shalt  }
0x4d: {  	_ =	shalt  }
0x4e: {  	_ =	shalt  }
0x4f: {  	_ =	shalt  }
0x50: {  	_ =	shalt  }
0x51: {  	_ =	shalt  }
0x52: {  	_ =	shalt  }
0x53: {  	_ =	shalt  }
0x54: {  	_ =	shalt  }
0x55: {  	_ =	shalt  }
0x56: {  	_ =	shalt  }
0x57: {  	_ =	shalt  }
0x58: {  	_ =	shalt  }
0x59: {  	_ =	shalt  }
0x5a: {  	_ =	shalt  }
0x5b: {  	_ =	shalt  }
0x5c: {  	_ =	shalt  }
0x5d: {  	_ =	shalt  }
0x5e: {  	_ =	shalt  }
0x5f: {  	_ =	shalt  }
0x60: {  	_ =	shalt  }
0x61: {  	_ =	shalt  }
0x62: {  	_ =	shalt  }
0x63: {  	_ =	shalt  }
0x64: {  	_ =	shalt  }
0x65: {  	_ =	shalt  }
0x66: {  	_ =	shalt  }
0x67: {  	_ =	shalt  }
0x68: {  	_ =	shalt  }
0x69: {  	_ =	shalt  }
0x6a: {  	_ =	shalt  }
0x6b: {  	_ =	shalt  }
0x6c: {  	_ =	shalt  }
0x6d: {  	_ =	shalt  }
0x6e: {  	_ =	shalt  }
0x6f: {  	_ =	shalt  }
0x70: {  	_ =	shalt  }
0x71: {  	_ =	shalt  }
0x72: {  	_ =	shalt  }
0x73: {  	_ =	shalt  }
0x74: {  	_ =	shalt  }
0x75: {  	_ =	shalt  }
0x76: {  	_ =	shalt  }
0x77: {  	_ =	shalt  }
0x78: {  	_ =	shalt  }
0x79: {  	_ =	shalt  }
0x7a: {  	_ =	shalt  }
0x7b: {  	_ =	shalt  }
0x7c: {  	_ =	shalt  }
0x7d: {  	_ =	shalt  }
0x7e: {  	_ =	shalt  }
0x7f: {  	_ =	shalt  }
0x80: {  	_ =	shalt  }
0x81: {  	_ =	shalt  }
0x82: {  	_ =	shalt  }
0x83: {  	_ =	shalt  }
0x84: {  	_ =	shalt  }
0x85: {  	_ =	shalt  }
0x86: {  	_ =	shalt  }
0x87: {  	_ =	shalt  }
.Lfunc_end0:
.L_simem_size_0:
called_computation.3_lowered:
.L_overlay_start_0:
0x88: {  	s2 =	sld [smem:$0x3FD9]  }
0x89: {  	s3 =	sld [smem:$0x3FFE];
	_ =	sdelay $0x1  }
0x8a: {  	s1 =	srdreg.scid  }
0x8b: {  	s0 =	sand.u32 $0x1, s1  }
0x8c: {  	s17 =	sshll.u32 s0, $0xA;
	s2 =	sadd.s32 s3, s2  }
0x8d: {  	s2 =	sadd.s32 s2, s17  }
0x8e: {  	[smem:$0x3FB2] =	sst s2  }
0x8f: {  	_ = 	snop  }
0x90: {  	s2 =	sld [smem:$0x3FD0];
	(tm) =	ssettm $0x1  }
0x91: {  	s18 =	sld [smem:$0x3FFB];
	_ =	sdelay $0x3  }
0x92: {  	_ =	strace s18  }
0x93: {  	s3 =	sld [smem:$0x3FFC];
	_ =	sdelay $0x3  }
0x94: {  	_ =	strace s3  }
0x95: {  	s3 =	sld [smem:$0x3FFD];
	_ =	sdelay $0x3  }
0x96: {  	_ =	strace s3  }
0x97: {  	_ =	strace $0x8FFFFFFF  }
0x98: {  	s19 =	sld [smem:$0x3FDB];
	_ =	sdelay $0x1  }
0x99: {  	s4 =	simm.s32 $_scs_section_size  }
0x9a: {  	s5 =	simm.s32 $_size__tile_overlayer_lowered;
	s6 =	simm.s32 $_tile_overlayer_lowered  }
0x9b: {  	s22 =	simm.s32 $0x1BFF;
	s21 =	sshll.u32 s6, $0x1;
	s3 =	sadd.s32 s4, s19  }
0x9c: {  	s7 =	simm.s32 $0x0;
	s20 =	sshll.u32 s5, $0x1;
	s5 =	sadd.s32 s21, s3  }
0x9d: {  	[timem:s7], [sflag:s22] =	dma.local [hbm:s5], s20  }
0x9e: {  	_ =	swait.ge [sflag:s22], s20  }
0x9f: {  	s4 =	ssub.s32 $0x0, s20;
	[sflag:s22] =	ssyncset.done $0x0  }
0xa0: {  	[sflag:s22] =	ssyncadd.s32 s4;
	_ =	sdelay $0x1  }
0xa1: {  	s23 =	simm.s32 $0x1B8B  }
0xa2: {  	_ =	swait.ge [sflag:s23], $0x1  }
0xa3: {  	[sflag:s23] =	ssyncset.done $0x0  }
0xa4: {  	s25 =	simm.s32 $0x1B8E;
	s24 =	sld [smem:$0x3FFE];
	[sflag:s23] =	ssyncadd.s32 $0xFFFFFFFF  }
0xa5: {  	s26 =	simm.s32 $execute0_lowered;
	[smem:$0x3FD2] =	sst s25  }
0xa6: {  	s5 =	sshll.u32 s26, $0x1;
	_ =	strace $0x8000004F;
	[dreg:$0x1] =	wrdreg $0xFFFFFFFF  }
0xa7: {  	s28 =	simm.s32 $_size_execute0_lowered;
	s3 =	sadd.s32 s3, s5;
	[dreg:$0x0] =	wrdreg $0x0  }
0xa8: {  	s5 =	sshll.u32 s28, $0x1;
	[dreg:$0x2] =	wrdreg s3  }
0xa9: {  	[dreg:$0x3] =	wrdreg s5  }
0xaa: {  	[dreg:$0x4] =	wrdreg $0xC0  }
0xab: {  	_ =	task [dreg:s7], $0x5FFFF  }
0xac: {  	[dreg:$0x1] =	wrdreg $0xFFFFFFFF  }
0xad: {  	[dreg:$0x0] =	wrdreg $0x60  }
0xae: {  	[dreg:$0x2] =	wrdreg s24  }
0xaf: {  	[dreg:$0x3] =	wrdreg s2  }
0xb0: {  	[dreg:$0x4] =	wrdreg $0x9  }
0xb1: {  	_ =	task.clear_ibuf [dreg:s7], $0x5FFFF;
	_ =	strace $0x9000004F  }
0xb2: {  	s29 =	simm.s32 $0x9;
	_ =	strace $0x80000051  }
0xb3: {  	_ =	swait.ge [sflag:s29], $0x1  }
0xb4: {  	[sflag:s29] =	ssyncadd.s32 $0xFFFFFFFF  }
0xb5: {  	_ =	strace $0x90000051  }
0xb6: {  	_ =	sfence  }
0xb7: {  	s30 =	sld [smem:$0x0];
	_ =	sdelay $0x2  }
0xb8: {  	s31 =	sshll.u32 s1, $0xD;
	s1 =	sshrl.u32 s1, $0x2  }
0xb9: {  	s3 =	sand.u32 $0x4000, s31;
	s1 =	sadd.s32 s1, s30  }
0xba: {  	s0 =	sor.u32 s3, s0;
	s1 =	sshll.u32 s1, $0x11  }
0xbb: {  	s0 =	sor.u32 s1, s0  }
0xbc: {  	s0 =	sadd.s32 $0x8F2B, s0  }
0xbd: {  	[sflag:s0] =	ssyncadd.remote.s32 $0x1  }
0xbe: {  	_ =	sfence.sel $0xFFFF  }
0xbf: {  	[dreg:$0x0] =	wrdreg $0xFFFFFFFF;
	(pc) =	sbr.abs _section_cstart, $3  }
0xc0: {  	[dreg:$0x1] =	wrdreg $0xFFFFFFFF  }
0xc1: {  	_ =	task.clear_ibuf [dreg:s7], $0x2FFFF;
	_ =	strace $0x9FFFFFFF  }
0xc2: {  	(tm) =	ssettm $0x7FFFFFFF  }
0xc3: {  	_ =	shalt  }
tec
execute0_lowered:
.L_overlay_start_1:
0x0: {  	(tag) =	ssettag $0x1  }
0x1: {  	s0 =	rddreg [dreg:$0x0]  }
0x2: {  	s1 =	rddreg [dreg:$0x1]  }
0x3: {  	s2 =	srdreg.scid;
	s3 =	simm.s32 $0x0;
	s5 =	stileid.u32  }
0x4: {  	s19 =	simm.s32 $0x50;
	s20 =	simm.s32 $0x2940;
	s28 =	simm.s32 $0x2  }
0x5: {  	s29 =	simm.s32 $0x1540;
	s31 =	simm.s32 $0x2A80;
	s2 =	sand.u32 $0x1, s2  }
0x6: {  	s11 =	simm.s32 $0x0;
	[smem:$0x7FF] =	sst s3;
	s4 =	sshll.u32 s2, $0x4  }
0x7: {  	s6 =	sadd.s32 $0x5000, s0;
	s2 =	ssub.s32 $0x2, s2;
	s4 =	sor.u32 s5, s4  }
0x8: {  	s7 =	sadd.s32 $0x3FE00, s0;
	s21 =	sshrl.u32 s2, $0x1;
	s4 =	smul.u32 $0x2710, s4  }
0x9: {  	_ =	strace $0x80000050;
	s5 =	sadd.s32 $0x36000, s0;
	s0 =	ssub.s32 s2, s21  }
0xa: {  	s21 =	simm.s32 $0x2990;
	s0 =	smax.u32 s0, $0x1;
	s8 =	sadd.s32 $0x50, s4  }
0xb: {  	s22 =	sshrl.u32 s4, $0x3;
	s13 =	sadd.s32 $0xA0, s4;
	s25 =	sadd.s32 $0x26C0, s4  }
0xc: {  	s14 =	sadd.s32 $0xF0, s4;
	[dreg:$0xa] =	wrdreg s0;
	s10 =	sadd.s32 s6, s22  }
0xd: {  	s9 =	sshrl.u32 s8, $0x3;
	s2 =	sadd.s32 s1, s22;
	[dreg:$0x3] =	wrdreg s10  }
0xe: {  	s0 =	simm.s32 $0x2A30;
	[dreg:$0x4] =	wrdreg s2;
	s23 =	sadd.s32 s6, s9  }
0xf: {  	s26 =	sshrl.u32 s25, $0x3;
	s24 =	sadd.s32 s1, s9;
	[dreg:$0x5] =	wrdreg s23  }
0x10: {  	s22 =	simm.s32 $0x1;
	s30 =	sadd.s32 s6, s26;
	[dreg:$0x6] =	wrdreg s24  }
0x11: {  	s2 =	sshll.u32 s25, $0x3;
	s9 =	sadd.s32 s1, s26;
	[dreg:$0x7] =	wrdreg s30  }
0x12: {  	s25 =	simm.s32 $0xF0;
	s26 =	simm.s32 $0xB40;
	[dreg:$0x8] =	wrdreg s9  }
0x13: {  	s2 =	sadd.s32 s7, s2;
	s23 =	simm.s32 $0xA0;
	s24 =	simm.s32 $0x140  }
0x14: {  	s9 =	simm.s32 $0x3E80;
	[dreg:$0x9] =	wrdreg s2;
	s2 =	simm.s32 $0x3480  }
.LBB2_1:
0x15: {  	[dreg:$0xb] =	wrdreg s11  }
0x16: {  	s10 =	rddreg [dreg:$0x3]  }
0x17: {  	[tilespmem:s3], [sflag:$0x1] =	stream.linear.gather [hbm4b:s10+s3], $0x50, $0x38;
	[tilespmem:$0x5280] =	vst v63  }
0x18: {  	s17 =	rddreg [dreg:$0x4]  }
0x19: {  	[tilespmem:s19], [sflag:$0x1] =	stream.linear.gather [hbm4b:s17+s3], $0x50, $0x38;
	[tilespmem:$0x5280] =	vst v63  }
0x1a: {  	s18 =	rddreg [dreg:$0x5]  }
0x1b: {  	[tilespmem:s20], [sflag:$0x1] =	stream.linear.gather [hbm4b:s18+s3], $0x50, $0x38;
	[tilespmem:$0x5280] =	vst v63  }
0x1c: {  	s30 =	rddreg [dreg:$0x6];
	s12 =	simm.s32 $0x0  }
0x1d: {  	[tilespmem:s21], [sflag:$0x1] =	stream.linear.gather [hbm4b:s30+s3], $0x50, $0x38;
	[tilespmem:$0x5280] =	vst v63  }
.LBB2_2:
0x1e: {  	_ =	swait.ge [sflag:s22], $0x50  }
0x1f: {  	[sflag:s22] =	ssyncset.done $0x0  }
0x20: {  	[sflag:s22] =	ssyncadd.s32 $0xFFFFFFB0  }
0x21: {  	_ =	swait.ge [sflag:s22], $0x50  }
0x22: {  	[sflag:s22] =	ssyncset.done $0x0  }
0x23: {  	[sflag:s22] =	ssyncadd.s32 $0xFFFFFFB0  }
0x24: {  	v0 =	vld [tilespmem:$0x0]  }
0x25: {  	v1 =	vld [tilespmem:$0x50]  }
0x26: {  	v2 =	vld [tilespmem:$0x10]  }
0x27: {  	v3 =	vld [tilespmem:$0x60]  }
0x28: {  	v4 =	vld [tilespmem:$0x20]  }
0x29: {  	v63 =	vld [tilespmem:$0x90];
	[tilespmem:$0xA0] =	vst v0  }
0x2a: {  	v0 =	vld [tilespmem:$0x70];
	[tilespmem:$0xF0] =	vst v1  }
0x2b: {  	v1 =	vld [tilespmem:$0x30];
	[tilespmem:$0xB0] =	vst v2  }
0x2c: {  	v2 =	vld [tilespmem:$0x80];
	[tilespmem:$0x100] =	vst v3  }
0x2d: {  	v3 =	vld [tilespmem:$0x40];
	[tilespmem:$0xC0] =	vst v4  }
0x2e: {  	[tilespmem:$0x130] =	vst v63  }
0x2f: {  	[tilespmem:$0x110] =	vst v0  }
0x30: {  	s15 =	smul.u32 $0xA0, s12;
	[tilespmem:$0xD0] =	vst v1  }
0x31: {  	[tilespmem:$0x120] =	vst v2  }
0x32: {  	s10 =	sadd.s32 s15, s13;
	[tilespmem:$0xE0] =	vst v3  }
0x33: {  	[tilespmem:s24], [sflag:$0x2] =	stream.indirect.gather [hbm4b:s5+s19], $0x20, s23, s19, $0xb8;
	[tilespmem:$0x5280] =	vst v63  }
0x34: {  	s10 =	sshrl.u32 s10, $0x3  }
0x35: {  	[tilespmem:s26], [sflag:$0x2] =	stream.indirect.gather [hbm4b:s5+s19], $0x20, s25, s19, $0xb8;
	[tilespmem:$0x5280] =	vst v63  }
0x36: {  	s11 =	sadd.s32 s6, s10  }
0x37: {  	[tilespmem:s3], [sflag:$0x1] =	stream.linear.gather [hbm4b:s11+s3], $0x50, $0x38;
	[tilespmem:$0x5280] =	vst v63  }
0x38: {  	s10 =	sadd.s32 s1, s10  }
0x39: {  	[tilespmem:s19], [sflag:$0x1] =	stream.linear.gather [hbm4b:s10+s3], $0x50, $0x38;
	[tilespmem:$0x5280] =	vst v63  }
0x3a: {  	_ =	swait.ge [sflag:s28], $0xA00  }
0x3b: {  	[sflag:s28] =	ssyncset.done $0x0  }
0x3c: {  	[sflag:s28] =	ssyncadd.s32 $0xFFFFF600  }
0x3d: {  	_ =	swait.ge [sflag:s28], $0xA00  }
0x3e: {  	p0 =	seq.s32 s12, $0x0;
	[sflag:s28] =	ssyncset.done $0x0  }
0x3f: {  	s10 =	simm.s32 @!p0 $0x3;
	[sflag:s28] =	ssyncadd.s32 $0xFFFFF600  }
0x40: {  	_ =	swait.ge @!p0 [sflag:s10], $0x1400  }
0x41: {  	[sflag:s10] =	ssyncset.done @!p0 $0x0  }
0x42: {  	s30 =	simm.s32 $0x0;
	[sflag:s10] =	ssyncadd.s32 @!p0 $0xFFFFEC00  }
0x43: {  	v0 =	vld [tilespmem:s30+$0x140]  }
0x44: {  	v1 =	vld [tilespmem:s30+$0xB40];
	_ =	sdelay $0x4  }
0x45: {  	v2 =	vsub.f32 v0, v1  }
0x46: {  	v0 =	vadd.f32 v1, v0  }
0x47: {  	v1 =	vmul.f32 $5.000000000e-01, v2  }
0x48: {  	s17 =	simm.s32 $0x1560;
	v0 =	vmul.f32 $5.000000000e-01, v0  }
0x49: {  	[tilespmem:s17+$0xFFFFFFE0] =	vst v1  }
0x4a: {  	[tilespmem:s17+$0x0] =	vst v0  }
0x4b: {  	v1 =	vld [tilespmem:s30+$0x150]  }
0x4c: {  	v2 =	vld [tilespmem:s30+$0xB50];
	_ =	sdelay $0x3  }
0x4d: {  	s16 =	sshll.u32 s12, $0x1  }
0x4e: {  	s18 =	sadd.s32 s4, s15;
	s11 =	simm.s32 $0x80;
	s10 =	simm.s32 $0x1560;
	v0 =	vsub.f32 v1, v2;
	v1 =	vadd.f32 v2, v1  }
.LBB2_3:
0x4f: {  	p1 =	sne.s32 s11, $0x2780  }
0x50: {  	s17 =	sadd.s32 $0x40, s17;
	s30 =	smov.u32 s11;
	s11 =	sadd.s32 $0x80, s11  }
0x51: {  	v0 =	vmul.f32 $5.000000000e-01, v0;
	v1 =	vmul.f32 $5.000000000e-01, v1;
	_ =	sdelay $0x1  }
0x52: {  	[tilespmem:s10+$0xFFFFFFF0] =	vst v0  }
0x53: {  	s30 =	sshra.s32 s30, $0x2;
	[tilespmem:s10+$0x10] =	vst v1;
	s10 =	smov.u32 s17  }
0x54: {  	v0 =	vld [tilespmem:s30+$0x140]  }
0x55: {  	v1 =	vld [tilespmem:s30+$0xB40];
	_ =	sdelay $0x4  }
0x56: {  	v2 =	vsub.f32 v0, v1;
	v0 =	vadd.f32 v1, v0;
	_ =	sdelay $0x1  }
0x57: {  	v1 =	vmul.f32 $5.000000000e-01, v2;
	v0 =	vmul.f32 $5.000000000e-01, v0;
	_ =	sdelay $0x1  }
0x58: {  	[tilespmem:s17+$0xFFFFFFE0] =	vst v1  }
0x59: {  	[tilespmem:s17+$0x0] =	vst v0  }
0x5a: {  	v1 =	vld [tilespmem:s30+$0x150]  }
0x5b: {  	v2 =	vld [tilespmem:s30+$0xB50]  }
.Ltmp0:
0x5c: {  	(pc) =	sbr.rel @p1 .LBB2_3-.Ltmp0, $2  }
0x5d: {  	_ =	sdelay $0x2  }
0x5e: {  	v0 =	vsub.f32 v1, v2;
	v1 =	vadd.f32 v2, v1  }
0x5f: {  	_ = 	snop  }
0x60: {  	v0 =	vmul.f32 $5.000000000e-01, v0  }
0x61: {  	v1 =	vmul.f32 $5.000000000e-01, v1  }
0x62: {  	s11 =	sshll.u32 s18, $0x3;
	[tilespmem:s10+$0xFFFFFFF0] =	vst v0  }
0x63: {  	s30 =	sadd.s32 s7, s11;
	[tilespmem:s10+$0x10] =	vst v1  }
0x64: {  	[hbm4b:s30+s3] =	stream.linear.scatter [tilespmem:s29], [sflag:$0x3], $0x1400, $0x38;
	[tilespmem:$0x5280] =	vst v63  }
0x65: {  	_ =	swait.ge [sflag:s22], $0x50  }
0x66: {  	[sflag:s22] =	ssyncset.done $0x0  }
0x67: {  	[sflag:s22] =	ssyncadd.s32 $0xFFFFFFB0  }
0x68: {  	_ =	swait.ge [sflag:s22], $0x50  }
0x69: {  	[sflag:s22] =	ssyncset.done $0x0  }
0x6a: {  	[sflag:s22] =	ssyncadd.s32 $0xFFFFFFB0  }
0x6b: {  	v0 =	vld [tilespmem:$0x2940]  }
0x6c: {  	v1 =	vld [tilespmem:$0x2990]  }
0x6d: {  	v2 =	vld [tilespmem:$0x2950]  }
0x6e: {  	v3 =	vld [tilespmem:$0x29A0]  }
0x6f: {  	v4 =	vld [tilespmem:$0x2960]  }
0x70: {  	v63 =	vld [tilespmem:$0x29D0];
	[tilespmem:$0x29E0] =	vst v0  }
0x71: {  	v0 =	vld [tilespmem:$0x29B0];
	[tilespmem:$0x2A30] =	vst v1  }
0x72: {  	v1 =	vld [tilespmem:$0x2970];
	[tilespmem:$0x29F0] =	vst v2  }
0x73: {  	v2 =	vld [tilespmem:$0x29C0];
	[tilespmem:$0x2A40] =	vst v3  }
0x74: {  	v3 =	vld [tilespmem:$0x2980];
	[tilespmem:$0x2A00] =	vst v4  }
0x75: {  	[tilespmem:$0x2A70] =	vst v63  }
0x76: {  	s17 =	smin.u32 s16, $0x79;
	[tilespmem:$0x2A50] =	vst v0  }
0x77: {  	s10 =	smul.u32 $0x50, s17;
	[tilespmem:$0x2A10] =	vst v1  }
0x78: {  	[tilespmem:$0x2A60] =	vst v2  }
0x79: {  	s11 =	simm.s32 $0x29E0;
	s10 =	sadd.s32 s10, s14;
	[tilespmem:$0x2A20] =	vst v3  }
0x7a: {  	[tilespmem:s31], [sflag:$0x2] =	stream.indirect.gather [hbm4b:s5+s19], $0x20, s11, s19, $0xb8;
	[tilespmem:$0x5280] =	vst v63  }
0x7b: {  	s10 =	sshrl.u32 s10, $0x3  }
0x7c: {  	[tilespmem:s2], [sflag:$0x2] =	stream.indirect.gather [hbm4b:s5+s19], $0x20, s0, s19, $0xb8;
	[tilespmem:$0x5280] =	vst v63  }
0x7d: {  	s18 =	sadd.s32 s6, s10  }
0x7e: {  	[tilespmem:s20], [sflag:$0x1] =	stream.linear.gather [hbm4b:s18+s3], $0x50, $0x38;
	[tilespmem:$0x5280] =	vst v63  }
0x7f: {  	s10 =	sadd.s32 s1, s10  }
0x80: {  	[tilespmem:s21], [sflag:$0x1] =	stream.linear.gather [hbm4b:s10+s3], $0x50, $0x38;
	[tilespmem:$0x5280] =	vst v63  }
0x81: {  	_ =	swait.ge [sflag:s28], $0xA00  }
0x82: {  	[sflag:s28] =	ssyncset.done $0x0  }
0x83: {  	[sflag:s28] =	ssyncadd.s32 $0xFFFFF600  }
0x84: {  	_ =	swait.ge [sflag:s28], $0xA00  }
0x85: {  	[sflag:s28] =	ssyncset.done $0x0  }
0x86: {  	s10 =	simm.s32 @!p0 $0x3;
	[sflag:s28] =	ssyncadd.s32 $0xFFFFF600  }
0x87: {  	_ =	swait.ge @!p0 [sflag:s10], $0x1400  }
0x88: {  	[sflag:s10] =	ssyncset.done @!p0 $0x0  }
0x89: {  	s30 =	simm.s32 $0x0;
	[sflag:s10] =	ssyncadd.s32 @!p0 $0xFFFFEC00  }
0x8a: {  	v0 =	vld [tilespmem:s30+$0x2A80]  }
0x8b: {  	v1 =	vld [tilespmem:s30+$0x3480];
	_ =	sdelay $0x4  }
0x8c: {  	v2 =	vsub.f32 v0, v1  }
0x8d: {  	v0 =	vadd.f32 v1, v0  }
0x8e: {  	v1 =	vmul.f32 $5.000000000e-01, v2  }
0x8f: {  	s16 =	simm.s32 $0x3EA0;
	v0 =	vmul.f32 $5.000000000e-01, v0  }
0x90: {  	[tilespmem:s16+$0xFFFFFFE0] =	vst v1  }
0x91: {  	[tilespmem:s16+$0x0] =	vst v0  }
0x92: {  	v1 =	vld [tilespmem:s30+$0x2A90]  }
0x93: {  	v2 =	vld [tilespmem:s30+$0x3490];
	_ =	sdelay $0x4  }
0x94: {  	s15 =	sadd.s32 s15, s8;
	s17 =	simm.s32 $0x3EA0;
	s10 =	simm.s32 $0x80;
	v0 =	vsub.f32 v1, v2;
	v1 =	vadd.f32 v2, v1  }
.LBB2_5:
0x95: {  	p0 =	sne.s32 s10, $0x2780  }
0x96: {  	s16 =	sadd.s32 $0x40, s16;
	s11 =	smov.u32 s10;
	s10 =	sadd.s32 $0x80, s10  }
0x97: {  	v0 =	vmul.f32 $5.000000000e-01, v0;
	v1 =	vmul.f32 $5.000000000e-01, v1;
	_ =	sdelay $0x1  }
0x98: {  	[tilespmem:s17+$0xFFFFFFF0] =	vst v0  }
0x99: {  	s11 =	sshra.s32 s11, $0x2;
	[tilespmem:s17+$0x10] =	vst v1;
	s17 =	smov.u32 s16  }
0x9a: {  	v0 =	vld [tilespmem:s11+$0x2A80]  }
0x9b: {  	v1 =	vld [tilespmem:s11+$0x3480];
	_ =	sdelay $0x4  }
0x9c: {  	v2 =	vsub.f32 v0, v1;
	v0 =	vadd.f32 v1, v0;
	_ =	sdelay $0x1  }
0x9d: {  	v1 =	vmul.f32 $5.000000000e-01, v2;
	v0 =	vmul.f32 $5.000000000e-01, v0;
	_ =	sdelay $0x1  }
0x9e: {  	[tilespmem:s16+$0xFFFFFFE0] =	vst v1  }
0x9f: {  	[tilespmem:s16+$0x0] =	vst v0  }
0xa0: {  	v1 =	vld [tilespmem:s11+$0x2A90]  }
0xa1: {  	v2 =	vld [tilespmem:s11+$0x3490]  }
.Ltmp1:
0xa2: {  	(pc) =	sbr.rel @p0 .LBB2_5-.Ltmp1, $2  }
0xa3: {  	_ =	sdelay $0x2  }
0xa4: {  	v0 =	vsub.f32 v1, v2;
	v1 =	vadd.f32 v2, v1  }
0xa5: {  	s12 =	sadd.s32 $0x1, s12  }
0xa6: {  	p0 =	sne.s32 s12, $0x3E  }
.Ltmp2:
0xa7: {  	v0 =	vmul.f32 $5.000000000e-01, v0;
	(pc) =	sbr.rel @p0 .LBB2_2-.Ltmp2, $4  }
0xa8: {  	s10 =	sshll.u32 s15, $0x3;
	v1 =	vmul.f32 $5.000000000e-01, v1  }
0xa9: {  	s10 =	sand.u32 $0x1FFFFF80, s10;
	[tilespmem:s17+$0xFFFFFFF0] =	vst v0  }
0xaa: {  	s10 =	sadd.s32 s7, s10;
	[tilespmem:s17+$0x10] =	vst v1  }
0xab: {  	[hbm4b:s10+s3] =	stream.linear.scatter [tilespmem:s9], [sflag:$0x3], $0x1400, $0x38;
	[tilespmem:$0x5280] =	vst v63  }
0xac: {  	_ =	swait.ge [sflag:s22], $0x50  }
0xad: {  	[sflag:s22] =	ssyncset.done $0x0  }
0xae: {  	[sflag:s22] =	ssyncadd.s32 $0xFFFFFFB0  }
0xaf: {  	_ =	swait.ge [sflag:s22], $0x50  }
0xb0: {  	[sflag:s22] =	ssyncset.done $0x0  }
0xb1: {  	[sflag:s22] =	ssyncadd.s32 $0xFFFFFFB0  }
0xb2: {  	v0 =	vld [tilespmem:$0x0]  }
0xb3: {  	v1 =	vld [tilespmem:$0x50]  }
0xb4: {  	v2 =	vld [tilespmem:$0x10]  }
0xb5: {  	v3 =	vld [tilespmem:$0x60]  }
0xb6: {  	v4 =	vld [tilespmem:$0x20]  }
0xb7: {  	v63 =	vld [tilespmem:$0x90];
	[tilespmem:$0xA0] =	vst v0  }
0xb8: {  	v0 =	vld [tilespmem:$0x70];
	[tilespmem:$0xF0] =	vst v1  }
0xb9: {  	v1 =	vld [tilespmem:$0x30];
	[tilespmem:$0xB0] =	vst v2  }
0xba: {  	v2 =	vld [tilespmem:$0x80];
	[tilespmem:$0x100] =	vst v3  }
0xbb: {  	v3 =	vld [tilespmem:$0x40];
	[tilespmem:$0xC0] =	vst v4  }
0xbc: {  	[tilespmem:$0x130] =	vst v63  }
0xbd: {  	[tilespmem:$0x110] =	vst v0  }
0xbe: {  	[tilespmem:$0xD0] =	vst v1  }
0xbf: {  	[tilespmem:$0x120] =	vst v2  }
0xc0: {  	[tilespmem:$0xE0] =	vst v3  }
0xc1: {  	[tilespmem:s24], [sflag:$0x2] =	stream.indirect.gather [hbm4b:s5+s19], $0x20, s23, s19, $0xb8;
	[tilespmem:$0x5280] =	vst v63  }
0xc2: {  	_ = 	snop  }
0xc3: {  	[tilespmem:s26], [sflag:$0x2] =	stream.indirect.gather [hbm4b:s5+s19], $0x20, s25, s19, $0xb8;
	[tilespmem:$0x5280] =	vst v63  }
0xc4: {  	s10 =	simm.s32 $0x0;
	s11 =	rddreg [dreg:$0x7]  }
0xc5: {  	[tilespmem:s10], [sflag:$0x1] =	stream.linear.gather [hbm4b:s11+s10], $0x50, $0x38;
	[tilespmem:$0x5280] =	vst v63  }
0xc6: {  	s18 =	rddreg [dreg:$0x8]  }
0xc7: {  	[tilespmem:s19], [sflag:$0x1] =	stream.linear.gather [hbm4b:s18+s10], $0x50, $0x38;
	[tilespmem:$0x5280] =	vst v63  }
0xc8: {  	_ =	swait.ge [sflag:s28], $0xA00  }
0xc9: {  	[sflag:s28] =	ssyncset.done $0x0  }
0xca: {  	[sflag:s28] =	ssyncadd.s32 $0xFFFFF600  }
0xcb: {  	_ =	swait.ge [sflag:s28], $0xA00  }
0xcc: {  	[sflag:s28] =	ssyncset.done $0x0  }
0xcd: {  	s16 =	simm.s32 $0x3;
	[sflag:s28] =	ssyncadd.s32 $0xFFFFF600  }
0xce: {  	_ =	swait.ge [sflag:s16], $0x1400  }
0xcf: {  	[sflag:s16] =	ssyncset.done $0x0  }
0xd0: {  	s30 =	simm.s32 $0x0;
	[sflag:s16] =	ssyncadd.s32 $0xFFFFEC00  }
0xd1: {  	v0 =	vld [tilespmem:s30+$0x140]  }
0xd2: {  	v1 =	vld [tilespmem:s30+$0xB40];
	_ =	sdelay $0x4  }
0xd3: {  	v2 =	vsub.f32 v0, v1  }
0xd4: {  	v0 =	vadd.f32 v1, v0  }
0xd5: {  	v1 =	vmul.f32 $5.000000000e-01, v2  }
0xd6: {  	s12 =	simm.s32 $0x1560;
	v0 =	vmul.f32 $5.000000000e-01, v0  }
0xd7: {  	[tilespmem:s12+$0xFFFFFFE0] =	vst v1  }
0xd8: {  	[tilespmem:s12+$0x0] =	vst v0  }
0xd9: {  	v1 =	vld [tilespmem:s30+$0x150]  }
0xda: {  	v2 =	vld [tilespmem:s30+$0xB50];
	_ =	sdelay $0x4  }
0xdb: {  	s11 =	simm.s32 $0x80;
	s10 =	simm.s32 $0x1560;
	v0 =	vsub.f32 v1, v2;
	v1 =	vadd.f32 v2, v1  }
.LBB2_8:
0xdc: {  	p0 =	sne.s32 s11, $0x2780  }
0xdd: {  	s12 =	sadd.s32 $0x40, s12;
	s15 =	smov.u32 s11;
	s11 =	sadd.s32 $0x80, s11  }
0xde: {  	v0 =	vmul.f32 $5.000000000e-01, v0;
	v1 =	vmul.f32 $5.000000000e-01, v1;
	_ =	sdelay $0x1  }
0xdf: {  	[tilespmem:s10+$0xFFFFFFF0] =	vst v0  }
0xe0: {  	s15 =	sshra.s32 s15, $0x2;
	[tilespmem:s10+$0x10] =	vst v1;
	s10 =	smov.u32 s12  }
0xe1: {  	v0 =	vld [tilespmem:s15+$0x140]  }
0xe2: {  	v1 =	vld [tilespmem:s15+$0xB40];
	_ =	sdelay $0x4  }
0xe3: {  	v2 =	vsub.f32 v0, v1;
	v0 =	vadd.f32 v1, v0;
	_ =	sdelay $0x1  }
0xe4: {  	v1 =	vmul.f32 $5.000000000e-01, v2;
	v0 =	vmul.f32 $5.000000000e-01, v0;
	_ =	sdelay $0x1  }
0xe5: {  	[tilespmem:s12+$0xFFFFFFE0] =	vst v1  }
0xe6: {  	[tilespmem:s12+$0x0] =	vst v0  }
0xe7: {  	v1 =	vld [tilespmem:s15+$0x150]  }
0xe8: {  	v2 =	vld [tilespmem:s15+$0xB50]  }
.Ltmp3:
0xe9: {  	(pc) =	sbr.rel @p0 .LBB2_8-.Ltmp3, $2  }
0xea: {  	_ =	sdelay $0x2  }
0xeb: {  	v0 =	vsub.f32 v1, v2;
	v1 =	vadd.f32 v2, v1  }
0xec: {  	_ = 	snop  }
0xed: {  	v0 =	vmul.f32 $5.000000000e-01, v0  }
0xee: {  	v1 =	vmul.f32 $5.000000000e-01, v1  }
0xef: {  	[tilespmem:s10+$0xFFFFFFF0] =	vst v0  }
0xf0: {  	s18 =	rddreg [dreg:$0x9];
	[tilespmem:s10+$0x10] =	vst v1  }
0xf1: {  	[hbm4b:s18+s3] =	stream.linear.scatter [tilespmem:s29], [sflag:$0x3], $0x1400, $0x38;
	[tilespmem:$0x5280] =	vst v63  }
0xf2: {  	_ =	swait.ge [sflag:s16], $0x1400  }
0xf3: {  	[sflag:s16] =	ssyncset.done $0x0  }
0xf4: {  	[sflag:s16] =	ssyncadd.s32 $0xFFFFEC00  }
0xf5: {  	_ =	swait.ge [sflag:s16], $0x1400  }
0xf6: {  	[sflag:s16] =	ssyncset.done $0x0  }
0xf7: {  	[sflag:s16] =	ssyncadd.s32 $0xFFFFEC00  }
0xf8: {  	_ =	swait.ge [sflag:s22], $0x50  }
0xf9: {  	[sflag:s22] =	ssyncset.done $0x0  }
0xfa: {  	[sflag:s22] =	ssyncadd.s32 $0xFFFFFFB0  }
0xfb: {  	_ =	swait.ge [sflag:s22], $0x50  }
0xfc: {  	[sflag:s22] =	ssyncset.done $0x0  }
0xfd: {  	[sflag:s22] =	ssyncadd.s32 $0xFFFFFFB0  }
0xfe: {  	_ =	swait.ge [sflag:s22], $0x50  }
0xff: {  	[sflag:s22] =	ssyncset.done $0x0  }
0x100: {  	[sflag:s22] =	ssyncadd.s32 $0xFFFFFFB0  }
0x101: {  	_ =	swait.ge [sflag:s22], $0x50  }
0x102: {  	s11 =	rddreg [dreg:$0xb]  }
0x103: {  	s30 =	rddreg [dreg:$0xa];
	s11 =	sadd.s32 $0x1, s11  }
0x104: {  	p0 =	sne.s32 s11, s30  }
.Ltmp4:
0x105: {  	_ = 	snop;
	(pc) =	sbr.rel @p0 .LBB2_1-.Ltmp4, $3  }
0x106: {  	_ =	sdelay $0x1  }
0x107: {  	[sflag:s22] =	ssyncset.done $0x0  }
0x108: {  	[sflag:s22] =	ssyncadd.s32 $0xFFFFFFB0  }
0x109: {  	_ =	sfence.sel $0x180000  }
0x10a: {  	[bflag:$0x0] =	sbarrier.arrive $0xFFFF  }
0x10b: {  	_ =	strace $0x90000050  }
0x10c: {  	s0 =	stileid.u32;
	[bflag:$0x2] =	sbarrier.arrive $0xFFFF  }
0x10d: {  	p0 =	sne.s32 s0, $0x0;
	s0 =	rddreg [dreg:$0x2]  }
0x10e: {  	s0 =	sadd.s32 @!p0 $0x100000, s0  }
0x10f: {  	[sflag:s0] =	ssyncadd.tile.s32 @!p0 $0x1;
	_ =	shalt  }
.Lfunc_end2:
_tile_overlayer_lowered:
.L_overlay_start_2:
0x110: {  	(tag) =	ssettag $0x2  }
0x111: {  	s0 =	rddreg [dreg:$0x0];
	s2 =	stileid.u32  }
0x112: {  	s1 =	rddreg [dreg:$0x1];
	p0 =	sne.s32 s2, $0x0  }
0x113: {  	s3 =	rddreg [dreg:$0x2];
	[bflag:$0x3] =	sbarrier.arrive $0xFFFF;
	s2 =	simm.s32 @!p0 $0x1C04  }
0x114: {  	[timem:s3], [sflag:s2] =	dma.local @!p0 [hbm:s0], s1  }
0x115: {  	s0 =	simm.s32 @!p0 $0x4  }
0x116: {  	_ =	swait.ge @!p0 [sflag:s0], s1  }
0x117: {  	s1 =	ssub.s32 @!p0 $0x0, s1;
	[sflag:s0] =	ssyncset.done @!p0 $0x0  }
0x118: {  	[sflag:s0] =	ssyncadd.s32 @!p0 s1  }
0x119: {  	[bflag:$0x3] =	sbarrier.arrive $0xFFFF  }
0x11a: {  	_ =	shalt  }

// kernel: kernel.25.cloned.1.call-start
scs
__scs_entry_jumppad:
0x0: {  	(pc) =	sbr.rel $0x88, $3  }
0x1: {  	(tag) =	ssettag $0x0;
	lr =	simm.s32 $0x1  }
0x2: {  	[smem:$0x3F8B] =	sst lr;
	_ =	strace $0xD0000000  }
0x3: {  	_ = 	snop  }
0x4: {  	_ = 	snop  }
0x5: {  	_ = 	snop  }
0x6: {  	_ = 	snop  }
0x7: {  	_ = 	snop  }
__scs_overlays_trampoline_lowered:
0x8: {  	[smem:$0x3F9A] =	sst s0  }
0x9: {  	[smem:$0x3F9B] =	sst s1  }
0xa: {  	[smem:$0x3F9C] =	sst s2  }
0xb: {  	[smem:$0x3F9D] =	sst s3  }
0xc: {  	[smem:$0x3F9E] =	sst s4  }
0xd: {  	[smem:$0x3F9F] =	sst s5  }
0xe: {  	[smem:$0x3FA0] =	sst s6  }
0xf: {  	[smem:$0x3FA1] =	sst s7  }
0x10: {  	[smem:$0x3FA2] =	sst s8  }
0x11: {  	[smem:$0x3FA3] =	sst s9;
	s0 =	simm.s32 @!p0 $0x0  }
0x12: {  	s1 =	sld [smem:$0x3F89];
	s0 =	simm.s32 @p0 $0x1  }
0x13: {  	[smem:$0x3FA4] =	sst s0;
	s0 =	simm.s32 @!p1 $0x0  }
0x14: {  	s2 =	sld [smem:$0x3F88];
	s0 =	simm.s32 @p1 $0x1  }
0x15: {  	[smem:$0x3FA5] =	sst s0;
	s0 =	simm.s32 @!p2 $0x0  }
0x16: {  	s3 =	sld [smem:$0x3FDB];
	s0 =	simm.s32 @p2 $0x1  }
0x17: {  	s4 =	simm.s32 $0x1BF5;
	[smem:$0x3FA7] =	sst s0  }
0x18: {  	s0 =	sld [smem:$0x3F8A];
	_ =	swait.ge [sflag:s4], $0x0  }
0x19: {  	s7 =	sld [smem:$0x3F8B]  }
0x1a: {  	s8 =	sadd.s32 $0xFFFFE003, lr  }
0x1b: {  	s9 =	sadd.s32 $0xFFFFFEF7, lr;
	s5 =	simm.s32 $0xFFFFFFFF;
	p2 =	slt.u32 s8, $0xFFFFF086  }
0x1c: {  	p1 =	slt.u32 s9, $0xF7A;
	s5 =	simm.s32 @!p2 $0x0  }
0x1d: {  	s5 =	simm.s32 @p1 $0x1;
	p0 =	seq.s32 s7, s2  }
0x1e: {  	s7 =	smul.u32 @!p0 $0xF7A, s2;
	p2 =	seq.s32 @!p0 s5, $0x0  }
0x1f: {  	s9 =	smul.u32 $0xF7A, s1;
	s8 =	simm.s32 @!p0 $0x1BF5;
	p2 =	por !p2, p0  }
0x20: {  	[sflag:s8] =	ssyncset.s32 @!p0 $0xFFFFF086;
	s6 =	sadd.s32 @!p0 s3, s7;
	s7 =	simm.s32 @!p0 $0x108  }
0x21: {  	s3 =	sadd.s32 s3, s9;
	s6 =	sadd.s32 @!p0 $0x88, s6;
	s7 =	simm.s32 @p2 $0x1082  }
0x22: {  	[simem:s7], [sflag:s8] =	dma.local @!p0 [hbm:s6], $0xF7A  }
0x23: {  	s9 =	sor.u32 $0xD0000000, s2;
	s6 =	simm.s32 $0x108;
	_ =	swait.ge @!p0 [sflag:s8], $0x0  }
0x24: {  	s3 =	sadd.s32 $0x88, s3;
	s6 =	simm.s32 @!p1 $0x1082;
	[sflag:s4] =	ssyncset.s32 $0xFFFFF086  }
0x25: {  	[simem:s6], [sflag:s4] =	dma.local [hbm:s3], $0xF7A  }
0x26: {  	[smem:$0x3F8B] =	sst s1;
	(tag) =	ssettag s2;
	_ =	strace s9  }
0x27: {  	s1 =	sld [smem:$0x3F9B]  }
0x28: {  	s2 =	sld [smem:$0x3F9C]  }
0x29: {  	s4 =	sld [smem:$0x3F9E]  }
0x2a: {  	p0 =	seq.s32 s5, $0x0;
	s5 =	sld [smem:$0x3F9F]  }
0x2b: {  	s6 =	sld [smem:$0x3FA0]  }
0x2c: {  	s7 =	sld [smem:$0x3FA1]  }
0x2d: {  	s3 =	simm.s32 $0x108;
	s8 =	sld [smem:$0x3FA2]  }
0x2e: {  	s3 =	simm.s32 @!p0 $0x1082;
	s9 =	sld [smem:$0x3FA3]  }
0x2f: {  	lr =	sadd.s32 s0, s3;
	s0 =	sld [smem:$0x3F9A]  }
0x30: {  	s3 =	sld [smem:$0x3F9D]  }
0x31: {  	[smem:$0x3FA6] =	sst s10  }
0x32: {  	s10 =	sld [smem:$0x3FA4];
	_ =	sdelay $0x3  }
0x33: {  	p0 =	seq.s32 s10, $0x1;
	s10 =	sld [smem:$0x3FA6];
	_ =	sdelay $0x3  }
0x34: {  	[smem:$0x3FA6] =	sst s10  }
0x35: {  	s10 =	sld [smem:$0x3FA5];
	_ =	sdelay $0x3  }
0x36: {  	p1 =	seq.s32 s10, $0x1;
	s10 =	sld [smem:$0x3FA6];
	_ =	sdelay $0x3  }
0x37: {  	[smem:$0x3FA6] =	sst s10  }
0x38: {  	s10 =	sld [smem:$0x3FA7]  }
0x39: {  	_ = 	snop;
	(pc) =	sbr.ind lr, $3  }
0x3a: {  	_ = 	snop  }
0x3b: {  	_ = 	snop  }
0x3c: {  	p2 =	seq.s32 s10, $0x1;
	s10 =	sld [smem:$0x3FA6]  }
0x3d: {  	_ =	shalt  }
0x3e: {  	_ =	shalt  }
0x3f: {  	_ =	shalt  }
0x40: {  	_ =	shalt  }
0x41: {  	_ =	shalt  }
0x42: {  	_ =	shalt  }
0x43: {  	_ =	shalt  }
0x44: {  	_ =	shalt  }
0x45: {  	_ =	shalt  }
0x46: {  	_ =	shalt  }
0x47: {  	_ =	shalt  }
0x48: {  	_ =	shalt  }
0x49: {  	_ =	shalt  }
0x4a: {  	_ =	shalt  }
0x4b: {  	_ =	shalt  }
0x4c: {  	_ =	shalt  }
0x4d: {  	_ =	shalt  }
0x4e: {  	_ =	shalt  }
0x4f: {  	_ =	shalt  }
0x50: {  	_ =	shalt  }
0x51: {  	_ =	shalt  }
0x52: {  	_ =	shalt  }
0x53: {  	_ =	shalt  }
0x54: {  	_ =	shalt  }
0x55: {  	_ =	shalt  }
0x56: {  	_ =	shalt  }
0x57: {  	_ =	shalt  }
0x58: {  	_ =	shalt  }
0x59: {  	_ =	shalt  }
0x5a: {  	_ =	shalt  }
0x5b: {  	_ =	shalt  }
0x5c: {  	_ =	shalt  }
0x5d: {  	_ =	shalt  }
0x5e: {  	_ =	shalt  }
0x5f: {  	_ =	shalt  }
0x60: {  	_ =	shalt  }
0x61: {  	_ =	shalt  }
0x62: {  	_ =	shalt  }
0x63: {  	_ =	shalt  }
0x64: {  	_ =	shalt  }
0x65: {  	_ =	shalt  }
0x66: {  	_ =	shalt  }
0x67: {  	_ =	shalt  }
0x68: {  	_ =	shalt  }
0x69: {  	_ =	shalt  }
0x6a: {  	_ =	shalt  }
0x6b: {  	_ =	shalt  }
0x6c: {  	_ =	shalt  }
0x6d: {  	_ =	shalt  }
0x6e: {  	_ =	shalt  }
0x6f: {  	_ =	shalt  }
0x70: {  	_ =	shalt  }
0x71: {  	_ =	shalt  }
0x72: {  	_ =	shalt  }
0x73: {  	_ =	shalt  }
0x74: {  	_ =	shalt  }
0x75: {  	_ =	shalt  }
0x76: {  	_ =	shalt  }
0x77: {  	_ =	shalt  }
0x78: {  	_ =	shalt  }
0x79: {  	_ =	shalt  }
0x7a: {  	_ =	shalt  }
0x7b: {  	_ =	shalt  }
0x7c: {  	_ =	shalt  }
0x7d: {  	_ =	shalt  }
0x7e: {  	_ =	shalt  }
0x7f: {  	_ =	shalt  }
0x80: {  	_ =	shalt  }
0x81: {  	_ =	shalt  }
0x82: {  	_ =	shalt  }
0x83: {  	_ =	shalt  }
0x84: {  	_ =	shalt  }
0x85: {  	_ =	shalt  }
0x86: {  	_ =	shalt  }
0x87: {  	_ =	shalt  }
.Lfunc_end0:
.L_simem_size_0:
called_computation.4_lowered:
.L_overlay_start_0:
0x88: {  	s2 =	sld [smem:$0x3FD9]  }
0x89: {  	s3 =	sld [smem:$0x3FFE];
	_ =	sdelay $0x1  }
0x8a: {  	s1 =	srdreg.scid  }
0x8b: {  	s0 =	sand.u32 $0x1, s1  }
0x8c: {  	s16 =	sshll.u32 s0, $0xA;
	s2 =	sadd.s32 s3, s2  }
0x8d: {  	s2 =	sadd.s32 s2, s16  }
0x8e: {  	[smem:$0x3FB2] =	sst s2  }
0x8f: {  	_ = 	snop  }
0x90: {  	(tm) =	ssettm $0x1  }
0x91: {  	s17 =	sld [smem:$0x3FFB];
	_ =	sdelay $0x3  }
0x92: {  	_ =	strace s17  }
0x93: {  	s2 =	sld [smem:$0x3FFC];
	_ =	sdelay $0x3  }
0x94: {  	_ =	strace s2  }
0x95: {  	s2 =	sld [smem:$0x3FFD];
	_ =	sdelay $0x3  }
0x96: {  	_ =	strace s2  }
0x97: {  	_ =	strace $0x8FFFFFFF  }
0x98: {  	s18 =	sld [smem:$0x3FDB];
	_ =	sdelay $0x1  }
0x99: {  	s19 =	simm.s32 $_scs_section_size  }
0x9a: {  	s4 =	simm.s32 $_size__tile_overlayer_lowered;
	s5 =	simm.s32 $_tile_overlayer_lowered  }
0x9b: {  	s22 =	simm.s32 $0x1BFF;
	s21 =	sshll.u32 s5, $0x1;
	s2 =	sadd.s32 s19, s18  }
0x9c: {  	s6 =	simm.s32 $0x0;
	s20 =	sshll.u32 s4, $0x1;
	s4 =	sadd.s32 s21, s2  }
0x9d: {  	[timem:s6], [sflag:s22] =	dma.local [hbm:s4], s20  }
0x9e: {  	_ =	swait.ge [sflag:s22], s20  }
0x9f: {  	s3 =	ssub.s32 $0x0, s20;
	[sflag:s22] =	ssyncset.done $0x0  }
0xa0: {  	[sflag:s22] =	ssyncadd.s32 s3;
	_ =	sdelay $0x1  }
0xa1: {  	s23 =	simm.s32 $0x1B8B  }
0xa2: {  	_ =	swait.ge [sflag:s23], $0x1  }
0xa3: {  	[sflag:s23] =	ssyncset.done $0x0  }
0xa4: {  	s25 =	simm.s32 $0x1B8E;
	s24 =	sld [smem:$0x3FFE];
	[sflag:s23] =	ssyncadd.s32 $0xFFFFFFFF  }
0xa5: {  	s26 =	simm.s32 $execute0_lowered;
	[smem:$0x3FD2] =	sst s25  }
0xa6: {  	s4 =	sshll.u32 s26, $0x1;
	_ =	strace $0x80000052;
	[dreg:$0x1] =	wrdreg $0xFFFFFFFF  }
0xa7: {  	s28 =	simm.s32 $_size_execute0_lowered;
	s2 =	sadd.s32 s2, s4;
	[dreg:$0x0] =	wrdreg $0x0  }
0xa8: {  	s4 =	sshll.u32 s28, $0x1;
	[dreg:$0x2] =	wrdreg s2  }
0xa9: {  	[dreg:$0x3] =	wrdreg s4  }
0xaa: {  	[dreg:$0x4] =	wrdreg $0xC0  }
0xab: {  	_ =	task [dreg:s6], $0x5FFFF  }
0xac: {  	[dreg:$0x1] =	wrdreg $0xFFFFFFFF  }
0xad: {  	[dreg:$0x0] =	wrdreg $0x60  }
0xae: {  	[dreg:$0x2] =	wrdreg s24  }
0xaf: {  	[dreg:$0x3] =	wrdreg $0x17400  }
0xb0: {  	[dreg:$0x4] =	wrdreg $0x9  }
0xb1: {  	_ =	task.clear_ibuf [dreg:s6], $0x5FFFF;
	_ =	strace $0x90000052  }
0xb2: {  	s29 =	simm.s32 $0x9;
	_ =	strace $0x80000054  }
0xb3: {  	_ =	swait.ge [sflag:s29], $0x1  }
0xb4: {  	[sflag:s29] =	ssyncadd.s32 $0xFFFFFFFF  }
0xb5: {  	_ =	strace $0x90000054  }
0xb6: {  	_ =	sfence  }
0xb7: {  	s30 =	sld [smem:$0x0];
	_ =	sdelay $0x2  }
0xb8: {  	s31 =	sshll.u32 s1, $0xD;
	s1 =	sshrl.u32 s1, $0x2  }
0xb9: {  	s3 =	sand.u32 $0x4000, s31;
	s1 =	sadd.s32 s1, s30  }
0xba: {  	s0 =	sor.u32 s3, s0;
	s1 =	sshll.u32 s1, $0x11  }
0xbb: {  	s0 =	sor.u32 s1, s0  }
0xbc: {  	s0 =	sadd.s32 $0x8F2B, s0  }
0xbd: {  	[sflag:s0] =	ssyncadd.remote.s32 $0x1  }
0xbe: {  	_ =	sfence.sel $0xFFFF  }
0xbf: {  	[dreg:$0x0] =	wrdreg $0xFFFFFFFF;
	(pc) =	sbr.abs _section_cstart, $3  }
0xc0: {  	[dreg:$0x1] =	wrdreg $0xFFFFFFFF  }
0xc1: {  	_ =	task.clear_ibuf [dreg:s6], $0x2FFFF;
	_ =	strace $0x9FFFFFFF  }
0xc2: {  	(tm) =	ssettm $0x7FFFFFFF  }
0xc3: {  	_ =	shalt  }
tec
execute0_lowered:
.L_overlay_start_1:
0x0: {  	(tag) =	ssettag $0x1  }
0x1: {  	s0 =	rddreg [dreg:$0x0]  }
0x2: {  	s1 =	rddreg [dreg:$0x1];
	s2 =	simm.s32 $0x0  }
0x3: {  	s3 =	srdreg.scid;
	s22 =	stileid.u32;
	s20 =	simm.s32 $0x1540  }
0x4: {  	s21 =	simm.s32 $0x2;
	s23 =	simm.s32 $0xAA0;
	s8 =	smul.u32 $0x13800, s22  }
0x5: {  	s28 =	simm.s32 $0xAF0;
	s29 =	simm.s32 $0x0;
	s18 =	smul.u32 $0x2710, s22  }
0x6: {  	[smem:$0x7FF] =	sst s2;
	s3 =	sand.u32 $0x1, s3;
	s19 =	smul.u32 $0x9C0, s22  }
0x7: {  	s4 =	sadd.s32 $0x566400, s0;
	p0 =	sne.s32 s22, $0xF;
	s16 =	smul.u32 $0x9C40, s3  }
0x8: {  	_ =	strace $0x80000053;
	s5 =	sshll.u32 s3, $0x4;
	s17 =	smul.u32 $0x4E200, s3  }
0x9: {  	s6 =	ssub.s32 $0x2, s3;
	s3 =	smul.u32 $0x27100, s3;
	s7 =	sor.u32 s22, s5  }
0xa: {  	s5 =	sadd.s32 $0x5000, s0;
	s9 =	sshrl.u32 s6, $0x1;
	s0 =	sadd.s32 $0x36000, s0  }
0xb: {  	s24 =	sshrl.u32 s8, $0x2;
	s22 =	simm.s32 $0xA0;
	s12 =	smul.u32 $0x2710, s7  }
0xc: {  	s15 =	ssub.s32 s6, s9;
	s6 =	sadd.s32 s24, s1;
	s26 =	smul.u32 $0x9C40, s7  }
0xd: {  	s7 =	sadd.s32 $0x4E000, s1;
	s17 =	sshrl.u32 s17, $0x3;
	s3 =	sadd.s32 s18, s3  }
0xe: {  	s16 =	sadd.s32 s19, s16;
	s24 =	simm.s32 $0xB40;
	s17 =	sadd.s32 s0, s17  }
0xf: {  	s3 =	sadd.s32 $0xA0, s3;
	s16 =	sadd.s32 s0, s16;
	s18 =	smax.u32 s15, $0x1  }
0x10: {  	s25 =	sshrl.u32 s12, $0x3;
	s11 =	sadd.s32 $0x50, s12;
	s30 =	sadd.s32 s4, s26  }
0x11: {  	s14 =	sadd.s32 $0x26C0, s12;
	s12 =	sadd.s32 $0xF0, s12;
	s17 =	sadd.s32 $0x9C00, s17  }
0x12: {  	s31 =	sshll.u32 s3, $0x2;
	s26 =	simm.s32 $0x50;
	s8 =	sadd.s32 s5, s25  }
0x13: {  	[dreg:$0x4] =	wrdreg s30;
	s10 =	sshrl.u32 s11, $0x3;
	s11 =	sshll.u32 s11, $0x2  }
0x14: {  	s13 =	sshrl.u32 s14, $0x3;
	s14 =	sshll.u32 s14, $0x2;
	s0 =	sadd.s32 s31, s4  }
0x15: {  	s25 =	simm.s32 $0x1;
	[dreg:$0x3] =	wrdreg s8;
	s10 =	sadd.s32 s5, s10  }
0x16: {  	v0 =	vimm.f32 $0.0e+00;
	s11 =	sadd.s32 s4, s11;
	s13 =	sadd.s32 s5, s13;
	s14 =	sadd.s32 s4, s14  }
.LBB2_1:
0x17: {  	[tilespmem:$0x1540] =	vst v0  }
0x18: {  	[tilespmem:$0x1550] =	vst v0  }
0x19: {  	[tilespmem:$0x1560] =	vst v0  }
0x1a: {  	[tilespmem:$0x1570] =	vst v0  }
0x1b: {  	[tilespmem:$0x1580] =	vst v0  }
0x1c: {  	[tilespmem:$0x1590] =	vst v0  }
0x1d: {  	[tilespmem:$0x15A0] =	vst v0  }
0x1e: {  	[tilespmem:$0x15B0] =	vst v0  }
0x1f: {  	[tilespmem:$0x15C0] =	vst v0  }
0x20: {  	[tilespmem:$0x15D0] =	vst v0  }
0x21: {  	[tilespmem:$0x15E0] =	vst v0  }
0x22: {  	[tilespmem:$0x15F0] =	vst v0  }
0x23: {  	[tilespmem:$0x1600] =	vst v0  }
0x24: {  	[tilespmem:$0x1610] =	vst v0  }
0x25: {  	[tilespmem:$0x1620] =	vst v0  }
0x26: {  	[tilespmem:$0x1630] =	vst v0  }
0x27: {  	[tilespmem:$0x1640] =	vst v0  }
0x28: {  	[tilespmem:$0x1650] =	vst v0  }
0x29: {  	[tilespmem:$0x1660] =	vst v0  }
0x2a: {  	[tilespmem:$0x1670] =	vst v0  }
0x2b: {  	[tilespmem:$0x1680] =	vst v0  }
0x2c: {  	[tilespmem:$0x1690] =	vst v0  }
0x2d: {  	[tilespmem:$0x16A0] =	vst v0  }
0x2e: {  	[tilespmem:$0x16B0] =	vst v0  }
0x2f: {  	[tilespmem:$0x16C0] =	vst v0  }
0x30: {  	[tilespmem:$0x16D0] =	vst v0  }
0x31: {  	[tilespmem:$0x16E0] =	vst v0  }
0x32: {  	[tilespmem:$0x16F0] =	vst v0  }
0x33: {  	[tilespmem:$0x1700] =	vst v0  }
0x34: {  	[tilespmem:$0x1710] =	vst v0  }
0x35: {  	[tilespmem:$0x1720] =	vst v0  }
0x36: {  	[tilespmem:$0x1730] =	vst v0;
	s15 =	sadd.s32 $0x0, s6  }
0x37: {  	[spmem:s15] =	stream.linear.scatter [tilespmem:s20], [sflag:$0x2], $0x200, $0x38;
	[tilespmem:$0x6560] =	vst v63  }
0x38: {  	s15 =	simm.s32 $0x800;
	_ =	swait.ge [sflag:s21], $0x200  }
.LBB2_2:
0x39: {  	s19 =	sshra.s32 s15, $0x2;
	[sflag:s21] =	ssyncset.done $0x0;
	p1 =	sne.s32 s15, $0x13000  }
.Ltmp0:
0x3a: {  	s19 =	sadd.s32 s19, s6;
	[sflag:s21] =	ssyncadd.s32 $0xFFFFFE00;
	(pc) =	sbr.rel @p1 .LBB2_2-.Ltmp0, $3  }
0x3b: {  	[spmem:s19] =	stream.linear.scatter [tilespmem:s20], [sflag:$0x2], $0x200, $0x38;
	[tilespmem:$0x6560] =	vst v63  }
0x3c: {  	s15 =	sadd.s32 $0x800, s15;
	_ =	sdelay $0x1  }
0x3d: {  	_ =	swait.ge [sflag:s21], $0x200  }
0x3e: {  	[sflag:s21] =	ssyncset.done $0x0  }
0x3f: {  	s15 =	simm.s32 @!p0 $0x1540;
	[sflag:s21] =	ssyncadd.s32 $0xFFFFFE00  }
0x40: {  	[spmem:s7] =	stream.linear.scatter @!p0 [tilespmem:s15], [sflag:$0x2], $0x200, $0x38;
	[tilespmem:$0x6560] =	vst v63  }
0x41: {  	s15 =	simm.s32 @!p0 $0x2  }
0x42: {  	_ =	swait.ge @!p0 [sflag:s15], $0x200  }
0x43: {  	[sflag:s15] =	ssyncset.done @!p0 $0x0  }
0x44: {  	[sflag:s15] =	ssyncadd.s32 @!p0 $0xFFFFFE00  }
0x45: {  	[bflag:$0x0] =	sbarrier.arrive $0xFFFF  }
0x46: {  	s30 =	simm.s32 $0x0;
	s8 =	rddreg [dreg:$0x3]  }
0x47: {  	[tilespmem:s30], [sflag:$0x1] =	stream.linear.gather [hbm4b:s8+s30], $0x50, $0x38;
	[tilespmem:$0x6560] =	vst v63  }
0x48: {  	s15 =	rddreg [dreg:$0x4]  }
0x49: {  	[tilespmem:s22], [sflag:$0x1] =	stream.linear.gather [hbm4b:s15+s30], $0xA00, $0x38;
	[tilespmem:$0x6560] =	vst v63  }
0x4a: {  	_ = 	snop  }
0x4b: {  	[tilespmem:s23], [sflag:$0x1] =	stream.linear.gather [hbm4b:s10+s30], $0x50, $0x38;
	[tilespmem:$0x6560] =	vst v63  }
0x4c: {  	_ = 	snop  }
0x4d: {  	[tilespmem:s24], [sflag:$0x1] =	stream.linear.gather [hbm4b:s11+s30], $0xA00, $0x38;
	[tilespmem:$0x6560] =	vst v63  }
0x4e: {  	_ =	swait.ge [sflag:s25], $0x50  }
0x4f: {  	[sflag:s25] =	ssyncset.done $0x0  }
0x50: {  	[sflag:s25] =	ssyncadd.s32 $0xFFFFFFB0  }
0x51: {  	_ =	swait.ge [sflag:s25], $0xA00  }
0x52: {  	[sflag:s25] =	ssyncset.done $0x0  }
0x53: {  	[sflag:s25] =	ssyncadd.s32 $0xFFFFF600  }
0x54: {  	v1 =	vld [tilespmem:$0x40]  }
0x55: {  	v2 =	vld [tilespmem:$0x30]  }
0x56: {  	v3 =	vld [tilespmem:$0x0]  }
0x57: {  	v4 =	vld [tilespmem:$0x20]  }
0x58: {  	v5 =	vld [tilespmem:$0x10]  }
0x59: {  	[tilespmem:$0x90] =	vst v1  }
0x5a: {  	[tilespmem:$0x80] =	vst v2  }
0x5b: {  	[tilespmem:$0x50] =	vst v3  }
0x5c: {  	[tilespmem:$0x70] =	vst v4  }
0x5d: {  	[tilespmem:$0x60] =	vst v5  }
0x5e: {  	[spmem:s1] =	stream.indirect.scatter.add.f32 [tilespmem:s22], [sflag:$0x2], $0x20, s26, s26, $0xb8;
	[tilespmem:$0x6560] =	vst v63  }
0x5f: {  	_ =	swait.ge [sflag:s21], $0xA00  }
0x60: {  	s19 =	sshrl.u32 s3, $0x3;
	[sflag:s21] =	ssyncset.done $0x0  }
0x61: {  	s15 =	sadd.s32 s5, s19;
	[sflag:s21] =	ssyncadd.s32 $0xFFFFF600  }
0x62: {  	[tilespmem:s2], [sflag:$0x1] =	stream.linear.gather [hbm4b:s15+s2], $0x50, $0x38;
	[tilespmem:$0x6560] =	vst v63  }
0x63: {  	_ = 	snop  }
0x64: {  	[tilespmem:s22], [sflag:$0x1] =	stream.linear.gather [hbm4b:s0+s2], $0xA00, $0x38;
	[tilespmem:$0x6560] =	vst v63  }
0x65: {  	_ =	swait.ge [sflag:s25], $0x50  }
0x66: {  	[sflag:s25] =	ssyncset.done $0x0  }
0x67: {  	[sflag:s25] =	ssyncadd.s32 $0xFFFFFFB0  }
0x68: {  	_ =	swait.ge [sflag:s25], $0xA00  }
0x69: {  	[sflag:s25] =	ssyncset.done $0x0  }
0x6a: {  	[sflag:s25] =	ssyncadd.s32 $0xFFFFF600  }
0x6b: {  	v1 =	vld [tilespmem:$0xAA0];
	_ =	sdelay $0x1  }
0x6c: {  	v3 =	vld [tilespmem:$0xAE0]  }
0x6d: {  	v63 =	vld [tilespmem:$0xAB0]  }
0x6e: {  	v2 =	vld [tilespmem:$0xAD0]  }
0x6f: {  	[tilespmem:$0xAF0] =	vst v1;
	v1 =	vld [tilespmem:$0xAC0];
	_ =	sdelay $0x1  }
0x70: {  	p1 =	por $0x1, $0x1;
	s31 =	simm.s32 $0x2;
	[tilespmem:$0xB30] =	vst v3  }
0x71: {  	s19 =	smov.u32 s0;
	s30 =	simm.s32 @!p1 $0x79;
	s15 =	smov.u32 s3;
	[tilespmem:$0xB00] =	vst v63  }
.LBB2_4:
0x72: {  	[tilespmem:$0xB20] =	vst v2;
	s8 =	smul.u32 $0x50, s30;
	s19 =	sadd.s32 $0x280, s19;
	s15 =	sadd.s32 $0xA0, s15  }
0x73: {  	p1 =	sne.s32 s31, $0x7A;
	s30 =	smov.u32 s31;
	s31 =	sadd.s32 $0x2, s31;
	[tilespmem:$0xB10] =	vst v1  }
0x74: {  	[spmem:s1] =	stream.indirect.scatter.add.f32 [tilespmem:s24], [sflag:$0x2], $0x20, s28, s26, $0xb8;
	[tilespmem:$0x6560] =	vst v63  }
0x75: {  	s8 =	sadd.s32 s8, s12;
	_ =	swait.ge [sflag:s21], $0xA00  }
0x76: {  	s9 =	sshrl.u32 s8, $0x3;
	s8 =	sshll.u32 s8, $0x2;
	[sflag:s21] =	ssyncset.done $0x0  }
0x77: {  	s9 =	sadd.s32 s5, s9;
	s8 =	sand.u32 $0x1FFFFFC0, s8;
	[sflag:s21] =	ssyncadd.s32 $0xFFFFF600  }
0x78: {  	[tilespmem:s23], [sflag:$0x1] =	stream.linear.gather [hbm4b:s9+s2], $0x50, $0x38;
	[tilespmem:$0x6560] =	vst v63  }
0x79: {  	s8 =	sadd.s32 s4, s8  }
0x7a: {  	[tilespmem:s24], [sflag:$0x1] =	stream.linear.gather [hbm4b:s8+s2], $0xA00, $0x38;
	[tilespmem:$0x6560] =	vst v63  }
0x7b: {  	_ =	swait.ge [sflag:s25], $0x50  }
0x7c: {  	[sflag:s25] =	ssyncset.done $0x0  }
0x7d: {  	[sflag:s25] =	ssyncadd.s32 $0xFFFFFFB0  }
0x7e: {  	_ =	swait.ge [sflag:s25], $0xA00  }
0x7f: {  	[sflag:s25] =	ssyncset.done $0x0  }
0x80: {  	[sflag:s25] =	ssyncadd.s32 $0xFFFFF600  }
0x81: {  	v1 =	vld [tilespmem:$0x40]  }
0x82: {  	v2 =	vld [tilespmem:$0x30]  }
0x83: {  	v3 =	vld [tilespmem:$0x0]  }
0x84: {  	v4 =	vld [tilespmem:$0x20]  }
0x85: {  	v5 =	vld [tilespmem:$0x10]  }
0x86: {  	[tilespmem:$0x90] =	vst v1  }
0x87: {  	[tilespmem:$0x80] =	vst v2  }
0x88: {  	[tilespmem:$0x50] =	vst v3  }
0x89: {  	[tilespmem:$0x70] =	vst v4  }
0x8a: {  	[tilespmem:$0x60] =	vst v5  }
0x8b: {  	[spmem:s1] =	stream.indirect.scatter.add.f32 [tilespmem:s22], [sflag:$0x2], $0x20, s26, s26, $0xb8;
	[tilespmem:$0x6560] =	vst v63  }
0x8c: {  	_ =	swait.ge [sflag:s21], $0xA00  }
0x8d: {  	s8 =	sshrl.u32 s15, $0x3;
	[sflag:s21] =	ssyncset.done $0x0  }
0x8e: {  	s8 =	sadd.s32 s5, s8;
	[sflag:s21] =	ssyncadd.s32 $0xFFFFF600  }
0x8f: {  	[tilespmem:s2], [sflag:$0x1] =	stream.linear.gather [hbm4b:s8+s2], $0x50, $0x38;
	[tilespmem:$0x6560] =	vst v63  }
0x90: {  	_ = 	snop  }
0x91: {  	[tilespmem:s22], [sflag:$0x1] =	stream.linear.gather [hbm4b:s19+s2], $0xA00, $0x38;
	[tilespmem:$0x6560] =	vst v63  }
0x92: {  	_ =	swait.ge [sflag:s25], $0x50  }
0x93: {  	[sflag:s25] =	ssyncset.done $0x0  }
0x94: {  	[sflag:s25] =	ssyncadd.s32 $0xFFFFFFB0  }
0x95: {  	_ =	swait.ge [sflag:s25], $0xA00  }
0x96: {  	[sflag:s25] =	ssyncset.done $0x0  }
0x97: {  	[sflag:s25] =	ssyncadd.s32 $0xFFFFF600  }
0x98: {  	v3 =	vld [tilespmem:$0xAA0]  }
0x99: {  	v4 =	vld [tilespmem:$0xAE0]  }
0x9a: {  	v5 =	vld [tilespmem:$0xAB0]  }
.Ltmp1:
0x9b: {  	v2 =	vld [tilespmem:$0xAD0];
	(pc) =	sbr.rel @p1 .LBB2_4-.Ltmp1, $4  }
0x9c: {  	v1 =	vld [tilespmem:$0xAC0]  }
0x9d: {  	[tilespmem:$0xAF0] =	vst v3  }
0x9e: {  	p2 =	slt.s32 s30, $0x79;
	[tilespmem:$0xB30] =	vst v4  }
0x9f: {  	s30 =	simm.s32 @!p2 $0x79;
	[tilespmem:$0xB00] =	vst v5  }
0xa0: {  	[tilespmem:$0xB20] =	vst v2  }
0xa1: {  	s8 =	smul.u32 $0x50, s30;
	[tilespmem:$0xB10] =	vst v1  }
0xa2: {  	[spmem:s1] =	stream.indirect.scatter.add.f32 [tilespmem:s24], [sflag:$0x2], $0x20, s28, s26, $0xb8;
	[tilespmem:$0x6560] =	vst v63  }
0xa3: {  	s8 =	sadd.s32 s8, s12;
	_ =	swait.ge [sflag:s21], $0xA00  }
0xa4: {  	s9 =	sshrl.u32 s8, $0x3;
	s8 =	sshll.u32 s8, $0x2;
	[sflag:s21] =	ssyncset.done $0x0  }
0xa5: {  	s9 =	sadd.s32 s5, s9;
	s8 =	sand.u32 $0x1FFFFFC0, s8;
	[sflag:s21] =	ssyncadd.s32 $0xFFFFF600  }
0xa6: {  	[tilespmem:s23], [sflag:$0x1] =	stream.linear.gather [hbm4b:s9+s2], $0x50, $0x38;
	[tilespmem:$0x6560] =	vst v63  }
0xa7: {  	s8 =	sadd.s32 s4, s8  }
0xa8: {  	[tilespmem:s24], [sflag:$0x1] =	stream.linear.gather [hbm4b:s8+s2], $0xA00, $0x38;
	[tilespmem:$0x6560] =	vst v63  }
0xa9: {  	_ =	swait.ge [sflag:s25], $0x50  }
0xaa: {  	[sflag:s25] =	ssyncset.done $0x0  }
0xab: {  	[sflag:s25] =	ssyncadd.s32 $0xFFFFFFB0  }
0xac: {  	_ =	swait.ge [sflag:s25], $0xA00  }
0xad: {  	[sflag:s25] =	ssyncset.done $0x0  }
0xae: {  	[sflag:s25] =	ssyncadd.s32 $0xFFFFF600  }
0xaf: {  	v1 =	vld [tilespmem:$0x0]  }
0xb0: {  	v2 =	vld [tilespmem:$0x10]  }
0xb1: {  	v3 =	vld [tilespmem:$0x20]  }
0xb2: {  	v4 =	vld [tilespmem:$0x30]  }
0xb3: {  	v5 =	vld [tilespmem:$0x40]  }
0xb4: {  	[tilespmem:$0x50] =	vst v1  }
0xb5: {  	[tilespmem:$0x60] =	vst v2  }
0xb6: {  	[tilespmem:$0x70] =	vst v3  }
0xb7: {  	[tilespmem:$0x80] =	vst v4  }
0xb8: {  	[tilespmem:$0x90] =	vst v5  }
0xb9: {  	[spmem:s1] =	stream.indirect.scatter.add.f32 [tilespmem:s22], [sflag:$0x2], $0x20, s26, s26, $0xb8;
	[tilespmem:$0x6560] =	vst v63  }
0xba: {  	_ =	swait.ge [sflag:s21], $0xA00  }
0xbb: {  	[sflag:s21] =	ssyncset.done $0x0  }
0xbc: {  	[sflag:s21] =	ssyncadd.s32 $0xFFFFF600  }
0xbd: {  	[tilespmem:s2], [sflag:$0x1] =	stream.linear.gather [hbm4b:s13+s2], $0x50, $0x38;
	[tilespmem:$0x6560] =	vst v63  }
0xbe: {  	_ = 	snop  }
0xbf: {  	[tilespmem:s22], [sflag:$0x1] =	stream.linear.gather [hbm4b:s14+s2], $0xA00, $0x38;
	[tilespmem:$0x6560] =	vst v63  }
0xc0: {  	_ =	swait.ge [sflag:s25], $0x50  }
0xc1: {  	[sflag:s25] =	ssyncset.done $0x0  }
0xc2: {  	[sflag:s25] =	ssyncadd.s32 $0xFFFFFFB0  }
0xc3: {  	_ =	swait.ge [sflag:s25], $0xA00  }
0xc4: {  	[sflag:s25] =	ssyncset.done $0x0  }
0xc5: {  	[sflag:s25] =	ssyncadd.s32 $0xFFFFF600  }
0xc6: {  	_ =	swait.ge [sflag:s25], $0x50  }
0xc7: {  	[sflag:s25] =	ssyncset.done $0x0  }
0xc8: {  	[sflag:s25] =	ssyncadd.s32 $0xFFFFFFB0  }
0xc9: {  	_ =	swait.ge [sflag:s25], $0xA00  }
0xca: {  	s30 =	stileid.u32;
	[sflag:s25] =	ssyncset.done $0x0  }
0xcb: {  	s8 =	sshll.u32 s30, $0x6;
	[sflag:s25] =	ssyncadd.s32 $0xFFFFF600  }
0xcc: {  	s31 =	sshrl.u32 s6, $0x3;
	s8 =	sor.u32 $0x1C02, s8;
	[bflag:$0x0] =	sbarrier.arrive $0xFFFF  }
0xcd: {  	[hbm:s16], [sflag:s8] =	dma.local [spmem:s31], $0x9C0  }
0xce: {  	_ =	swait.ge [sflag:s21], $0x9C0  }
0xcf: {  	s29 =	sadd.s32 $0x1, s29;
	[sflag:s21] =	ssyncset.done $0x0  }
0xd0: {  	p1 =	sne.s32 s29, s18;
	s9 =	sshrl.u32 @!p0 s7, $0x3;
	[sflag:s21] =	ssyncadd.s32 $0xFFFFF640  }
0xd1: {  	[hbm:s17], [sflag:s8] =	dma.local @!p0 [spmem:s9], $0x40  }
.Ltmp2:
0xd2: {  	_ = 	snop;
	(pc) =	sbr.rel @p1 .LBB2_1-.Ltmp2, $4  }
0xd3: {  	s8 =	simm.s32 @!p0 $0x2  }
0xd4: {  	_ =	swait.ge @!p0 [sflag:s8], $0x40  }
0xd5: {  	[sflag:s8] =	ssyncset.done @!p0 $0x0  }
0xd6: {  	[sflag:s8] =	ssyncadd.s32 @!p0 $0xFFFFFFC0  }
0xd7: {  	_ =	sfence.sel $0x180000  }
0xd8: {  	[bflag:$0x0] =	sbarrier.arrive $0xFFFF  }
0xd9: {  	_ =	strace $0x90000053  }
0xda: {  	s0 =	stileid.u32;
	[bflag:$0x2] =	sbarrier.arrive $0xFFFF  }
0xdb: {  	p0 =	sne.s32 s0, $0x0;
	s0 =	rddreg [dreg:$0x2]  }
0xdc: {  	s0 =	sadd.s32 @!p0 $0x100000, s0  }
0xdd: {  	[sflag:s0] =	ssyncadd.tile.s32 @!p0 $0x1;
	_ =	shalt  }
.Lfunc_end2:
_tile_overlayer_lowered:
.L_overlay_start_2:
0xde: {  	(tag) =	ssettag $0x2  }
0xdf: {  	s0 =	rddreg [dreg:$0x0];
	s2 =	stileid.u32  }
0xe0: {  	s1 =	rddreg [dreg:$0x1];
	p0 =	sne.s32 s2, $0x0  }
0xe1: {  	s3 =	rddreg [dreg:$0x2];
	[bflag:$0x3] =	sbarrier.arrive $0xFFFF;
	s2 =	simm.s32 @!p0 $0x1C02  }
0xe2: {  	[timem:s3], [sflag:s2] =	dma.local @!p0 [hbm:s0], s1  }
0xe3: {  	s0 =	simm.s32 @!p0 $0x2  }
0xe4: {  	_ =	swait.ge @!p0 [sflag:s0], s1  }
0xe5: {  	s1 =	ssub.s32 @!p0 $0x0, s1;
	[sflag:s0] =	ssyncset.done @!p0 $0x0  }
0xe6: {  	[sflag:s0] =	ssyncadd.s32 @!p0 s1  }
0xe7: {  	[bflag:$0x3] =	sbarrier.arrive $0xFFFF  }
0xe8: {  	_ =	shalt  }

</sc_bundles>
